<compile_context>
chip_gen: v7x
topology: tpu7x:2x2x1
jax: 0.10.2.dev20260603
libtpu: 0.0.44.dev20260713+nightly
codegen_flags: <defaults>
</compile_context>

<pallas_src>
import functools

import jax
import jax.numpy as jnp
from jax import lax
from jax.experimental import pallas as pl
from jax.experimental.pallas import tpu as pltpu
from jax.experimental.pallas import tpu_sc as plsc

_N = 10000
_E = 160000
_F_IN = 32
_EMB = 16
_NG = 64

_CHUNK = 128
_NW = 32
_CPW = 40
_ROUND = 20
_RROWS = _ROUND * _CHUNK
_SPAN = _CPW * _CHUNK
_E_PAD = _NW * _SPAN
_NCHP = _E_PAD // _CHUNK

_MSG_T = 2048


def _sc_mesh():
    return plsc.VectorSubcoreMesh(core_axis_name="c", subcore_axis_name="s")


@functools.lru_cache(maxsize=None)
def _make_gather(feat):
    round_ch = 10 if feat == _F_IN else _ROUND
    n_rounds = _CPW // round_ch
    rrows = round_ch * _CHUNK

    @functools.partial(
        pl.kernel,
        out_type=jax.ShapeDtypeStruct((_E_PAD, feat), jnp.float32),
        mesh=_sc_mesh(),
        scratch_types=[
            pltpu.VMEM((_CPW, _CHUNK), jnp.int32),
            pltpu.VMEM((rrows, feat), jnp.float32),
            pltpu.VMEM((rrows, feat), jnp.float32),
            pltpu.SemaphoreType.DMA,
            pltpu.SemaphoreType.DMA,
            pltpu.SemaphoreType.DMA,
        ],
        compiler_params=pltpu.CompilerParams(use_tc_tiling_on_sc=False),
    )
    def gather(table_hbm, idx_hbm, out_hbm, idx_v, rows_a, rows_b, sem_g,
               sem_w0, sem_w1):
        wid = lax.axis_index("s") * 2 + lax.axis_index("c")
        cbase = wid * _CPW
        ebase = wid * _SPAN

        pltpu.sync_copy(idx_hbm.at[pl.ds(cbase, _CPW)], idx_v)

        def fires(buf, joff):
            def body(j, carry):
                pltpu.async_copy(
                    table_hbm.at[idx_v.at[joff + j]],
                    buf.at[pl.ds(j * _CHUNK, _CHUNK)], sem_g)
                return carry
            lax.fori_loop(0, round_ch, body, 0)

        def drains(buf, joff):
            def body(j, carry):
                pltpu.make_async_copy(
                    table_hbm.at[idx_v.at[joff + j]],
                    buf.at[pl.ds(j * _CHUNK, _CHUNK)], sem_g).wait()
                return carry
            lax.fori_loop(0, round_ch, body, 0)

        bufs = (rows_a, rows_b)
        wsems = (sem_w0, sem_w1)
        pending = [None, None]
        for r in range(n_rounds):
            slot = r % 2
            if pending[slot] is not None:
                pending[slot].wait()
            joff = r * round_ch
            fires(bufs[slot], joff)
            drains(bufs[slot], joff)
            pending[slot] = pltpu.async_copy(
                bufs[slot],
                out_hbm.at[pl.ds(ebase + joff * _CHUNK, rrows)], wsems[slot])
        for d in pending:
            if d is not None:
                d.wait()

    return gather


_MID_R = 10
_MID_RROWS = _MID_R * _CHUNK
_CPT = _NCHP // 16


@functools.lru_cache(maxsize=None)
def _make_fused_mid():
    @functools.partial(
        pl.kernel,
        out_type=(jax.ShapeDtypeStruct((_E_PAD, _EMB), jnp.float32),
                  jax.ShapeDtypeStruct((_N, _EMB), jnp.float32)),
        mesh=_sc_mesh(),
        scratch_types=[
            pltpu.VMEM((_CPT, _CHUNK), jnp.int32),
            pltpu.VMEM((_MID_RROWS, _EMB), jnp.float32),
            pltpu.VMEM((_MID_RROWS, _EMB), jnp.float32),
            pltpu.VMEM((625, _EMB), jnp.float32),
            pltpu.VMEM((625, _EMB), jnp.float32),
            pltpu.VMEM_SHARED((_N, _EMB), jnp.float32),
            pltpu.SemaphoreType.DMA,
            pltpu.SemaphoreType.DMA,
            pltpu.SemaphoreType.DMA,
        ],
        compiler_params=pltpu.CompilerParams(use_tc_tiling_on_sc=False),
    )
    def fused_mid(msg_hbm, dst_hbm, src_hbm, r0_hbm, zeros_hbm,
                  xg1_hbm, x1_hbm, idx_v, buf_a, buf_b, row_v, r0_v, acc_sh,
                  sem_s, sem_w0, sem_w1):
        c = lax.axis_index("c")
        s = lax.axis_index("s")

        pltpu.sync_copy(zeros_hbm.at[pl.ds(s * 625, 625)],
                        acc_sh.at[pl.ds(s * 625, 625)])
        plsc.subcore_barrier()

        pltpu.sync_copy(dst_hbm.at[pl.ds(s * _CPT, _CPT)], idx_v)

        def sfires(buf, joff):
            def body(j, carry):
                pltpu.async_copy(
                    buf.at[pl.ds(j * _CHUNK, _CHUNK)],
                    acc_sh.at[idx_v.at[joff + j]], sem_s, add=True)
                return carry
            lax.fori_loop(0, _MID_R, body, 0)

        def sdrains(buf, joff):
            def body(j, carry):
                pltpu.make_async_copy(
                    buf.at[pl.ds(j * _CHUNK, _CHUNK)],
                    acc_sh.at[idx_v.at[joff + j]], sem_s).wait()
                return carry
            lax.fori_loop(0, _MID_R, body, 0)

        ebase = s * _CPT * _CHUNK
        n_rounds = _CPT // _MID_R
        pltpu.sync_copy(msg_hbm.at[pl.ds(ebase, _MID_RROWS)], buf_a)
        for r in range(n_rounds):
            buf = buf_a if r % 2 == 0 else buf_b
            nxt = buf_b if r % 2 == 0 else buf_a
            sfires(buf, r * _MID_R)
            if r + 1 < n_rounds:
                pltpu.sync_copy(
                    msg_hbm.at[pl.ds(ebase + (r + 1) * _MID_RROWS,
                                     _MID_RROWS)], nxt)
            sdrains(buf, r * _MID_R)
        plsc.subcore_barrier()

        pltpu.sync_copy(acc_sh.at[pl.ds(s * 625, 625)], row_v)
        pltpu.sync_copy(r0_hbm.at[pl.ds(s * 625, 625)], r0_v)

        def urow(i, carry):
            row_v[i] = jnp.maximum(row_v[i] + r0_v[i], 0.0)
            return carry
        lax.fori_loop(0, 625, urow, 0)

        pltpu.sync_copy(row_v, acc_sh.at[pl.ds(s * 625, 625)])

        @pl.when(c == 0)
        def _():
            pltpu.sync_copy(row_v, x1_hbm.at[pl.ds(s * 625, 625)])
        plsc.subcore_barrier()

        wid = s * 2 + c
        pltpu.sync_copy(src_hbm.at[pl.ds(wid * _CPW, _CPW)],
                        idx_v.at[pl.ds(0, _CPW)])

        def gfires(buf, joff):
            def body(j, carry):
                pltpu.async_copy(
                    acc_sh.at[idx_v.at[joff + j]],
                    buf.at[pl.ds(j * _CHUNK, _CHUNK)], sem_s)
                return carry
            lax.fori_loop(0, _MID_R, body, 0)

        def gdrains(buf, joff):
            def body(j, carry):
                pltpu.make_async_copy(
                    acc_sh.at[idx_v.at[joff + j]],
                    buf.at[pl.ds(j * _CHUNK, _CHUNK)], sem_s).wait()
                return carry
            lax.fori_loop(0, _MID_R, body, 0)

        gbase = wid * _SPAN
        wsems = (sem_w0, sem_w1)
        pending = [None, None]
        for r in range(_CPW // _MID_R):
            slot = r % 2
            buf = buf_a if slot == 0 else buf_b
            if pending[slot] is not None:
                pending[slot].wait()
            gfires(buf, r * _MID_R)
            gdrains(buf, r * _MID_R)
            pending[slot] = pltpu.async_copy(
                buf, xg1_hbm.at[pl.ds(gbase + r * _MID_RROWS, _MID_RROWS)],
                wsems[slot])
        for d in pending:
            if d is not None:
                d.wait()

    return fused_mid


@functools.lru_cache(maxsize=None)
def _make_fused_tail():
    @functools.partial(
        pl.kernel,
        out_type=jax.ShapeDtypeStruct((_N, _EMB), jnp.float32),
        mesh=_sc_mesh(),
        scratch_types=[
            pltpu.VMEM((_CPT, _CHUNK), jnp.int32),
            pltpu.VMEM((_MID_RROWS, _EMB), jnp.float32),
            pltpu.VMEM((_MID_RROWS, _EMB), jnp.float32),
            pltpu.VMEM((625, _EMB), jnp.float32),
            pltpu.VMEM((625, _EMB), jnp.float32),
            pltpu.VMEM_SHARED((_N, _EMB), jnp.float32),
            pltpu.SemaphoreType.DMA,
        ],
        compiler_params=pltpu.CompilerParams(use_tc_tiling_on_sc=False),
    )
    def fused_tail(msg_hbm, dst_hbm, r1_hbm, zeros_hbm, x2_hbm,
                   idx_v, buf_a, buf_b, row_v, r1_v, acc_sh, sem_s):
        c = lax.axis_index("c")
        s = lax.axis_index("s")

        pltpu.sync_copy(zeros_hbm.at[pl.ds(s * 625, 625)],
                        acc_sh.at[pl.ds(s * 625, 625)])
        plsc.subcore_barrier()

        pltpu.sync_copy(dst_hbm.at[pl.ds(s * _CPT, _CPT)], idx_v)

        def sfires(buf, joff):
            def body(j, carry):
                pltpu.async_copy(
                    buf.at[pl.ds(j * _CHUNK, _CHUNK)],
                    acc_sh.at[idx_v.at[joff + j]], sem_s, add=True)
                return carry
            lax.fori_loop(0, _MID_R, body, 0)

        def sdrains(buf, joff):
            def body(j, carry):
                pltpu.make_async_copy(
                    buf.at[pl.ds(j * _CHUNK, _CHUNK)],
                    acc_sh.at[idx_v.at[joff + j]], sem_s).wait()
                return carry
            lax.fori_loop(0, _MID_R, body, 0)

        ebase = s * _CPT * _CHUNK
        n_rounds = _CPT // _MID_R
        pltpu.sync_copy(msg_hbm.at[pl.ds(ebase, _MID_RROWS)], buf_a)
        for r in range(n_rounds):
            buf = buf_a if r % 2 == 0 else buf_b
            nxt = buf_b if r % 2 == 0 else buf_a
            sfires(buf, r * _MID_R)
            if r + 1 < n_rounds:
                pltpu.sync_copy(
                    msg_hbm.at[pl.ds(ebase + (r + 1) * _MID_RROWS,
                                     _MID_RROWS)], nxt)
            sdrains(buf, r * _MID_R)
        plsc.subcore_barrier()

        @pl.when(c == 0)
        def _():
            pltpu.sync_copy(acc_sh.at[pl.ds(s * 625, 625)], row_v)
            pltpu.sync_copy(r1_hbm.at[pl.ds(s * 625, 625)], r1_v)

            def urow(i, carry):
                row_v[i] = jnp.maximum(row_v[i] + r1_v[i], 0.0)
                return carry
            lax.fori_loop(0, 625, urow, 0)

            pltpu.sync_copy(row_v, x2_hbm.at[pl.ds(s * 625, 625)])

    return fused_tail


@functools.lru_cache(maxsize=None)
def _make_scatter_add():
    @functools.partial(
        pl.kernel,
        out_type=jax.ShapeDtypeStruct((2, _N, _EMB), jnp.float32),
        mesh=_sc_mesh(),
        scratch_types=[
            pltpu.VMEM((_CPW, _CHUNK), jnp.int32),
            pltpu.VMEM((_RROWS, _EMB), jnp.float32),
            pltpu.VMEM((_RROWS, _EMB), jnp.float32),
            pltpu.VMEM_SHARED((_N, _EMB), jnp.float32),
            pltpu.SemaphoreType.DMA,
        ],
        compiler_params=pltpu.CompilerParams(use_tc_tiling_on_sc=False),
    )
    def scatter_add(msg_hbm, idx_hbm, zeros_hbm, out_hbm, idx_v, msg_a,
                    msg_b, acc_sh, sem_s):
        c = lax.axis_index("c")
        s = lax.axis_index("s")
        wid = s * 2 + c
        cbase = wid * _CPW
        ebase = wid * _SPAN

        pltpu.sync_copy(zeros_hbm.at[pl.ds(s * 625, 625)],
                        acc_sh.at[pl.ds(s * 625, 625)])
        plsc.subcore_barrier()

        pltpu.sync_copy(idx_hbm.at[pl.ds(cbase, _CPW)], idx_v)
        pltpu.sync_copy(msg_hbm.at[pl.ds(ebase, _RROWS)], msg_a)

        def fires(buf, joff):
            def body(j, carry):
                pltpu.async_copy(
                    buf.at[pl.ds(j * _CHUNK, _CHUNK)],
                    acc_sh.at[idx_v.at[joff + j]], sem_s, add=True)
                return carry
            lax.fori_loop(0, _ROUND, body, 0)

        def drains(buf, joff):
            def body(j, carry):
                pltpu.make_async_copy(
                    buf.at[pl.ds(j * _CHUNK, _CHUNK)],
                    acc_sh.at[idx_v.at[joff + j]], sem_s).wait()
                return carry
            lax.fori_loop(0, _ROUND, body, 0)

        fires(msg_a, 0)
        pltpu.sync_copy(msg_hbm.at[pl.ds(ebase + _RROWS, _RROWS)], msg_b)
        drains(msg_a, 0)
        fires(msg_b, _ROUND)
        drains(msg_b, _ROUND)

        plsc.subcore_barrier()
        pltpu.sync_copy(acc_sh.at[pl.ds(s * 625, 625)],
                        out_hbm.at[c].at[pl.ds(s * 625, 625)])

    return scatter_add


def _make_msg_body(feat):
    def body(ea_ref, xg_ref, w1_ref, b1_ref, w2_ref, b2_ref, r_ref, out_ref):
        h = jnp.maximum(
            lax.dot(ea_ref[...], w1_ref[...],
                    preferred_element_type=jnp.float32) + b1_ref[...], 0.0)
        z = lax.dot(h, w2_ref[...],
                    preferred_element_type=jnp.float32) + b2_ref[...]
        z = z.astype(jnp.bfloat16).astype(jnp.float32)
        xg = xg_ref[...].astype(jnp.bfloat16).astype(jnp.float32)
        xb = lax.dot(xg, r_ref[...], preferred_element_type=jnp.float32)
        p = z * xb
        width = feat * _EMB
        while width > _EMB:
            width //= 2
            p = p[:, :width] + p[:, width:2 * width]
        row = (pl.program_id(0) * _MSG_T
               + lax.broadcasted_iota(jnp.int32, (_MSG_T, 1), 0))
        out_ref[...] = jnp.where(row < _E, p, 0.0)
    return body


def _msg_call(ea_pad, xg, w1, b1, w2, b2, r_mat):
    feat = xg.shape[1]
    full = lambda shape: pl.BlockSpec(shape, lambda i: (0, 0))
    return pl.pallas_call(
        _make_msg_body(feat),
        grid=(_E_PAD // _MSG_T,),
        in_specs=[
            pl.BlockSpec((_MSG_T, 16), lambda i: (i, 0)),
            pl.BlockSpec((_MSG_T, feat), lambda i: (i, 0)),
            full((16, 16)),
            full((1, 16)),
            full((16, feat * _EMB)),
            full((1, feat * _EMB)),
            full((feat, feat * _EMB)),
        ],
        out_specs=pl.BlockSpec((_MSG_T, _EMB), lambda i: (i, 0)),
        out_shape=jax.ShapeDtypeStruct((_E_PAD, _EMB), jnp.float32),
    )(ea_pad, xg, w1, b1.reshape(1, 16), w2, b2.reshape(1, feat * _EMB),
      r_mat)


def _root_body(x_ref, root_ref, bias_ref, out_ref):
    out_ref[...] = lax.dot(
        x_ref[...], root_ref[...],
        preferred_element_type=jnp.float32) + bias_ref[...]


def _root_call(x, root, bias):
    feat = x.shape[1]
    tile = 1000
    full = lambda shape: pl.BlockSpec(shape, lambda i: (0, 0))
    return pl.pallas_call(
        _root_body,
        grid=(_N // tile,),
        in_specs=[
            pl.BlockSpec((tile, feat), lambda i: (i, 0)),
            full((feat, _EMB)),
            full((1, _EMB)),
        ],
        out_specs=pl.BlockSpec((tile, _EMB), lambda i: (i, 0)),
        out_shape=jax.ShapeDtypeStruct((_N, _EMB), jnp.float32),
    )(x, root, bias.reshape(1, _EMB))


def _update_body(p0_ref, p1_ref, x_ref, root_ref, bias_ref, out_ref):
    agg = p0_ref[...] + p1_ref[...]
    out_ref[...] = jnp.maximum(
        agg + lax.dot(x_ref[...], root_ref[...],
                      preferred_element_type=jnp.float32) + bias_ref[...], 0.0)


def _update_call(p0, p1, x, root, bias):
    feat = x.shape[1]
    tile = 1000
    full = lambda shape: pl.BlockSpec(shape, lambda i: (0, 0))
    return pl.pallas_call(
        _update_body,
        grid=(_N // tile,),
        in_specs=[
            pl.BlockSpec((tile, _EMB), lambda i: (i, 0)),
            pl.BlockSpec((tile, _EMB), lambda i: (i, 0)),
            pl.BlockSpec((tile, feat), lambda i: (i, 0)),
            full((feat, _EMB)),
            full((1, _EMB)),
        ],
        out_specs=pl.BlockSpec((tile, _EMB), lambda i: (i, 0)),
        out_shape=jax.ShapeDtypeStruct((_N, _EMB), jnp.float32),
    )(p0, p1, x, root, bias.reshape(1, _EMB))


def _final_body(x2_ref, batch_ref, l0w_ref, l0b_ref, l1w_ref, l1b_ref,
                out_ref, pool_ref):
    x2 = x2_ref[...]
    batch = batch_ref[...]

    def body(g, carry):
        m = jnp.where(batch == g, x2, -jnp.inf)
        pool_ref[pl.ds(g, 1), :] = jnp.max(m, axis=0, keepdims=True)
        return carry

    lax.fori_loop(0, _NG, body, 0)
    hidden = lax.dot(pool_ref[...], l0w_ref[...],
                     preferred_element_type=jnp.float32) + l0b_ref[...]
    out_ref[...] = lax.dot(hidden, l1w_ref[...],
                           preferred_element_type=jnp.float32) + l1b_ref[...]


def _final_call(x2, batch, l0w, l0b, l1w, l1b):
    return pl.pallas_call(
        _final_body,
        out_shape=jax.ShapeDtypeStruct((_NG, 1), jnp.float32),
        scratch_shapes=[pltpu.VMEM((_NG, _EMB), jnp.float32)],
    )(x2, batch.reshape(_N, 1),
      l0w, l0b.reshape(1, _EMB), l1w, l1b.reshape(1, 1))


def _pad_idx(idx):
    return jnp.concatenate(
        [idx, jnp.zeros((_E_PAD - _E,), jnp.int32)]).reshape(_NCHP, _CHUNK)


@jax.jit
def kernel(x_p, x_d, edge_attr_p, edge_attr_d, edge_index_p, x_p_batch,
           nn0_W1, nn0_b1, nn0_W2, nn0_b2,
           nn1_W1, nn1_b1, nn1_W2, nn1_b2,
           root0, bias0, root1, bias1,
           lin0_W, lin0_b, lin1_W, lin1_b):
    src2d = _pad_idx(edge_index_p[0])
    dst2d = _pad_idx(edge_index_p[1])
    ea_pad = jnp.concatenate(
        [edge_attr_p, jnp.zeros((_E_PAD - _E, 16), jnp.float32)])

    zeros_n = jnp.zeros((_N, _EMB), jnp.float32)

    def bcast_mat(feat):
        cols = jnp.arange(feat * _EMB) // _EMB
        return (cols[None, :] == jnp.arange(feat)[:, None]).astype(jnp.float32)

    r32 = bcast_mat(_F_IN)
    r16 = bcast_mat(_EMB)

    r0 = _root_call(x_p, root0, bias0)
    xg0 = _make_gather(_F_IN)(x_p, src2d)
    msg0 = _msg_call(ea_pad, xg0, nn0_W1, nn0_b1, nn0_W2, nn0_b2, r32)
    xg1, x1 = _make_fused_mid()(msg0, dst2d, src2d, r0, zeros_n)

    msg1 = _msg_call(ea_pad, xg1, nn1_W1, nn1_b1, nn1_W2, nn1_b2, r16)
    r1 = _root_call(x1, root1, bias1)
    x2 = _make_fused_tail()(msg1, dst2d, r1, zeros_n)

    return _final_call(x2, x_p_batch, lin0_W, lin0_b, lin1_W, lin1_b)

# --- scband reference (transcript-rebuilt; emitter-appended) ---
"""Pipeline reference for scband-nnconv-prot-42073499632115 (READ-ONLY COPY).

The authoritative reference and input builder live on the scoring server;
editing this copy changes nothing except your own understanding.
"""

import jax, jax.numpy as jnp
import numpy as np

N = 10000
E = 160000
F_IN = 32
EMB = 16
F_EDGE = 16
NG = 64


def _p(key, shape):
    return 0.1 * jax.random.normal(key, shape, dtype=jnp.float32)


def setup_inputs(seed: int = 0):
    key = jax.random.key(seed)
    ks = jax.random.split(key, 24)
    inp = {}
    inp["x_p"] = jax.random.normal(ks[0], (N, F_IN), dtype=jnp.float32)
    inp["x_d"] = jax.random.normal(ks[1], (N, F_IN), dtype=jnp.float32)
    inp["edge_attr_p"] = jax.random.normal(ks[2], (E, F_EDGE), dtype=jnp.float32)
    inp["edge_attr_d"] = jax.random.normal(ks[3], (E, F_EDGE), dtype=jnp.float32)
    inp["edge_index_p"] = jax.random.randint(ks[4], (2, E), 0, N, dtype=jnp.int32)
    inp["x_p_batch"] = jnp.sort(jax.random.randint(ks[5], (N,), 0, NG, dtype=jnp.int32))
    # conv0 edge-MLP: Linear(16,16) -> ReLU -> Linear(16, F_IN*EMB)
    inp["nn0_W1"] = _p(ks[6], (F_EDGE, 16))
    inp["nn0_b1"] = jnp.zeros((16,), jnp.float32)
    inp["nn0_W2"] = _p(ks[7], (16, F_IN * EMB))
    inp["nn0_b2"] = jnp.zeros((F_IN * EMB,), jnp.float32)
    # conv1 edge-MLP: Linear(16,16) -> ReLU -> Linear(16, EMB*EMB)
    inp["nn1_W1"] = _p(ks[8], (F_EDGE, 16))
    inp["nn1_b1"] = jnp.zeros((16,), jnp.float32)
    inp["nn1_W2"] = _p(ks[9], (16, EMB * EMB))
    inp["nn1_b2"] = jnp.zeros((EMB * EMB,), jnp.float32)
    # NNConv root weights + biases
    inp["root0"] = _p(ks[10], (F_IN, EMB))
    inp["bias0"] = jnp.zeros((EMB,), jnp.float32)
    inp["root1"] = _p(ks[11], (EMB, EMB))
    inp["bias1"] = jnp.zeros((EMB,), jnp.float32)
    # lin_block: Linear(EMB, EMB), Linear(EMB, 1)
    inp["lin0_W"] = _p(ks[12], (EMB, EMB))
    inp["lin0_b"] = jnp.zeros((EMB,), jnp.float32)
    inp["lin1_W"] = _p(ks[13], (EMB, 1))
    inp["lin1_b"] = jnp.zeros((1,), jnp.float32)
    return inp


def _nnconv(x, edge_index, edge_attr, W1, b1, W2, b2, root, bias, in_c, out_c):
    # edge-conditioned conv (PyG NNConv, aggr='add'):
    # per-edge weight = nn(edge_attr).view(-1, in_c, out_c)
    h = jax.nn.relu(edge_attr @ W1 + b1)
    w = (h @ W2 + b2).reshape(-1, in_c, out_c)
    src = edge_index[0]
    dst = edge_index[1]
    msg = jnp.einsum('ei,eio->eo', x[src], w)
    agg = jax.ops.segment_sum(msg, dst, num_segments=x.shape[0])
    return agg + x @ root + bias


def reference(x_p, x_d, edge_attr_p, edge_attr_d, edge_index_p, x_p_batch,
              nn0_W1, nn0_b1, nn0_W2, nn0_b2,
              nn1_W1, nn1_b1, nn1_W2, nn1_b2,
              root0, bias0, root1, bias1,
              lin0_W, lin0_b, lin1_W, lin1_b):
    # NNConv_prot.forward only uses x_p, edge_attr_p, data.edge_index_p, data.x_p_batch
    x = jax.nn.relu(_nnconv(x_p, edge_index_p, edge_attr_p, nn0_W1, nn0_b1, nn0_W2, nn0_b2, root0, bias0, F_IN, EMB))
    x = jax.nn.relu(_nnconv(x, edge_index_p, edge_attr_p, nn1_W1, nn1_b1, nn1_W2, nn1_b2, root1, bias1, EMB, EMB))
    g = jax.ops.segment_max(x, x_p_batch, num_segments=NG)
    # F.dropout(p=0.5, training=False) -> identity in eval mode
    g = g @ lin0_W + lin0_b
    g = g @ lin1_W + lin1_b
    return g

if __name__ == "__main__":
    import jax
    _d = setup_inputs()
    print(jax.jit(kernel)(*tuple(_d.values())))

</pallas_src>

<mosaic_0001>
#map = affine_map<(d0, d1) -> (0, 0)>
module attributes {stable_mosaic.version = 14 : i64} {
  func.func @gather(%arg0: i32, %arg1: i32, %arg2: memref<10000x32xf32, #tpu.memory_space<hbm>>, %arg3: memref<1280x128xi32, #tpu.memory_space<hbm>>, %arg4: memref<163840x32xf32, #tpu.memory_space<hbm>>, %arg5: memref<40x128xi32, #tpu.memory_space<vmem>>, %arg6: memref<1280x32xf32, #tpu.memory_space<vmem>>, %arg7: memref<1280x32xf32, #tpu.memory_space<vmem>>, %arg8: memref<!tpu.dma_semaphore, #tpu.memory_space<semaphore_mem>>, %arg9: memref<!tpu.dma_semaphore, #tpu.memory_space<semaphore_mem>>, %arg10: memref<!tpu.dma_semaphore, #tpu.memory_space<semaphore_mem>>) attributes {dimension_semantics = [#tpu.dimension_semantics<core_parallel>, #tpu.dimension_semantics<subcore_parallel>], iteration_bounds = array<i64: 2, 16>, scalar_prefetch = 0 : i64, scratch_operands = 6 : i64, tpu.core_type = #tpu.core_type<sc_vector_subcore>, window_params = [{transform_indices = #map}, {transform_indices = #map}, {transform_indices = #map}]} {
    %mul3A = arith.constant 2 : i32
    %mul3A_0 = arith.muli %arg1, %mul3A : i32
    %add3A = arith.addi %mul3A_0, %arg0 : i32
    %mul3A_1 = arith.constant 40 : i32
    %mul3A_2 = arith.muli %add3A, %mul3A_1 : i32
    %mul3A_3 = arith.constant 5120 : i32
    %mul3A_4 = arith.muli %add3A, %mul3A_3 : i32
    "tpu.region"() ({
      %run_scoped3A = tpu.sem_alloc : memref<!tpu.dma_semaphore, #tpu.memory_space<semaphore_mem>>
      %dma_start3A_90 = arith.constant 0 : i32
      %dma_start3A_91 = tpu.memref_slice %arg3[%mul3A_2, %dma_start3A_90] : memref<1280x128xi32, #tpu.memory_space<hbm>> -> memref<40x128xi32, #tpu.memory_space<hbm>>
      %dma_start3A_92 = arith.constant 0 : i32
      %dma_start3A_93 = tpu.memref_slice %arg3[%mul3A_2, %dma_start3A_92] : memref<1280x128xi32, #tpu.memory_space<hbm>> -> memref<40x128xi32, #tpu.memory_space<hbm>>
      tpu.enqueue_dma source(%dma_start3A_93 : memref<40x128xi32, #tpu.memory_space<hbm>>) target(%arg5 : memref<40x128xi32, #tpu.memory_space<vmem>>) target_semaphore(%run_scoped3A : memref<!tpu.dma_semaphore, #tpu.memory_space<semaphore_mem>>)
      %dma_wait3A_94 = arith.constant 0 : i32
      %dma_wait3A_95 = tpu.memref_slice %arg3[%mul3A_2, %dma_wait3A_94] : memref<1280x128xi32, #tpu.memory_space<hbm>> -> memref<40x128xi32, #tpu.memory_space<hbm>>
      %dma_wait3A_96 = arith.constant 0 : i32
      %dma_wait3A_97 = tpu.memref_slice %arg3[%mul3A_2, %dma_wait3A_96] : memref<1280x128xi32, #tpu.memory_space<hbm>> -> memref<40x128xi32, #tpu.memory_space<hbm>>
      tpu.wait_dma2 semaphore(%run_scoped3A : memref<!tpu.dma_semaphore, #tpu.memory_space<semaphore_mem>>) src(%dma_wait3A_97 : memref<40x128xi32, #tpu.memory_space<hbm>>) dst(%arg5 : memref<40x128xi32, #tpu.memory_space<vmem>>)
      tpu.yield
    }) : () -> ()
    %scan3A = arith.constant 0 : i32
    %scan3A_5 = arith.constant 0 : i32
    %scan3A_6 = arith.constant 10 : i32
    %scan3A_7 = arith.addi %scan3A_5, %scan3A_6 : i32
    %scan3A_8 = arith.constant 1 : i32
    scf.for %scan3A_90 = %scan3A_5 to %scan3A_7 step %scan3A_8  : i32 {
      %add3A_91 = arith.constant 0 : i32
      %add3A_92 = arith.addi %add3A_91, %scan3A_90 : i32
      %mul3A_93 = arith.constant 128 : i32
      %mul3A_94 = arith.muli %scan3A_90, %mul3A_93 : i32
      %dma_start3A_95 = arith.constant 0 : i32
      %dma_start3A_96 = tpu.memref_slice %arg6[%mul3A_94, %dma_start3A_95] : memref<1280x32xf32, #tpu.memory_space<vmem>> -> memref<128x32xf32, #tpu.memory_space<vmem>>
      %dma_start3A_97 = arith.constant 0 : i32
      %dma_start3A_98 = tpu.memref_slice %arg5[%add3A_92, %dma_start3A_97] : memref<40x128xi32, #tpu.memory_space<vmem>> -> memref<1x128xi32, #tpu.memory_space<vmem>>
      %dma_start3A_99 = tpu.memref_squeeze %dma_start3A_98 : memref<1x128xi32, #tpu.memory_space<vmem>> -> memref<128xi32, #tpu.memory_space<vmem>>
      %dma_start3A_100 = arith.constant 0 : i32
      %dma_start3A_101 = arith.constant 0 : i32
      %dma_start3A_102 = tpu.memref_slice %arg2[%dma_start3A_100, %dma_start3A_101] : memref<10000x32xf32, #tpu.memory_space<hbm>> -> memref<10000x32xf32, #tpu.memory_space<hbm>>
      tpu.enqueue_indirect_dma source(%dma_start3A_102 : memref<10000x32xf32, #tpu.memory_space<hbm>>) target(%dma_start3A_96 : memref<128x32xf32, #tpu.memory_space<vmem>>) offsets(%dma_start3A_99 : memref<128xi32, #tpu.memory_space<vmem>>) semaphore(%arg8 : memref<!tpu.dma_semaphore, #tpu.memory_space<semaphore_mem>>)
    }
    %scan3A_9 = arith.constant 10 : i32
    %scan3A_10 = arith.constant 0 : i32
    %scan3A_11 = arith.constant 0 : i32
    %scan3A_12 = arith.constant 10 : i32
    %scan3A_13 = arith.addi %scan3A_11, %scan3A_12 : i32
    %scan3A_14 = arith.constant 1 : i32
    scf.for %scan3A_90 = %scan3A_11 to %scan3A_13 step %scan3A_14  : i32 {
      %add3A_91 = arith.constant 0 : i32
      %add3A_92 = arith.addi %add3A_91, %scan3A_90 : i32
      %mul3A_93 = arith.constant 128 : i32
      %mul3A_94 = arith.muli %scan3A_90, %mul3A_93 : i32
      %dma_wait3A_95 = arith.constant 0 : i32
      %dma_wait3A_96 = tpu.memref_slice %arg6[%mul3A_94, %dma_wait3A_95] : memref<1280x32xf32, #tpu.memory_space<vmem>> -> memref<128x32xf32, #tpu.memory_space<vmem>>
      %dma_wait3A_97 = arith.constant 0 : i32
      %dma_wait3A_98 = tpu.memref_slice %arg5[%add3A_92, %dma_wait3A_97] : memref<40x128xi32, #tpu.memory_space<vmem>> -> memref<1x128xi32, #tpu.memory_space<vmem>>
      %dma_wait3A_99 = tpu.memref_squeeze %dma_wait3A_98 : memref<1x128xi32, #tpu.memory_space<vmem>> -> memref<128xi32, #tpu.memory_space<vmem>>
      %dma_wait3A_100 = arith.constant 0 : i32
      %dma_wait3A_101 = arith.constant 0 : i32
      %dma_wait3A_102 = tpu.memref_slice %arg2[%dma_wait3A_100, %dma_wait3A_101] : memref<10000x32xf32, #tpu.memory_space<hbm>> -> memref<10000x32xf32, #tpu.memory_space<hbm>>
      tpu.wait_indirect_dma semaphore(%arg8 : memref<!tpu.dma_semaphore, #tpu.memory_space<semaphore_mem>>) src(%dma_wait3A_102 : memref<10000x32xf32, #tpu.memory_space<hbm>>) dst(%dma_wait3A_96 : memref<128x32xf32, #tpu.memory_space<vmem>>)
    }
    %scan3A_15 = arith.constant 10 : i32
    %add3A_16 = arith.constant 0 : i32
    %add3A_17 = arith.addi %mul3A_4, %add3A_16 : i32
    %dma_start3A = arith.constant 0 : i32
    %dma_start3A_18 = tpu.memref_slice %arg4[%add3A_17, %dma_start3A] : memref<163840x32xf32, #tpu.memory_space<hbm>> -> memref<1280x32xf32, #tpu.memory_space<hbm>>
    %dma_start3A_19 = arith.constant 0 : i32
    %dma_start3A_20 = tpu.memref_slice %arg4[%add3A_17, %dma_start3A_19] : memref<163840x32xf32, #tpu.memory_space<hbm>> -> memref<1280x32xf32, #tpu.memory_space<hbm>>
    tpu.enqueue_dma source(%arg6 : memref<1280x32xf32, #tpu.memory_space<vmem>>) target(%dma_start3A_20 : memref<1280x32xf32, #tpu.memory_space<hbm>>) target_semaphore(%arg9 : memref<!tpu.dma_semaphore, #tpu.memory_space<semaphore_mem>>)
    %scan3A_21 = arith.constant 0 : i32
    %scan3A_22 = arith.constant 0 : i32
    %scan3A_23 = arith.constant 10 : i32
    %scan3A_24 = arith.addi %scan3A_22, %scan3A_23 : i32
    %scan3A_25 = arith.constant 1 : i32
    scf.for %scan3A_90 = %scan3A_22 to %scan3A_24 step %scan3A_25  : i32 {
      %add3A_91 = arith.constant 10 : i32
      %add3A_92 = arith.addi %add3A_91, %scan3A_90 : i32
      %mul3A_93 = arith.constant 128 : i32
      %mul3A_94 = arith.muli %scan3A_90, %mul3A_93 : i32
      %dma_start3A_95 = arith.constant 0 : i32
      %dma_start3A_96 = tpu.memref_slice %arg7[%mul3A_94, %dma_start3A_95] : memref<1280x32xf32, #tpu.memory_space<vmem>> -> memref<128x32xf32, #tpu.memory_space<vmem>>
      %dma_start3A_97 = arith.constant 0 : i32
      %dma_start3A_98 = tpu.memref_slice %arg5[%add3A_92, %dma_start3A_97] : memref<40x128xi32, #tpu.memory_space<vmem>> -> memref<1x128xi32, #tpu.memory_space<vmem>>
      %dma_start3A_99 = tpu.memref_squeeze %dma_start3A_98 : memref<1x128xi32, #tpu.memory_space<vmem>> -> memref<128xi32, #tpu.memory_space<vmem>>
      %dma_start3A_100 = arith.constant 0 : i32
      %dma_start3A_101 = arith.constant 0 : i32
      %dma_start3A_102 = tpu.memref_slice %arg2[%dma_start3A_100, %dma_start3A_101] : memref<10000x32xf32, #tpu.memory_space<hbm>> -> memref<10000x32xf32, #tpu.memory_space<hbm>>
      tpu.enqueue_indirect_dma source(%dma_start3A_102 : memref<10000x32xf32, #tpu.memory_space<hbm>>) target(%dma_start3A_96 : memref<128x32xf32, #tpu.memory_space<vmem>>) offsets(%dma_start3A_99 : memref<128xi32, #tpu.memory_space<vmem>>) semaphore(%arg8 : memref<!tpu.dma_semaphore, #tpu.memory_space<semaphore_mem>>)
    }
    %scan3A_26 = arith.constant 10 : i32
    %scan3A_27 = arith.constant 0 : i32
    %scan3A_28 = arith.constant 0 : i32
    %scan3A_29 = arith.constant 10 : i32
    %scan3A_30 = arith.addi %scan3A_28, %scan3A_29 : i32
    %scan3A_31 = arith.constant 1 : i32
    scf.for %scan3A_90 = %scan3A_28 to %scan3A_30 step %scan3A_31  : i32 {
      %add3A_91 = arith.constant 10 : i32
      %add3A_92 = arith.addi %add3A_91, %scan3A_90 : i32
      %mul3A_93 = arith.constant 128 : i32
      %mul3A_94 = arith.muli %scan3A_90, %mul3A_93 : i32
      %dma_wait3A_95 = arith.constant 0 : i32
      %dma_wait3A_96 = tpu.memref_slice %arg7[%mul3A_94, %dma_wait3A_95] : memref<1280x32xf32, #tpu.memory_space<vmem>> -> memref<128x32xf32, #tpu.memory_space<vmem>>
      %dma_wait3A_97 = arith.constant 0 : i32
      %dma_wait3A_98 = tpu.memref_slice %arg5[%add3A_92, %dma_wait3A_97] : memref<40x128xi32, #tpu.memory_space<vmem>> -> memref<1x128xi32, #tpu.memory_space<vmem>>
      %dma_wait3A_99 = tpu.memref_squeeze %dma_wait3A_98 : memref<1x128xi32, #tpu.memory_space<vmem>> -> memref<128xi32, #tpu.memory_space<vmem>>
      %dma_wait3A_100 = arith.constant 0 : i32
      %dma_wait3A_101 = arith.constant 0 : i32
      %dma_wait3A_102 = tpu.memref_slice %arg2[%dma_wait3A_100, %dma_wait3A_101] : memref<10000x32xf32, #tpu.memory_space<hbm>> -> memref<10000x32xf32, #tpu.memory_space<hbm>>
      tpu.wait_indirect_dma semaphore(%arg8 : memref<!tpu.dma_semaphore, #tpu.memory_space<semaphore_mem>>) src(%dma_wait3A_102 : memref<10000x32xf32, #tpu.memory_space<hbm>>) dst(%dma_wait3A_96 : memref<128x32xf32, #tpu.memory_space<vmem>>)
    }
    %scan3A_32 = arith.constant 10 : i32
    %add3A_33 = arith.constant 1280 : i32
    %add3A_34 = arith.addi %mul3A_4, %add3A_33 : i32
    %dma_start3A_35 = arith.constant 0 : i32
    %dma_start3A_36 = tpu.memref_slice %arg4[%add3A_34, %dma_start3A_35] : memref<163840x32xf32, #tpu.memory_space<hbm>> -> memref<1280x32xf32, #tpu.memory_space<hbm>>
    %dma_start3A_37 = arith.constant 0 : i32
    %dma_start3A_38 = tpu.memref_slice %arg4[%add3A_34, %dma_start3A_37] : memref<163840x32xf32, #tpu.memory_space<hbm>> -> memref<1280x32xf32, #tpu.memory_space<hbm>>
    tpu.enqueue_dma source(%arg7 : memref<1280x32xf32, #tpu.memory_space<vmem>>) target(%dma_start3A_38 : memref<1280x32xf32, #tpu.memory_space<hbm>>) target_semaphore(%arg10 : memref<!tpu.dma_semaphore, #tpu.memory_space<semaphore_mem>>)
    %dma_wait3A = arith.constant 0 : i32
    %dma_wait3A_39 = tpu.memref_slice %arg4[%add3A_17, %dma_wait3A] : memref<163840x32xf32, #tpu.memory_space<hbm>> -> memref<1280x32xf32, #tpu.memory_space<hbm>>
    %dma_wait3A_40 = arith.constant 0 : i32
    %dma_wait3A_41 = tpu.memref_slice %arg4[%add3A_17, %dma_wait3A_40] : memref<163840x32xf32, #tpu.memory_space<hbm>> -> memref<1280x32xf32, #tpu.memory_space<hbm>>
    tpu.wait_dma2 semaphore(%arg9 : memref<!tpu.dma_semaphore, #tpu.memory_space<semaphore_mem>>) src(%arg6 : memref<1280x32xf32, #tpu.memory_space<vmem>>) dst(%dma_wait3A_41 : memref<1280x32xf32, #tpu.memory_space<hbm>>)
    %scan3A_42 = arith.constant 0 : i32
    %scan3A_43 = arith.constant 0 : i32
    %scan3A_44 = arith.constant 10 : i32
    %scan3A_45 = arith.addi %scan3A_43, %scan3A_44 : i32
    %scan3A_46 = arith.constant 1 : i32
    scf.for %scan3A_90 = %scan3A_43 to %scan3A_45 step %scan3A_46  : i32 {
      %add3A_91 = arith.constant 20 : i32
      %add3A_92 = arith.addi %add3A_91, %scan3A_90 : i32
      %mul3A_93 = arith.constant 128 : i32
      %mul3A_94 = arith.muli %scan3A_90, %mul3A_93 : i32
      %dma_start3A_95 = arith.constant 0 : i32
      %dma_start3A_96 = tpu.memref_slice %arg6[%mul3A_94, %dma_start3A_95] : memref<1280x32xf32, #tpu.memory_space<vmem>> -> memref<128x32xf32, #tpu.memory_space<vmem>>
      %dma_start3A_97 = arith.constant 0 : i32
      %dma_start3A_98 = tpu.memref_slice %arg5[%add3A_92, %dma_start3A_97] : memref<40x128xi32, #tpu.memory_space<vmem>> -> memref<1x128xi32, #tpu.memory_space<vmem>>
      %dma_start3A_99 = tpu.memref_squeeze %dma_start3A_98 : memref<1x128xi32, #tpu.memory_space<vmem>> -> memref<128xi32, #tpu.memory_space<vmem>>
      %dma_start3A_100 = arith.constant 0 : i32
      %dma_start3A_101 = arith.constant 0 : i32
      %dma_start3A_102 = tpu.memref_slice %arg2[%dma_start3A_100, %dma_start3A_101] : memref<10000x32xf32, #tpu.memory_space<hbm>> -> memref<10000x32xf32, #tpu.memory_space<hbm>>
      tpu.enqueue_indirect_dma source(%dma_start3A_102 : memref<10000x32xf32, #tpu.memory_space<hbm>>) target(%dma_start3A_96 : memref<128x32xf32, #tpu.memory_space<vmem>>) offsets(%dma_start3A_99 : memref<128xi32, #tpu.memory_space<vmem>>) semaphore(%arg8 : memref<!tpu.dma_semaphore, #tpu.memory_space<semaphore_mem>>)
    }
    %scan3A_47 = arith.constant 10 : i32
    %scan3A_48 = arith.constant 0 : i32
    %scan3A_49 = arith.constant 0 : i32
    %scan3A_50 = arith.constant 10 : i32
    %scan3A_51 = arith.addi %scan3A_49, %scan3A_50 : i32
    %scan3A_52 = arith.constant 1 : i32
    scf.for %scan3A_90 = %scan3A_49 to %scan3A_51 step %scan3A_52  : i32 {
      %add3A_91 = arith.constant 20 : i32
      %add3A_92 = arith.addi %add3A_91, %scan3A_90 : i32
      %mul3A_93 = arith.constant 128 : i32
      %mul3A_94 = arith.muli %scan3A_90, %mul3A_93 : i32
      %dma_wait3A_95 = arith.constant 0 : i32
      %dma_wait3A_96 = tpu.memref_slice %arg6[%mul3A_94, %dma_wait3A_95] : memref<1280x32xf32, #tpu.memory_space<vmem>> -> memref<128x32xf32, #tpu.memory_space<vmem>>
      %dma_wait3A_97 = arith.constant 0 : i32
      %dma_wait3A_98 = tpu.memref_slice %arg5[%add3A_92, %dma_wait3A_97] : memref<40x128xi32, #tpu.memory_space<vmem>> -> memref<1x128xi32, #tpu.memory_space<vmem>>
      %dma_wait3A_99 = tpu.memref_squeeze %dma_wait3A_98 : memref<1x128xi32, #tpu.memory_space<vmem>> -> memref<128xi32, #tpu.memory_space<vmem>>
      %dma_wait3A_100 = arith.constant 0 : i32
      %dma_wait3A_101 = arith.constant 0 : i32
      %dma_wait3A_102 = tpu.memref_slice %arg2[%dma_wait3A_100, %dma_wait3A_101] : memref<10000x32xf32, #tpu.memory_space<hbm>> -> memref<10000x32xf32, #tpu.memory_space<hbm>>
      tpu.wait_indirect_dma semaphore(%arg8 : memref<!tpu.dma_semaphore, #tpu.memory_space<semaphore_mem>>) src(%dma_wait3A_102 : memref<10000x32xf32, #tpu.memory_space<hbm>>) dst(%dma_wait3A_96 : memref<128x32xf32, #tpu.memory_space<vmem>>)
    }
    %scan3A_53 = arith.constant 10 : i32
    %add3A_54 = arith.constant 2560 : i32
    %add3A_55 = arith.addi %mul3A_4, %add3A_54 : i32
    %dma_start3A_56 = arith.constant 0 : i32
    %dma_start3A_57 = tpu.memref_slice %arg4[%add3A_55, %dma_start3A_56] : memref<163840x32xf32, #tpu.memory_space<hbm>> -> memref<1280x32xf32, #tpu.memory_space<hbm>>
    %dma_start3A_58 = arith.constant 0 : i32
    %dma_start3A_59 = tpu.memref_slice %arg4[%add3A_55, %dma_start3A_58] : memref<163840x32xf32, #tpu.memory_space<hbm>> -> memref<1280x32xf32, #tpu.memory_space<hbm>>
    tpu.enqueue_dma source(%arg6 : memref<1280x32xf32, #tpu.memory_space<vmem>>) target(%dma_start3A_59 : memref<1280x32xf32, #tpu.memory_space<hbm>>) target_semaphore(%arg9 : memref<!tpu.dma_semaphore, #tpu.memory_space<semaphore_mem>>)
    %dma_wait3A_60 = arith.constant 0 : i32
    %dma_wait3A_61 = tpu.memref_slice %arg4[%add3A_34, %dma_wait3A_60] : memref<163840x32xf32, #tpu.memory_space<hbm>> -> memref<1280x32xf32, #tpu.memory_space<hbm>>
    %dma_wait3A_62 = arith.constant 0 : i32
    %dma_wait3A_63 = tpu.memref_slice %arg4[%add3A_34, %dma_wait3A_62] : memref<163840x32xf32, #tpu.memory_space<hbm>> -> memref<1280x32xf32, #tpu.memory_space<hbm>>
    tpu.wait_dma2 semaphore(%arg10 : memref<!tpu.dma_semaphore, #tpu.memory_space<semaphore_mem>>) src(%arg7 : memref<1280x32xf32, #tpu.memory_space<vmem>>) dst(%dma_wait3A_63 : memref<1280x32xf32, #tpu.memory_space<hbm>>)
    %scan3A_64 = arith.constant 0 : i32
    %scan3A_65 = arith.constant 0 : i32
    %scan3A_66 = arith.constant 10 : i32
    %scan3A_67 = arith.addi %scan3A_65, %scan3A_66 : i32
    %scan3A_68 = arith.constant 1 : i32
    scf.for %scan3A_90 = %scan3A_65 to %scan3A_67 step %scan3A_68  : i32 {
      %add3A_91 = arith.constant 30 : i32
      %add3A_92 = arith.addi %add3A_91, %scan3A_90 : i32
      %mul3A_93 = arith.constant 128 : i32
      %mul3A_94 = arith.muli %scan3A_90, %mul3A_93 : i32
      %dma_start3A_95 = arith.constant 0 : i32
      %dma_start3A_96 = tpu.memref_slice %arg7[%mul3A_94, %dma_start3A_95] : memref<1280x32xf32, #tpu.memory_space<vmem>> -> memref<128x32xf32, #tpu.memory_space<vmem>>
      %dma_start3A_97 = arith.constant 0 : i32
      %dma_start3A_98 = tpu.memref_slice %arg5[%add3A_92, %dma_start3A_97] : memref<40x128xi32, #tpu.memory_space<vmem>> -> memref<1x128xi32, #tpu.memory_space<vmem>>
      %dma_start3A_99 = tpu.memref_squeeze %dma_start3A_98 : memref<1x128xi32, #tpu.memory_space<vmem>> -> memref<128xi32, #tpu.memory_space<vmem>>
      %dma_start3A_100 = arith.constant 0 : i32
      %dma_start3A_101 = arith.constant 0 : i32
      %dma_start3A_102 = tpu.memref_slice %arg2[%dma_start3A_100, %dma_start3A_101] : memref<10000x32xf32, #tpu.memory_space<hbm>> -> memref<10000x32xf32, #tpu.memory_space<hbm>>
      tpu.enqueue_indirect_dma source(%dma_start3A_102 : memref<10000x32xf32, #tpu.memory_space<hbm>>) target(%dma_start3A_96 : memref<128x32xf32, #tpu.memory_space<vmem>>) offsets(%dma_start3A_99 : memref<128xi32, #tpu.memory_space<vmem>>) semaphore(%arg8 : memref<!tpu.dma_semaphore, #tpu.memory_space<semaphore_mem>>)
    }
    %scan3A_69 = arith.constant 10 : i32
    %scan3A_70 = arith.constant 0 : i32
    %scan3A_71 = arith.constant 0 : i32
    %scan3A_72 = arith.constant 10 : i32
    %scan3A_73 = arith.addi %scan3A_71, %scan3A_72 : i32
    %scan3A_74 = arith.constant 1 : i32
    scf.for %scan3A_90 = %scan3A_71 to %scan3A_73 step %scan3A_74  : i32 {
      %add3A_91 = arith.constant 30 : i32
      %add3A_92 = arith.addi %add3A_91, %scan3A_90 : i32
      %mul3A_93 = arith.constant 128 : i32
      %mul3A_94 = arith.muli %scan3A_90, %mul3A_93 : i32
      %dma_wait3A_95 = arith.constant 0 : i32
      %dma_wait3A_96 = tpu.memref_slice %arg7[%mul3A_94, %dma_wait3A_95] : memref<1280x32xf32, #tpu.memory_space<vmem>> -> memref<128x32xf32, #tpu.memory_space<vmem>>
      %dma_wait3A_97 = arith.constant 0 : i32
      %dma_wait3A_98 = tpu.memref_slice %arg5[%add3A_92, %dma_wait3A_97] : memref<40x128xi32, #tpu.memory_space<vmem>> -> memref<1x128xi32, #tpu.memory_space<vmem>>
      %dma_wait3A_99 = tpu.memref_squeeze %dma_wait3A_98 : memref<1x128xi32, #tpu.memory_space<vmem>> -> memref<128xi32, #tpu.memory_space<vmem>>
      %dma_wait3A_100 = arith.constant 0 : i32
      %dma_wait3A_101 = arith.constant 0 : i32
      %dma_wait3A_102 = tpu.memref_slice %arg2[%dma_wait3A_100, %dma_wait3A_101] : memref<10000x32xf32, #tpu.memory_space<hbm>> -> memref<10000x32xf32, #tpu.memory_space<hbm>>
      tpu.wait_indirect_dma semaphore(%arg8 : memref<!tpu.dma_semaphore, #tpu.memory_space<semaphore_mem>>) src(%dma_wait3A_102 : memref<10000x32xf32, #tpu.memory_space<hbm>>) dst(%dma_wait3A_96 : memref<128x32xf32, #tpu.memory_space<vmem>>)
    }
    %scan3A_75 = arith.constant 10 : i32
    %add3A_76 = arith.constant 3840 : i32
    %add3A_77 = arith.addi %mul3A_4, %add3A_76 : i32
    %dma_start3A_78 = arith.constant 0 : i32
    %dma_start3A_79 = tpu.memref_slice %arg4[%add3A_77, %dma_start3A_78] : memref<163840x32xf32, #tpu.memory_space<hbm>> -> memref<1280x32xf32, #tpu.memory_space<hbm>>
    %dma_start3A_80 = arith.constant 0 : i32
    %dma_start3A_81 = tpu.memref_slice %arg4[%add3A_77, %dma_start3A_80] : memref<163840x32xf32, #tpu.memory_space<hbm>> -> memref<1280x32xf32, #tpu.memory_space<hbm>>
    tpu.enqueue_dma source(%arg7 : memref<1280x32xf32, #tpu.memory_space<vmem>>) target(%dma_start3A_81 : memref<1280x32xf32, #tpu.memory_space<hbm>>) target_semaphore(%arg10 : memref<!tpu.dma_semaphore, #tpu.memory_space<semaphore_mem>>)
    %dma_wait3A_82 = arith.constant 0 : i32
    %dma_wait3A_83 = tpu.memref_slice %arg4[%add3A_55, %dma_wait3A_82] : memref<163840x32xf32, #tpu.memory_space<hbm>> -> memref<1280x32xf32, #tpu.memory_space<hbm>>
    %dma_wait3A_84 = arith.constant 0 : i32
    %dma_wait3A_85 = tpu.memref_slice %arg4[%add3A_55, %dma_wait3A_84] : memref<163840x32xf32, #tpu.memory_space<hbm>> -> memref<1280x32xf32, #tpu.memory_space<hbm>>
    tpu.wait_dma2 semaphore(%arg9 : memref<!tpu.dma_semaphore, #tpu.memory_space<semaphore_mem>>) src(%arg6 : memref<1280x32xf32, #tpu.memory_space<vmem>>) dst(%dma_wait3A_85 : memref<1280x32xf32, #tpu.memory_space<hbm>>)
    %dma_wait3A_86 = arith.constant 0 : i32
    %dma_wait3A_87 = tpu.memref_slice %arg4[%add3A_77, %dma_wait3A_86] : memref<163840x32xf32, #tpu.memory_space<hbm>> -> memref<1280x32xf32, #tpu.memory_space<hbm>>
    %dma_wait3A_88 = arith.constant 0 : i32
    %dma_wait3A_89 = tpu.memref_slice %arg4[%add3A_77, %dma_wait3A_88] : memref<163840x32xf32, #tpu.memory_space<hbm>> -> memref<1280x32xf32, #tpu.memory_space<hbm>>
    tpu.wait_dma2 semaphore(%arg10 : memref<!tpu.dma_semaphore, #tpu.memory_space<semaphore_mem>>) src(%arg7 : memref<1280x32xf32, #tpu.memory_space<vmem>>) dst(%dma_wait3A_89 : memref<1280x32xf32, #tpu.memory_space<hbm>>)
    return
  }
}

#map = affine_map<(d0, d1) -> (0, 0)>
module attributes {stable_mosaic.version = 14 : i64} {
  func.func @fused_tail(%arg0: i32, %arg1: i32, %arg2: memref<163840x16xf32, #tpu.memory_space<hbm>>, %arg3: memref<1280x128xi32, #tpu.memory_space<hbm>>, %arg4: memref<10000x16xf32, #tpu.memory_space<hbm>>, %arg5: memref<10000x16xf32, #tpu.memory_space<hbm>>, %arg6: memref<10000x16xf32, #tpu.memory_space<hbm>>, %arg7: memref<80x128xi32, #tpu.memory_space<vmem>>, %arg8: memref<1280x16xf32, #tpu.memory_space<vmem>>, %arg9: memref<1280x16xf32, #tpu.memory_space<vmem>>, %arg10: memref<625x16xf32, #tpu.memory_space<vmem>>, %arg11: memref<625x16xf32, #tpu.memory_space<vmem>>, %arg12: memref<10000x16xf32, #tpu.memory_space<vmem_shared>>, %arg13: memref<!tpu.dma_semaphore, #tpu.memory_space<semaphore_mem>>) attributes {dimension_semantics = [#tpu.dimension_semantics<core_parallel>, #tpu.dimension_semantics<subcore_parallel>], iteration_bounds = array<i64: 2, 16>, scalar_prefetch = 0 : i64, scratch_operands = 7 : i64, tpu.core_type = #tpu.core_type<sc_vector_subcore>, window_params = [{transform_indices = #map}, {transform_indices = #map}, {transform_indices = #map}, {transform_indices = #map}, {transform_indices = #map}]} {
    %mul3A = arith.constant 625 : i32
    %mul3A_0 = arith.muli %arg1, %mul3A : i32
    %mul3A_1 = arith.constant 625 : i32
    %mul3A_2 = arith.muli %arg1, %mul3A_1 : i32
    "tpu.region"() ({
      %run_scoped3A = tpu.sem_alloc : memref<!tpu.dma_semaphore, #tpu.memory_space<semaphore_mem>>
      %dma_start3A = arith.constant 0 : i32
      %dma_start3A_120 = tpu.memref_slice %arg12[%mul3A_2, %dma_start3A] : memref<10000x16xf32, #tpu.memory_space<vmem_shared>> -> memref<625x16xf32, #tpu.memory_space<vmem_shared>>
      %dma_start3A_121 = arith.constant 0 : i32
      %dma_start3A_122 = tpu.memref_slice %arg5[%mul3A_0, %dma_start3A_121] : memref<10000x16xf32, #tpu.memory_space<hbm>> -> memref<625x16xf32, #tpu.memory_space<hbm>>
      tpu.enqueue_dma source(%dma_start3A_122 : memref<625x16xf32, #tpu.memory_space<hbm>>) target(%dma_start3A_120 : memref<625x16xf32, #tpu.memory_space<vmem_shared>>) target_semaphore(%run_scoped3A : memref<!tpu.dma_semaphore, #tpu.memory_space<semaphore_mem>>)
      %dma_wait3A = arith.constant 0 : i32
      %dma_wait3A_123 = tpu.memref_slice %arg12[%mul3A_2, %dma_wait3A] : memref<10000x16xf32, #tpu.memory_space<vmem_shared>> -> memref<625x16xf32, #tpu.memory_space<vmem_shared>>
      %dma_wait3A_124 = arith.constant 0 : i32
      %dma_wait3A_125 = tpu.memref_slice %arg5[%mul3A_0, %dma_wait3A_124] : memref<10000x16xf32, #tpu.memory_space<hbm>> -> memref<625x16xf32, #tpu.memory_space<hbm>>
      tpu.wait_dma2 semaphore(%run_scoped3A : memref<!tpu.dma_semaphore, #tpu.memory_space<semaphore_mem>>) src(%dma_wait3A_125 : memref<625x16xf32, #tpu.memory_space<hbm>>) dst(%dma_wait3A_123 : memref<625x16xf32, #tpu.memory_space<vmem_shared>>)
      tpu.yield
    }) : () -> ()
    %barrier3A = arith.constant 0 : index
    tpu.barrier barrier_id(%barrier3A)
    %mul3A_3 = arith.constant 80 : i32
    %mul3A_4 = arith.muli %arg1, %mul3A_3 : i32
    "tpu.region"() ({
      %run_scoped3A = tpu.sem_alloc : memref<!tpu.dma_semaphore, #tpu.memory_space<semaphore_mem>>
      %dma_start3A = arith.constant 0 : i32
      %dma_start3A_120 = tpu.memref_slice %arg3[%mul3A_4, %dma_start3A] : memref<1280x128xi32, #tpu.memory_space<hbm>> -> memref<80x128xi32, #tpu.memory_space<hbm>>
      %dma_start3A_121 = arith.constant 0 : i32
      %dma_start3A_122 = tpu.memref_slice %arg3[%mul3A_4, %dma_start3A_121] : memref<1280x128xi32, #tpu.memory_space<hbm>> -> memref<80x128xi32, #tpu.memory_space<hbm>>
      tpu.enqueue_dma source(%dma_start3A_122 : memref<80x128xi32, #tpu.memory_space<hbm>>) target(%arg7 : memref<80x128xi32, #tpu.memory_space<vmem>>) target_semaphore(%run_scoped3A : memref<!tpu.dma_semaphore, #tpu.memory_space<semaphore_mem>>)
      %dma_wait3A = arith.constant 0 : i32
      %dma_wait3A_123 = tpu.memref_slice %arg3[%mul3A_4, %dma_wait3A] : memref<1280x128xi32, #tpu.memory_space<hbm>> -> memref<80x128xi32, #tpu.memory_space<hbm>>
      %dma_wait3A_124 = arith.constant 0 : i32
      %dma_wait3A_125 = tpu.memref_slice %arg3[%mul3A_4, %dma_wait3A_124] : memref<1280x128xi32, #tpu.memory_space<hbm>> -> memref<80x128xi32, #tpu.memory_space<hbm>>
      tpu.wait_dma2 semaphore(%run_scoped3A : memref<!tpu.dma_semaphore, #tpu.memory_space<semaphore_mem>>) src(%dma_wait3A_125 : memref<80x128xi32, #tpu.memory_space<hbm>>) dst(%arg7 : memref<80x128xi32, #tpu.memory_space<vmem>>)
      tpu.yield
    }) : () -> ()
    %mul3A_5 = arith.constant 80 : i32
    %mul3A_6 = arith.muli %arg1, %mul3A_5 : i32
    %mul3A_7 = arith.constant 128 : i32
    %mul3A_8 = arith.muli %mul3A_6, %mul3A_7 : i32
    "tpu.region"() ({
      %run_scoped3A = tpu.sem_alloc : memref<!tpu.dma_semaphore, #tpu.memory_space<semaphore_mem>>
      %dma_start3A = arith.constant 0 : i32
      %dma_start3A_120 = tpu.memref_slice %arg2[%mul3A_8, %dma_start3A] : memref<163840x16xf32, #tpu.memory_space<hbm>> -> memref<1280x16xf32, #tpu.memory_space<hbm>>
      %dma_start3A_121 = arith.constant 0 : i32
      %dma_start3A_122 = tpu.memref_slice %arg2[%mul3A_8, %dma_start3A_121] : memref<163840x16xf32, #tpu.memory_space<hbm>> -> memref<1280x16xf32, #tpu.memory_space<hbm>>
      tpu.enqueue_dma source(%dma_start3A_122 : memref<1280x16xf32, #tpu.memory_space<hbm>>) target(%arg8 : memref<1280x16xf32, #tpu.memory_space<vmem>>) target_semaphore(%run_scoped3A : memref<!tpu.dma_semaphore, #tpu.memory_space<semaphore_mem>>)
      %dma_wait3A = arith.constant 0 : i32
      %dma_wait3A_123 = tpu.memref_slice %arg2[%mul3A_8, %dma_wait3A] : memref<163840x16xf32, #tpu.memory_space<hbm>> -> memref<1280x16xf32, #tpu.memory_space<hbm>>
      %dma_wait3A_124 = arith.constant 0 : i32
      %dma_wait3A_125 = tpu.memref_slice %arg2[%mul3A_8, %dma_wait3A_124] : memref<163840x16xf32, #tpu.memory_space<hbm>> -> memref<1280x16xf32, #tpu.memory_space<hbm>>
      tpu.wait_dma2 semaphore(%run_scoped3A : memref<!tpu.dma_semaphore, #tpu.memory_space<semaphore_mem>>) src(%dma_wait3A_125 : memref<1280x16xf32, #tpu.memory_space<hbm>>) dst(%arg8 : memref<1280x16xf32, #tpu.memory_space<vmem>>)
      tpu.yield
    }) : () -> ()
    %scan3A = arith.constant 0 : i32
    %scan3A_9 = arith.constant 0 : i32
    %scan3A_10 = arith.constant 10 : i32
    %scan3A_11 = arith.addi %scan3A_9, %scan3A_10 : i32
    %scan3A_12 = arith.constant 1 : i32
    scf.for %scan3A_120 = %scan3A_9 to %scan3A_11 step %scan3A_12  : i32 {
      %mul3A_121 = arith.constant 128 : i32
      %mul3A_122 = arith.muli %scan3A_120, %mul3A_121 : i32
      %add3A_123 = arith.constant 0 : i32
      %add3A_124 = arith.addi %add3A_123, %scan3A_120 : i32
      %dma_start3A = arith.constant 0 : i32
      %dma_start3A_125 = tpu.memref_slice %arg8[%mul3A_122, %dma_start3A] : memref<1280x16xf32, #tpu.memory_space<vmem>> -> memref<128x16xf32, #tpu.memory_space<vmem>>
      %dma_start3A_126 = arith.constant 0 : i32
      %dma_start3A_127 = tpu.memref_slice %arg7[%add3A_124, %dma_start3A_126] : memref<80x128xi32, #tpu.memory_space<vmem>> -> memref<1x128xi32, #tpu.memory_space<vmem>>
      %dma_start3A_128 = tpu.memref_squeeze %dma_start3A_127 : memref<1x128xi32, #tpu.memory_space<vmem>> -> memref<128xi32, #tpu.memory_space<vmem>>
      %dma_start3A_129 = arith.constant 0 : i32
      %dma_start3A_130 = arith.constant 0 : i32
      %dma_start3A_131 = tpu.memref_slice %arg12[%dma_start3A_129, %dma_start3A_130] : memref<10000x16xf32, #tpu.memory_space<vmem_shared>> -> memref<10000x16xf32, #tpu.memory_space<vmem_shared>>
      tpu.enqueue_indirect_dma source(%dma_start3A_125 : memref<128x16xf32, #tpu.memory_space<vmem>>) target(%dma_start3A_131 : memref<10000x16xf32, #tpu.memory_space<vmem_shared>>) offsets(%dma_start3A_128 : memref<128xi32, #tpu.memory_space<vmem>>) semaphore(%arg13 : memref<!tpu.dma_semaphore, #tpu.memory_space<semaphore_mem>>) {add = true}
    }
    %scan3A_13 = arith.constant 10 : i32
    %add3A = arith.constant 1280 : i32
    %add3A_14 = arith.addi %mul3A_8, %add3A : i32
    "tpu.region"() ({
      %run_scoped3A = tpu.sem_alloc : memref<!tpu.dma_semaphore, #tpu.memory_space<semaphore_mem>>
      %dma_start3A = arith.constant 0 : i32
      %dma_start3A_120 = tpu.memref_slice %arg2[%add3A_14, %dma_start3A] : memref<163840x16xf32, #tpu.memory_space<hbm>> -> memref<1280x16xf32, #tpu.memory_space<hbm>>
      %dma_start3A_121 = arith.constant 0 : i32
      %dma_start3A_122 = tpu.memref_slice %arg2[%add3A_14, %dma_start3A_121] : memref<163840x16xf32, #tpu.memory_space<hbm>> -> memref<1280x16xf32, #tpu.memory_space<hbm>>
      tpu.enqueue_dma source(%dma_start3A_122 : memref<1280x16xf32, #tpu.memory_space<hbm>>) target(%arg9 : memref<1280x16xf32, #tpu.memory_space<vmem>>) target_semaphore(%run_scoped3A : memref<!tpu.dma_semaphore, #tpu.memory_space<semaphore_mem>>)
      %dma_wait3A = arith.constant 0 : i32
      %dma_wait3A_123 = tpu.memref_slice %arg2[%add3A_14, %dma_wait3A] : memref<163840x16xf32, #tpu.memory_space<hbm>> -> memref<1280x16xf32, #tpu.memory_space<hbm>>
      %dma_wait3A_124 = arith.constant 0 : i32
      %dma_wait3A_125 = tpu.memref_slice %arg2[%add3A_14, %dma_wait3A_124] : memref<163840x16xf32, #tpu.memory_space<hbm>> -> memref<1280x16xf32, #tpu.memory_space<hbm>>
      tpu.wait_dma2 semaphore(%run_scoped3A : memref<!tpu.dma_semaphore, #tpu.memory_space<semaphore_mem>>) src(%dma_wait3A_125 : memref<1280x16xf32, #tpu.memory_space<hbm>>) dst(%arg9 : memref<1280x16xf32, #tpu.memory_space<vmem>>)
      tpu.yield
    }) : () -> ()
    %scan3A_15 = arith.constant 0 : i32
    %scan3A_16 = arith.constant 0 : i32
    %scan3A_17 = arith.constant 10 : i32
    %scan3A_18 = arith.addi %scan3A_16, %scan3A_17 : i32
    %scan3A_19 = arith.constant 1 : i32
    scf.for %scan3A_120 = %scan3A_16 to %scan3A_18 step %scan3A_19  : i32 {
      %mul3A_121 = arith.constant 128 : i32
      %mul3A_122 = arith.muli %scan3A_120, %mul3A_121 : i32
      %add3A_123 = arith.constant 0 : i32
      %add3A_124 = arith.addi %add3A_123, %scan3A_120 : i32
      %dma_wait3A = arith.constant 0 : i32
      %dma_wait3A_125 = tpu.memref_slice %arg8[%mul3A_122, %dma_wait3A] : memref<1280x16xf32, #tpu.memory_space<vmem>> -> memref<128x16xf32, #tpu.memory_space<vmem>>
      %dma_wait3A_126 = arith.constant 0 : i32
      %dma_wait3A_127 = tpu.memref_slice %arg7[%add3A_124, %dma_wait3A_126] : memref<80x128xi32, #tpu.memory_space<vmem>> -> memref<1x128xi32, #tpu.memory_space<vmem>>
      %dma_wait3A_128 = tpu.memref_squeeze %dma_wait3A_127 : memref<1x128xi32, #tpu.memory_space<vmem>> -> memref<128xi32, #tpu.memory_space<vmem>>
      %dma_wait3A_129 = arith.constant 0 : i32
      %dma_wait3A_130 = arith.constant 0 : i32
      %dma_wait3A_131 = tpu.memref_slice %arg12[%dma_wait3A_129, %dma_wait3A_130] : memref<10000x16xf32, #tpu.memory_space<vmem_shared>> -> memref<10000x16xf32, #tpu.memory_space<vmem_shared>>
      tpu.wait_indirect_dma semaphore(%arg13 : memref<!tpu.dma_semaphore, #tpu.memory_space<semaphore_mem>>) src(%dma_wait3A_125 : memref<128x16xf32, #tpu.memory_space<vmem>>) dst(%dma_wait3A_131 : memref<10000x16xf32, #tpu.memory_space<vmem_shared>>)
    }
    %scan3A_20 = arith.constant 10 : i32
    %scan3A_21 = arith.constant 0 : i32
    %scan3A_22 = arith.constant 0 : i32
    %scan3A_23 = arith.constant 10 : i32
    %scan3A_24 = arith.addi %scan3A_22, %scan3A_23 : i32
    %scan3A_25 = arith.constant 1 : i32
    scf.for %scan3A_120 = %scan3A_22 to %scan3A_24 step %scan3A_25  : i32 {
      %mul3A_121 = arith.constant 128 : i32
      %mul3A_122 = arith.muli %scan3A_120, %mul3A_121 : i32
      %add3A_123 = arith.constant 10 : i32
      %add3A_124 = arith.addi %add3A_123, %scan3A_120 : i32
      %dma_start3A = arith.constant 0 : i32
      %dma_start3A_125 = tpu.memref_slice %arg9[%mul3A_122, %dma_start3A] : memref<1280x16xf32, #tpu.memory_space<vmem>> -> memref<128x16xf32, #tpu.memory_space<vmem>>
      %dma_start3A_126 = arith.constant 0 : i32
      %dma_start3A_127 = tpu.memref_slice %arg7[%add3A_124, %dma_start3A_126] : memref<80x128xi32, #tpu.memory_space<vmem>> -> memref<1x128xi32, #tpu.memory_space<vmem>>
      %dma_start3A_128 = tpu.memref_squeeze %dma_start3A_127 : memref<1x128xi32, #tpu.memory_space<vmem>> -> memref<128xi32, #tpu.memory_space<vmem>>
      %dma_start3A_129 = arith.constant 0 : i32
      %dma_start3A_130 = arith.constant 0 : i32
      %dma_start3A_131 = tpu.memref_slice %arg12[%dma_start3A_129, %dma_start3A_130] : memref<10000x16xf32, #tpu.memory_space<vmem_shared>> -> memref<10000x16xf32, #tpu.memory_space<vmem_shared>>
      tpu.enqueue_indirect_dma source(%dma_start3A_125 : memref<128x16xf32, #tpu.memory_space<vmem>>) target(%dma_start3A_131 : memref<10000x16xf32, #tpu.memory_space<vmem_shared>>) offsets(%dma_start3A_128 : memref<128xi32, #tpu.memory_space<vmem>>) semaphore(%arg13 : memref<!tpu.dma_semaphore, #tpu.memory_space<semaphore_mem>>) {add = true}
    }
    %scan3A_26 = arith.constant 10 : i32
    %add3A_27 = arith.constant 2560 : i32
    %add3A_28 = arith.addi %mul3A_8, %add3A_27 : i32
    "tpu.region"() ({
      %run_scoped3A = tpu.sem_alloc : memref<!tpu.dma_semaphore, #tpu.memory_space<semaphore_mem>>
      %dma_start3A = arith.constant 0 : i32
      %dma_start3A_120 = tpu.memref_slice %arg2[%add3A_28, %dma_start3A] : memref<163840x16xf32, #tpu.memory_space<hbm>> -> memref<1280x16xf32, #tpu.memory_space<hbm>>
      %dma_start3A_121 = arith.constant 0 : i32
      %dma_start3A_122 = tpu.memref_slice %arg2[%add3A_28, %dma_start3A_121] : memref<163840x16xf32, #tpu.memory_space<hbm>> -> memref<1280x16xf32, #tpu.memory_space<hbm>>
      tpu.enqueue_dma source(%dma_start3A_122 : memref<1280x16xf32, #tpu.memory_space<hbm>>) target(%arg8 : memref<1280x16xf32, #tpu.memory_space<vmem>>) target_semaphore(%run_scoped3A : memref<!tpu.dma_semaphore, #tpu.memory_space<semaphore_mem>>)
      %dma_wait3A = arith.constant 0 : i32
      %dma_wait3A_123 = tpu.memref_slice %arg2[%add3A_28, %dma_wait3A] : memref<163840x16xf32, #tpu.memory_space<hbm>> -> memref<1280x16xf32, #tpu.memory_space<hbm>>
      %dma_wait3A_124 = arith.constant 0 : i32
      %dma_wait3A_125 = tpu.memref_slice %arg2[%add3A_28, %dma_wait3A_124] : memref<163840x16xf32, #tpu.memory_space<hbm>> -> memref<1280x16xf32, #tpu.memory_space<hbm>>
      tpu.wait_dma2 semaphore(%run_scoped3A : memref<!tpu.dma_semaphore, #tpu.memory_space<semaphore_mem>>) src(%dma_wait3A_125 : memref<1280x16xf32, #tpu.memory_space<hbm>>) dst(%arg8 : memref<1280x16xf32, #tpu.memory_space<vmem>>)
      tpu.yield
    }) : () -> ()
    %scan3A_29 = arith.constant 0 : i32
    %scan3A_30 = arith.constant 0 : i32
    %scan3A_31 = arith.constant 10 : i32
    %scan3A_32 = arith.addi %scan3A_30, %scan3A_31 : i32
    %scan3A_33 = arith.constant 1 : i32
    scf.for %scan3A_120 = %scan3A_30 to %scan3A_32 step %scan3A_33  : i32 {
      %mul3A_121 = arith.constant 128 : i32
      %mul3A_122 = arith.muli %scan3A_120, %mul3A_121 : i32
      %add3A_123 = arith.constant 10 : i32
      %add3A_124 = arith.addi %add3A_123, %scan3A_120 : i32
      %dma_wait3A = arith.constant 0 : i32
      %dma_wait3A_125 = tpu.memref_slice %arg9[%mul3A_122, %dma_wait3A] : memref<1280x16xf32, #tpu.memory_space<vmem>> -> memref<128x16xf32, #tpu.memory_space<vmem>>
      %dma_wait3A_126 = arith.constant 0 : i32
      %dma_wait3A_127 = tpu.memref_slice %arg7[%add3A_124, %dma_wait3A_126] : memref<80x128xi32, #tpu.memory_space<vmem>> -> memref<1x128xi32, #tpu.memory_space<vmem>>
      %dma_wait3A_128 = tpu.memref_squeeze %dma_wait3A_127 : memref<1x128xi32, #tpu.memory_space<vmem>> -> memref<128xi32, #tpu.memory_space<vmem>>
      %dma_wait3A_129 = arith.constant 0 : i32
      %dma_wait3A_130 = arith.constant 0 : i32
      %dma_wait3A_131 = tpu.memref_slice %arg12[%dma_wait3A_129, %dma_wait3A_130] : memref<10000x16xf32, #tpu.memory_space<vmem_shared>> -> memref<10000x16xf32, #tpu.memory_space<vmem_shared>>
      tpu.wait_indirect_dma semaphore(%arg13 : memref<!tpu.dma_semaphore, #tpu.memory_space<semaphore_mem>>) src(%dma_wait3A_125 : memref<128x16xf32, #tpu.memory_space<vmem>>) dst(%dma_wait3A_131 : memref<10000x16xf32, #tpu.memory_space<vmem_shared>>)
    }
    %scan3A_34 = arith.constant 10 : i32
    %scan3A_35 = arith.constant 0 : i32
    %scan3A_36 = arith.constant 0 : i32
    %scan3A_37 = arith.constant 10 : i32
    %scan3A_38 = arith.addi %scan3A_36, %scan3A_37 : i32
    %scan3A_39 = arith.constant 1 : i32
    scf.for %scan3A_120 = %scan3A_36 to %scan3A_38 step %scan3A_39  : i32 {
      %mul3A_121 = arith.constant 128 : i32
      %mul3A_122 = arith.muli %scan3A_120, %mul3A_121 : i32
      %add3A_123 = arith.constant 20 : i32
      %add3A_124 = arith.addi %add3A_123, %scan3A_120 : i32
      %dma_start3A = arith.constant 0 : i32
      %dma_start3A_125 = tpu.memref_slice %arg8[%mul3A_122, %dma_start3A] : memref<1280x16xf32, #tpu.memory_space<vmem>> -> memref<128x16xf32, #tpu.memory_space<vmem>>
      %dma_start3A_126 = arith.constant 0 : i32
      %dma_start3A_127 = tpu.memref_slice %arg7[%add3A_124, %dma_start3A_126] : memref<80x128xi32, #tpu.memory_space<vmem>> -> memref<1x128xi32, #tpu.memory_space<vmem>>
      %dma_start3A_128 = tpu.memref_squeeze %dma_start3A_127 : memref<1x128xi32, #tpu.memory_space<vmem>> -> memref<128xi32, #tpu.memory_space<vmem>>
      %dma_start3A_129 = arith.constant 0 : i32
      %dma_start3A_130 = arith.constant 0 : i32
      %dma_start3A_131 = tpu.memref_slice %arg12[%dma_start3A_129, %dma_start3A_130] : memref<10000x16xf32, #tpu.memory_space<vmem_shared>> -> memref<10000x16xf32, #tpu.memory_space<vmem_shared>>
      tpu.enqueue_indirect_dma source(%dma_start3A_125 : memref<128x16xf32, #tpu.memory_space<vmem>>) target(%dma_start3A_131 : memref<10000x16xf32, #tpu.memory_space<vmem_shared>>) offsets(%dma_start3A_128 : memref<128xi32, #tpu.memory_space<vmem>>) semaphore(%arg13 : memref<!tpu.dma_semaphore, #tpu.memory_space<semaphore_mem>>) {add = true}
    }
    %scan3A_40 = arith.constant 10 : i32
    %add3A_41 = arith.constant 3840 : i32
    %add3A_42 = arith.addi %mul3A_8, %add3A_41 : i32
    "tpu.region"() ({
      %run_scoped3A = tpu.sem_alloc : memref<!tpu.dma_semaphore, #tpu.memory_space<semaphore_mem>>
      %dma_start3A = arith.constant 0 : i32
      %dma_start3A_120 = tpu.memref_slice %arg2[%add3A_42, %dma_start3A] : memref<163840x16xf32, #tpu.memory_space<hbm>> -> memref<1280x16xf32, #tpu.memory_space<hbm>>
      %dma_start3A_121 = arith.constant 0 : i32
      %dma_start3A_122 = tpu.memref_slice %arg2[%add3A_42, %dma_start3A_121] : memref<163840x16xf32, #tpu.memory_space<hbm>> -> memref<1280x16xf32, #tpu.memory_space<hbm>>
      tpu.enqueue_dma source(%dma_start3A_122 : memref<1280x16xf32, #tpu.memory_space<hbm>>) target(%arg9 : memref<1280x16xf32, #tpu.memory_space<vmem>>) target_semaphore(%run_scoped3A : memref<!tpu.dma_semaphore, #tpu.memory_space<semaphore_mem>>)
      %dma_wait3A = arith.constant 0 : i32
      %dma_wait3A_123 = tpu.memref_slice %arg2[%add3A_42, %dma_wait3A] : memref<163840x16xf32, #tpu.memory_space<hbm>> -> memref<1280x16xf32, #tpu.memory_space<hbm>>
      %dma_wait3A_124 = arith.constant 0 : i32
      %dma_wait3A_125 = tpu.memref_slice %arg2[%add3A_42, %dma_wait3A_124] : memref<163840x16xf32, #tpu.memory_space<hbm>> -> memref<1280x16xf32, #tpu.memory_space<hbm>>
      tpu.wait_dma2 semaphore(%run_scoped3A : memref<!tpu.dma_semaphore, #tpu.memory_space<semaphore_mem>>) src(%dma_wait3A_125 : memref<1280x16xf32, #tpu.memory_space<hbm>>) dst(%arg9 : memref<1280x16xf32, #tpu.memory_space<vmem>>)
      tpu.yield
    }) : () -> ()
    %scan3A_43 = arith.constant 0 : i32
    %scan3A_44 = arith.constant 0 : i32
    %scan3A_45 = arith.constant 10 : i32
    %scan3A_46 = arith.addi %scan3A_44, %scan3A_45 : i32
    %scan3A_47 = arith.constant 1 : i32
    scf.for %scan3A_120 = %scan3A_44 to %scan3A_46 step %scan3A_47  : i32 {
      %mul3A_121 = arith.constant 128 : i32
      %mul3A_122 = arith.muli %scan3A_120, %mul3A_121 : i32
      %add3A_123 = arith.constant 20 : i32
      %add3A_124 = arith.addi %add3A_123, %scan3A_120 : i32
      %dma_wait3A = arith.constant 0 : i32
      %dma_wait3A_125 = tpu.memref_slice %arg8[%mul3A_122, %dma_wait3A] : memref<1280x16xf32, #tpu.memory_space<vmem>> -> memref<128x16xf32, #tpu.memory_space<vmem>>
      %dma_wait3A_126 = arith.constant 0 : i32
      %dma_wait3A_127 = tpu.memref_slice %arg7[%add3A_124, %dma_wait3A_126] : memref<80x128xi32, #tpu.memory_space<vmem>> -> memref<1x128xi32, #tpu.memory_space<vmem>>
      %dma_wait3A_128 = tpu.memref_squeeze %dma_wait3A_127 : memref<1x128xi32, #tpu.memory_space<vmem>> -> memref<128xi32, #tpu.memory_space<vmem>>
      %dma_wait3A_129 = arith.constant 0 : i32
      %dma_wait3A_130 = arith.constant 0 : i32
      %dma_wait3A_131 = tpu.memref_slice %arg12[%dma_wait3A_129, %dma_wait3A_130] : memref<10000x16xf32, #tpu.memory_space<vmem_shared>> -> memref<10000x16xf32, #tpu.memory_space<vmem_shared>>
      tpu.wait_indirect_dma semaphore(%arg13 : memref<!tpu.dma_semaphore, #tpu.memory_space<semaphore_mem>>) src(%dma_wait3A_125 : memref<128x16xf32, #tpu.memory_space<vmem>>) dst(%dma_wait3A_131 : memref<10000x16xf32, #tpu.memory_space<vmem_shared>>)
    }
    %scan3A_48 = arith.constant 10 : i32
    %scan3A_49 = arith.constant 0 : i32
    %scan3A_50 = arith.constant 0 : i32
    %scan3A_51 = arith.constant 10 : i32
    %scan3A_52 = arith.addi %scan3A_50, %scan3A_51 : i32
    %scan3A_53 = arith.constant 1 : i32
    scf.for %scan3A_120 = %scan3A_50 to %scan3A_52 step %scan3A_53  : i32 {
      %mul3A_121 = arith.constant 128 : i32
      %mul3A_122 = arith.muli %scan3A_120, %mul3A_121 : i32
      %add3A_123 = arith.constant 30 : i32
      %add3A_124 = arith.addi %add3A_123, %scan3A_120 : i32
      %dma_start3A = arith.constant 0 : i32
      %dma_start3A_125 = tpu.memref_slice %arg9[%mul3A_122, %dma_start3A] : memref<1280x16xf32, #tpu.memory_space<vmem>> -> memref<128x16xf32, #tpu.memory_space<vmem>>
      %dma_start3A_126 = arith.constant 0 : i32
      %dma_start3A_127 = tpu.memref_slice %arg7[%add3A_124, %dma_start3A_126] : memref<80x128xi32, #tpu.memory_space<vmem>> -> memref<1x128xi32, #tpu.memory_space<vmem>>
      %dma_start3A_128 = tpu.memref_squeeze %dma_start3A_127 : memref<1x128xi32, #tpu.memory_space<vmem>> -> memref<128xi32, #tpu.memory_space<vmem>>
      %dma_start3A_129 = arith.constant 0 : i32
      %dma_start3A_130 = arith.constant 0 : i32
      %dma_start3A_131 = tpu.memref_slice %arg12[%dma_start3A_129, %dma_start3A_130] : memref<10000x16xf32, #tpu.memory_space<vmem_shared>> -> memref<10000x16xf32, #tpu.memory_space<vmem_shared>>
      tpu.enqueue_indirect_dma source(%dma_start3A_125 : memref<128x16xf32, #tpu.memory_space<vmem>>) target(%dma_start3A_131 : memref<10000x16xf32, #tpu.memory_space<vmem_shared>>) offsets(%dma_start3A_128 : memref<128xi32, #tpu.memory_space<vmem>>) semaphore(%arg13 : memref<!tpu.dma_semaphore, #tpu.memory_space<semaphore_mem>>) {add = true}
    }
    %scan3A_54 = arith.constant 10 : i32
    %add3A_55 = arith.constant 5120 : i32
    %add3A_56 = arith.addi %mul3A_8, %add3A_55 : i32
    "tpu.region"() ({
      %run_scoped3A = tpu.sem_alloc : memref<!tpu.dma_semaphore, #tpu.memory_space<semaphore_mem>>
      %dma_start3A = arith.constant 0 : i32
      %dma_start3A_120 = tpu.memref_slice %arg2[%add3A_56, %dma_start3A] : memref<163840x16xf32, #tpu.memory_space<hbm>> -> memref<1280x16xf32, #tpu.memory_space<hbm>>
      %dma_start3A_121 = arith.constant 0 : i32
      %dma_start3A_122 = tpu.memref_slice %arg2[%add3A_56, %dma_start3A_121] : memref<163840x16xf32, #tpu.memory_space<hbm>> -> memref<1280x16xf32, #tpu.memory_space<hbm>>
      tpu.enqueue_dma source(%dma_start3A_122 : memref<1280x16xf32, #tpu.memory_space<hbm>>) target(%arg8 : memref<1280x16xf32, #tpu.memory_space<vmem>>) target_semaphore(%run_scoped3A : memref<!tpu.dma_semaphore, #tpu.memory_space<semaphore_mem>>)
      %dma_wait3A = arith.constant 0 : i32
      %dma_wait3A_123 = tpu.memref_slice %arg2[%add3A_56, %dma_wait3A] : memref<163840x16xf32, #tpu.memory_space<hbm>> -> memref<1280x16xf32, #tpu.memory_space<hbm>>
      %dma_wait3A_124 = arith.constant 0 : i32
      %dma_wait3A_125 = tpu.memref_slice %arg2[%add3A_56, %dma_wait3A_124] : memref<163840x16xf32, #tpu.memory_space<hbm>> -> memref<1280x16xf32, #tpu.memory_space<hbm>>
      tpu.wait_dma2 semaphore(%run_scoped3A : memref<!tpu.dma_semaphore, #tpu.memory_space<semaphore_mem>>) src(%dma_wait3A_125 : memref<1280x16xf32, #tpu.memory_space<hbm>>) dst(%arg8 : memref<1280x16xf32, #tpu.memory_space<vmem>>)
      tpu.yield
    }) : () -> ()
    %scan3A_57 = arith.constant 0 : i32
    %scan3A_58 = arith.constant 0 : i32
    %scan3A_59 = arith.constant 10 : i32
    %scan3A_60 = arith.addi %scan3A_58, %scan3A_59 : i32
    %scan3A_61 = arith.constant 1 : i32
    scf.for %scan3A_120 = %scan3A_58 to %scan3A_60 step %scan3A_61  : i32 {
      %mul3A_121 = arith.constant 128 : i32
      %mul3A_122 = arith.muli %scan3A_120, %mul3A_121 : i32
      %add3A_123 = arith.constant 30 : i32
      %add3A_124 = arith.addi %add3A_123, %scan3A_120 : i32
      %dma_wait3A = arith.constant 0 : i32
      %dma_wait3A_125 = tpu.memref_slice %arg9[%mul3A_122, %dma_wait3A] : memref<1280x16xf32, #tpu.memory_space<vmem>> -> memref<128x16xf32, #tpu.memory_space<vmem>>
      %dma_wait3A_126 = arith.constant 0 : i32
      %dma_wait3A_127 = tpu.memref_slice %arg7[%add3A_124, %dma_wait3A_126] : memref<80x128xi32, #tpu.memory_space<vmem>> -> memref<1x128xi32, #tpu.memory_space<vmem>>
      %dma_wait3A_128 = tpu.memref_squeeze %dma_wait3A_127 : memref<1x128xi32, #tpu.memory_space<vmem>> -> memref<128xi32, #tpu.memory_space<vmem>>
      %dma_wait3A_129 = arith.constant 0 : i32
      %dma_wait3A_130 = arith.constant 0 : i32
      %dma_wait3A_131 = tpu.memref_slice %arg12[%dma_wait3A_129, %dma_wait3A_130] : memref<10000x16xf32, #tpu.memory_space<vmem_shared>> -> memref<10000x16xf32, #tpu.memory_space<vmem_shared>>
      tpu.wait_indirect_dma semaphore(%arg13 : memref<!tpu.dma_semaphore, #tpu.memory_space<semaphore_mem>>) src(%dma_wait3A_125 : memref<128x16xf32, #tpu.memory_space<vmem>>) dst(%dma_wait3A_131 : memref<10000x16xf32, #tpu.memory_space<vmem_shared>>)
    }
    %scan3A_62 = arith.constant 10 : i32
    %scan3A_63 = arith.constant 0 : i32
    %scan3A_64 = arith.constant 0 : i32
    %scan3A_65 = arith.constant 10 : i32
    %scan3A_66 = arith.addi %scan3A_64, %scan3A_65 : i32
    %scan3A_67 = arith.constant 1 : i32
    scf.for %scan3A_120 = %scan3A_64 to %scan3A_66 step %scan3A_67  : i32 {
      %mul3A_121 = arith.constant 128 : i32
      %mul3A_122 = arith.muli %scan3A_120, %mul3A_121 : i32
      %add3A_123 = arith.constant 40 : i32
      %add3A_124 = arith.addi %add3A_123, %scan3A_120 : i32
      %dma_start3A = arith.constant 0 : i32
      %dma_start3A_125 = tpu.memref_slice %arg8[%mul3A_122, %dma_start3A] : memref<1280x16xf32, #tpu.memory_space<vmem>> -> memref<128x16xf32, #tpu.memory_space<vmem>>
      %dma_start3A_126 = arith.constant 0 : i32
      %dma_start3A_127 = tpu.memref_slice %arg7[%add3A_124, %dma_start3A_126] : memref<80x128xi32, #tpu.memory_space<vmem>> -> memref<1x128xi32, #tpu.memory_space<vmem>>
      %dma_start3A_128 = tpu.memref_squeeze %dma_start3A_127 : memref<1x128xi32, #tpu.memory_space<vmem>> -> memref<128xi32, #tpu.memory_space<vmem>>
      %dma_start3A_129 = arith.constant 0 : i32
      %dma_start3A_130 = arith.constant 0 : i32
      %dma_start3A_131 = tpu.memref_slice %arg12[%dma_start3A_129, %dma_start3A_130] : memref<10000x16xf32, #tpu.memory_space<vmem_shared>> -> memref<10000x16xf32, #tpu.memory_space<vmem_shared>>
      tpu.enqueue_indirect_dma source(%dma_start3A_125 : memref<128x16xf32, #tpu.memory_space<vmem>>) target(%dma_start3A_131 : memref<10000x16xf32, #tpu.memory_space<vmem_shared>>) offsets(%dma_start3A_128 : memref<128xi32, #tpu.memory_space<vmem>>) semaphore(%arg13 : memref<!tpu.dma_semaphore, #tpu.memory_space<semaphore_mem>>) {add = true}
    }
    %scan3A_68 = arith.constant 10 : i32
    %add3A_69 = arith.constant 6400 : i32
    %add3A_70 = arith.addi %mul3A_8, %add3A_69 : i32
    "tpu.region"() ({
      %run_scoped3A = tpu.sem_alloc : memref<!tpu.dma_semaphore, #tpu.memory_space<semaphore_mem>>
      %dma_start3A = arith.constant 0 : i32
      %dma_start3A_120 = tpu.memref_slice %arg2[%add3A_70, %dma_start3A] : memref<163840x16xf32, #tpu.memory_space<hbm>> -> memref<1280x16xf32, #tpu.memory_space<hbm>>
      %dma_start3A_121 = arith.constant 0 : i32
      %dma_start3A_122 = tpu.memref_slice %arg2[%add3A_70, %dma_start3A_121] : memref<163840x16xf32, #tpu.memory_space<hbm>> -> memref<1280x16xf32, #tpu.memory_space<hbm>>
      tpu.enqueue_dma source(%dma_start3A_122 : memref<1280x16xf32, #tpu.memory_space<hbm>>) target(%arg9 : memref<1280x16xf32, #tpu.memory_space<vmem>>) target_semaphore(%run_scoped3A : memref<!tpu.dma_semaphore, #tpu.memory_space<semaphore_mem>>)
      %dma_wait3A = arith.constant 0 : i32
      %dma_wait3A_123 = tpu.memref_slice %arg2[%add3A_70, %dma_wait3A] : memref<163840x16xf32, #tpu.memory_space<hbm>> -> memref<1280x16xf32, #tpu.memory_space<hbm>>
      %dma_wait3A_124 = arith.constant 0 : i32
      %dma_wait3A_125 = tpu.memref_slice %arg2[%add3A_70, %dma_wait3A_124] : memref<163840x16xf32, #tpu.memory_space<hbm>> -> memref<1280x16xf32, #tpu.memory_space<hbm>>
      tpu.wait_dma2 semaphore(%run_scoped3A : memref<!tpu.dma_semaphore, #tpu.memory_space<semaphore_mem>>) src(%dma_wait3A_125 : memref<1280x16xf32, #tpu.memory_space<hbm>>) dst(%arg9 : memref<1280x16xf32, #tpu.memory_space<vmem>>)
      tpu.yield
    }) : () -> ()
    %scan3A_71 = arith.constant 0 : i32
    %scan3A_72 = arith.constant 0 : i32
    %scan3A_73 = arith.constant 10 : i32
    %scan3A_74 = arith.addi %scan3A_72, %scan3A_73 : i32
    %scan3A_75 = arith.constant 1 : i32
    scf.for %scan3A_120 = %scan3A_72 to %scan3A_74 step %scan3A_75  : i32 {
      %mul3A_121 = arith.constant 128 : i32
      %mul3A_122 = arith.muli %scan3A_120, %mul3A_121 : i32
      %add3A_123 = arith.constant 40 : i32
      %add3A_124 = arith.addi %add3A_123, %scan3A_120 : i32
      %dma_wait3A = arith.constant 0 : i32
      %dma_wait3A_125 = tpu.memref_slice %arg8[%mul3A_122, %dma_wait3A] : memref<1280x16xf32, #tpu.memory_space<vmem>> -> memref<128x16xf32, #tpu.memory_space<vmem>>
      %dma_wait3A_126 = arith.constant 0 : i32
      %dma_wait3A_127 = tpu.memref_slice %arg7[%add3A_124, %dma_wait3A_126] : memref<80x128xi32, #tpu.memory_space<vmem>> -> memref<1x128xi32, #tpu.memory_space<vmem>>
      %dma_wait3A_128 = tpu.memref_squeeze %dma_wait3A_127 : memref<1x128xi32, #tpu.memory_space<vmem>> -> memref<128xi32, #tpu.memory_space<vmem>>
      %dma_wait3A_129 = arith.constant 0 : i32
      %dma_wait3A_130 = arith.constant 0 : i32
      %dma_wait3A_131 = tpu.memref_slice %arg12[%dma_wait3A_129, %dma_wait3A_130] : memref<10000x16xf32, #tpu.memory_space<vmem_shared>> -> memref<10000x16xf32, #tpu.memory_space<vmem_shared>>
      tpu.wait_indirect_dma semaphore(%arg13 : memref<!tpu.dma_semaphore, #tpu.memory_space<semaphore_mem>>) src(%dma_wait3A_125 : memref<128x16xf32, #tpu.memory_space<vmem>>) dst(%dma_wait3A_131 : memref<10000x16xf32, #tpu.memory_space<vmem_shared>>)
    }
    %scan3A_76 = arith.constant 10 : i32
    %scan3A_77 = arith.constant 0 : i32
    %scan3A_78 = arith.constant 0 : i32
    %scan3A_79 = arith.constant 10 : i32
    %scan3A_80 = arith.addi %scan3A_78, %scan3A_79 : i32
    %scan3A_81 = arith.constant 1 : i32
    scf.for %scan3A_120 = %scan3A_78 to %scan3A_80 step %scan3A_81  : i32 {
      %mul3A_121 = arith.constant 128 : i32
      %mul3A_122 = arith.muli %scan3A_120, %mul3A_121 : i32
      %add3A_123 = arith.constant 50 : i32
      %add3A_124 = arith.addi %add3A_123, %scan3A_120 : i32
      %dma_start3A = arith.constant 0 : i32
      %dma_start3A_125 = tpu.memref_slice %arg9[%mul3A_122, %dma_start3A] : memref<1280x16xf32, #tpu.memory_space<vmem>> -> memref<128x16xf32, #tpu.memory_space<vmem>>
      %dma_start3A_126 = arith.constant 0 : i32
      %dma_start3A_127 = tpu.memref_slice %arg7[%add3A_124, %dma_start3A_126] : memref<80x128xi32, #tpu.memory_space<vmem>> -> memref<1x128xi32, #tpu.memory_space<vmem>>
      %dma_start3A_128 = tpu.memref_squeeze %dma_start3A_127 : memref<1x128xi32, #tpu.memory_space<vmem>> -> memref<128xi32, #tpu.memory_space<vmem>>
      %dma_start3A_129 = arith.constant 0 : i32
      %dma_start3A_130 = arith.constant 0 : i32
      %dma_start3A_131 = tpu.memref_slice %arg12[%dma_start3A_129, %dma_start3A_130] : memref<10000x16xf32, #tpu.memory_space<vmem_shared>> -> memref<10000x16xf32, #tpu.memory_space<vmem_shared>>
      tpu.enqueue_indirect_dma source(%dma_start3A_125 : memref<128x16xf32, #tpu.memory_space<vmem>>) target(%dma_start3A_131 : memref<10000x16xf32, #tpu.memory_space<vmem_shared>>) offsets(%dma_start3A_128 : memref<128xi32, #tpu.memory_space<vmem>>) semaphore(%arg13 : memref<!tpu.dma_semaphore, #tpu.memory_space<semaphore_mem>>) {add = true}
    }
    %scan3A_82 = arith.constant 10 : i32
    %add3A_83 = arith.constant 7680 : i32
    %add3A_84 = arith.addi %mul3A_8, %add3A_83 : i32
    "tpu.region"() ({
      %run_scoped3A = tpu.sem_alloc : memref<!tpu.dma_semaphore, #tpu.memory_space<semaphore_mem>>
      %dma_start3A = arith.constant 0 : i32
      %dma_start3A_120 = tpu.memref_slice %arg2[%add3A_84, %dma_start3A] : memref<163840x16xf32, #tpu.memory_space<hbm>> -> memref<1280x16xf32, #tpu.memory_space<hbm>>
      %dma_start3A_121 = arith.constant 0 : i32
      %dma_start3A_122 = tpu.memref_slice %arg2[%add3A_84, %dma_start3A_121] : memref<163840x16xf32, #tpu.memory_space<hbm>> -> memref<1280x16xf32, #tpu.memory_space<hbm>>
      tpu.enqueue_dma source(%dma_start3A_122 : memref<1280x16xf32, #tpu.memory_space<hbm>>) target(%arg8 : memref<1280x16xf32, #tpu.memory_space<vmem>>) target_semaphore(%run_scoped3A : memref<!tpu.dma_semaphore, #tpu.memory_space<semaphore_mem>>)
      %dma_wait3A = arith.constant 0 : i32
      %dma_wait3A_123 = tpu.memref_slice %arg2[%add3A_84, %dma_wait3A] : memref<163840x16xf32, #tpu.memory_space<hbm>> -> memref<1280x16xf32, #tpu.memory_space<hbm>>
      %dma_wait3A_124 = arith.constant 0 : i32
      %dma_wait3A_125 = tpu.memref_slice %arg2[%add3A_84, %dma_wait3A_124] : memref<163840x16xf32, #tpu.memory_space<hbm>> -> memref<1280x16xf32, #tpu.memory_space<hbm>>
      tpu.wait_dma2 semaphore(%run_scoped3A : memref<!tpu.dma_semaphore, #tpu.memory_space<semaphore_mem>>) src(%dma_wait3A_125 : memref<1280x16xf32, #tpu.memory_space<hbm>>) dst(%arg8 : memref<1280x16xf32, #tpu.memory_space<vmem>>)
      tpu.yield
    }) : () -> ()
    %scan3A_85 = arith.constant 0 : i32
    %scan3A_86 = arith.constant 0 : i32
    %scan3A_87 = arith.constant 10 : i32
    %scan3A_88 = arith.addi %scan3A_86, %scan3A_87 : i32
    %scan3A_89 = arith.constant 1 : i32
    scf.for %scan3A_120 = %scan3A_86 to %scan3A_88 step %scan3A_89  : i32 {
      %mul3A_121 = arith.constant 128 : i32
      %mul3A_122 = arith.muli %scan3A_120, %mul3A_121 : i32
      %add3A_123 = arith.constant 50 : i32
      %add3A_124 = arith.addi %add3A_123, %scan3A_120 : i32
      %dma_wait3A = arith.constant 0 : i32
      %dma_wait3A_125 = tpu.memref_slice %arg9[%mul3A_122, %dma_wait3A] : memref<1280x16xf32, #tpu.memory_space<vmem>> -> memref<128x16xf32, #tpu.memory_space<vmem>>
      %dma_wait3A_126 = arith.constant 0 : i32
      %dma_wait3A_127 = tpu.memref_slice %arg7[%add3A_124, %dma_wait3A_126] : memref<80x128xi32, #tpu.memory_space<vmem>> -> memref<1x128xi32, #tpu.memory_space<vmem>>
      %dma_wait3A_128 = tpu.memref_squeeze %dma_wait3A_127 : memref<1x128xi32, #tpu.memory_space<vmem>> -> memref<128xi32, #tpu.memory_space<vmem>>
      %dma_wait3A_129 = arith.constant 0 : i32
      %dma_wait3A_130 = arith.constant 0 : i32
      %dma_wait3A_131 = tpu.memref_slice %arg12[%dma_wait3A_129, %dma_wait3A_130] : memref<10000x16xf32, #tpu.memory_space<vmem_shared>> -> memref<10000x16xf32, #tpu.memory_space<vmem_shared>>
      tpu.wait_indirect_dma semaphore(%arg13 : memref<!tpu.dma_semaphore, #tpu.memory_space<semaphore_mem>>) src(%dma_wait3A_125 : memref<128x16xf32, #tpu.memory_space<vmem>>) dst(%dma_wait3A_131 : memref<10000x16xf32, #tpu.memory_space<vmem_shared>>)
    }
    %scan3A_90 = arith.constant 10 : i32
    %scan3A_91 = arith.constant 0 : i32
    %scan3A_92 = arith.constant 0 : i32
    %scan3A_93 = arith.constant 10 : i32
    %scan3A_94 = arith.addi %scan3A_92, %scan3A_93 : i32
    %scan3A_95 = arith.constant 1 : i32
    scf.for %scan3A_120 = %scan3A_92 to %scan3A_94 step %scan3A_95  : i32 {
      %mul3A_121 = arith.constant 128 : i32
      %mul3A_122 = arith.muli %scan3A_120, %mul3A_121 : i32
      %add3A_123 = arith.constant 60 : i32
      %add3A_124 = arith.addi %add3A_123, %scan3A_120 : i32
      %dma_start3A = arith.constant 0 : i32
      %dma_start3A_125 = tpu.memref_slice %arg8[%mul3A_122, %dma_start3A] : memref<1280x16xf32, #tpu.memory_space<vmem>> -> memref<128x16xf32, #tpu.memory_space<vmem>>
      %dma_start3A_126 = arith.constant 0 : i32
      %dma_start3A_127 = tpu.memref_slice %arg7[%add3A_124, %dma_start3A_126] : memref<80x128xi32, #tpu.memory_space<vmem>> -> memref<1x128xi32, #tpu.memory_space<vmem>>
      %dma_start3A_128 = tpu.memref_squeeze %dma_start3A_127 : memref<1x128xi32, #tpu.memory_space<vmem>> -> memref<128xi32, #tpu.memory_space<vmem>>
      %dma_start3A_129 = arith.constant 0 : i32
      %dma_start3A_130 = arith.constant 0 : i32
      %dma_start3A_131 = tpu.memref_slice %arg12[%dma_start3A_129, %dma_start3A_130] : memref<10000x16xf32, #tpu.memory_space<vmem_shared>> -> memref<10000x16xf32, #tpu.memory_space<vmem_shared>>
      tpu.enqueue_indirect_dma source(%dma_start3A_125 : memref<128x16xf32, #tpu.memory_space<vmem>>) target(%dma_start3A_131 : memref<10000x16xf32, #tpu.memory_space<vmem_shared>>) offsets(%dma_start3A_128 : memref<128xi32, #tpu.memory_space<vmem>>) semaphore(%arg13 : memref<!tpu.dma_semaphore, #tpu.memory_space<semaphore_mem>>) {add = true}
    }
    %scan3A_96 = arith.constant 10 : i32
    %add3A_97 = arith.constant 8960 : i32
    %add3A_98 = arith.addi %mul3A_8, %add3A_97 : i32
    "tpu.region"() ({
      %run_scoped3A = tpu.sem_alloc : memref<!tpu.dma_semaphore, #tpu.memory_space<semaphore_mem>>
      %dma_start3A = arith.constant 0 : i32
      %dma_start3A_120 = tpu.memref_slice %arg2[%add3A_98, %dma_start3A] : memref<163840x16xf32, #tpu.memory_space<hbm>> -> memref<1280x16xf32, #tpu.memory_space<hbm>>
      %dma_start3A_121 = arith.constant 0 : i32
      %dma_start3A_122 = tpu.memref_slice %arg2[%add3A_98, %dma_start3A_121] : memref<163840x16xf32, #tpu.memory_space<hbm>> -> memref<1280x16xf32, #tpu.memory_space<hbm>>
      tpu.enqueue_dma source(%dma_start3A_122 : memref<1280x16xf32, #tpu.memory_space<hbm>>) target(%arg9 : memref<1280x16xf32, #tpu.memory_space<vmem>>) target_semaphore(%run_scoped3A : memref<!tpu.dma_semaphore, #tpu.memory_space<semaphore_mem>>)
      %dma_wait3A = arith.constant 0 : i32
      %dma_wait3A_123 = tpu.memref_slice %arg2[%add3A_98, %dma_wait3A] : memref<163840x16xf32, #tpu.memory_space<hbm>> -> memref<1280x16xf32, #tpu.memory_space<hbm>>
      %dma_wait3A_124 = arith.constant 0 : i32
      %dma_wait3A_125 = tpu.memref_slice %arg2[%add3A_98, %dma_wait3A_124] : memref<163840x16xf32, #tpu.memory_space<hbm>> -> memref<1280x16xf32, #tpu.memory_space<hbm>>
      tpu.wait_dma2 semaphore(%run_scoped3A : memref<!tpu.dma_semaphore, #tpu.memory_space<semaphore_mem>>) src(%dma_wait3A_125 : memref<1280x16xf32, #tpu.memory_space<hbm>>) dst(%arg9 : memref<1280x16xf32, #tpu.memory_space<vmem>>)
      tpu.yield
    }) : () -> ()
    %scan3A_99 = arith.constant 0 : i32
    %scan3A_100 = arith.constant 0 : i32
    %scan3A_101 = arith.constant 10 : i32
    %scan3A_102 = arith.addi %scan3A_100, %scan3A_101 : i32
    %scan3A_103 = arith.constant 1 : i32
    scf.for %scan3A_120 = %scan3A_100 to %scan3A_102 step %scan3A_103  : i32 {
      %mul3A_121 = arith.constant 128 : i32
      %mul3A_122 = arith.muli %scan3A_120, %mul3A_121 : i32
      %add3A_123 = arith.constant 60 : i32
      %add3A_124 = arith.addi %add3A_123, %scan3A_120 : i32
      %dma_wait3A = arith.constant 0 : i32
      %dma_wait3A_125 = tpu.memref_slice %arg8[%mul3A_122, %dma_wait3A] : memref<1280x16xf32, #tpu.memory_space<vmem>> -> memref<128x16xf32, #tpu.memory_space<vmem>>
      %dma_wait3A_126 = arith.constant 0 : i32
      %dma_wait3A_127 = tpu.memref_slice %arg7[%add3A_124, %dma_wait3A_126] : memref<80x128xi32, #tpu.memory_space<vmem>> -> memref<1x128xi32, #tpu.memory_space<vmem>>
      %dma_wait3A_128 = tpu.memref_squeeze %dma_wait3A_127 : memref<1x128xi32, #tpu.memory_space<vmem>> -> memref<128xi32, #tpu.memory_space<vmem>>
      %dma_wait3A_129 = arith.constant 0 : i32
      %dma_wait3A_130 = arith.constant 0 : i32
      %dma_wait3A_131 = tpu.memref_slice %arg12[%dma_wait3A_129, %dma_wait3A_130] : memref<10000x16xf32, #tpu.memory_space<vmem_shared>> -> memref<10000x16xf32, #tpu.memory_space<vmem_shared>>
      tpu.wait_indirect_dma semaphore(%arg13 : memref<!tpu.dma_semaphore, #tpu.memory_space<semaphore_mem>>) src(%dma_wait3A_125 : memref<128x16xf32, #tpu.memory_space<vmem>>) dst(%dma_wait3A_131 : memref<10000x16xf32, #tpu.memory_space<vmem_shared>>)
    }
    %scan3A_104 = arith.constant 10 : i32
    %scan3A_105 = arith.constant 0 : i32
    %scan3A_106 = arith.constant 0 : i32
    %scan3A_107 = arith.constant 10 : i32
    %scan3A_108 = arith.addi %scan3A_106, %scan3A_107 : i32
    %scan3A_109 = arith.constant 1 : i32
    scf.for %scan3A_120 = %scan3A_106 to %scan3A_108 step %scan3A_109  : i32 {
      %mul3A_121 = arith.constant 128 : i32
      %mul3A_122 = arith.muli %scan3A_120, %mul3A_121 : i32
      %add3A_123 = arith.constant 70 : i32
      %add3A_124 = arith.addi %add3A_123, %scan3A_120 : i32
      %dma_start3A = arith.constant 0 : i32
      %dma_start3A_125 = tpu.memref_slice %arg9[%mul3A_122, %dma_start3A] : memref<1280x16xf32, #tpu.memory_space<vmem>> -> memref<128x16xf32, #tpu.memory_space<vmem>>
      %dma_start3A_126 = arith.constant 0 : i32
      %dma_start3A_127 = tpu.memref_slice %arg7[%add3A_124, %dma_start3A_126] : memref<80x128xi32, #tpu.memory_space<vmem>> -> memref<1x128xi32, #tpu.memory_space<vmem>>
      %dma_start3A_128 = tpu.memref_squeeze %dma_start3A_127 : memref<1x128xi32, #tpu.memory_space<vmem>> -> memref<128xi32, #tpu.memory_space<vmem>>
      %dma_start3A_129 = arith.constant 0 : i32
      %dma_start3A_130 = arith.constant 0 : i32
      %dma_start3A_131 = tpu.memref_slice %arg12[%dma_start3A_129, %dma_start3A_130] : memref<10000x16xf32, #tpu.memory_space<vmem_shared>> -> memref<10000x16xf32, #tpu.memory_space<vmem_shared>>
      tpu.enqueue_indirect_dma source(%dma_start3A_125 : memref<128x16xf32, #tpu.memory_space<vmem>>) target(%dma_start3A_131 : memref<10000x16xf32, #tpu.memory_space<vmem_shared>>) offsets(%dma_start3A_128 : memref<128xi32, #tpu.memory_space<vmem>>) semaphore(%arg13 : memref<!tpu.dma_semaphore, #tpu.memory_space<semaphore_mem>>) {add = true}
    }
    %scan3A_110 = arith.constant 10 : i32
    %scan3A_111 = arith.constant 0 : i32
    %scan3A_112 = arith.constant 0 : i32
    %scan3A_113 = arith.constant 10 : i32
    %scan3A_114 = arith.addi %scan3A_112, %scan3A_113 : i32
    %scan3A_115 = arith.constant 1 : i32
    scf.for %scan3A_120 = %scan3A_112 to %scan3A_114 step %scan3A_115  : i32 {
      %mul3A_121 = arith.constant 128 : i32
      %mul3A_122 = arith.muli %scan3A_120, %mul3A_121 : i32
      %add3A_123 = arith.constant 70 : i32
      %add3A_124 = arith.addi %add3A_123, %scan3A_120 : i32
      %dma_wait3A = arith.constant 0 : i32
      %dma_wait3A_125 = tpu.memref_slice %arg9[%mul3A_122, %dma_wait3A] : memref<1280x16xf32, #tpu.memory_space<vmem>> -> memref<128x16xf32, #tpu.memory_space<vmem>>
      %dma_wait3A_126 = arith.constant 0 : i32
      %dma_wait3A_127 = tpu.memref_slice %arg7[%add3A_124, %dma_wait3A_126] : memref<80x128xi32, #tpu.memory_space<vmem>> -> memref<1x128xi32, #tpu.memory_space<vmem>>
      %dma_wait3A_128 = tpu.memref_squeeze %dma_wait3A_127 : memref<1x128xi32, #tpu.memory_space<vmem>> -> memref<128xi32, #tpu.memory_space<vmem>>
      %dma_wait3A_129 = arith.constant 0 : i32
      %dma_wait3A_130 = arith.constant 0 : i32
      %dma_wait3A_131 = tpu.memref_slice %arg12[%dma_wait3A_129, %dma_wait3A_130] : memref<10000x16xf32, #tpu.memory_space<vmem_shared>> -> memref<10000x16xf32, #tpu.memory_space<vmem_shared>>
      tpu.wait_indirect_dma semaphore(%arg13 : memref<!tpu.dma_semaphore, #tpu.memory_space<semaphore_mem>>) src(%dma_wait3A_125 : memref<128x16xf32, #tpu.memory_space<vmem>>) dst(%dma_wait3A_131 : memref<10000x16xf32, #tpu.memory_space<vmem_shared>>)
    }
    %scan3A_116 = arith.constant 10 : i32
    %barrier3A_117 = arith.constant 0 : index
    tpu.barrier barrier_id(%barrier3A_117)
    %eq3A = arith.constant 0 : i32
    %eq3A_118 = arith.cmpi eq, %arg0, %eq3A : i32
    %convert_element_type3A = arith.extui %eq3A_118 : i1 to i32
    %cond3A = arith.constant 0 : i32
    %cond3A_119 = arith.cmpi ne, %convert_element_type3A, %cond3A : i32
    scf.if %cond3A_119 {
      %mul3A_120 = arith.constant 625 : i32
      %mul3A_121 = arith.muli %arg1, %mul3A_120 : i32
      "tpu.region"() ({
        %run_scoped3A = tpu.sem_alloc : memref<!tpu.dma_semaphore, #tpu.memory_space<semaphore_mem>>
        %dma_start3A = arith.constant 0 : i32
        %dma_start3A_132 = tpu.memref_slice %arg12[%mul3A_121, %dma_start3A] : memref<10000x16xf32, #tpu.memory_space<vmem_shared>> -> memref<625x16xf32, #tpu.memory_space<vmem_shared>>
        %dma_start3A_133 = arith.constant 0 : i32
        %dma_start3A_134 = tpu.memref_slice %arg12[%mul3A_121, %dma_start3A_133] : memref<10000x16xf32, #tpu.memory_space<vmem_shared>> -> memref<625x16xf32, #tpu.memory_space<vmem_shared>>
        tpu.enqueue_dma source(%dma_start3A_134 : memref<625x16xf32, #tpu.memory_space<vmem_shared>>) target(%arg10 : memref<625x16xf32, #tpu.memory_space<vmem>>) target_semaphore(%run_scoped3A : memref<!tpu.dma_semaphore, #tpu.memory_space<semaphore_mem>>)
        %dma_wait3A = arith.constant 0 : i32
        %dma_wait3A_135 = tpu.memref_slice %arg12[%mul3A_121, %dma_wait3A] : memref<10000x16xf32, #tpu.memory_space<vmem_shared>> -> memref<625x16xf32, #tpu.memory_space<vmem_shared>>
        %dma_wait3A_136 = arith.constant 0 : i32
        %dma_wait3A_137 = tpu.memref_slice %arg12[%mul3A_121, %dma_wait3A_136] : memref<10000x16xf32, #tpu.memory_space<vmem_shared>> -> memref<625x16xf32, #tpu.memory_space<vmem_shared>>
        tpu.wait_dma2 semaphore(%run_scoped3A : memref<!tpu.dma_semaphore, #tpu.memory_space<semaphore_mem>>) src(%dma_wait3A_137 : memref<625x16xf32, #tpu.memory_space<vmem_shared>>) dst(%arg10 : memref<625x16xf32, #tpu.memory_space<vmem>>)
        tpu.yield
      }) : () -> ()
      %mul3A_122 = arith.constant 625 : i32
      %mul3A_123 = arith.muli %arg1, %mul3A_122 : i32
      "tpu.region"() ({
        %run_scoped3A = tpu.sem_alloc : memref<!tpu.dma_semaphore, #tpu.memory_space<semaphore_mem>>
        %dma_start3A = arith.constant 0 : i32
        %dma_start3A_132 = tpu.memref_slice %arg4[%mul3A_123, %dma_start3A] : memref<10000x16xf32, #tpu.memory_space<hbm>> -> memref<625x16xf32, #tpu.memory_space<hbm>>
        %dma_start3A_133 = arith.constant 0 : i32
        %dma_start3A_134 = tpu.memref_slice %arg4[%mul3A_123, %dma_start3A_133] : memref<10000x16xf32, #tpu.memory_space<hbm>> -> memref<625x16xf32, #tpu.memory_space<hbm>>
        tpu.enqueue_dma source(%dma_start3A_134 : memref<625x16xf32, #tpu.memory_space<hbm>>) target(%arg11 : memref<625x16xf32, #tpu.memory_space<vmem>>) target_semaphore(%run_scoped3A : memref<!tpu.dma_semaphore, #tpu.memory_space<semaphore_mem>>)
        %dma_wait3A = arith.constant 0 : i32
        %dma_wait3A_135 = tpu.memref_slice %arg4[%mul3A_123, %dma_wait3A] : memref<10000x16xf32, #tpu.memory_space<hbm>> -> memref<625x16xf32, #tpu.memory_space<hbm>>
        %dma_wait3A_136 = arith.constant 0 : i32
        %dma_wait3A_137 = tpu.memref_slice %arg4[%mul3A_123, %dma_wait3A_136] : memref<10000x16xf32, #tpu.memory_space<hbm>> -> memref<625x16xf32, #tpu.memory_space<hbm>>
        tpu.wait_dma2 semaphore(%run_scoped3A : memref<!tpu.dma_semaphore, #tpu.memory_space<semaphore_mem>>) src(%dma_wait3A_137 : memref<625x16xf32, #tpu.memory_space<hbm>>) dst(%arg11 : memref<625x16xf32, #tpu.memory_space<vmem>>)
        tpu.yield
      }) : () -> ()
      %scan3A_124 = arith.constant 0 : i32
      %scan3A_125 = arith.constant 0 : i32
      %scan3A_126 = arith.constant 625 : i32
      %scan3A_127 = arith.addi %scan3A_125, %scan3A_126 : i32
      %scan3A_128 = arith.constant 1 : i32
      scf.for %scan3A_132 = %scan3A_125 to %scan3A_127 step %scan3A_128  : i32 {
        %get3A = arith.index_cast %scan3A_132 : i32 to index
        %get3A_133 = arith.constant 0 : index
        %get3A_134 = tpu.vector_load %arg10[%get3A, %get3A_133] {strides = array<i32>} : memref<625x16xf32, #tpu.memory_space<vmem>>, vector<1x16xf32>,
        %get3A_135 = vector.shape_cast %get3A_134 : vector<1x16xf32> to vector<16xf32>
        %get3A_136 = arith.index_cast %scan3A_132 : i32 to index
        %get3A_137 = arith.constant 0 : index
        %get3A_138 = tpu.vector_load %arg11[%get3A_136, %get3A_137] {strides = array<i32>} : memref<625x16xf32, #tpu.memory_space<vmem>>, vector<1x16xf32>,
        %get3A_139 = vector.shape_cast %get3A_138 : vector<1x16xf32> to vector<16xf32>
        %add3A_140 = arith.addf %get3A_135, %get3A_139 : vector<16xf32>
        %max3A = arith.constant 0.000000e+00 : f32
        %max3A_141 = vector.broadcast %max3A : f32 to vector<16xf32>
        %max3A_142 = arith.maximumf %add3A_140, %max3A_141 : vector<16xf32>
        %swap3A = arith.index_cast %scan3A_132 : i32 to index
        %swap3A_143 = arith.constant 0 : index
        %swap3A_144 = tpu.vector_load %arg10[%swap3A, %swap3A_143] {strides = array<i32>} : memref<625x16xf32, #tpu.memory_space<vmem>>, vector<1x16xf32>,
        %swap3A_145 = vector.shape_cast %swap3A_144 : vector<1x16xf32> to vector<16xf32>
        %swap3A_146 = vector.shape_cast %max3A_142 : vector<16xf32> to vector<1x16xf32>
        tpu.vector_store %arg10[%swap3A, %swap3A_143], %swap3A_146 {strides = array<i32>} : memref<625x16xf32, #tpu.memory_space<vmem>>, vector<1x16xf32>,
      }
      %scan3A_129 = arith.constant 625 : i32
      %mul3A_130 = arith.constant 625 : i32
      %mul3A_131 = arith.muli %arg1, %mul3A_130 : i32
      "tpu.region"() ({
        %run_scoped3A = tpu.sem_alloc : memref<!tpu.dma_semaphore, #tpu.memory_space<semaphore_mem>>
        %dma_start3A = arith.constant 0 : i32
        %dma_start3A_132 = tpu.memref_slice %arg6[%mul3A_131, %dma_start3A] : memref<10000x16xf32, #tpu.memory_space<hbm>> -> memref<625x16xf32, #tpu.memory_space<hbm>>
        %dma_start3A_133 = arith.constant 0 : i32
        %dma_start3A_134 = tpu.memref_slice %arg6[%mul3A_131, %dma_start3A_133] : memref<10000x16xf32, #tpu.memory_space<hbm>> -> memref<625x16xf32, #tpu.memory_space<hbm>>
        tpu.enqueue_dma source(%arg10 : memref<625x16xf32, #tpu.memory_space<vmem>>) target(%dma_start3A_134 : memref<625x16xf32, #tpu.memory_space<hbm>>) target_semaphore(%run_scoped3A : memref<!tpu.dma_semaphore, #tpu.memory_space<semaphore_mem>>)
        %dma_wait3A = arith.constant 0 : i32
        %dma_wait3A_135 = tpu.memref_slice %arg6[%mul3A_131, %dma_wait3A] : memref<10000x16xf32, #tpu.memory_space<hbm>> -> memref<625x16xf32, #tpu.memory_space<hbm>>
        %dma_wait3A_136 = arith.constant 0 : i32
        %dma_wait3A_137 = tpu.memref_slice %arg6[%mul3A_131, %dma_wait3A_136] : memref<10000x16xf32, #tpu.memory_space<hbm>> -> memref<625x16xf32, #tpu.memory_space<hbm>>
        tpu.wait_dma2 semaphore(%run_scoped3A : memref<!tpu.dma_semaphore, #tpu.memory_space<semaphore_mem>>) src(%arg10 : memref<625x16xf32, #tpu.memory_space<vmem>>) dst(%dma_wait3A_137 : memref<625x16xf32, #tpu.memory_space<hbm>>)
        tpu.yield
      }) : () -> ()
    } else {
    }
    return
  }
}

#map = affine_map<(d0, d1) -> (0, 0)>
module attributes {stable_mosaic.version = 14 : i64} {
  func.func @fused_mid(%arg0: i32, %arg1: i32, %arg2: memref<163840x16xf32, #tpu.memory_space<hbm>>, %arg3: memref<1280x128xi32, #tpu.memory_space<hbm>>, %arg4: memref<1280x128xi32, #tpu.memory_space<hbm>>, %arg5: memref<10000x16xf32, #tpu.memory_space<hbm>>, %arg6: memref<10000x16xf32, #tpu.memory_space<hbm>>, %arg7: memref<163840x16xf32, #tpu.memory_space<hbm>>, %arg8: memref<10000x16xf32, #tpu.memory_space<hbm>>, %arg9: memref<80x128xi32, #tpu.memory_space<vmem>>, %arg10: memref<1280x16xf32, #tpu.memory_space<vmem>>, %arg11: memref<1280x16xf32, #tpu.memory_space<vmem>>, %arg12: memref<625x16xf32, #tpu.memory_space<vmem>>, %arg13: memref<625x16xf32, #tpu.memory_space<vmem>>, %arg14: memref<10000x16xf32, #tpu.memory_space<vmem_shared>>, %arg15: memref<!tpu.dma_semaphore, #tpu.memory_space<semaphore_mem>>, %arg16: memref<!tpu.dma_semaphore, #tpu.memory_space<semaphore_mem>>, %arg17: memref<!tpu.dma_semaphore, #tpu.memory_space<semaphore_mem>>) attributes {dimension_semantics = [#tpu.dimension_semantics<core_parallel>, #tpu.dimension_semantics<subcore_parallel>], iteration_bounds = array<i64: 2, 16>, scalar_prefetch = 0 : i64, scratch_operands = 9 : i64, tpu.core_type = #tpu.core_type<sc_vector_subcore>, window_params = [{transform_indices = #map}, {transform_indices = #map}, {transform_indices = #map}, {transform_indices = #map}, {transform_indices = #map}, {transform_indices = #map}, {transform_indices = #map}]} {
    %mul3A = arith.constant 625 : i32
    %mul3A_0 = arith.muli %arg1, %mul3A : i32
    %mul3A_1 = arith.constant 625 : i32
    %mul3A_2 = arith.muli %arg1, %mul3A_1 : i32
    "tpu.region"() ({
      %run_scoped3A = tpu.sem_alloc : memref<!tpu.dma_semaphore, #tpu.memory_space<semaphore_mem>>
      %dma_start3A_226 = arith.constant 0 : i32
      %dma_start3A_227 = tpu.memref_slice %arg14[%mul3A_2, %dma_start3A_226] : memref<10000x16xf32, #tpu.memory_space<vmem_shared>> -> memref<625x16xf32, #tpu.memory_space<vmem_shared>>
      %dma_start3A_228 = arith.constant 0 : i32
      %dma_start3A_229 = tpu.memref_slice %arg6[%mul3A_0, %dma_start3A_228] : memref<10000x16xf32, #tpu.memory_space<hbm>> -> memref<625x16xf32, #tpu.memory_space<hbm>>
      tpu.enqueue_dma source(%dma_start3A_229 : memref<625x16xf32, #tpu.memory_space<hbm>>) target(%dma_start3A_227 : memref<625x16xf32, #tpu.memory_space<vmem_shared>>) target_semaphore(%run_scoped3A : memref<!tpu.dma_semaphore, #tpu.memory_space<semaphore_mem>>)
      %dma_wait3A_230 = arith.constant 0 : i32
      %dma_wait3A_231 = tpu.memref_slice %arg14[%mul3A_2, %dma_wait3A_230] : memref<10000x16xf32, #tpu.memory_space<vmem_shared>> -> memref<625x16xf32, #tpu.memory_space<vmem_shared>>
      %dma_wait3A_232 = arith.constant 0 : i32
      %dma_wait3A_233 = tpu.memref_slice %arg6[%mul3A_0, %dma_wait3A_232] : memref<10000x16xf32, #tpu.memory_space<hbm>> -> memref<625x16xf32, #tpu.memory_space<hbm>>
      tpu.wait_dma2 semaphore(%run_scoped3A : memref<!tpu.dma_semaphore, #tpu.memory_space<semaphore_mem>>) src(%dma_wait3A_233 : memref<625x16xf32, #tpu.memory_space<hbm>>) dst(%dma_wait3A_231 : memref<625x16xf32, #tpu.memory_space<vmem_shared>>)
      tpu.yield
    }) : () -> ()
    %barrier3A = arith.constant 0 : index
    tpu.barrier barrier_id(%barrier3A)
    %mul3A_3 = arith.constant 80 : i32
    %mul3A_4 = arith.muli %arg1, %mul3A_3 : i32
    "tpu.region"() ({
      %run_scoped3A = tpu.sem_alloc : memref<!tpu.dma_semaphore, #tpu.memory_space<semaphore_mem>>
      %dma_start3A_226 = arith.constant 0 : i32
      %dma_start3A_227 = tpu.memref_slice %arg3[%mul3A_4, %dma_start3A_226] : memref<1280x128xi32, #tpu.memory_space<hbm>> -> memref<80x128xi32, #tpu.memory_space<hbm>>
      %dma_start3A_228 = arith.constant 0 : i32
      %dma_start3A_229 = tpu.memref_slice %arg3[%mul3A_4, %dma_start3A_228] : memref<1280x128xi32, #tpu.memory_space<hbm>> -> memref<80x128xi32, #tpu.memory_space<hbm>>
      tpu.enqueue_dma source(%dma_start3A_229 : memref<80x128xi32, #tpu.memory_space<hbm>>) target(%arg9 : memref<80x128xi32, #tpu.memory_space<vmem>>) target_semaphore(%run_scoped3A : memref<!tpu.dma_semaphore, #tpu.memory_space<semaphore_mem>>)
      %dma_wait3A_230 = arith.constant 0 : i32
      %dma_wait3A_231 = tpu.memref_slice %arg3[%mul3A_4, %dma_wait3A_230] : memref<1280x128xi32, #tpu.memory_space<hbm>> -> memref<80x128xi32, #tpu.memory_space<hbm>>
      %dma_wait3A_232 = arith.constant 0 : i32
      %dma_wait3A_233 = tpu.memref_slice %arg3[%mul3A_4, %dma_wait3A_232] : memref<1280x128xi32, #tpu.memory_space<hbm>> -> memref<80x128xi32, #tpu.memory_space<hbm>>
      tpu.wait_dma2 semaphore(%run_scoped3A : memref<!tpu.dma_semaphore, #tpu.memory_space<semaphore_mem>>) src(%dma_wait3A_233 : memref<80x128xi32, #tpu.memory_space<hbm>>) dst(%arg9 : memref<80x128xi32, #tpu.memory_space<vmem>>)
      tpu.yield
    }) : () -> ()
    %mul3A_5 = arith.constant 80 : i32
    %mul3A_6 = arith.muli %arg1, %mul3A_5 : i32
    %mul3A_7 = arith.constant 128 : i32
    %mul3A_8 = arith.muli %mul3A_6, %mul3A_7 : i32
    "tpu.region"() ({
      %run_scoped3A = tpu.sem_alloc : memref<!tpu.dma_semaphore, #tpu.memory_space<semaphore_mem>>
      %dma_start3A_226 = arith.constant 0 : i32
      %dma_start3A_227 = tpu.memref_slice %arg2[%mul3A_8, %dma_start3A_226] : memref<163840x16xf32, #tpu.memory_space<hbm>> -> memref<1280x16xf32, #tpu.memory_space<hbm>>
      %dma_start3A_228 = arith.constant 0 : i32
      %dma_start3A_229 = tpu.memref_slice %arg2[%mul3A_8, %dma_start3A_228] : memref<163840x16xf32, #tpu.memory_space<hbm>> -> memref<1280x16xf32, #tpu.memory_space<hbm>>
      tpu.enqueue_dma source(%dma_start3A_229 : memref<1280x16xf32, #tpu.memory_space<hbm>>) target(%arg10 : memref<1280x16xf32, #tpu.memory_space<vmem>>) target_semaphore(%run_scoped3A : memref<!tpu.dma_semaphore, #tpu.memory_space<semaphore_mem>>)
      %dma_wait3A_230 = arith.constant 0 : i32
      %dma_wait3A_231 = tpu.memref_slice %arg2[%mul3A_8, %dma_wait3A_230] : memref<163840x16xf32, #tpu.memory_space<hbm>> -> memref<1280x16xf32, #tpu.memory_space<hbm>>
      %dma_wait3A_232 = arith.constant 0 : i32
      %dma_wait3A_233 = tpu.memref_slice %arg2[%mul3A_8, %dma_wait3A_232] : memref<163840x16xf32, #tpu.memory_space<hbm>> -> memref<1280x16xf32, #tpu.memory_space<hbm>>
      tpu.wait_dma2 semaphore(%run_scoped3A : memref<!tpu.dma_semaphore, #tpu.memory_space<semaphore_mem>>) src(%dma_wait3A_233 : memref<1280x16xf32, #tpu.memory_space<hbm>>) dst(%arg10 : memref<1280x16xf32, #tpu.memory_space<vmem>>)
      tpu.yield
    }) : () -> ()
    %scan3A = arith.constant 0 : i32
    %scan3A_9 = arith.constant 0 : i32
    %scan3A_10 = arith.constant 10 : i32
    %scan3A_11 = arith.addi %scan3A_9, %scan3A_10 : i32
    %scan3A_12 = arith.constant 1 : i32
    scf.for %scan3A_226 = %scan3A_9 to %scan3A_11 step %scan3A_12  : i32 {
      %mul3A_227 = arith.constant 128 : i32
      %mul3A_228 = arith.muli %scan3A_226, %mul3A_227 : i32
      %add3A_229 = arith.constant 0 : i32
      %add3A_230 = arith.addi %add3A_229, %scan3A_226 : i32
      %dma_start3A_231 = arith.constant 0 : i32
      %dma_start3A_232 = tpu.memref_slice %arg10[%mul3A_228, %dma_start3A_231] : memref<1280x16xf32, #tpu.memory_space<vmem>> -> memref<128x16xf32, #tpu.memory_space<vmem>>
      %dma_start3A_233 = arith.constant 0 : i32
      %dma_start3A_234 = tpu.memref_slice %arg9[%add3A_230, %dma_start3A_233] : memref<80x128xi32, #tpu.memory_space<vmem>> -> memref<1x128xi32, #tpu.memory_space<vmem>>
      %dma_start3A_235 = tpu.memref_squeeze %dma_start3A_234 : memref<1x128xi32, #tpu.memory_space<vmem>> -> memref<128xi32, #tpu.memory_space<vmem>>
      %dma_start3A_236 = arith.constant 0 : i32
      %dma_start3A_237 = arith.constant 0 : i32
      %dma_start3A_238 = tpu.memref_slice %arg14[%dma_start3A_236, %dma_start3A_237] : memref<10000x16xf32, #tpu.memory_space<vmem_shared>> -> memref<10000x16xf32, #tpu.memory_space<vmem_shared>>
      tpu.enqueue_indirect_dma source(%dma_start3A_232 : memref<128x16xf32, #tpu.memory_space<vmem>>) target(%dma_start3A_238 : memref<10000x16xf32, #tpu.memory_space<vmem_shared>>) offsets(%dma_start3A_235 : memref<128xi32, #tpu.memory_space<vmem>>) semaphore(%arg15 : memref<!tpu.dma_semaphore, #tpu.memory_space<semaphore_mem>>) {add = true}
    }
    %scan3A_13 = arith.constant 10 : i32
    %add3A = arith.constant 1280 : i32
    %add3A_14 = arith.addi %mul3A_8, %add3A : i32
    "tpu.region"() ({
      %run_scoped3A = tpu.sem_alloc : memref<!tpu.dma_semaphore, #tpu.memory_space<semaphore_mem>>
      %dma_start3A_226 = arith.constant 0 : i32
      %dma_start3A_227 = tpu.memref_slice %arg2[%add3A_14, %dma_start3A_226] : memref<163840x16xf32, #tpu.memory_space<hbm>> -> memref<1280x16xf32, #tpu.memory_space<hbm>>
      %dma_start3A_228 = arith.constant 0 : i32
      %dma_start3A_229 = tpu.memref_slice %arg2[%add3A_14, %dma_start3A_228] : memref<163840x16xf32, #tpu.memory_space<hbm>> -> memref<1280x16xf32, #tpu.memory_space<hbm>>
      tpu.enqueue_dma source(%dma_start3A_229 : memref<1280x16xf32, #tpu.memory_space<hbm>>) target(%arg11 : memref<1280x16xf32, #tpu.memory_space<vmem>>) target_semaphore(%run_scoped3A : memref<!tpu.dma_semaphore, #tpu.memory_space<semaphore_mem>>)
      %dma_wait3A_230 = arith.constant 0 : i32
      %dma_wait3A_231 = tpu.memref_slice %arg2[%add3A_14, %dma_wait3A_230] : memref<163840x16xf32, #tpu.memory_space<hbm>> -> memref<1280x16xf32, #tpu.memory_space<hbm>>
      %dma_wait3A_232 = arith.constant 0 : i32
      %dma_wait3A_233 = tpu.memref_slice %arg2[%add3A_14, %dma_wait3A_232] : memref<163840x16xf32, #tpu.memory_space<hbm>> -> memref<1280x16xf32, #tpu.memory_space<hbm>>
      tpu.wait_dma2 semaphore(%run_scoped3A : memref<!tpu.dma_semaphore, #tpu.memory_space<semaphore_mem>>) src(%dma_wait3A_233 : memref<1280x16xf32, #tpu.memory_space<hbm>>) dst(%arg11 : memref<1280x16xf32, #tpu.memory_space<vmem>>)
      tpu.yield
    }) : () -> ()
    %scan3A_15 = arith.constant 0 : i32
    %scan3A_16 = arith.constant 0 : i32
    %scan3A_17 = arith.constant 10 : i32
    %scan3A_18 = arith.addi %scan3A_16, %scan3A_17 : i32
    %scan3A_19 = arith.constant 1 : i32
    scf.for %scan3A_226 = %scan3A_16 to %scan3A_18 step %scan3A_19  : i32 {
      %mul3A_227 = arith.constant 128 : i32
      %mul3A_228 = arith.muli %scan3A_226, %mul3A_227 : i32
      %add3A_229 = arith.constant 0 : i32
      %add3A_230 = arith.addi %add3A_229, %scan3A_226 : i32
      %dma_wait3A_231 = arith.constant 0 : i32
      %dma_wait3A_232 = tpu.memref_slice %arg10[%mul3A_228, %dma_wait3A_231] : memref<1280x16xf32, #tpu.memory_space<vmem>> -> memref<128x16xf32, #tpu.memory_space<vmem>>
      %dma_wait3A_233 = arith.constant 0 : i32
      %dma_wait3A_234 = tpu.memref_slice %arg9[%add3A_230, %dma_wait3A_233] : memref<80x128xi32, #tpu.memory_space<vmem>> -> memref<1x128xi32, #tpu.memory_space<vmem>>
      %dma_wait3A_235 = tpu.memref_squeeze %dma_wait3A_234 : memref<1x128xi32, #tpu.memory_space<vmem>> -> memref<128xi32, #tpu.memory_space<vmem>>
      %dma_wait3A_236 = arith.constant 0 : i32
      %dma_wait3A_237 = arith.constant 0 : i32
      %dma_wait3A_238 = tpu.memref_slice %arg14[%dma_wait3A_236, %dma_wait3A_237] : memref<10000x16xf32, #tpu.memory_space<vmem_shared>> -> memref<10000x16xf32, #tpu.memory_space<vmem_shared>>
      tpu.wait_indirect_dma semaphore(%arg15 : memref<!tpu.dma_semaphore, #tpu.memory_space<semaphore_mem>>) src(%dma_wait3A_232 : memref<128x16xf32, #tpu.memory_space<vmem>>) dst(%dma_wait3A_238 : memref<10000x16xf32, #tpu.memory_space<vmem_shared>>)
    }
    %scan3A_20 = arith.constant 10 : i32
    %scan3A_21 = arith.constant 0 : i32
    %scan3A_22 = arith.constant 0 : i32
    %scan3A_23 = arith.constant 10 : i32
    %scan3A_24 = arith.addi %scan3A_22, %scan3A_23 : i32
    %scan3A_25 = arith.constant 1 : i32
    scf.for %scan3A_226 = %scan3A_22 to %scan3A_24 step %scan3A_25  : i32 {
      %mul3A_227 = arith.constant 128 : i32
      %mul3A_228 = arith.muli %scan3A_226, %mul3A_227 : i32
      %add3A_229 = arith.constant 10 : i32
      %add3A_230 = arith.addi %add3A_229, %scan3A_226 : i32
      %dma_start3A_231 = arith.constant 0 : i32
      %dma_start3A_232 = tpu.memref_slice %arg11[%mul3A_228, %dma_start3A_231] : memref<1280x16xf32, #tpu.memory_space<vmem>> -> memref<128x16xf32, #tpu.memory_space<vmem>>
      %dma_start3A_233 = arith.constant 0 : i32
      %dma_start3A_234 = tpu.memref_slice %arg9[%add3A_230, %dma_start3A_233] : memref<80x128xi32, #tpu.memory_space<vmem>> -> memref<1x128xi32, #tpu.memory_space<vmem>>
      %dma_start3A_235 = tpu.memref_squeeze %dma_start3A_234 : memref<1x128xi32, #tpu.memory_space<vmem>> -> memref<128xi32, #tpu.memory_space<vmem>>
      %dma_start3A_236 = arith.constant 0 : i32
      %dma_start3A_237 = arith.constant 0 : i32
      %dma_start3A_238 = tpu.memref_slice %arg14[%dma_start3A_236, %dma_start3A_237] : memref<10000x16xf32, #tpu.memory_space<vmem_shared>> -> memref<10000x16xf32, #tpu.memory_space<vmem_shared>>
      tpu.enqueue_indirect_dma source(%dma_start3A_232 : memref<128x16xf32, #tpu.memory_space<vmem>>) target(%dma_start3A_238 : memref<10000x16xf32, #tpu.memory_space<vmem_shared>>) offsets(%dma_start3A_235 : memref<128xi32, #tpu.memory_space<vmem>>) semaphore(%arg15 : memref<!tpu.dma_semaphore, #tpu.memory_space<semaphore_mem>>) {add = true}
    }
    %scan3A_26 = arith.constant 10 : i32
    %add3A_27 = arith.constant 2560 : i32
    %add3A_28 = arith.addi %mul3A_8, %add3A_27 : i32
    "tpu.region"() ({
      %run_scoped3A = tpu.sem_alloc : memref<!tpu.dma_semaphore, #tpu.memory_space<semaphore_mem>>
      %dma_start3A_226 = arith.constant 0 : i32
      %dma_start3A_227 = tpu.memref_slice %arg2[%add3A_28, %dma_start3A_226] : memref<163840x16xf32, #tpu.memory_space<hbm>> -> memref<1280x16xf32, #tpu.memory_space<hbm>>
      %dma_start3A_228 = arith.constant 0 : i32
      %dma_start3A_229 = tpu.memref_slice %arg2[%add3A_28, %dma_start3A_228] : memref<163840x16xf32, #tpu.memory_space<hbm>> -> memref<1280x16xf32, #tpu.memory_space<hbm>>
      tpu.enqueue_dma source(%dma_start3A_229 : memref<1280x16xf32, #tpu.memory_space<hbm>>) target(%arg10 : memref<1280x16xf32, #tpu.memory_space<vmem>>) target_semaphore(%run_scoped3A : memref<!tpu.dma_semaphore, #tpu.memory_space<semaphore_mem>>)
      %dma_wait3A_230 = arith.constant 0 : i32
      %dma_wait3A_231 = tpu.memref_slice %arg2[%add3A_28, %dma_wait3A_230] : memref<163840x16xf32, #tpu.memory_space<hbm>> -> memref<1280x16xf32, #tpu.memory_space<hbm>>
      %dma_wait3A_232 = arith.constant 0 : i32
      %dma_wait3A_233 = tpu.memref_slice %arg2[%add3A_28, %dma_wait3A_232] : memref<163840x16xf32, #tpu.memory_space<hbm>> -> memref<1280x16xf32, #tpu.memory_space<hbm>>
      tpu.wait_dma2 semaphore(%run_scoped3A : memref<!tpu.dma_semaphore, #tpu.memory_space<semaphore_mem>>) src(%dma_wait3A_233 : memref<1280x16xf32, #tpu.memory_space<hbm>>) dst(%arg10 : memref<1280x16xf32, #tpu.memory_space<vmem>>)
      tpu.yield
    }) : () -> ()
    %scan3A_29 = arith.constant 0 : i32
    %scan3A_30 = arith.constant 0 : i32
    %scan3A_31 = arith.constant 10 : i32
    %scan3A_32 = arith.addi %scan3A_30, %scan3A_31 : i32
    %scan3A_33 = arith.constant 1 : i32
    scf.for %scan3A_226 = %scan3A_30 to %scan3A_32 step %scan3A_33  : i32 {
      %mul3A_227 = arith.constant 128 : i32
      %mul3A_228 = arith.muli %scan3A_226, %mul3A_227 : i32
      %add3A_229 = arith.constant 10 : i32
      %add3A_230 = arith.addi %add3A_229, %scan3A_226 : i32
      %dma_wait3A_231 = arith.constant 0 : i32
      %dma_wait3A_232 = tpu.memref_slice %arg11[%mul3A_228, %dma_wait3A_231] : memref<1280x16xf32, #tpu.memory_space<vmem>> -> memref<128x16xf32, #tpu.memory_space<vmem>>
      %dma_wait3A_233 = arith.constant 0 : i32
      %dma_wait3A_234 = tpu.memref_slice %arg9[%add3A_230, %dma_wait3A_233] : memref<80x128xi32, #tpu.memory_space<vmem>> -> memref<1x128xi32, #tpu.memory_space<vmem>>
      %dma_wait3A_235 = tpu.memref_squeeze %dma_wait3A_234 : memref<1x128xi32, #tpu.memory_space<vmem>> -> memref<128xi32, #tpu.memory_space<vmem>>
      %dma_wait3A_236 = arith.constant 0 : i32
      %dma_wait3A_237 = arith.constant 0 : i32
      %dma_wait3A_238 = tpu.memref_slice %arg14[%dma_wait3A_236, %dma_wait3A_237] : memref<10000x16xf32, #tpu.memory_space<vmem_shared>> -> memref<10000x16xf32, #tpu.memory_space<vmem_shared>>
      tpu.wait_indirect_dma semaphore(%arg15 : memref<!tpu.dma_semaphore, #tpu.memory_space<semaphore_mem>>) src(%dma_wait3A_232 : memref<128x16xf32, #tpu.memory_space<vmem>>) dst(%dma_wait3A_238 : memref<10000x16xf32, #tpu.memory_space<vmem_shared>>)
    }
    %scan3A_34 = arith.constant 10 : i32
    %scan3A_35 = arith.constant 0 : i32
    %scan3A_36 = arith.constant 0 : i32
    %scan3A_37 = arith.constant 10 : i32
    %scan3A_38 = arith.addi %scan3A_36, %scan3A_37 : i32
    %scan3A_39 = arith.constant 1 : i32
    scf.for %scan3A_226 = %scan3A_36 to %scan3A_38 step %scan3A_39  : i32 {
      %mul3A_227 = arith.constant 128 : i32
      %mul3A_228 = arith.muli %scan3A_226, %mul3A_227 : i32
      %add3A_229 = arith.constant 20 : i32
      %add3A_230 = arith.addi %add3A_229, %scan3A_226 : i32
      %dma_start3A_231 = arith.constant 0 : i32
      %dma_start3A_232 = tpu.memref_slice %arg10[%mul3A_228, %dma_start3A_231] : memref<1280x16xf32, #tpu.memory_space<vmem>> -> memref<128x16xf32, #tpu.memory_space<vmem>>
      %dma_start3A_233 = arith.constant 0 : i32
      %dma_start3A_234 = tpu.memref_slice %arg9[%add3A_230, %dma_start3A_233] : memref<80x128xi32, #tpu.memory_space<vmem>> -> memref<1x128xi32, #tpu.memory_space<vmem>>
      %dma_start3A_235 = tpu.memref_squeeze %dma_start3A_234 : memref<1x128xi32, #tpu.memory_space<vmem>> -> memref<128xi32, #tpu.memory_space<vmem>>
      %dma_start3A_236 = arith.constant 0 : i32
      %dma_start3A_237 = arith.constant 0 : i32
      %dma_start3A_238 = tpu.memref_slice %arg14[%dma_start3A_236, %dma_start3A_237] : memref<10000x16xf32, #tpu.memory_space<vmem_shared>> -> memref<10000x16xf32, #tpu.memory_space<vmem_shared>>
      tpu.enqueue_indirect_dma source(%dma_start3A_232 : memref<128x16xf32, #tpu.memory_space<vmem>>) target(%dma_start3A_238 : memref<10000x16xf32, #tpu.memory_space<vmem_shared>>) offsets(%dma_start3A_235 : memref<128xi32, #tpu.memory_space<vmem>>) semaphore(%arg15 : memref<!tpu.dma_semaphore, #tpu.memory_space<semaphore_mem>>) {add = true}
    }
    %scan3A_40 = arith.constant 10 : i32
    %add3A_41 = arith.constant 3840 : i32
    %add3A_42 = arith.addi %mul3A_8, %add3A_41 : i32
    "tpu.region"() ({
      %run_scoped3A = tpu.sem_alloc : memref<!tpu.dma_semaphore, #tpu.memory_space<semaphore_mem>>
      %dma_start3A_226 = arith.constant 0 : i32
      %dma_start3A_227 = tpu.memref_slice %arg2[%add3A_42, %dma_start3A_226] : memref<163840x16xf32, #tpu.memory_space<hbm>> -> memref<1280x16xf32, #tpu.memory_space<hbm>>
      %dma_start3A_228 = arith.constant 0 : i32
      %dma_start3A_229 = tpu.memref_slice %arg2[%add3A_42, %dma_start3A_228] : memref<163840x16xf32, #tpu.memory_space<hbm>> -> memref<1280x16xf32, #tpu.memory_space<hbm>>
      tpu.enqueue_dma source(%dma_start3A_229 : memref<1280x16xf32, #tpu.memory_space<hbm>>) target(%arg11 : memref<1280x16xf32, #tpu.memory_space<vmem>>) target_semaphore(%run_scoped3A : memref<!tpu.dma_semaphore, #tpu.memory_space<semaphore_mem>>)
      %dma_wait3A_230 = arith.constant 0 : i32
      %dma_wait3A_231 = tpu.memref_slice %arg2[%add3A_42, %dma_wait3A_230] : memref<163840x16xf32, #tpu.memory_space<hbm>> -> memref<1280x16xf32, #tpu.memory_space<hbm>>
      %dma_wait3A_232 = arith.constant 0 : i32
      %dma_wait3A_233 = tpu.memref_slice %arg2[%add3A_42, %dma_wait3A_232] : memref<163840x16xf32, #tpu.memory_space<hbm>> -> memref<1280x16xf32, #tpu.memory_space<hbm>>
      tpu.wait_dma2 semaphore(%run_scoped3A : memref<!tpu.dma_semaphore, #tpu.memory_space<semaphore_mem>>) src(%dma_wait3A_233 : memref<1280x16xf32, #tpu.memory_space<hbm>>) dst(%arg11 : memref<1280x16xf32, #tpu.memory_space<vmem>>)
      tpu.yield
    }) : () -> ()
    %scan3A_43 = arith.constant 0 : i32
    %scan3A_44 = arith.constant 0 : i32
    %scan3A_45 = arith.constant 10 : i32
    %scan3A_46 = arith.addi %scan3A_44, %scan3A_45 : i32
    %scan3A_47 = arith.constant 1 : i32
    scf.for %scan3A_226 = %scan3A_44 to %scan3A_46 step %scan3A_47  : i32 {
      %mul3A_227 = arith.constant 128 : i32
      %mul3A_228 = arith.muli %scan3A_226, %mul3A_227 : i32
      %add3A_229 = arith.constant 20 : i32
      %add3A_230 = arith.addi %add3A_229, %scan3A_226 : i32
      %dma_wait3A_231 = arith.constant 0 : i32
      %dma_wait3A_232 = tpu.memref_slice %arg10[%mul3A_228, %dma_wait3A_231] : memref<1280x16xf32, #tpu.memory_space<vmem>> -> memref<128x16xf32, #tpu.memory_space<vmem>>
      %dma_wait3A_233 = arith.constant 0 : i32
      %dma_wait3A_234 = tpu.memref_slice %arg9[%add3A_230, %dma_wait3A_233] : memref<80x128xi32, #tpu.memory_space<vmem>> -> memref<1x128xi32, #tpu.memory_space<vmem>>
      %dma_wait3A_235 = tpu.memref_squeeze %dma_wait3A_234 : memref<1x128xi32, #tpu.memory_space<vmem>> -> memref<128xi32, #tpu.memory_space<vmem>>
      %dma_wait3A_236 = arith.constant 0 : i32
      %dma_wait3A_237 = arith.constant 0 : i32
      %dma_wait3A_238 = tpu.memref_slice %arg14[%dma_wait3A_236, %dma_wait3A_237] : memref<10000x16xf32, #tpu.memory_space<vmem_shared>> -> memref<10000x16xf32, #tpu.memory_space<vmem_shared>>
      tpu.wait_indirect_dma semaphore(%arg15 : memref<!tpu.dma_semaphore, #tpu.memory_space<semaphore_mem>>) src(%dma_wait3A_232 : memref<128x16xf32, #tpu.memory_space<vmem>>) dst(%dma_wait3A_238 : memref<10000x16xf32, #tpu.memory_space<vmem_shared>>)
    }
    %scan3A_48 = arith.constant 10 : i32
    %scan3A_49 = arith.constant 0 : i32
    %scan3A_50 = arith.constant 0 : i32
    %scan3A_51 = arith.constant 10 : i32
    %scan3A_52 = arith.addi %scan3A_50, %scan3A_51 : i32
    %scan3A_53 = arith.constant 1 : i32
    scf.for %scan3A_226 = %scan3A_50 to %scan3A_52 step %scan3A_53  : i32 {
      %mul3A_227 = arith.constant 128 : i32
      %mul3A_228 = arith.muli %scan3A_226, %mul3A_227 : i32
      %add3A_229 = arith.constant 30 : i32
      %add3A_230 = arith.addi %add3A_229, %scan3A_226 : i32
      %dma_start3A_231 = arith.constant 0 : i32
      %dma_start3A_232 = tpu.memref_slice %arg11[%mul3A_228, %dma_start3A_231] : memref<1280x16xf32, #tpu.memory_space<vmem>> -> memref<128x16xf32, #tpu.memory_space<vmem>>
      %dma_start3A_233 = arith.constant 0 : i32
      %dma_start3A_234 = tpu.memref_slice %arg9[%add3A_230, %dma_start3A_233] : memref<80x128xi32, #tpu.memory_space<vmem>> -> memref<1x128xi32, #tpu.memory_space<vmem>>
      %dma_start3A_235 = tpu.memref_squeeze %dma_start3A_234 : memref<1x128xi32, #tpu.memory_space<vmem>> -> memref<128xi32, #tpu.memory_space<vmem>>
      %dma_start3A_236 = arith.constant 0 : i32
      %dma_start3A_237 = arith.constant 0 : i32
      %dma_start3A_238 = tpu.memref_slice %arg14[%dma_start3A_236, %dma_start3A_237] : memref<10000x16xf32, #tpu.memory_space<vmem_shared>> -> memref<10000x16xf32, #tpu.memory_space<vmem_shared>>
      tpu.enqueue_indirect_dma source(%dma_start3A_232 : memref<128x16xf32, #tpu.memory_space<vmem>>) target(%dma_start3A_238 : memref<10000x16xf32, #tpu.memory_space<vmem_shared>>) offsets(%dma_start3A_235 : memref<128xi32, #tpu.memory_space<vmem>>) semaphore(%arg15 : memref<!tpu.dma_semaphore, #tpu.memory_space<semaphore_mem>>) {add = true}
    }
    %scan3A_54 = arith.constant 10 : i32
    %add3A_55 = arith.constant 5120 : i32
    %add3A_56 = arith.addi %mul3A_8, %add3A_55 : i32
    "tpu.region"() ({
      %run_scoped3A = tpu.sem_alloc : memref<!tpu.dma_semaphore, #tpu.memory_space<semaphore_mem>>
      %dma_start3A_226 = arith.constant 0 : i32
      %dma_start3A_227 = tpu.memref_slice %arg2[%add3A_56, %dma_start3A_226] : memref<163840x16xf32, #tpu.memory_space<hbm>> -> memref<1280x16xf32, #tpu.memory_space<hbm>>
      %dma_start3A_228 = arith.constant 0 : i32
      %dma_start3A_229 = tpu.memref_slice %arg2[%add3A_56, %dma_start3A_228] : memref<163840x16xf32, #tpu.memory_space<hbm>> -> memref<1280x16xf32, #tpu.memory_space<hbm>>
      tpu.enqueue_dma source(%dma_start3A_229 : memref<1280x16xf32, #tpu.memory_space<hbm>>) target(%arg10 : memref<1280x16xf32, #tpu.memory_space<vmem>>) target_semaphore(%run_scoped3A : memref<!tpu.dma_semaphore, #tpu.memory_space<semaphore_mem>>)
      %dma_wait3A_230 = arith.constant 0 : i32
      %dma_wait3A_231 = tpu.memref_slice %arg2[%add3A_56, %dma_wait3A_230] : memref<163840x16xf32, #tpu.memory_space<hbm>> -> memref<1280x16xf32, #tpu.memory_space<hbm>>
      %dma_wait3A_232 = arith.constant 0 : i32
      %dma_wait3A_233 = tpu.memref_slice %arg2[%add3A_56, %dma_wait3A_232] : memref<163840x16xf32, #tpu.memory_space<hbm>> -> memref<1280x16xf32, #tpu.memory_space<hbm>>
      tpu.wait_dma2 semaphore(%run_scoped3A : memref<!tpu.dma_semaphore, #tpu.memory_space<semaphore_mem>>) src(%dma_wait3A_233 : memref<1280x16xf32, #tpu.memory_space<hbm>>) dst(%arg10 : memref<1280x16xf32, #tpu.memory_space<vmem>>)
      tpu.yield
    }) : () -> ()
    %scan3A_57 = arith.constant 0 : i32
    %scan3A_58 = arith.constant 0 : i32
    %scan3A_59 = arith.constant 10 : i32
    %scan3A_60 = arith.addi %scan3A_58, %scan3A_59 : i32
    %scan3A_61 = arith.constant 1 : i32
    scf.for %scan3A_226 = %scan3A_58 to %scan3A_60 step %scan3A_61  : i32 {
      %mul3A_227 = arith.constant 128 : i32
      %mul3A_228 = arith.muli %scan3A_226, %mul3A_227 : i32
      %add3A_229 = arith.constant 30 : i32
      %add3A_230 = arith.addi %add3A_229, %scan3A_226 : i32
      %dma_wait3A_231 = arith.constant 0 : i32
      %dma_wait3A_232 = tpu.memref_slice %arg11[%mul3A_228, %dma_wait3A_231] : memref<1280x16xf32, #tpu.memory_space<vmem>> -> memref<128x16xf32, #tpu.memory_space<vmem>>
      %dma_wait3A_233 = arith.constant 0 : i32
      %dma_wait3A_234 = tpu.memref_slice %arg9[%add3A_230, %dma_wait3A_233] : memref<80x128xi32, #tpu.memory_space<vmem>> -> memref<1x128xi32, #tpu.memory_space<vmem>>
      %dma_wait3A_235 = tpu.memref_squeeze %dma_wait3A_234 : memref<1x128xi32, #tpu.memory_space<vmem>> -> memref<128xi32, #tpu.memory_space<vmem>>
      %dma_wait3A_236 = arith.constant 0 : i32
      %dma_wait3A_237 = arith.constant 0 : i32
      %dma_wait3A_238 = tpu.memref_slice %arg14[%dma_wait3A_236, %dma_wait3A_237] : memref<10000x16xf32, #tpu.memory_space<vmem_shared>> -> memref<10000x16xf32, #tpu.memory_space<vmem_shared>>
      tpu.wait_indirect_dma semaphore(%arg15 : memref<!tpu.dma_semaphore, #tpu.memory_space<semaphore_mem>>) src(%dma_wait3A_232 : memref<128x16xf32, #tpu.memory_space<vmem>>) dst(%dma_wait3A_238 : memref<10000x16xf32, #tpu.memory_space<vmem_shared>>)
    }
    %scan3A_62 = arith.constant 10 : i32
    %scan3A_63 = arith.constant 0 : i32
    %scan3A_64 = arith.constant 0 : i32
    %scan3A_65 = arith.constant 10 : i32
    %scan3A_66 = arith.addi %scan3A_64, %scan3A_65 : i32
    %scan3A_67 = arith.constant 1 : i32
    scf.for %scan3A_226 = %scan3A_64 to %scan3A_66 step %scan3A_67  : i32 {
      %mul3A_227 = arith.constant 128 : i32
      %mul3A_228 = arith.muli %scan3A_226, %mul3A_227 : i32
      %add3A_229 = arith.constant 40 : i32
      %add3A_230 = arith.addi %add3A_229, %scan3A_226 : i32
      %dma_start3A_231 = arith.constant 0 : i32
      %dma_start3A_232 = tpu.memref_slice %arg10[%mul3A_228, %dma_start3A_231] : memref<1280x16xf32, #tpu.memory_space<vmem>> -> memref<128x16xf32, #tpu.memory_space<vmem>>
      %dma_start3A_233 = arith.constant 0 : i32
      %dma_start3A_234 = tpu.memref_slice %arg9[%add3A_230, %dma_start3A_233] : memref<80x128xi32, #tpu.memory_space<vmem>> -> memref<1x128xi32, #tpu.memory_space<vmem>>
      %dma_start3A_235 = tpu.memref_squeeze %dma_start3A_234 : memref<1x128xi32, #tpu.memory_space<vmem>> -> memref<128xi32, #tpu.memory_space<vmem>>
      %dma_start3A_236 = arith.constant 0 : i32
      %dma_start3A_237 = arith.constant 0 : i32
      %dma_start3A_238 = tpu.memref_slice %arg14[%dma_start3A_236, %dma_start3A_237] : memref<10000x16xf32, #tpu.memory_space<vmem_shared>> -> memref<10000x16xf32, #tpu.memory_space<vmem_shared>>
      tpu.enqueue_indirect_dma source(%dma_start3A_232 : memref<128x16xf32, #tpu.memory_space<vmem>>) target(%dma_start3A_238 : memref<10000x16xf32, #tpu.memory_space<vmem_shared>>) offsets(%dma_start3A_235 : memref<128xi32, #tpu.memory_space<vmem>>) semaphore(%arg15 : memref<!tpu.dma_semaphore, #tpu.memory_space<semaphore_mem>>) {add = true}
    }
    %scan3A_68 = arith.constant 10 : i32
    %add3A_69 = arith.constant 6400 : i32
    %add3A_70 = arith.addi %mul3A_8, %add3A_69 : i32
    "tpu.region"() ({
      %run_scoped3A = tpu.sem_alloc : memref<!tpu.dma_semaphore, #tpu.memory_space<semaphore_mem>>
      %dma_start3A_226 = arith.constant 0 : i32
      %dma_start3A_227 = tpu.memref_slice %arg2[%add3A_70, %dma_start3A_226] : memref<163840x16xf32, #tpu.memory_space<hbm>> -> memref<1280x16xf32, #tpu.memory_space<hbm>>
      %dma_start3A_228 = arith.constant 0 : i32
      %dma_start3A_229 = tpu.memref_slice %arg2[%add3A_70, %dma_start3A_228] : memref<163840x16xf32, #tpu.memory_space<hbm>> -> memref<1280x16xf32, #tpu.memory_space<hbm>>
      tpu.enqueue_dma source(%dma_start3A_229 : memref<1280x16xf32, #tpu.memory_space<hbm>>) target(%arg11 : memref<1280x16xf32, #tpu.memory_space<vmem>>) target_semaphore(%run_scoped3A : memref<!tpu.dma_semaphore, #tpu.memory_space<semaphore_mem>>)
      %dma_wait3A_230 = arith.constant 0 : i32
      %dma_wait3A_231 = tpu.memref_slice %arg2[%add3A_70, %dma_wait3A_230] : memref<163840x16xf32, #tpu.memory_space<hbm>> -> memref<1280x16xf32, #tpu.memory_space<hbm>>
      %dma_wait3A_232 = arith.constant 0 : i32
      %dma_wait3A_233 = tpu.memref_slice %arg2[%add3A_70, %dma_wait3A_232] : memref<163840x16xf32, #tpu.memory_space<hbm>> -> memref<1280x16xf32, #tpu.memory_space<hbm>>
      tpu.wait_dma2 semaphore(%run_scoped3A : memref<!tpu.dma_semaphore, #tpu.memory_space<semaphore_mem>>) src(%dma_wait3A_233 : memref<1280x16xf32, #tpu.memory_space<hbm>>) dst(%arg11 : memref<1280x16xf32, #tpu.memory_space<vmem>>)
      tpu.yield
    }) : () -> ()
    %scan3A_71 = arith.constant 0 : i32
    %scan3A_72 = arith.constant 0 : i32
    %scan3A_73 = arith.constant 10 : i32
    %scan3A_74 = arith.addi %scan3A_72, %scan3A_73 : i32
    %scan3A_75 = arith.constant 1 : i32
    scf.for %scan3A_226 = %scan3A_72 to %scan3A_74 step %scan3A_75  : i32 {
      %mul3A_227 = arith.constant 128 : i32
      %mul3A_228 = arith.muli %scan3A_226, %mul3A_227 : i32
      %add3A_229 = arith.constant 40 : i32
      %add3A_230 = arith.addi %add3A_229, %scan3A_226 : i32
      %dma_wait3A_231 = arith.constant 0 : i32
      %dma_wait3A_232 = tpu.memref_slice %arg10[%mul3A_228, %dma_wait3A_231] : memref<1280x16xf32, #tpu.memory_space<vmem>> -> memref<128x16xf32, #tpu.memory_space<vmem>>
      %dma_wait3A_233 = arith.constant 0 : i32
      %dma_wait3A_234 = tpu.memref_slice %arg9[%add3A_230, %dma_wait3A_233] : memref<80x128xi32, #tpu.memory_space<vmem>> -> memref<1x128xi32, #tpu.memory_space<vmem>>
      %dma_wait3A_235 = tpu.memref_squeeze %dma_wait3A_234 : memref<1x128xi32, #tpu.memory_space<vmem>> -> memref<128xi32, #tpu.memory_space<vmem>>
      %dma_wait3A_236 = arith.constant 0 : i32
      %dma_wait3A_237 = arith.constant 0 : i32
      %dma_wait3A_238 = tpu.memref_slice %arg14[%dma_wait3A_236, %dma_wait3A_237] : memref<10000x16xf32, #tpu.memory_space<vmem_shared>> -> memref<10000x16xf32, #tpu.memory_space<vmem_shared>>
      tpu.wait_indirect_dma semaphore(%arg15 : memref<!tpu.dma_semaphore, #tpu.memory_space<semaphore_mem>>) src(%dma_wait3A_232 : memref<128x16xf32, #tpu.memory_space<vmem>>) dst(%dma_wait3A_238 : memref<10000x16xf32, #tpu.memory_space<vmem_shared>>)
    }
    %scan3A_76 = arith.constant 10 : i32
    %scan3A_77 = arith.constant 0 : i32
    %scan3A_78 = arith.constant 0 : i32
    %scan3A_79 = arith.constant 10 : i32
    %scan3A_80 = arith.addi %scan3A_78, %scan3A_79 : i32
    %scan3A_81 = arith.constant 1 : i32
    scf.for %scan3A_226 = %scan3A_78 to %scan3A_80 step %scan3A_81  : i32 {
      %mul3A_227 = arith.constant 128 : i32
      %mul3A_228 = arith.muli %scan3A_226, %mul3A_227 : i32
      %add3A_229 = arith.constant 50 : i32
      %add3A_230 = arith.addi %add3A_229, %scan3A_226 : i32
      %dma_start3A_231 = arith.constant 0 : i32
      %dma_start3A_232 = tpu.memref_slice %arg11[%mul3A_228, %dma_start3A_231] : memref<1280x16xf32, #tpu.memory_space<vmem>> -> memref<128x16xf32, #tpu.memory_space<vmem>>
      %dma_start3A_233 = arith.constant 0 : i32
      %dma_start3A_234 = tpu.memref_slice %arg9[%add3A_230, %dma_start3A_233] : memref<80x128xi32, #tpu.memory_space<vmem>> -> memref<1x128xi32, #tpu.memory_space<vmem>>
      %dma_start3A_235 = tpu.memref_squeeze %dma_start3A_234 : memref<1x128xi32, #tpu.memory_space<vmem>> -> memref<128xi32, #tpu.memory_space<vmem>>
      %dma_start3A_236 = arith.constant 0 : i32
      %dma_start3A_237 = arith.constant 0 : i32
      %dma_start3A_238 = tpu.memref_slice %arg14[%dma_start3A_236, %dma_start3A_237] : memref<10000x16xf32, #tpu.memory_space<vmem_shared>> -> memref<10000x16xf32, #tpu.memory_space<vmem_shared>>
      tpu.enqueue_indirect_dma source(%dma_start3A_232 : memref<128x16xf32, #tpu.memory_space<vmem>>) target(%dma_start3A_238 : memref<10000x16xf32, #tpu.memory_space<vmem_shared>>) offsets(%dma_start3A_235 : memref<128xi32, #tpu.memory_space<vmem>>) semaphore(%arg15 : memref<!tpu.dma_semaphore, #tpu.memory_space<semaphore_mem>>) {add = true}
    }
    %scan3A_82 = arith.constant 10 : i32
    %add3A_83 = arith.constant 7680 : i32
    %add3A_84 = arith.addi %mul3A_8, %add3A_83 : i32
    "tpu.region"() ({
      %run_scoped3A = tpu.sem_alloc : memref<!tpu.dma_semaphore, #tpu.memory_space<semaphore_mem>>
      %dma_start3A_226 = arith.constant 0 : i32
      %dma_start3A_227 = tpu.memref_slice %arg2[%add3A_84, %dma_start3A_226] : memref<163840x16xf32, #tpu.memory_space<hbm>> -> memref<1280x16xf32, #tpu.memory_space<hbm>>
      %dma_start3A_228 = arith.constant 0 : i32
      %dma_start3A_229 = tpu.memref_slice %arg2[%add3A_84, %dma_start3A_228] : memref<163840x16xf32, #tpu.memory_space<hbm>> -> memref<1280x16xf32, #tpu.memory_space<hbm>>
      tpu.enqueue_dma source(%dma_start3A_229 : memref<1280x16xf32, #tpu.memory_space<hbm>>) target(%arg10 : memref<1280x16xf32, #tpu.memory_space<vmem>>) target_semaphore(%run_scoped3A : memref<!tpu.dma_semaphore, #tpu.memory_space<semaphore_mem>>)
      %dma_wait3A_230 = arith.constant 0 : i32
      %dma_wait3A_231 = tpu.memref_slice %arg2[%add3A_84, %dma_wait3A_230] : memref<163840x16xf32, #tpu.memory_space<hbm>> -> memref<1280x16xf32, #tpu.memory_space<hbm>>
      %dma_wait3A_232 = arith.constant 0 : i32
      %dma_wait3A_233 = tpu.memref_slice %arg2[%add3A_84, %dma_wait3A_232] : memref<163840x16xf32, #tpu.memory_space<hbm>> -> memref<1280x16xf32, #tpu.memory_space<hbm>>
      tpu.wait_dma2 semaphore(%run_scoped3A : memref<!tpu.dma_semaphore, #tpu.memory_space<semaphore_mem>>) src(%dma_wait3A_233 : memref<1280x16xf32, #tpu.memory_space<hbm>>) dst(%arg10 : memref<1280x16xf32, #tpu.memory_space<vmem>>)
      tpu.yield
    }) : () -> ()
    %scan3A_85 = arith.constant 0 : i32
    %scan3A_86 = arith.constant 0 : i32
    %scan3A_87 = arith.constant 10 : i32
    %scan3A_88 = arith.addi %scan3A_86, %scan3A_87 : i32
    %scan3A_89 = arith.constant 1 : i32
    scf.for %scan3A_226 = %scan3A_86 to %scan3A_88 step %scan3A_89  : i32 {
      %mul3A_227 = arith.constant 128 : i32
      %mul3A_228 = arith.muli %scan3A_226, %mul3A_227 : i32
      %add3A_229 = arith.constant 50 : i32
      %add3A_230 = arith.addi %add3A_229, %scan3A_226 : i32
      %dma_wait3A_231 = arith.constant 0 : i32
      %dma_wait3A_232 = tpu.memref_slice %arg11[%mul3A_228, %dma_wait3A_231] : memref<1280x16xf32, #tpu.memory_space<vmem>> -> memref<128x16xf32, #tpu.memory_space<vmem>>
      %dma_wait3A_233 = arith.constant 0 : i32
      %dma_wait3A_234 = tpu.memref_slice %arg9[%add3A_230, %dma_wait3A_233] : memref<80x128xi32, #tpu.memory_space<vmem>> -> memref<1x128xi32, #tpu.memory_space<vmem>>
      %dma_wait3A_235 = tpu.memref_squeeze %dma_wait3A_234 : memref<1x128xi32, #tpu.memory_space<vmem>> -> memref<128xi32, #tpu.memory_space<vmem>>
      %dma_wait3A_236 = arith.constant 0 : i32
      %dma_wait3A_237 = arith.constant 0 : i32
      %dma_wait3A_238 = tpu.memref_slice %arg14[%dma_wait3A_236, %dma_wait3A_237] : memref<10000x16xf32, #tpu.memory_space<vmem_shared>> -> memref<10000x16xf32, #tpu.memory_space<vmem_shared>>
      tpu.wait_indirect_dma semaphore(%arg15 : memref<!tpu.dma_semaphore, #tpu.memory_space<semaphore_mem>>) src(%dma_wait3A_232 : memref<128x16xf32, #tpu.memory_space<vmem>>) dst(%dma_wait3A_238 : memref<10000x16xf32, #tpu.memory_space<vmem_shared>>)
    }
    %scan3A_90 = arith.constant 10 : i32
    %scan3A_91 = arith.constant 0 : i32
    %scan3A_92 = arith.constant 0 : i32
    %scan3A_93 = arith.constant 10 : i32
    %scan3A_94 = arith.addi %scan3A_92, %scan3A_93 : i32
    %scan3A_95 = arith.constant 1 : i32
    scf.for %scan3A_226 = %scan3A_92 to %scan3A_94 step %scan3A_95  : i32 {
      %mul3A_227 = arith.constant 128 : i32
      %mul3A_228 = arith.muli %scan3A_226, %mul3A_227 : i32
      %add3A_229 = arith.constant 60 : i32
      %add3A_230 = arith.addi %add3A_229, %scan3A_226 : i32
      %dma_start3A_231 = arith.constant 0 : i32
      %dma_start3A_232 = tpu.memref_slice %arg10[%mul3A_228, %dma_start3A_231] : memref<1280x16xf32, #tpu.memory_space<vmem>> -> memref<128x16xf32, #tpu.memory_space<vmem>>
      %dma_start3A_233 = arith.constant 0 : i32
      %dma_start3A_234 = tpu.memref_slice %arg9[%add3A_230, %dma_start3A_233] : memref<80x128xi32, #tpu.memory_space<vmem>> -> memref<1x128xi32, #tpu.memory_space<vmem>>
      %dma_start3A_235 = tpu.memref_squeeze %dma_start3A_234 : memref<1x128xi32, #tpu.memory_space<vmem>> -> memref<128xi32, #tpu.memory_space<vmem>>
      %dma_start3A_236 = arith.constant 0 : i32
      %dma_start3A_237 = arith.constant 0 : i32
      %dma_start3A_238 = tpu.memref_slice %arg14[%dma_start3A_236, %dma_start3A_237] : memref<10000x16xf32, #tpu.memory_space<vmem_shared>> -> memref<10000x16xf32, #tpu.memory_space<vmem_shared>>
      tpu.enqueue_indirect_dma source(%dma_start3A_232 : memref<128x16xf32, #tpu.memory_space<vmem>>) target(%dma_start3A_238 : memref<10000x16xf32, #tpu.memory_space<vmem_shared>>) offsets(%dma_start3A_235 : memref<128xi32, #tpu.memory_space<vmem>>) semaphore(%arg15 : memref<!tpu.dma_semaphore, #tpu.memory_space<semaphore_mem>>) {add = true}
    }
    %scan3A_96 = arith.constant 10 : i32
    %add3A_97 = arith.constant 8960 : i32
    %add3A_98 = arith.addi %mul3A_8, %add3A_97 : i32
    "tpu.region"() ({
      %run_scoped3A = tpu.sem_alloc : memref<!tpu.dma_semaphore, #tpu.memory_space<semaphore_mem>>
      %dma_start3A_226 = arith.constant 0 : i32
      %dma_start3A_227 = tpu.memref_slice %arg2[%add3A_98, %dma_start3A_226] : memref<163840x16xf32, #tpu.memory_space<hbm>> -> memref<1280x16xf32, #tpu.memory_space<hbm>>
      %dma_start3A_228 = arith.constant 0 : i32
      %dma_start3A_229 = tpu.memref_slice %arg2[%add3A_98, %dma_start3A_228] : memref<163840x16xf32, #tpu.memory_space<hbm>> -> memref<1280x16xf32, #tpu.memory_space<hbm>>
      tpu.enqueue_dma source(%dma_start3A_229 : memref<1280x16xf32, #tpu.memory_space<hbm>>) target(%arg11 : memref<1280x16xf32, #tpu.memory_space<vmem>>) target_semaphore(%run_scoped3A : memref<!tpu.dma_semaphore, #tpu.memory_space<semaphore_mem>>)
      %dma_wait3A_230 = arith.constant 0 : i32
      %dma_wait3A_231 = tpu.memref_slice %arg2[%add3A_98, %dma_wait3A_230] : memref<163840x16xf32, #tpu.memory_space<hbm>> -> memref<1280x16xf32, #tpu.memory_space<hbm>>
      %dma_wait3A_232 = arith.constant 0 : i32
      %dma_wait3A_233 = tpu.memref_slice %arg2[%add3A_98, %dma_wait3A_232] : memref<163840x16xf32, #tpu.memory_space<hbm>> -> memref<1280x16xf32, #tpu.memory_space<hbm>>
      tpu.wait_dma2 semaphore(%run_scoped3A : memref<!tpu.dma_semaphore, #tpu.memory_space<semaphore_mem>>) src(%dma_wait3A_233 : memref<1280x16xf32, #tpu.memory_space<hbm>>) dst(%arg11 : memref<1280x16xf32, #tpu.memory_space<vmem>>)
      tpu.yield
    }) : () -> ()
    %scan3A_99 = arith.constant 0 : i32
    %scan3A_100 = arith.constant 0 : i32
    %scan3A_101 = arith.constant 10 : i32
    %scan3A_102 = arith.addi %scan3A_100, %scan3A_101 : i32
    %scan3A_103 = arith.constant 1 : i32
    scf.for %scan3A_226 = %scan3A_100 to %scan3A_102 step %scan3A_103  : i32 {
      %mul3A_227 = arith.constant 128 : i32
      %mul3A_228 = arith.muli %scan3A_226, %mul3A_227 : i32
      %add3A_229 = arith.constant 60 : i32
      %add3A_230 = arith.addi %add3A_229, %scan3A_226 : i32
      %dma_wait3A_231 = arith.constant 0 : i32
      %dma_wait3A_232 = tpu.memref_slice %arg10[%mul3A_228, %dma_wait3A_231] : memref<1280x16xf32, #tpu.memory_space<vmem>> -> memref<128x16xf32, #tpu.memory_space<vmem>>
      %dma_wait3A_233 = arith.constant 0 : i32
      %dma_wait3A_234 = tpu.memref_slice %arg9[%add3A_230, %dma_wait3A_233] : memref<80x128xi32, #tpu.memory_space<vmem>> -> memref<1x128xi32, #tpu.memory_space<vmem>>
      %dma_wait3A_235 = tpu.memref_squeeze %dma_wait3A_234 : memref<1x128xi32, #tpu.memory_space<vmem>> -> memref<128xi32, #tpu.memory_space<vmem>>
      %dma_wait3A_236 = arith.constant 0 : i32
      %dma_wait3A_237 = arith.constant 0 : i32
      %dma_wait3A_238 = tpu.memref_slice %arg14[%dma_wait3A_236, %dma_wait3A_237] : memref<10000x16xf32, #tpu.memory_space<vmem_shared>> -> memref<10000x16xf32, #tpu.memory_space<vmem_shared>>
      tpu.wait_indirect_dma semaphore(%arg15 : memref<!tpu.dma_semaphore, #tpu.memory_space<semaphore_mem>>) src(%dma_wait3A_232 : memref<128x16xf32, #tpu.memory_space<vmem>>) dst(%dma_wait3A_238 : memref<10000x16xf32, #tpu.memory_space<vmem_shared>>)
    }
    %scan3A_104 = arith.constant 10 : i32
    %scan3A_105 = arith.constant 0 : i32
    %scan3A_106 = arith.constant 0 : i32
    %scan3A_107 = arith.constant 10 : i32
    %scan3A_108 = arith.addi %scan3A_106, %scan3A_107 : i32
    %scan3A_109 = arith.constant 1 : i32
    scf.for %scan3A_226 = %scan3A_106 to %scan3A_108 step %scan3A_109  : i32 {
      %mul3A_227 = arith.constant 128 : i32
      %mul3A_228 = arith.muli %scan3A_226, %mul3A_227 : i32
      %add3A_229 = arith.constant 70 : i32
      %add3A_230 = arith.addi %add3A_229, %scan3A_226 : i32
      %dma_start3A_231 = arith.constant 0 : i32
      %dma_start3A_232 = tpu.memref_slice %arg11[%mul3A_228, %dma_start3A_231] : memref<1280x16xf32, #tpu.memory_space<vmem>> -> memref<128x16xf32, #tpu.memory_space<vmem>>
      %dma_start3A_233 = arith.constant 0 : i32
      %dma_start3A_234 = tpu.memref_slice %arg9[%add3A_230, %dma_start3A_233] : memref<80x128xi32, #tpu.memory_space<vmem>> -> memref<1x128xi32, #tpu.memory_space<vmem>>
      %dma_start3A_235 = tpu.memref_squeeze %dma_start3A_234 : memref<1x128xi32, #tpu.memory_space<vmem>> -> memref<128xi32, #tpu.memory_space<vmem>>
      %dma_start3A_236 = arith.constant 0 : i32
      %dma_start3A_237 = arith.constant 0 : i32
      %dma_start3A_238 = tpu.memref_slice %arg14[%dma_start3A_236, %dma_start3A_237] : memref<10000x16xf32, #tpu.memory_space<vmem_shared>> -> memref<10000x16xf32, #tpu.memory_space<vmem_shared>>
      tpu.enqueue_indirect_dma source(%dma_start3A_232 : memref<128x16xf32, #tpu.memory_space<vmem>>) target(%dma_start3A_238 : memref<10000x16xf32, #tpu.memory_space<vmem_shared>>) offsets(%dma_start3A_235 : memref<128xi32, #tpu.memory_space<vmem>>) semaphore(%arg15 : memref<!tpu.dma_semaphore, #tpu.memory_space<semaphore_mem>>) {add = true}
    }
    %scan3A_110 = arith.constant 10 : i32
    %scan3A_111 = arith.constant 0 : i32
    %scan3A_112 = arith.constant 0 : i32
    %scan3A_113 = arith.constant 10 : i32
    %scan3A_114 = arith.addi %scan3A_112, %scan3A_113 : i32
    %scan3A_115 = arith.constant 1 : i32
    scf.for %scan3A_226 = %scan3A_112 to %scan3A_114 step %scan3A_115  : i32 {
      %mul3A_227 = arith.constant 128 : i32
      %mul3A_228 = arith.muli %scan3A_226, %mul3A_227 : i32
      %add3A_229 = arith.constant 70 : i32
      %add3A_230 = arith.addi %add3A_229, %scan3A_226 : i32
      %dma_wait3A_231 = arith.constant 0 : i32
      %dma_wait3A_232 = tpu.memref_slice %arg11[%mul3A_228, %dma_wait3A_231] : memref<1280x16xf32, #tpu.memory_space<vmem>> -> memref<128x16xf32, #tpu.memory_space<vmem>>
      %dma_wait3A_233 = arith.constant 0 : i32
      %dma_wait3A_234 = tpu.memref_slice %arg9[%add3A_230, %dma_wait3A_233] : memref<80x128xi32, #tpu.memory_space<vmem>> -> memref<1x128xi32, #tpu.memory_space<vmem>>
      %dma_wait3A_235 = tpu.memref_squeeze %dma_wait3A_234 : memref<1x128xi32, #tpu.memory_space<vmem>> -> memref<128xi32, #tpu.memory_space<vmem>>
      %dma_wait3A_236 = arith.constant 0 : i32
      %dma_wait3A_237 = arith.constant 0 : i32
      %dma_wait3A_238 = tpu.memref_slice %arg14[%dma_wait3A_236, %dma_wait3A_237] : memref<10000x16xf32, #tpu.memory_space<vmem_shared>> -> memref<10000x16xf32, #tpu.memory_space<vmem_shared>>
      tpu.wait_indirect_dma semaphore(%arg15 : memref<!tpu.dma_semaphore, #tpu.memory_space<semaphore_mem>>) src(%dma_wait3A_232 : memref<128x16xf32, #tpu.memory_space<vmem>>) dst(%dma_wait3A_238 : memref<10000x16xf32, #tpu.memory_space<vmem_shared>>)
    }
    %scan3A_116 = arith.constant 10 : i32
    %barrier3A_117 = arith.constant 0 : index
    tpu.barrier barrier_id(%barrier3A_117)
    %mul3A_118 = arith.constant 625 : i32
    %mul3A_119 = arith.muli %arg1, %mul3A_118 : i32
    "tpu.region"() ({
      %run_scoped3A = tpu.sem_alloc : memref<!tpu.dma_semaphore, #tpu.memory_space<semaphore_mem>>
      %dma_start3A_226 = arith.constant 0 : i32
      %dma_start3A_227 = tpu.memref_slice %arg14[%mul3A_119, %dma_start3A_226] : memref<10000x16xf32, #tpu.memory_space<vmem_shared>> -> memref<625x16xf32, #tpu.memory_space<vmem_shared>>
      %dma_start3A_228 = arith.constant 0 : i32
      %dma_start3A_229 = tpu.memref_slice %arg14[%mul3A_119, %dma_start3A_228] : memref<10000x16xf32, #tpu.memory_space<vmem_shared>> -> memref<625x16xf32, #tpu.memory_space<vmem_shared>>
      tpu.enqueue_dma source(%dma_start3A_229 : memref<625x16xf32, #tpu.memory_space<vmem_shared>>) target(%arg12 : memref<625x16xf32, #tpu.memory_space<vmem>>) target_semaphore(%run_scoped3A : memref<!tpu.dma_semaphore, #tpu.memory_space<semaphore_mem>>)
      %dma_wait3A_230 = arith.constant 0 : i32
      %dma_wait3A_231 = tpu.memref_slice %arg14[%mul3A_119, %dma_wait3A_230] : memref<10000x16xf32, #tpu.memory_space<vmem_shared>> -> memref<625x16xf32, #tpu.memory_space<vmem_shared>>
      %dma_wait3A_232 = arith.constant 0 : i32
      %dma_wait3A_233 = tpu.memref_slice %arg14[%mul3A_119, %dma_wait3A_232] : memref<10000x16xf32, #tpu.memory_space<vmem_shared>> -> memref<625x16xf32, #tpu.memory_space<vmem_shared>>
      tpu.wait_dma2 semaphore(%run_scoped3A : memref<!tpu.dma_semaphore, #tpu.memory_space<semaphore_mem>>) src(%dma_wait3A_233 : memref<625x16xf32, #tpu.memory_space<vmem_shared>>) dst(%arg12 : memref<625x16xf32, #tpu.memory_space<vmem>>)
      tpu.yield
    }) : () -> ()
    %mul3A_120 = arith.constant 625 : i32
    %mul3A_121 = arith.muli %arg1, %mul3A_120 : i32
    "tpu.region"() ({
      %run_scoped3A = tpu.sem_alloc : memref<!tpu.dma_semaphore, #tpu.memory_space<semaphore_mem>>
      %dma_start3A_226 = arith.constant 0 : i32
      %dma_start3A_227 = tpu.memref_slice %arg5[%mul3A_121, %dma_start3A_226] : memref<10000x16xf32, #tpu.memory_space<hbm>> -> memref<625x16xf32, #tpu.memory_space<hbm>>
      %dma_start3A_228 = arith.constant 0 : i32
      %dma_start3A_229 = tpu.memref_slice %arg5[%mul3A_121, %dma_start3A_228] : memref<10000x16xf32, #tpu.memory_space<hbm>> -> memref<625x16xf32, #tpu.memory_space<hbm>>
      tpu.enqueue_dma source(%dma_start3A_229 : memref<625x16xf32, #tpu.memory_space<hbm>>) target(%arg13 : memref<625x16xf32, #tpu.memory_space<vmem>>) target_semaphore(%run_scoped3A : memref<!tpu.dma_semaphore, #tpu.memory_space<semaphore_mem>>)
      %dma_wait3A_230 = arith.constant 0 : i32
      %dma_wait3A_231 = tpu.memref_slice %arg5[%mul3A_121, %dma_wait3A_230] : memref<10000x16xf32, #tpu.memory_space<hbm>> -> memref<625x16xf32, #tpu.memory_space<hbm>>
      %dma_wait3A_232 = arith.constant 0 : i32
      %dma_wait3A_233 = tpu.memref_slice %arg5[%mul3A_121, %dma_wait3A_232] : memref<10000x16xf32, #tpu.memory_space<hbm>> -> memref<625x16xf32, #tpu.memory_space<hbm>>
      tpu.wait_dma2 semaphore(%run_scoped3A : memref<!tpu.dma_semaphore, #tpu.memory_space<semaphore_mem>>) src(%dma_wait3A_233 : memref<625x16xf32, #tpu.memory_space<hbm>>) dst(%arg13 : memref<625x16xf32, #tpu.memory_space<vmem>>)
      tpu.yield
    }) : () -> ()
    %scan3A_122 = arith.constant 0 : i32
    %scan3A_123 = arith.constant 0 : i32
    %scan3A_124 = arith.constant 625 : i32
    %scan3A_125 = arith.addi %scan3A_123, %scan3A_124 : i32
    %scan3A_126 = arith.constant 1 : i32
    scf.for %scan3A_226 = %scan3A_123 to %scan3A_125 step %scan3A_126  : i32 {
      %get3A = arith.index_cast %scan3A_226 : i32 to index
      %get3A_227 = arith.constant 0 : index
      %get3A_228 = tpu.vector_load %arg12[%get3A, %get3A_227] {strides = array<i32>} : memref<625x16xf32, #tpu.memory_space<vmem>>, vector<1x16xf32>,
      %get3A_229 = vector.shape_cast %get3A_228 : vector<1x16xf32> to vector<16xf32>
      %get3A_230 = arith.index_cast %scan3A_226 : i32 to index
      %get3A_231 = arith.constant 0 : index
      %get3A_232 = tpu.vector_load %arg13[%get3A_230, %get3A_231] {strides = array<i32>} : memref<625x16xf32, #tpu.memory_space<vmem>>, vector<1x16xf32>,
      %get3A_233 = vector.shape_cast %get3A_232 : vector<1x16xf32> to vector<16xf32>
      %add3A_234 = arith.addf %get3A_229, %get3A_233 : vector<16xf32>
      %max3A = arith.constant 0.000000e+00 : f32
      %max3A_235 = vector.broadcast %max3A : f32 to vector<16xf32>
      %max3A_236 = arith.maximumf %add3A_234, %max3A_235 : vector<16xf32>
      %swap3A = arith.index_cast %scan3A_226 : i32 to index
      %swap3A_237 = arith.constant 0 : index
      %swap3A_238 = tpu.vector_load %arg12[%swap3A, %swap3A_237] {strides = array<i32>} : memref<625x16xf32, #tpu.memory_space<vmem>>, vector<1x16xf32>,
      %swap3A_239 = vector.shape_cast %swap3A_238 : vector<1x16xf32> to vector<16xf32>
      %swap3A_240 = vector.shape_cast %max3A_236 : vector<16xf32> to vector<1x16xf32>
      tpu.vector_store %arg12[%swap3A, %swap3A_237], %swap3A_240 {strides = array<i32>} : memref<625x16xf32, #tpu.memory_space<vmem>>, vector<1x16xf32>,
    }
    %scan3A_127 = arith.constant 625 : i32
    %mul3A_128 = arith.constant 625 : i32
    %mul3A_129 = arith.muli %arg1, %mul3A_128 : i32
    "tpu.region"() ({
      %run_scoped3A = tpu.sem_alloc : memref<!tpu.dma_semaphore, #tpu.memory_space<semaphore_mem>>
      %dma_start3A_226 = arith.constant 0 : i32
      %dma_start3A_227 = tpu.memref_slice %arg14[%mul3A_129, %dma_start3A_226] : memref<10000x16xf32, #tpu.memory_space<vmem_shared>> -> memref<625x16xf32, #tpu.memory_space<vmem_shared>>
      %dma_start3A_228 = arith.constant 0 : i32
      %dma_start3A_229 = tpu.memref_slice %arg14[%mul3A_129, %dma_start3A_228] : memref<10000x16xf32, #tpu.memory_space<vmem_shared>> -> memref<625x16xf32, #tpu.memory_space<vmem_shared>>
      tpu.enqueue_dma source(%arg12 : memref<625x16xf32, #tpu.memory_space<vmem>>) target(%dma_start3A_229 : memref<625x16xf32, #tpu.memory_space<vmem_shared>>) target_semaphore(%run_scoped3A : memref<!tpu.dma_semaphore, #tpu.memory_space<semaphore_mem>>)
      %dma_wait3A_230 = arith.constant 0 : i32
      %dma_wait3A_231 = tpu.memref_slice %arg14[%mul3A_129, %dma_wait3A_230] : memref<10000x16xf32, #tpu.memory_space<vmem_shared>> -> memref<625x16xf32, #tpu.memory_space<vmem_shared>>
      %dma_wait3A_232 = arith.constant 0 : i32
      %dma_wait3A_233 = tpu.memref_slice %arg14[%mul3A_129, %dma_wait3A_232] : memref<10000x16xf32, #tpu.memory_space<vmem_shared>> -> memref<625x16xf32, #tpu.memory_space<vmem_shared>>
      tpu.wait_dma2 semaphore(%run_scoped3A : memref<!tpu.dma_semaphore, #tpu.memory_space<semaphore_mem>>) src(%arg12 : memref<625x16xf32, #tpu.memory_space<vmem>>) dst(%dma_wait3A_233 : memref<625x16xf32, #tpu.memory_space<vmem_shared>>)
      tpu.yield
    }) : () -> ()
    %eq3A = arith.constant 0 : i32
    %eq3A_130 = arith.cmpi eq, %arg0, %eq3A : i32
    %convert_element_type3A = arith.extui %eq3A_130 : i1 to i32
    %cond3A = arith.constant 0 : i32
    %cond3A_131 = arith.cmpi ne, %convert_element_type3A, %cond3A : i32
    scf.if %cond3A_131 {
      %mul3A_226 = arith.constant 625 : i32
      %mul3A_227 = arith.muli %arg1, %mul3A_226 : i32
      "tpu.region"() ({
        %run_scoped3A = tpu.sem_alloc : memref<!tpu.dma_semaphore, #tpu.memory_space<semaphore_mem>>
        %dma_start3A_228 = arith.constant 0 : i32
        %dma_start3A_229 = tpu.memref_slice %arg8[%mul3A_227, %dma_start3A_228] : memref<10000x16xf32, #tpu.memory_space<hbm>> -> memref<625x16xf32, #tpu.memory_space<hbm>>
        %dma_start3A_230 = arith.constant 0 : i32
        %dma_start3A_231 = tpu.memref_slice %arg8[%mul3A_227, %dma_start3A_230] : memref<10000x16xf32, #tpu.memory_space<hbm>> -> memref<625x16xf32, #tpu.memory_space<hbm>>
        tpu.enqueue_dma source(%arg12 : memref<625x16xf32, #tpu.memory_space<vmem>>) target(%dma_start3A_231 : memref<625x16xf32, #tpu.memory_space<hbm>>) target_semaphore(%run_scoped3A : memref<!tpu.dma_semaphore, #tpu.memory_space<semaphore_mem>>)
        %dma_wait3A_232 = arith.constant 0 : i32
        %dma_wait3A_233 = tpu.memref_slice %arg8[%mul3A_227, %dma_wait3A_232] : memref<10000x16xf32, #tpu.memory_space<hbm>> -> memref<625x16xf32, #tpu.memory_space<hbm>>
        %dma_wait3A_234 = arith.constant 0 : i32
        %dma_wait3A_235 = tpu.memref_slice %arg8[%mul3A_227, %dma_wait3A_234] : memref<10000x16xf32, #tpu.memory_space<hbm>> -> memref<625x16xf32, #tpu.memory_space<hbm>>
        tpu.wait_dma2 semaphore(%run_scoped3A : memref<!tpu.dma_semaphore, #tpu.memory_space<semaphore_mem>>) src(%arg12 : memref<625x16xf32, #tpu.memory_space<vmem>>) dst(%dma_wait3A_235 : memref<625x16xf32, #tpu.memory_space<hbm>>)
        tpu.yield
      }) : () -> ()
    } else {
    }
    %barrier3A_132 = arith.constant 0 : index
    tpu.barrier barrier_id(%barrier3A_132)
    %mul3A_133 = arith.constant 2 : i32
    %mul3A_134 = arith.muli %arg1, %mul3A_133 : i32
    %add3A_135 = arith.addi %mul3A_134, %arg0 : i32
    %mul3A_136 = arith.constant 40 : i32
    %mul3A_137 = arith.muli %add3A_135, %mul3A_136 : i32
    "tpu.region"() ({
      %run_scoped3A = tpu.sem_alloc : memref<!tpu.dma_semaphore, #tpu.memory_space<semaphore_mem>>
      %dma_start3A_226 = arith.constant 0 : i32
      %dma_start3A_227 = arith.constant 0 : i32
      %dma_start3A_228 = tpu.memref_slice %arg9[%dma_start3A_226, %dma_start3A_227] : memref<80x128xi32, #tpu.memory_space<vmem>> -> memref<40x128xi32, #tpu.memory_space<vmem>>
      %dma_start3A_229 = arith.constant 0 : i32
      %dma_start3A_230 = tpu.memref_slice %arg4[%mul3A_137, %dma_start3A_229] : memref<1280x128xi32, #tpu.memory_space<hbm>> -> memref<40x128xi32, #tpu.memory_space<hbm>>
      %dma_start3A_231 = arith.constant 0 : i32
      %dma_start3A_232 = arith.constant 0 : i32
      %dma_start3A_233 = tpu.memref_slice %arg9[%dma_start3A_231, %dma_start3A_232] : memref<80x128xi32, #tpu.memory_space<vmem>> -> memref<40x128xi32, #tpu.memory_space<vmem>>
      %dma_start3A_234 = arith.constant 0 : i32
      %dma_start3A_235 = tpu.memref_slice %arg4[%mul3A_137, %dma_start3A_234] : memref<1280x128xi32, #tpu.memory_space<hbm>> -> memref<40x128xi32, #tpu.memory_space<hbm>>
      tpu.enqueue_dma source(%dma_start3A_235 : memref<40x128xi32, #tpu.memory_space<hbm>>) target(%dma_start3A_233 : memref<40x128xi32, #tpu.memory_space<vmem>>) target_semaphore(%run_scoped3A : memref<!tpu.dma_semaphore, #tpu.memory_space<semaphore_mem>>)
      %dma_wait3A_236 = arith.constant 0 : i32
      %dma_wait3A_237 = arith.constant 0 : i32
      %dma_wait3A_238 = tpu.memref_slice %arg9[%dma_wait3A_236, %dma_wait3A_237] : memref<80x128xi32, #tpu.memory_space<vmem>> -> memref<40x128xi32, #tpu.memory_space<vmem>>
      %dma_wait3A_239 = arith.constant 0 : i32
      %dma_wait3A_240 = tpu.memref_slice %arg4[%mul3A_137, %dma_wait3A_239] : memref<1280x128xi32, #tpu.memory_space<hbm>> -> memref<40x128xi32, #tpu.memory_space<hbm>>
      %dma_wait3A_241 = arith.constant 0 : i32
      %dma_wait3A_242 = arith.constant 0 : i32
      %dma_wait3A_243 = tpu.memref_slice %arg9[%dma_wait3A_241, %dma_wait3A_242] : memref<80x128xi32, #tpu.memory_space<vmem>> -> memref<40x128xi32, #tpu.memory_space<vmem>>
      %dma_wait3A_244 = arith.constant 0 : i32
      %dma_wait3A_245 = tpu.memref_slice %arg4[%mul3A_137, %dma_wait3A_244] : memref<1280x128xi32, #tpu.memory_space<hbm>> -> memref<40x128xi32, #tpu.memory_space<hbm>>
      tpu.wait_dma2 semaphore(%run_scoped3A : memref<!tpu.dma_semaphore, #tpu.memory_space<semaphore_mem>>) src(%dma_wait3A_245 : memref<40x128xi32, #tpu.memory_space<hbm>>) dst(%dma_wait3A_243 : memref<40x128xi32, #tpu.memory_space<vmem>>)
      tpu.yield
    }) : () -> ()
    %mul3A_138 = arith.constant 5120 : i32
    %mul3A_139 = arith.muli %add3A_135, %mul3A_138 : i32
    %scan3A_140 = arith.constant 0 : i32
    %scan3A_141 = arith.constant 0 : i32
    %scan3A_142 = arith.constant 10 : i32
    %scan3A_143 = arith.addi %scan3A_141, %scan3A_142 : i32
    %scan3A_144 = arith.constant 1 : i32
    scf.for %scan3A_226 = %scan3A_141 to %scan3A_143 step %scan3A_144  : i32 {
      %add3A_227 = arith.constant 0 : i32
      %add3A_228 = arith.addi %add3A_227, %scan3A_226 : i32
      %mul3A_229 = arith.constant 128 : i32
      %mul3A_230 = arith.muli %scan3A_226, %mul3A_229 : i32
      %dma_start3A_231 = arith.constant 0 : i32
      %dma_start3A_232 = tpu.memref_slice %arg10[%mul3A_230, %dma_start3A_231] : memref<1280x16xf32, #tpu.memory_space<vmem>> -> memref<128x16xf32, #tpu.memory_space<vmem>>
      %dma_start3A_233 = arith.constant 0 : i32
      %dma_start3A_234 = tpu.memref_slice %arg9[%add3A_228, %dma_start3A_233] : memref<80x128xi32, #tpu.memory_space<vmem>> -> memref<1x128xi32, #tpu.memory_space<vmem>>
      %dma_start3A_235 = tpu.memref_squeeze %dma_start3A_234 : memref<1x128xi32, #tpu.memory_space<vmem>> -> memref<128xi32, #tpu.memory_space<vmem>>
      %dma_start3A_236 = arith.constant 0 : i32
      %dma_start3A_237 = arith.constant 0 : i32
      %dma_start3A_238 = tpu.memref_slice %arg14[%dma_start3A_236, %dma_start3A_237] : memref<10000x16xf32, #tpu.memory_space<vmem_shared>> -> memref<10000x16xf32, #tpu.memory_space<vmem_shared>>
      tpu.enqueue_indirect_dma source(%dma_start3A_238 : memref<10000x16xf32, #tpu.memory_space<vmem_shared>>) target(%dma_start3A_232 : memref<128x16xf32, #tpu.memory_space<vmem>>) offsets(%dma_start3A_235 : memref<128xi32, #tpu.memory_space<vmem>>) semaphore(%arg15 : memref<!tpu.dma_semaphore, #tpu.memory_space<semaphore_mem>>)
    }
    %scan3A_145 = arith.constant 10 : i32
    %scan3A_146 = arith.constant 0 : i32
    %scan3A_147 = arith.constant 0 : i32
    %scan3A_148 = arith.constant 10 : i32
    %scan3A_149 = arith.addi %scan3A_147, %scan3A_148 : i32
    %scan3A_150 = arith.constant 1 : i32
    scf.for %scan3A_226 = %scan3A_147 to %scan3A_149 step %scan3A_150  : i32 {
      %add3A_227 = arith.constant 0 : i32
      %add3A_228 = arith.addi %add3A_227, %scan3A_226 : i32
      %mul3A_229 = arith.constant 128 : i32
      %mul3A_230 = arith.muli %scan3A_226, %mul3A_229 : i32
      %dma_wait3A_231 = arith.constant 0 : i32
      %dma_wait3A_232 = tpu.memref_slice %arg10[%mul3A_230, %dma_wait3A_231] : memref<1280x16xf32, #tpu.memory_space<vmem>> -> memref<128x16xf32, #tpu.memory_space<vmem>>
      %dma_wait3A_233 = arith.constant 0 : i32
      %dma_wait3A_234 = tpu.memref_slice %arg9[%add3A_228, %dma_wait3A_233] : memref<80x128xi32, #tpu.memory_space<vmem>> -> memref<1x128xi32, #tpu.memory_space<vmem>>
      %dma_wait3A_235 = tpu.memref_squeeze %dma_wait3A_234 : memref<1x128xi32, #tpu.memory_space<vmem>> -> memref<128xi32, #tpu.memory_space<vmem>>
      %dma_wait3A_236 = arith.constant 0 : i32
      %dma_wait3A_237 = arith.constant 0 : i32
      %dma_wait3A_238 = tpu.memref_slice %arg14[%dma_wait3A_236, %dma_wait3A_237] : memref<10000x16xf32, #tpu.memory_space<vmem_shared>> -> memref<10000x16xf32, #tpu.memory_space<vmem_shared>>
      tpu.wait_indirect_dma semaphore(%arg15 : memref<!tpu.dma_semaphore, #tpu.memory_space<semaphore_mem>>) src(%dma_wait3A_238 : memref<10000x16xf32, #tpu.memory_space<vmem_shared>>) dst(%dma_wait3A_232 : memref<128x16xf32, #tpu.memory_space<vmem>>)
    }
    %scan3A_151 = arith.constant 10 : i32
    %add3A_152 = arith.constant 0 : i32
    %add3A_153 = arith.addi %mul3A_139, %add3A_152 : i32
    %dma_start3A = arith.constant 0 : i32
    %dma_start3A_154 = tpu.memref_slice %arg7[%add3A_153, %dma_start3A] : memref<163840x16xf32, #tpu.memory_space<hbm>> -> memref<1280x16xf32, #tpu.memory_space<hbm>>
    %dma_start3A_155 = arith.constant 0 : i32
    %dma_start3A_156 = tpu.memref_slice %arg7[%add3A_153, %dma_start3A_155] : memref<163840x16xf32, #tpu.memory_space<hbm>> -> memref<1280x16xf32, #tpu.memory_space<hbm>>
    tpu.enqueue_dma source(%arg10 : memref<1280x16xf32, #tpu.memory_space<vmem>>) target(%dma_start3A_156 : memref<1280x16xf32, #tpu.memory_space<hbm>>) target_semaphore(%arg16 : memref<!tpu.dma_semaphore, #tpu.memory_space<semaphore_mem>>)
    %scan3A_157 = arith.constant 0 : i32
    %scan3A_158 = arith.constant 0 : i32
    %scan3A_159 = arith.constant 10 : i32
    %scan3A_160 = arith.addi %scan3A_158, %scan3A_159 : i32
    %scan3A_161 = arith.constant 1 : i32
    scf.for %scan3A_226 = %scan3A_158 to %scan3A_160 step %scan3A_161  : i32 {
      %add3A_227 = arith.constant 10 : i32
      %add3A_228 = arith.addi %add3A_227, %scan3A_226 : i32
      %mul3A_229 = arith.constant 128 : i32
      %mul3A_230 = arith.muli %scan3A_226, %mul3A_229 : i32
      %dma_start3A_231 = arith.constant 0 : i32
      %dma_start3A_232 = tpu.memref_slice %arg11[%mul3A_230, %dma_start3A_231] : memref<1280x16xf32, #tpu.memory_space<vmem>> -> memref<128x16xf32, #tpu.memory_space<vmem>>
      %dma_start3A_233 = arith.constant 0 : i32
      %dma_start3A_234 = tpu.memref_slice %arg9[%add3A_228, %dma_start3A_233] : memref<80x128xi32, #tpu.memory_space<vmem>> -> memref<1x128xi32, #tpu.memory_space<vmem>>
      %dma_start3A_235 = tpu.memref_squeeze %dma_start3A_234 : memref<1x128xi32, #tpu.memory_space<vmem>> -> memref<128xi32, #tpu.memory_space<vmem>>
      %dma_start3A_236 = arith.constant 0 : i32
      %dma_start3A_237 = arith.constant 0 : i32
      %dma_start3A_238 = tpu.memref_slice %arg14[%dma_start3A_236, %dma_start3A_237] : memref<10000x16xf32, #tpu.memory_space<vmem_shared>> -> memref<10000x16xf32, #tpu.memory_space<vmem_shared>>
      tpu.enqueue_indirect_dma source(%dma_start3A_238 : memref<10000x16xf32, #tpu.memory_space<vmem_shared>>) target(%dma_start3A_232 : memref<128x16xf32, #tpu.memory_space<vmem>>) offsets(%dma_start3A_235 : memref<128xi32, #tpu.memory_space<vmem>>) semaphore(%arg15 : memref<!tpu.dma_semaphore, #tpu.memory_space<semaphore_mem>>)
    }
    %scan3A_162 = arith.constant 10 : i32
    %scan3A_163 = arith.constant 0 : i32
    %scan3A_164 = arith.constant 0 : i32
    %scan3A_165 = arith.constant 10 : i32
    %scan3A_166 = arith.addi %scan3A_164, %scan3A_165 : i32
    %scan3A_167 = arith.constant 1 : i32
    scf.for %scan3A_226 = %scan3A_164 to %scan3A_166 step %scan3A_167  : i32 {
      %add3A_227 = arith.constant 10 : i32
      %add3A_228 = arith.addi %add3A_227, %scan3A_226 : i32
      %mul3A_229 = arith.constant 128 : i32
      %mul3A_230 = arith.muli %scan3A_226, %mul3A_229 : i32
      %dma_wait3A_231 = arith.constant 0 : i32
      %dma_wait3A_232 = tpu.memref_slice %arg11[%mul3A_230, %dma_wait3A_231] : memref<1280x16xf32, #tpu.memory_space<vmem>> -> memref<128x16xf32, #tpu.memory_space<vmem>>
      %dma_wait3A_233 = arith.constant 0 : i32
      %dma_wait3A_234 = tpu.memref_slice %arg9[%add3A_228, %dma_wait3A_233] : memref<80x128xi32, #tpu.memory_space<vmem>> -> memref<1x128xi32, #tpu.memory_space<vmem>>
      %dma_wait3A_235 = tpu.memref_squeeze %dma_wait3A_234 : memref<1x128xi32, #tpu.memory_space<vmem>> -> memref<128xi32, #tpu.memory_space<vmem>>
      %dma_wait3A_236 = arith.constant 0 : i32
      %dma_wait3A_237 = arith.constant 0 : i32
      %dma_wait3A_238 = tpu.memref_slice %arg14[%dma_wait3A_236, %dma_wait3A_237] : memref<10000x16xf32, #tpu.memory_space<vmem_shared>> -> memref<10000x16xf32, #tpu.memory_space<vmem_shared>>
      tpu.wait_indirect_dma semaphore(%arg15 : memref<!tpu.dma_semaphore, #tpu.memory_space<semaphore_mem>>) src(%dma_wait3A_238 : memref<10000x16xf32, #tpu.memory_space<vmem_shared>>) dst(%dma_wait3A_232 : memref<128x16xf32, #tpu.memory_space<vmem>>)
    }
    %scan3A_168 = arith.constant 10 : i32
    %add3A_169 = arith.constant 1280 : i32
    %add3A_170 = arith.addi %mul3A_139, %add3A_169 : i32
    %dma_start3A_171 = arith.constant 0 : i32
    %dma_start3A_172 = tpu.memref_slice %arg7[%add3A_170, %dma_start3A_171] : memref<163840x16xf32, #tpu.memory_space<hbm>> -> memref<1280x16xf32, #tpu.memory_space<hbm>>
    %dma_start3A_173 = arith.constant 0 : i32
    %dma_start3A_174 = tpu.memref_slice %arg7[%add3A_170, %dma_start3A_173] : memref<163840x16xf32, #tpu.memory_space<hbm>> -> memref<1280x16xf32, #tpu.memory_space<hbm>>
    tpu.enqueue_dma source(%arg11 : memref<1280x16xf32, #tpu.memory_space<vmem>>) target(%dma_start3A_174 : memref<1280x16xf32, #tpu.memory_space<hbm>>) target_semaphore(%arg17 : memref<!tpu.dma_semaphore, #tpu.memory_space<semaphore_mem>>)
    %dma_wait3A = arith.constant 0 : i32
    %dma_wait3A_175 = tpu.memref_slice %arg7[%add3A_153, %dma_wait3A] : memref<163840x16xf32, #tpu.memory_space<hbm>> -> memref<1280x16xf32, #tpu.memory_space<hbm>>
    %dma_wait3A_176 = arith.constant 0 : i32
    %dma_wait3A_177 = tpu.memref_slice %arg7[%add3A_153, %dma_wait3A_176] : memref<163840x16xf32, #tpu.memory_space<hbm>> -> memref<1280x16xf32, #tpu.memory_space<hbm>>
    tpu.wait_dma2 semaphore(%arg16 : memref<!tpu.dma_semaphore, #tpu.memory_space<semaphore_mem>>) src(%arg10 : memref<1280x16xf32, #tpu.memory_space<vmem>>) dst(%dma_wait3A_177 : memref<1280x16xf32, #tpu.memory_space<hbm>>)
    %scan3A_178 = arith.constant 0 : i32
    %scan3A_179 = arith.constant 0 : i32
    %scan3A_180 = arith.constant 10 : i32
    %scan3A_181 = arith.addi %scan3A_179, %scan3A_180 : i32
    %scan3A_182 = arith.constant 1 : i32
    scf.for %scan3A_226 = %scan3A_179 to %scan3A_181 step %scan3A_182  : i32 {
      %add3A_227 = arith.constant 20 : i32
      %add3A_228 = arith.addi %add3A_227, %scan3A_226 : i32
      %mul3A_229 = arith.constant 128 : i32
      %mul3A_230 = arith.muli %scan3A_226, %mul3A_229 : i32
      %dma_start3A_231 = arith.constant 0 : i32
      %dma_start3A_232 = tpu.memref_slice %arg10[%mul3A_230, %dma_start3A_231] : memref<1280x16xf32, #tpu.memory_space<vmem>> -> memref<128x16xf32, #tpu.memory_space<vmem>>
      %dma_start3A_233 = arith.constant 0 : i32
      %dma_start3A_234 = tpu.memref_slice %arg9[%add3A_228, %dma_start3A_233] : memref<80x128xi32, #tpu.memory_space<vmem>> -> memref<1x128xi32, #tpu.memory_space<vmem>>
      %dma_start3A_235 = tpu.memref_squeeze %dma_start3A_234 : memref<1x128xi32, #tpu.memory_space<vmem>> -> memref<128xi32, #tpu.memory_space<vmem>>
      %dma_start3A_236 = arith.constant 0 : i32
      %dma_start3A_237 = arith.constant 0 : i32
      %dma_start3A_238 = tpu.memref_slice %arg14[%dma_start3A_236, %dma_start3A_237] : memref<10000x16xf32, #tpu.memory_space<vmem_shared>> -> memref<10000x16xf32, #tpu.memory_space<vmem_shared>>
      tpu.enqueue_indirect_dma source(%dma_start3A_238 : memref<10000x16xf32, #tpu.memory_space<vmem_shared>>) target(%dma_start3A_232 : memref<128x16xf32, #tpu.memory_space<vmem>>) offsets(%dma_start3A_235 : memref<128xi32, #tpu.memory_space<vmem>>) semaphore(%arg15 : memref<!tpu.dma_semaphore, #tpu.memory_space<semaphore_mem>>)
    }
    %scan3A_183 = arith.constant 10 : i32
    %scan3A_184 = arith.constant 0 : i32
    %scan3A_185 = arith.constant 0 : i32
    %scan3A_186 = arith.constant 10 : i32
    %scan3A_187 = arith.addi %scan3A_185, %scan3A_186 : i32
    %scan3A_188 = arith.constant 1 : i32
    scf.for %scan3A_226 = %scan3A_185 to %scan3A_187 step %scan3A_188  : i32 {
      %add3A_227 = arith.constant 20 : i32
      %add3A_228 = arith.addi %add3A_227, %scan3A_226 : i32
      %mul3A_229 = arith.constant 128 : i32
      %mul3A_230 = arith.muli %scan3A_226, %mul3A_229 : i32
      %dma_wait3A_231 = arith.constant 0 : i32
      %dma_wait3A_232 = tpu.memref_slice %arg10[%mul3A_230, %dma_wait3A_231] : memref<1280x16xf32, #tpu.memory_space<vmem>> -> memref<128x16xf32, #tpu.memory_space<vmem>>
      %dma_wait3A_233 = arith.constant 0 : i32
      %dma_wait3A_234 = tpu.memref_slice %arg9[%add3A_228, %dma_wait3A_233] : memref<80x128xi32, #tpu.memory_space<vmem>> -> memref<1x128xi32, #tpu.memory_space<vmem>>
      %dma_wait3A_235 = tpu.memref_squeeze %dma_wait3A_234 : memref<1x128xi32, #tpu.memory_space<vmem>> -> memref<128xi32, #tpu.memory_space<vmem>>
      %dma_wait3A_236 = arith.constant 0 : i32
      %dma_wait3A_237 = arith.constant 0 : i32
      %dma_wait3A_238 = tpu.memref_slice %arg14[%dma_wait3A_236, %dma_wait3A_237] : memref<10000x16xf32, #tpu.memory_space<vmem_shared>> -> memref<10000x16xf32, #tpu.memory_space<vmem_shared>>
      tpu.wait_indirect_dma semaphore(%arg15 : memref<!tpu.dma_semaphore, #tpu.memory_space<semaphore_mem>>) src(%dma_wait3A_238 : memref<10000x16xf32, #tpu.memory_space<vmem_shared>>) dst(%dma_wait3A_232 : memref<128x16xf32, #tpu.memory_space<vmem>>)
    }
    %scan3A_189 = arith.constant 10 : i32
    %add3A_190 = arith.constant 2560 : i32
    %add3A_191 = arith.addi %mul3A_139, %add3A_190 : i32
    %dma_start3A_192 = arith.constant 0 : i32
    %dma_start3A_193 = tpu.memref_slice %arg7[%add3A_191, %dma_start3A_192] : memref<163840x16xf32, #tpu.memory_space<hbm>> -> memref<1280x16xf32, #tpu.memory_space<hbm>>
    %dma_start3A_194 = arith.constant 0 : i32
    %dma_start3A_195 = tpu.memref_slice %arg7[%add3A_191, %dma_start3A_194] : memref<163840x16xf32, #tpu.memory_space<hbm>> -> memref<1280x16xf32, #tpu.memory_space<hbm>>
    tpu.enqueue_dma source(%arg10 : memref<1280x16xf32, #tpu.memory_space<vmem>>) target(%dma_start3A_195 : memref<1280x16xf32, #tpu.memory_space<hbm>>) target_semaphore(%arg16 : memref<!tpu.dma_semaphore, #tpu.memory_space<semaphore_mem>>)
    %dma_wait3A_196 = arith.constant 0 : i32
    %dma_wait3A_197 = tpu.memref_slice %arg7[%add3A_170, %dma_wait3A_196] : memref<163840x16xf32, #tpu.memory_space<hbm>> -> memref<1280x16xf32, #tpu.memory_space<hbm>>
    %dma_wait3A_198 = arith.constant 0 : i32
    %dma_wait3A_199 = tpu.memref_slice %arg7[%add3A_170, %dma_wait3A_198] : memref<163840x16xf32, #tpu.memory_space<hbm>> -> memref<1280x16xf32, #tpu.memory_space<hbm>>
    tpu.wait_dma2 semaphore(%arg17 : memref<!tpu.dma_semaphore, #tpu.memory_space<semaphore_mem>>) src(%arg11 : memref<1280x16xf32, #tpu.memory_space<vmem>>) dst(%dma_wait3A_199 : memref<1280x16xf32, #tpu.memory_space<hbm>>)
    %scan3A_200 = arith.constant 0 : i32
    %scan3A_201 = arith.constant 0 : i32
    %scan3A_202 = arith.constant 10 : i32
    %scan3A_203 = arith.addi %scan3A_201, %scan3A_202 : i32
    %scan3A_204 = arith.constant 1 : i32
    scf.for %scan3A_226 = %scan3A_201 to %scan3A_203 step %scan3A_204  : i32 {
      %add3A_227 = arith.constant 30 : i32
      %add3A_228 = arith.addi %add3A_227, %scan3A_226 : i32
      %mul3A_229 = arith.constant 128 : i32
      %mul3A_230 = arith.muli %scan3A_226, %mul3A_229 : i32
      %dma_start3A_231 = arith.constant 0 : i32
      %dma_start3A_232 = tpu.memref_slice %arg11[%mul3A_230, %dma_start3A_231] : memref<1280x16xf32, #tpu.memory_space<vmem>> -> memref<128x16xf32, #tpu.memory_space<vmem>>
      %dma_start3A_233 = arith.constant 0 : i32
      %dma_start3A_234 = tpu.memref_slice %arg9[%add3A_228, %dma_start3A_233] : memref<80x128xi32, #tpu.memory_space<vmem>> -> memref<1x128xi32, #tpu.memory_space<vmem>>
      %dma_start3A_235 = tpu.memref_squeeze %dma_start3A_234 : memref<1x128xi32, #tpu.memory_space<vmem>> -> memref<128xi32, #tpu.memory_space<vmem>>
      %dma_start3A_236 = arith.constant 0 : i32
      %dma_start3A_237 = arith.constant 0 : i32
      %dma_start3A_238 = tpu.memref_slice %arg14[%dma_start3A_236, %dma_start3A_237] : memref<10000x16xf32, #tpu.memory_space<vmem_shared>> -> memref<10000x16xf32, #tpu.memory_space<vmem_shared>>
      tpu.enqueue_indirect_dma source(%dma_start3A_238 : memref<10000x16xf32, #tpu.memory_space<vmem_shared>>) target(%dma_start3A_232 : memref<128x16xf32, #tpu.memory_space<vmem>>) offsets(%dma_start3A_235 : memref<128xi32, #tpu.memory_space<vmem>>) semaphore(%arg15 : memref<!tpu.dma_semaphore, #tpu.memory_space<semaphore_mem>>)
    }
    %scan3A_205 = arith.constant 10 : i32
    %scan3A_206 = arith.constant 0 : i32
    %scan3A_207 = arith.constant 0 : i32
    %scan3A_208 = arith.constant 10 : i32
    %scan3A_209 = arith.addi %scan3A_207, %scan3A_208 : i32
    %scan3A_210 = arith.constant 1 : i32
    scf.for %scan3A_226 = %scan3A_207 to %scan3A_209 step %scan3A_210  : i32 {
      %add3A_227 = arith.constant 30 : i32
      %add3A_228 = arith.addi %add3A_227, %scan3A_226 : i32
      %mul3A_229 = arith.constant 128 : i32
      %mul3A_230 = arith.muli %scan3A_226, %mul3A_229 : i32
      %dma_wait3A_231 = arith.constant 0 : i32
      %dma_wait3A_232 = tpu.memref_slice %arg11[%mul3A_230, %dma_wait3A_231] : memref<1280x16xf32, #tpu.memory_space<vmem>> -> memref<128x16xf32, #tpu.memory_space<vmem>>
      %dma_wait3A_233 = arith.constant 0 : i32
      %dma_wait3A_234 = tpu.memref_slice %arg9[%add3A_228, %dma_wait3A_233] : memref<80x128xi32, #tpu.memory_space<vmem>> -> memref<1x128xi32, #tpu.memory_space<vmem>>
      %dma_wait3A_235 = tpu.memref_squeeze %dma_wait3A_234 : memref<1x128xi32, #tpu.memory_space<vmem>> -> memref<128xi32, #tpu.memory_space<vmem>>
      %dma_wait3A_236 = arith.constant 0 : i32
      %dma_wait3A_237 = arith.constant 0 : i32
      %dma_wait3A_238 = tpu.memref_slice %arg14[%dma_wait3A_236, %dma_wait3A_237] : memref<10000x16xf32, #tpu.memory_space<vmem_shared>> -> memref<10000x16xf32, #tpu.memory_space<vmem_shared>>
      tpu.wait_indirect_dma semaphore(%arg15 : memref<!tpu.dma_semaphore, #tpu.memory_space<semaphore_mem>>) src(%dma_wait3A_238 : memref<10000x16xf32, #tpu.memory_space<vmem_shared>>) dst(%dma_wait3A_232 : memref<128x16xf32, #tpu.memory_space<vmem>>)
    }
    %scan3A_211 = arith.constant 10 : i32
    %add3A_212 = arith.constant 3840 : i32
    %add3A_213 = arith.addi %mul3A_139, %add3A_212 : i32
    %dma_start3A_214 = arith.constant 0 : i32
    %dma_start3A_215 = tpu.memref_slice %arg7[%add3A_213, %dma_start3A_214] : memref<163840x16xf32, #tpu.memory_space<hbm>> -> memref<1280x16xf32, #tpu.memory_space<hbm>>
    %dma_start3A_216 = arith.constant 0 : i32
    %dma_start3A_217 = tpu.memref_slice %arg7[%add3A_213, %dma_start3A_216] : memref<163840x16xf32, #tpu.memory_space<hbm>> -> memref<1280x16xf32, #tpu.memory_space<hbm>>
    tpu.enqueue_dma source(%arg11 : memref<1280x16xf32, #tpu.memory_space<vmem>>) target(%dma_start3A_217 : memref<1280x16xf32, #tpu.memory_space<hbm>>) target_semaphore(%arg17 : memref<!tpu.dma_semaphore, #tpu.memory_space<semaphore_mem>>)
    %dma_wait3A_218 = arith.constant 0 : i32
    %dma_wait3A_219 = tpu.memref_slice %arg7[%add3A_191, %dma_wait3A_218] : memref<163840x16xf32, #tpu.memory_space<hbm>> -> memref<1280x16xf32, #tpu.memory_space<hbm>>
    %dma_wait3A_220 = arith.constant 0 : i32
    %dma_wait3A_221 = tpu.memref_slice %arg7[%add3A_191, %dma_wait3A_220] : memref<163840x16xf32, #tpu.memory_space<hbm>> -> memref<1280x16xf32, #tpu.memory_space<hbm>>
    tpu.wait_dma2 semaphore(%arg16 : memref<!tpu.dma_semaphore, #tpu.memory_space<semaphore_mem>>) src(%arg10 : memref<1280x16xf32, #tpu.memory_space<vmem>>) dst(%dma_wait3A_221 : memref<1280x16xf32, #tpu.memory_space<hbm>>)
    %dma_wait3A_222 = arith.constant 0 : i32
    %dma_wait3A_223 = tpu.memref_slice %arg7[%add3A_213, %dma_wait3A_222] : memref<163840x16xf32, #tpu.memory_space<hbm>> -> memref<1280x16xf32, #tpu.memory_space<hbm>>
    %dma_wait3A_224 = arith.constant 0 : i32
    %dma_wait3A_225 = tpu.memref_slice %arg7[%add3A_213, %dma_wait3A_224] : memref<163840x16xf32, #tpu.memory_space<hbm>> -> memref<1280x16xf32, #tpu.memory_space<hbm>>
    tpu.wait_dma2 semaphore(%arg17 : memref<!tpu.dma_semaphore, #tpu.memory_space<semaphore_mem>>) src(%arg11 : memref<1280x16xf32, #tpu.memory_space<vmem>>) dst(%dma_wait3A_225 : memref<1280x16xf32, #tpu.memory_space<hbm>>)
    return
  }
}

module attributes {stable_mosaic.version = 14 : i64} {
  func.func @_root_body(%arg0: i32, %arg1: memref<1000x32xf32, #tpu.memory_space<vmem>>, %arg2: memref<32x16xf32, #tpu.memory_space<vmem>>, %arg3: memref<1x16xf32, #tpu.memory_space<vmem>>, %arg4: memref<1000x16xf32, #tpu.memory_space<vmem>>) attributes {dimension_semantics = [#tpu.dimension_semantics<arbitrary>], iteration_bounds = array<i64: 10>, scalar_prefetch = 0 : i64, scratch_operands = 0 : i64, tpu.core_type = #tpu.core_type<tc>, window_params = [{transform_indices = @transform_0, window_bounds = array<i64: 1000, 32>}, {pipeline_mode = #tpu.pipeline_mode<synchronous>, transform_indices = @transform_1, window_bounds = array<i64: 32, 16>}, {pipeline_mode = #tpu.pipeline_mode<synchronous>, transform_indices = @transform_2, window_bounds = array<i64: 1, 16>}, {transform_indices = @transform_3, window_bounds = array<i64: 1000, 16>}]} {
    %get3A = arith.constant 0 : index
    %get3A_0 = arith.constant 0 : index
    %get3A_1 = vector.load %arg1[%get3A, %get3A_0] : memref<1000x32xf32, #tpu.memory_space<vmem>>, vector<1000x32xf32>
    %get3A_2 = arith.constant 0 : index
    %get3A_3 = arith.constant 0 : index
    %get3A_4 = vector.load %arg2[%get3A_2, %get3A_3] : memref<32x16xf32, #tpu.memory_space<vmem>>, vector<32x16xf32>
    %dot_general3A = arith.constant dense<0.000000e+00> : vector<1000x16xf32>
    %dot_general3A_5 = tpu.matmul %get3A_1, %get3A_4, %dot_general3A {dimension_numbers = #tpu.dot_dimension_numbers<[1], [0], [0], [1], [0, 0, 1, 1], [], []>, transpose_lhs_hint = false} : vector<1000x32xf32>, vector<32x16xf32>, vector<1000x16xf32> -> vector<1000x16xf32>
    %get3A_6 = arith.constant 0 : index
    %get3A_7 = arith.constant 0 : index
    %get3A_8 = vector.load %arg3[%get3A_6, %get3A_7] : memref<1x16xf32, #tpu.memory_space<vmem>>, vector<1x16xf32>
    %add3A = vector.broadcast %get3A_8 : vector<1x16xf32> to vector<1000x16xf32>
    %add3A_9 = arith.addf %dot_general3A_5, %add3A : vector<1000x16xf32>
    %swap3A = arith.constant 0 : index
    %swap3A_10 = arith.constant 0 : index
    %swap3A_11 = vector.load %arg4[%swap3A, %swap3A_10] : memref<1000x16xf32, #tpu.memory_space<vmem>>, vector<1000x16xf32>
    tpu.vector_store %arg4[%swap3A, %swap3A_10], %add3A_9 {strides = array<i32>} : memref<1000x16xf32, #tpu.memory_space<vmem>>, vector<1000x16xf32>,
    return
  }
  func.func @transform_0(%arg0: i32) -> (i32, i32) {
    %c0_i32 = arith.constant 0 : i32
    %c0_i32_0 = arith.constant 0 : i32
    return %arg0, %c0_i32 : i32, i32
  }
  func.func @transform_1(%arg0: i32) -> (i32, i32) {
    %c0_i32 = arith.constant 0 : i32
    %c0_i32_0 = arith.constant 0 : i32
    %c0_i32_1 = arith.constant 0 : i32
    return %c0_i32, %c0_i32_0 : i32, i32
  }
  func.func @transform_2(%arg0: i32) -> (i32, i32) {
    %c0_i32 = arith.constant 0 : i32
    %c0_i32_0 = arith.constant 0 : i32
    %c0_i32_1 = arith.constant 0 : i32
    return %c0_i32, %c0_i32_0 : i32, i32
  }
  func.func @transform_3(%arg0: i32) -> (i32, i32) {
    %c0_i32 = arith.constant 0 : i32
    %c0_i32_0 = arith.constant 0 : i32
    return %arg0, %c0_i32 : i32, i32
  }
}

module attributes {stable_mosaic.version = 14 : i64} {
  func.func @body(%arg0: i32, %arg1: memref<2048x16xf32, #tpu.memory_space<vmem>>, %arg2: memref<2048x32xf32, #tpu.memory_space<vmem>>, %arg3: memref<16x16xf32, #tpu.memory_space<vmem>>, %arg4: memref<1x16xf32, #tpu.memory_space<vmem>>, %arg5: memref<16x512xf32, #tpu.memory_space<vmem>>, %arg6: memref<1x512xf32, #tpu.memory_space<vmem>>, %arg7: memref<32x512xf32, #tpu.memory_space<vmem>>, %arg8: memref<2048x16xf32, #tpu.memory_space<vmem>>) attributes {dimension_semantics = [#tpu.dimension_semantics<arbitrary>], iteration_bounds = array<i64: 80>, scalar_prefetch = 0 : i64, scratch_operands = 0 : i64, tpu.core_type = #tpu.core_type<tc>, window_params = [{transform_indices = @transform_0, window_bounds = array<i64: 2048, 16>}, {transform_indices = @transform_1, window_bounds = array<i64: 2048, 32>}, {pipeline_mode = #tpu.pipeline_mode<synchronous>, transform_indices = @transform_2, window_bounds = array<i64: 16, 16>}, {pipeline_mode = #tpu.pipeline_mode<synchronous>, transform_indices = @transform_3, window_bounds = array<i64: 1, 16>}, {pipeline_mode = #tpu.pipeline_mode<synchronous>, transform_indices = @transform_4, window_bounds = array<i64: 16, 512>}, {pipeline_mode = #tpu.pipeline_mode<synchronous>, transform_indices = @transform_5, window_bounds = array<i64: 1, 512>}, {pipeline_mode = #tpu.pipeline_mode<synchronous>, transform_indices = @transform_6, window_bounds = array<i64: 32, 512>}, {transform_indices = @transform_7, window_bounds = array<i64: 2048, 16>}]} {
    %get3A = arith.constant 0 : index
    %get3A_0 = arith.constant 0 : index
    %get3A_1 = vector.load %arg1[%get3A, %get3A_0] : memref<2048x16xf32, #tpu.memory_space<vmem>>, vector<2048x16xf32>
    %get3A_2 = arith.constant 0 : index
    %get3A_3 = arith.constant 0 : index
    %get3A_4 = vector.load %arg3[%get3A_2, %get3A_3] : memref<16x16xf32, #tpu.memory_space<vmem>>, vector<16x16xf32>
    %dot_general3A = arith.constant dense<0.000000e+00> : vector<2048x16xf32>
    %dot_general3A_5 = tpu.matmul %get3A_1, %get3A_4, %dot_general3A {dimension_numbers = #tpu.dot_dimension_numbers<[1], [0], [0], [1], [0, 0, 1, 1], [], []>, transpose_lhs_hint = false} : vector<2048x16xf32>, vector<16x16xf32>, vector<2048x16xf32> -> vector<2048x16xf32>
    %get3A_6 = arith.constant 0 : index
    %get3A_7 = arith.constant 0 : index
    %get3A_8 = vector.load %arg4[%get3A_6, %get3A_7] : memref<1x16xf32, #tpu.memory_space<vmem>>, vector<1x16xf32>
    %add3A = vector.broadcast %get3A_8 : vector<1x16xf32> to vector<2048x16xf32>
    %add3A_9 = arith.addf %dot_general3A_5, %add3A : vector<2048x16xf32>
    %max3A = arith.constant 0.000000e+00 : f32
    %max3A_10 = vector.broadcast %max3A : f32 to vector<2048x16xf32>
    %max3A_11 = arith.maximumf %add3A_9, %max3A_10 : vector<2048x16xf32>
    %get3A_12 = arith.constant 0 : index
    %get3A_13 = arith.constant 0 : index
    %get3A_14 = vector.load %arg5[%get3A_12, %get3A_13] : memref<16x512xf32, #tpu.memory_space<vmem>>, vector<16x512xf32>
    %dot_general3A_15 = arith.constant dense<0.000000e+00> : vector<2048x512xf32>
    %dot_general3A_16 = tpu.matmul %max3A_11, %get3A_14, %dot_general3A_15 {dimension_numbers = #tpu.dot_dimension_numbers<[1], [0], [0], [1], [0, 0, 1, 1], [], []>, transpose_lhs_hint = false} : vector<2048x16xf32>, vector<16x512xf32>, vector<2048x512xf32> -> vector<2048x512xf32>
    %get3A_17 = arith.constant 0 : index
    %get3A_18 = arith.constant 0 : index
    %get3A_19 = vector.load %arg6[%get3A_17, %get3A_18] : memref<1x512xf32, #tpu.memory_space<vmem>>, vector<1x512xf32>
    %add3A_20 = vector.broadcast %get3A_19 : vector<1x512xf32> to vector<2048x512xf32>
    %add3A_21 = arith.addf %dot_general3A_16, %add3A_20 : vector<2048x512xf32>
    %convert_element_type3A = arith.truncf %add3A_21 : vector<2048x512xf32> to vector<2048x512xbf16>
    %convert_element_type3A_22 = arith.extf %convert_element_type3A : vector<2048x512xbf16> to vector<2048x512xf32>
    %get3A_23 = arith.constant 0 : index
    %get3A_24 = arith.constant 0 : index
    %get3A_25 = vector.load %arg2[%get3A_23, %get3A_24] : memref<2048x32xf32, #tpu.memory_space<vmem>>, vector<2048x32xf32>
    %convert_element_type3A_26 = arith.truncf %get3A_25 : vector<2048x32xf32> to vector<2048x32xbf16>
    %convert_element_type3A_27 = arith.extf %convert_element_type3A_26 : vector<2048x32xbf16> to vector<2048x32xf32>
    %get3A_28 = arith.constant 0 : index
    %get3A_29 = arith.constant 0 : index
    %get3A_30 = vector.load %arg7[%get3A_28, %get3A_29] : memref<32x512xf32, #tpu.memory_space<vmem>>, vector<32x512xf32>
    %dot_general3A_31 = arith.constant dense<0.000000e+00> : vector<2048x512xf32>
    %dot_general3A_32 = tpu.matmul %convert_element_type3A_27, %get3A_30, %dot_general3A_31 {dimension_numbers = #tpu.dot_dimension_numbers<[1], [0], [0], [1], [0, 0, 1, 1], [], []>, transpose_lhs_hint = false} : vector<2048x32xf32>, vector<32x512xf32>, vector<2048x512xf32> -> vector<2048x512xf32>
    %mul3A = arith.mulf %convert_element_type3A_22, %dot_general3A_32 : vector<2048x512xf32>
    %slice3A = vector.extract_strided_slice %mul3A {offsets = [0, 0], sizes = [2048, 256], strides = [1, 1]} : vector<2048x512xf32> to vector<2048x256xf32>
    %slice3A_33 = vector.extract_strided_slice %mul3A {offsets = [0, 256], sizes = [2048, 256], strides = [1, 1]} : vector<2048x512xf32> to vector<2048x256xf32>
    %add3A_34 = arith.addf %slice3A, %slice3A_33 : vector<2048x256xf32>
    %slice3A_35 = vector.extract_strided_slice %add3A_34 {offsets = [0, 0], sizes = [2048, 128], strides = [1, 1]} : vector<2048x256xf32> to vector<2048x128xf32>
    %slice3A_36 = vector.extract_strided_slice %add3A_34 {offsets = [0, 128], sizes = [2048, 128], strides = [1, 1]} : vector<2048x256xf32> to vector<2048x128xf32>
    %add3A_37 = arith.addf %slice3A_35, %slice3A_36 : vector<2048x128xf32>
    %slice3A_38 = vector.extract_strided_slice %add3A_37 {offsets = [0, 0], sizes = [2048, 64], strides = [1, 1]} : vector<2048x128xf32> to vector<2048x64xf32>
    %slice3A_39 = vector.extract_strided_slice %add3A_37 {offsets = [0, 64], sizes = [2048, 64], strides = [1, 1]} : vector<2048x128xf32> to vector<2048x64xf32>
    %add3A_40 = arith.addf %slice3A_38, %slice3A_39 : vector<2048x64xf32>
    %slice3A_41 = vector.extract_strided_slice %add3A_40 {offsets = [0, 0], sizes = [2048, 32], strides = [1, 1]} : vector<2048x64xf32> to vector<2048x32xf32>
    %slice3A_42 = vector.extract_strided_slice %add3A_40 {offsets = [0, 32], sizes = [2048, 32], strides = [1, 1]} : vector<2048x64xf32> to vector<2048x32xf32>
    %add3A_43 = arith.addf %slice3A_41, %slice3A_42 : vector<2048x32xf32>
    %slice3A_44 = vector.extract_strided_slice %add3A_43 {offsets = [0, 0], sizes = [2048, 16], strides = [1, 1]} : vector<2048x32xf32> to vector<2048x16xf32>
    %slice3A_45 = vector.extract_strided_slice %add3A_43 {offsets = [0, 16], sizes = [2048, 16], strides = [1, 1]} : vector<2048x32xf32> to vector<2048x16xf32>
    %add3A_46 = arith.addf %slice3A_44, %slice3A_45 : vector<2048x16xf32>
    %mul3A_47 = arith.constant 2048 : i32
    %mul3A_48 = arith.muli %arg0, %mul3A_47 : i32
    %iota3A = tpu.iota {dimensions = array<i32: 0>} : vector<2048x1xi32>
    %add3A_49 = vector.broadcast %mul3A_48 : i32 to vector<2048x1xi32>
    %add3A_50 = arith.addi %add3A_49, %iota3A : vector<2048x1xi32>
    %lt3A = arith.constant 160000 : i32
    %lt3A_51 = vector.broadcast %lt3A : i32 to vector<2048x1xi32>
    %lt3A_52 = arith.cmpi slt, %add3A_50, %lt3A_51 : vector<2048x1xi32>
    %jit3A = arith.constant 0.000000e+00 : f32
    %broadcast_in_dim3A = vector.shape_cast %lt3A_52 : vector<2048x1xi1> to vector<2048x1xi1>
    %broadcast_in_dim3A_53 = vector.broadcast %broadcast_in_dim3A : vector<2048x1xi1> to vector<2048x16xi1>
    %broadcast_in_dim3A_54 = vector.broadcast %jit3A : f32 to vector<2048x16xf32>
    %select_n3A = arith.select %broadcast_in_dim3A_53, %add3A_46, %broadcast_in_dim3A_54 : vector<2048x16xi1>, vector<2048x16xf32>
    %swap3A = arith.constant 0 : index
    %swap3A_55 = arith.constant 0 : index
    %swap3A_56 = vector.load %arg8[%swap3A, %swap3A_55] : memref<2048x16xf32, #tpu.memory_space<vmem>>, vector<2048x16xf32>
    tpu.vector_store %arg8[%swap3A, %swap3A_55], %select_n3A {strides = array<i32>} : memref<2048x16xf32, #tpu.memory_space<vmem>>, vector<2048x16xf32>,
    return
  }
  func.func @transform_0(%arg0: i32) -> (i32, i32) {
    %c0_i32 = arith.constant 0 : i32
    %c0_i32_0 = arith.constant 0 : i32
    return %arg0, %c0_i32 : i32, i32
  }
  func.func @transform_1(%arg0: i32) -> (i32, i32) {
    %c0_i32 = arith.constant 0 : i32
    %c0_i32_0 = arith.constant 0 : i32
    return %arg0, %c0_i32 : i32, i32
  }
  func.func @transform_2(%arg0: i32) -> (i32, i32) {
    %c0_i32 = arith.constant 0 : i32
    %c0_i32_0 = arith.constant 0 : i32
    %c0_i32_1 = arith.constant 0 : i32
    return %c0_i32, %c0_i32_0 : i32, i32
  }
  func.func @transform_3(%arg0: i32) -> (i32, i32) {
    %c0_i32 = arith.constant 0 : i32
    %c0_i32_0 = arith.constant 0 : i32
    %c0_i32_1 = arith.constant 0 : i32
    return %c0_i32, %c0_i32_0 : i32, i32
  }
  func.func @transform_4(%arg0: i32) -> (i32, i32) {
    %c0_i32 = arith.constant 0 : i32
    %c0_i32_0 = arith.constant 0 : i32
    %c0_i32_1 = arith.constant 0 : i32
    return %c0_i32, %c0_i32_0 : i32, i32
  }
  func.func @transform_5(%arg0: i32) -> (i32, i32) {
    %c0_i32 = arith.constant 0 : i32
    %c0_i32_0 = arith.constant 0 : i32
    %c0_i32_1 = arith.constant 0 : i32
    return %c0_i32, %c0_i32_0 : i32, i32
  }
  func.func @transform_6(%arg0: i32) -> (i32, i32) {
    %c0_i32 = arith.constant 0 : i32
    %c0_i32_0 = arith.constant 0 : i32
    %c0_i32_1 = arith.constant 0 : i32
    return %c0_i32, %c0_i32_0 : i32, i32
  }
  func.func @transform_7(%arg0: i32) -> (i32, i32) {
    %c0_i32 = arith.constant 0 : i32
    %c0_i32_0 = arith.constant 0 : i32
    return %arg0, %c0_i32 : i32, i32
  }
}

module attributes {stable_mosaic.version = 14 : i64} {
  func.func @body(%arg0: i32, %arg1: memref<2048x16xf32, #tpu.memory_space<vmem>>, %arg2: memref<2048x16xf32, #tpu.memory_space<vmem>>, %arg3: memref<16x16xf32, #tpu.memory_space<vmem>>, %arg4: memref<1x16xf32, #tpu.memory_space<vmem>>, %arg5: memref<16x256xf32, #tpu.memory_space<vmem>>, %arg6: memref<1x256xf32, #tpu.memory_space<vmem>>, %arg7: memref<16x256xf32, #tpu.memory_space<vmem>>, %arg8: memref<2048x16xf32, #tpu.memory_space<vmem>>) attributes {dimension_semantics = [#tpu.dimension_semantics<arbitrary>], iteration_bounds = array<i64: 80>, scalar_prefetch = 0 : i64, scratch_operands = 0 : i64, tpu.core_type = #tpu.core_type<tc>, window_params = [{transform_indices = @transform_0, window_bounds = array<i64: 2048, 16>}, {transform_indices = @transform_1, window_bounds = array<i64: 2048, 16>}, {pipeline_mode = #tpu.pipeline_mode<synchronous>, transform_indices = @transform_2, window_bounds = array<i64: 16, 16>}, {pipeline_mode = #tpu.pipeline_mode<synchronous>, transform_indices = @transform_3, window_bounds = array<i64: 1, 16>}, {pipeline_mode = #tpu.pipeline_mode<synchronous>, transform_indices = @transform_4, window_bounds = array<i64: 16, 256>}, {pipeline_mode = #tpu.pipeline_mode<synchronous>, transform_indices = @transform_5, window_bounds = array<i64: 1, 256>}, {pipeline_mode = #tpu.pipeline_mode<synchronous>, transform_indices = @transform_6, window_bounds = array<i64: 16, 256>}, {transform_indices = @transform_7, window_bounds = array<i64: 2048, 16>}]} {
    %get3A = arith.constant 0 : index
    %get3A_0 = arith.constant 0 : index
    %get3A_1 = vector.load %arg1[%get3A, %get3A_0] : memref<2048x16xf32, #tpu.memory_space<vmem>>, vector<2048x16xf32>
    %get3A_2 = arith.constant 0 : index
    %get3A_3 = arith.constant 0 : index
    %get3A_4 = vector.load %arg3[%get3A_2, %get3A_3] : memref<16x16xf32, #tpu.memory_space<vmem>>, vector<16x16xf32>
    %dot_general3A = arith.constant dense<0.000000e+00> : vector<2048x16xf32>
    %dot_general3A_5 = tpu.matmul %get3A_1, %get3A_4, %dot_general3A {dimension_numbers = #tpu.dot_dimension_numbers<[1], [0], [0], [1], [0, 0, 1, 1], [], []>, transpose_lhs_hint = false} : vector<2048x16xf32>, vector<16x16xf32>, vector<2048x16xf32> -> vector<2048x16xf32>
    %get3A_6 = arith.constant 0 : index
    %get3A_7 = arith.constant 0 : index
    %get3A_8 = vector.load %arg4[%get3A_6, %get3A_7] : memref<1x16xf32, #tpu.memory_space<vmem>>, vector<1x16xf32>
    %add3A = vector.broadcast %get3A_8 : vector<1x16xf32> to vector<2048x16xf32>
    %add3A_9 = arith.addf %dot_general3A_5, %add3A : vector<2048x16xf32>
    %max3A = arith.constant 0.000000e+00 : f32
    %max3A_10 = vector.broadcast %max3A : f32 to vector<2048x16xf32>
    %max3A_11 = arith.maximumf %add3A_9, %max3A_10 : vector<2048x16xf32>
    %get3A_12 = arith.constant 0 : index
    %get3A_13 = arith.constant 0 : index
    %get3A_14 = vector.load %arg5[%get3A_12, %get3A_13] : memref<16x256xf32, #tpu.memory_space<vmem>>, vector<16x256xf32>
    %dot_general3A_15 = arith.constant dense<0.000000e+00> : vector<2048x256xf32>
    %dot_general3A_16 = tpu.matmul %max3A_11, %get3A_14, %dot_general3A_15 {dimension_numbers = #tpu.dot_dimension_numbers<[1], [0], [0], [1], [0, 0, 1, 1], [], []>, transpose_lhs_hint = false} : vector<2048x16xf32>, vector<16x256xf32>, vector<2048x256xf32> -> vector<2048x256xf32>
    %get3A_17 = arith.constant 0 : index
    %get3A_18 = arith.constant 0 : index
    %get3A_19 = vector.load %arg6[%get3A_17, %get3A_18] : memref<1x256xf32, #tpu.memory_space<vmem>>, vector<1x256xf32>
    %add3A_20 = vector.broadcast %get3A_19 : vector<1x256xf32> to vector<2048x256xf32>
    %add3A_21 = arith.addf %dot_general3A_16, %add3A_20 : vector<2048x256xf32>
    %convert_element_type3A = arith.truncf %add3A_21 : vector<2048x256xf32> to vector<2048x256xbf16>
    %convert_element_type3A_22 = arith.extf %convert_element_type3A : vector<2048x256xbf16> to vector<2048x256xf32>
    %get3A_23 = arith.constant 0 : index
    %get3A_24 = arith.constant 0 : index
    %get3A_25 = vector.load %arg2[%get3A_23, %get3A_24] : memref<2048x16xf32, #tpu.memory_space<vmem>>, vector<2048x16xf32>
    %convert_element_type3A_26 = arith.truncf %get3A_25 : vector<2048x16xf32> to vector<2048x16xbf16>
    %convert_element_type3A_27 = arith.extf %convert_element_type3A_26 : vector<2048x16xbf16> to vector<2048x16xf32>
    %get3A_28 = arith.constant 0 : index
    %get3A_29 = arith.constant 0 : index
    %get3A_30 = vector.load %arg7[%get3A_28, %get3A_29] : memref<16x256xf32, #tpu.memory_space<vmem>>, vector<16x256xf32>
    %dot_general3A_31 = arith.constant dense<0.000000e+00> : vector<2048x256xf32>
    %dot_general3A_32 = tpu.matmul %convert_element_type3A_27, %get3A_30, %dot_general3A_31 {dimension_numbers = #tpu.dot_dimension_numbers<[1], [0], [0], [1], [0, 0, 1, 1], [], []>, transpose_lhs_hint = false} : vector<2048x16xf32>, vector<16x256xf32>, vector<2048x256xf32> -> vector<2048x256xf32>
    %mul3A = arith.mulf %convert_element_type3A_22, %dot_general3A_32 : vector<2048x256xf32>
    %slice3A = vector.extract_strided_slice %mul3A {offsets = [0, 0], sizes = [2048, 128], strides = [1, 1]} : vector<2048x256xf32> to vector<2048x128xf32>
    %slice3A_33 = vector.extract_strided_slice %mul3A {offsets = [0, 128], sizes = [2048, 128], strides = [1, 1]} : vector<2048x256xf32> to vector<2048x128xf32>
    %add3A_34 = arith.addf %slice3A, %slice3A_33 : vector<2048x128xf32>
    %slice3A_35 = vector.extract_strided_slice %add3A_34 {offsets = [0, 0], sizes = [2048, 64], strides = [1, 1]} : vector<2048x128xf32> to vector<2048x64xf32>
    %slice3A_36 = vector.extract_strided_slice %add3A_34 {offsets = [0, 64], sizes = [2048, 64], strides = [1, 1]} : vector<2048x128xf32> to vector<2048x64xf32>
    %add3A_37 = arith.addf %slice3A_35, %slice3A_36 : vector<2048x64xf32>
    %slice3A_38 = vector.extract_strided_slice %add3A_37 {offsets = [0, 0], sizes = [2048, 32], strides = [1, 1]} : vector<2048x64xf32> to vector<2048x32xf32>
    %slice3A_39 = vector.extract_strided_slice %add3A_37 {offsets = [0, 32], sizes = [2048, 32], strides = [1, 1]} : vector<2048x64xf32> to vector<2048x32xf32>
    %add3A_40 = arith.addf %slice3A_38, %slice3A_39 : vector<2048x32xf32>
    %slice3A_41 = vector.extract_strided_slice %add3A_40 {offsets = [0, 0], sizes = [2048, 16], strides = [1, 1]} : vector<2048x32xf32> to vector<2048x16xf32>
    %slice3A_42 = vector.extract_strided_slice %add3A_40 {offsets = [0, 16], sizes = [2048, 16], strides = [1, 1]} : vector<2048x32xf32> to vector<2048x16xf32>
    %add3A_43 = arith.addf %slice3A_41, %slice3A_42 : vector<2048x16xf32>
    %mul3A_44 = arith.constant 2048 : i32
    %mul3A_45 = arith.muli %arg0, %mul3A_44 : i32
    %iota3A = tpu.iota {dimensions = array<i32: 0>} : vector<2048x1xi32>
    %add3A_46 = vector.broadcast %mul3A_45 : i32 to vector<2048x1xi32>
    %add3A_47 = arith.addi %add3A_46, %iota3A : vector<2048x1xi32>
    %lt3A = arith.constant 160000 : i32
    %lt3A_48 = vector.broadcast %lt3A : i32 to vector<2048x1xi32>
    %lt3A_49 = arith.cmpi slt, %add3A_47, %lt3A_48 : vector<2048x1xi32>
    %jit3A = arith.constant 0.000000e+00 : f32
    %broadcast_in_dim3A = vector.shape_cast %lt3A_49 : vector<2048x1xi1> to vector<2048x1xi1>
    %broadcast_in_dim3A_50 = vector.broadcast %broadcast_in_dim3A : vector<2048x1xi1> to vector<2048x16xi1>
    %broadcast_in_dim3A_51 = vector.broadcast %jit3A : f32 to vector<2048x16xf32>
    %select_n3A = arith.select %broadcast_in_dim3A_50, %add3A_43, %broadcast_in_dim3A_51 : vector<2048x16xi1>, vector<2048x16xf32>
    %swap3A = arith.constant 0 : index
    %swap3A_52 = arith.constant 0 : index
    %swap3A_53 = vector.load %arg8[%swap3A, %swap3A_52] : memref<2048x16xf32, #tpu.memory_space<vmem>>, vector<2048x16xf32>
    tpu.vector_store %arg8[%swap3A, %swap3A_52], %select_n3A {strides = array<i32>} : memref<2048x16xf32, #tpu.memory_space<vmem>>, vector<2048x16xf32>,
    return
  }
  func.func @transform_0(%arg0: i32) -> (i32, i32) {
    %c0_i32 = arith.constant 0 : i32
    %c0_i32_0 = arith.constant 0 : i32
    return %arg0, %c0_i32 : i32, i32
  }
  func.func @transform_1(%arg0: i32) -> (i32, i32) {
    %c0_i32 = arith.constant 0 : i32
    %c0_i32_0 = arith.constant 0 : i32
    return %arg0, %c0_i32 : i32, i32
  }
  func.func @transform_2(%arg0: i32) -> (i32, i32) {
    %c0_i32 = arith.constant 0 : i32
    %c0_i32_0 = arith.constant 0 : i32
    %c0_i32_1 = arith.constant 0 : i32
    return %c0_i32, %c0_i32_0 : i32, i32
  }
  func.func @transform_3(%arg0: i32) -> (i32, i32) {
    %c0_i32 = arith.constant 0 : i32
    %c0_i32_0 = arith.constant 0 : i32
    %c0_i32_1 = arith.constant 0 : i32
    return %c0_i32, %c0_i32_0 : i32, i32
  }
  func.func @transform_4(%arg0: i32) -> (i32, i32) {
    %c0_i32 = arith.constant 0 : i32
    %c0_i32_0 = arith.constant 0 : i32
    %c0_i32_1 = arith.constant 0 : i32
    return %c0_i32, %c0_i32_0 : i32, i32
  }
  func.func @transform_5(%arg0: i32) -> (i32, i32) {
    %c0_i32 = arith.constant 0 : i32
    %c0_i32_0 = arith.constant 0 : i32
    %c0_i32_1 = arith.constant 0 : i32
    return %c0_i32, %c0_i32_0 : i32, i32
  }
  func.func @transform_6(%arg0: i32) -> (i32, i32) {
    %c0_i32 = arith.constant 0 : i32
    %c0_i32_0 = arith.constant 0 : i32
    %c0_i32_1 = arith.constant 0 : i32
    return %c0_i32, %c0_i32_0 : i32, i32
  }
  func.func @transform_7(%arg0: i32) -> (i32, i32) {
    %c0_i32 = arith.constant 0 : i32
    %c0_i32_0 = arith.constant 0 : i32
    return %arg0, %c0_i32 : i32, i32
  }
}

module attributes {stable_mosaic.version = 14 : i64} {
  func.func @_root_body(%arg0: i32, %arg1: memref<1000x16xf32, #tpu.memory_space<vmem>>, %arg2: memref<16x16xf32, #tpu.memory_space<vmem>>, %arg3: memref<1x16xf32, #tpu.memory_space<vmem>>, %arg4: memref<1000x16xf32, #tpu.memory_space<vmem>>) attributes {dimension_semantics = [#tpu.dimension_semantics<arbitrary>], iteration_bounds = array<i64: 10>, scalar_prefetch = 0 : i64, scratch_operands = 0 : i64, tpu.core_type = #tpu.core_type<tc>, window_params = [{transform_indices = @transform_0, window_bounds = array<i64: 1000, 16>}, {pipeline_mode = #tpu.pipeline_mode<synchronous>, transform_indices = @transform_1, window_bounds = array<i64: 16, 16>}, {pipeline_mode = #tpu.pipeline_mode<synchronous>, transform_indices = @transform_2, window_bounds = array<i64: 1, 16>}, {transform_indices = @transform_3, window_bounds = array<i64: 1000, 16>}]} {
    %get3A = arith.constant 0 : index
    %get3A_0 = arith.constant 0 : index
    %get3A_1 = vector.load %arg1[%get3A, %get3A_0] : memref<1000x16xf32, #tpu.memory_space<vmem>>, vector<1000x16xf32>
    %get3A_2 = arith.constant 0 : index
    %get3A_3 = arith.constant 0 : index
    %get3A_4 = vector.load %arg2[%get3A_2, %get3A_3] : memref<16x16xf32, #tpu.memory_space<vmem>>, vector<16x16xf32>
    %dot_general3A = arith.constant dense<0.000000e+00> : vector<1000x16xf32>
    %dot_general3A_5 = tpu.matmul %get3A_1, %get3A_4, %dot_general3A {dimension_numbers = #tpu.dot_dimension_numbers<[1], [0], [0], [1], [0, 0, 1, 1], [], []>, transpose_lhs_hint = false} : vector<1000x16xf32>, vector<16x16xf32>, vector<1000x16xf32> -> vector<1000x16xf32>
    %get3A_6 = arith.constant 0 : index
    %get3A_7 = arith.constant 0 : index
    %get3A_8 = vector.load %arg3[%get3A_6, %get3A_7] : memref<1x16xf32, #tpu.memory_space<vmem>>, vector<1x16xf32>
    %add3A = vector.broadcast %get3A_8 : vector<1x16xf32> to vector<1000x16xf32>
    %add3A_9 = arith.addf %dot_general3A_5, %add3A : vector<1000x16xf32>
    %swap3A = arith.constant 0 : index
    %swap3A_10 = arith.constant 0 : index
    %swap3A_11 = vector.load %arg4[%swap3A, %swap3A_10] : memref<1000x16xf32, #tpu.memory_space<vmem>>, vector<1000x16xf32>
    tpu.vector_store %arg4[%swap3A, %swap3A_10], %add3A_9 {strides = array<i32>} : memref<1000x16xf32, #tpu.memory_space<vmem>>, vector<1000x16xf32>,
    return
  }
  func.func @transform_0(%arg0: i32) -> (i32, i32) {
    %c0_i32 = arith.constant 0 : i32
    %c0_i32_0 = arith.constant 0 : i32
    return %arg0, %c0_i32 : i32, i32
  }
  func.func @transform_1(%arg0: i32) -> (i32, i32) {
    %c0_i32 = arith.constant 0 : i32
    %c0_i32_0 = arith.constant 0 : i32
    %c0_i32_1 = arith.constant 0 : i32
    return %c0_i32, %c0_i32_0 : i32, i32
  }
  func.func @transform_2(%arg0: i32) -> (i32, i32) {
    %c0_i32 = arith.constant 0 : i32
    %c0_i32_0 = arith.constant 0 : i32
    %c0_i32_1 = arith.constant 0 : i32
    return %c0_i32, %c0_i32_0 : i32, i32
  }
  func.func @transform_3(%arg0: i32) -> (i32, i32) {
    %c0_i32 = arith.constant 0 : i32
    %c0_i32_0 = arith.constant 0 : i32
    return %arg0, %c0_i32 : i32, i32
  }
}

module attributes {stable_mosaic.version = 14 : i64} {
  func.func @_final_body(%arg0: memref<10000x16xf32, #tpu.memory_space<vmem>>, %arg1: memref<10000x1xi32, #tpu.memory_space<vmem>>, %arg2: memref<16x16xf32, #tpu.memory_space<vmem>>, %arg3: memref<1x16xf32, #tpu.memory_space<vmem>>, %arg4: memref<16x1xf32, #tpu.memory_space<vmem>>, %arg5: memref<1x1xf32, #tpu.memory_space<vmem>>, %arg6: memref<64x1xf32, #tpu.memory_space<vmem>>, %arg7: memref<64x16xf32, #tpu.memory_space<vmem>>) attributes {dimension_semantics = [], scalar_prefetch = 0 : i64, scratch_operands = 1 : i64, tpu.core_type = #tpu.core_type<tc>} {
    %get3A = arith.constant 0 : index
    %get3A_0 = arith.constant 0 : index
    %get3A_1 = vector.load %arg0[%get3A, %get3A_0] : memref<10000x16xf32, #tpu.memory_space<vmem>>, vector<10000x16xf32>
    %get3A_2 = arith.constant 0 : index
    %get3A_3 = arith.constant 0 : index
    %get3A_4 = vector.load %arg1[%get3A_2, %get3A_3] : memref<10000x1xi32, #tpu.memory_space<vmem>>, vector<10000x1xi32>
    %scan3A = arith.constant 0 : i32
    %scan3A_5 = arith.constant 64 : i32
    %scan3A_6 = arith.addi %scan3A, %scan3A_5 : i32
    %scan3A_7 = arith.constant 1 : i32
    scf.for %scan3A_32 = %scan3A to %scan3A_6 step %scan3A_7  : i32 {
      %eq3A = vector.broadcast %scan3A_32 : i32 to vector<10000x1xi32>
      %eq3A_33 = arith.cmpi eq, %get3A_4, %eq3A : vector<10000x1xi32>
      %jit3A = arith.constant 0xFF800000 : f32
      %broadcast_in_dim3A = vector.shape_cast %eq3A_33 : vector<10000x1xi1> to vector<10000x1xi1>
      %broadcast_in_dim3A_34 = vector.broadcast %broadcast_in_dim3A : vector<10000x1xi1> to vector<10000x16xi1>
      %broadcast_in_dim3A_35 = vector.broadcast %jit3A : f32 to vector<10000x16xf32>
      %select_n3A = arith.select %broadcast_in_dim3A_34, %get3A_1, %broadcast_in_dim3A_35 : vector<10000x16xi1>, vector<10000x16xf32>
      %reduce_max3A = arith.constant dense<0xFF800000> : vector<16xf32>
      %reduce_max3A_36 = vector.multi_reduction <maximumf>, %select_n3A, %reduce_max3A [0] : vector<10000x16xf32> to vector<16xf32>
      %broadcast_in_dim3A_37 = vector.shape_cast %reduce_max3A_36 : vector<16xf32> to vector<1x16xf32>
      %swap3A_38 = arith.index_cast %scan3A_32 : i32 to index
      %swap3A_39 = arith.constant 0 : index
      %swap3A_40 = vector.load %arg7[%swap3A_38, %swap3A_39] : memref<64x16xf32, #tpu.memory_space<vmem>>, vector<1x16xf32>
      tpu.vector_store %arg7[%swap3A_38, %swap3A_39], %broadcast_in_dim3A_37 {strides = array<i32>} : memref<64x16xf32, #tpu.memory_space<vmem>>, vector<1x16xf32>,
    }
    %scan3A_8 = arith.constant 64 : i32
    %get3A_9 = arith.constant 0 : index
    %get3A_10 = arith.constant 0 : index
    %get3A_11 = vector.load %arg7[%get3A_9, %get3A_10] : memref<64x16xf32, #tpu.memory_space<vmem>>, vector<64x16xf32>
    %get3A_12 = arith.constant 0 : index
    %get3A_13 = arith.constant 0 : index
    %get3A_14 = vector.load %arg2[%get3A_12, %get3A_13] : memref<16x16xf32, #tpu.memory_space<vmem>>, vector<16x16xf32>
    %dot_general3A = arith.constant dense<0.000000e+00> : vector<64x16xf32>
    %dot_general3A_15 = tpu.matmul %get3A_11, %get3A_14, %dot_general3A {dimension_numbers = #tpu.dot_dimension_numbers<[1], [0], [0], [1], [0, 0, 1, 1], [], []>, transpose_lhs_hint = false} : vector<64x16xf32>, vector<16x16xf32>, vector<64x16xf32> -> vector<64x16xf32>
    %get3A_16 = arith.constant 0 : index
    %get3A_17 = arith.constant 0 : index
    %get3A_18 = vector.load %arg3[%get3A_16, %get3A_17] : memref<1x16xf32, #tpu.memory_space<vmem>>, vector<1x16xf32>
    %add3A = vector.broadcast %get3A_18 : vector<1x16xf32> to vector<64x16xf32>
    %add3A_19 = arith.addf %dot_general3A_15, %add3A : vector<64x16xf32>
    %get3A_20 = arith.constant 0 : index
    %get3A_21 = arith.constant 0 : index
    %get3A_22 = vector.load %arg4[%get3A_20, %get3A_21] : memref<16x1xf32, #tpu.memory_space<vmem>>, vector<16x1xf32>
    %dot_general3A_23 = arith.constant dense<0.000000e+00> : vector<64x1xf32>
    %dot_general3A_24 = tpu.matmul %add3A_19, %get3A_22, %dot_general3A_23 {dimension_numbers = #tpu.dot_dimension_numbers<[1], [0], [0], [1], [0, 0, 1, 1], [], []>, transpose_lhs_hint = false} : vector<64x16xf32>, vector<16x1xf32>, vector<64x1xf32> -> vector<64x1xf32>
    %get3A_25 = arith.constant 0 : index
    %get3A_26 = arith.constant 0 : index
    %get3A_27 = vector.load %arg5[%get3A_25, %get3A_26] : memref<1x1xf32, #tpu.memory_space<vmem>>, vector<1x1xf32>
    %add3A_28 = vector.broadcast %get3A_27 : vector<1x1xf32> to vector<64x1xf32>
    %add3A_29 = arith.addf %dot_general3A_24, %add3A_28 : vector<64x1xf32>
    %swap3A = arith.constant 0 : index
    %swap3A_30 = arith.constant 0 : index
    %swap3A_31 = vector.load %arg6[%swap3A, %swap3A_30] : memref<64x1xf32, #tpu.memory_space<vmem>>, vector<64x1xf32>
    tpu.vector_store %arg6[%swap3A, %swap3A_30], %add3A_29 {strides = array<i32>} : memref<64x1xf32, #tpu.memory_space<vmem>>, vector<64x1xf32>,
    return
  }
}

</mosaic_0001>

<sc_bundles>
// kernel: kernel.10.cloned.1.call-start
scs
__scs_entry_jumppad:
0x0: {  	(pc) =	sbr.rel $0x88, $3  }
0x1: {  	(tag) =	ssettag $0x0;
	lr =	simm.s32 $0x1  }
0x2: {  	[smem:$0x3F8D] =	sst lr;
	_ =	strace $0xD0000000  }
0x3: {  	_ = 	snop  }
0x4: {  	_ = 	snop  }
0x5: {  	_ = 	snop  }
0x6: {  	_ = 	snop  }
0x7: {  	_ = 	snop  }
__scs_overlays_trampoline_lowered:
0x8: {  	[smem:$0x3F9C] =	sst s0  }
0x9: {  	[smem:$0x3F9D] =	sst s1  }
0xa: {  	[smem:$0x3F9E] =	sst s2  }
0xb: {  	[smem:$0x3F9F] =	sst s3  }
0xc: {  	[smem:$0x3FA0] =	sst s4  }
0xd: {  	[smem:$0x3FA1] =	sst s5  }
0xe: {  	[smem:$0x3FA2] =	sst s6  }
0xf: {  	[smem:$0x3FA3] =	sst s7  }
0x10: {  	[smem:$0x3FA4] =	sst s8  }
0x11: {  	[smem:$0x3FA5] =	sst s9;
	s0 =	simm.s32 @!p0 $0x0  }
0x12: {  	s1 =	sld [smem:$0x3F8B];
	s0 =	simm.s32 @p0 $0x1  }
0x13: {  	[smem:$0x3FA6] =	sst s0;
	s0 =	simm.s32 @!p1 $0x0  }
0x14: {  	s2 =	sld [smem:$0x3F8A];
	s0 =	simm.s32 @p1 $0x1  }
0x15: {  	[smem:$0x3FA7] =	sst s0;
	s0 =	simm.s32 @!p2 $0x0  }
0x16: {  	s3 =	sld [smem:$0x3FDB];
	s0 =	simm.s32 @p2 $0x1  }
0x17: {  	s4 =	simm.s32 $0x1BF5;
	[smem:$0x3FA9] =	sst s0  }
0x18: {  	s0 =	sld [smem:$0x3F8C];
	_ =	swait.ge [sflag:s4], $0x0  }
0x19: {  	s7 =	sld [smem:$0x3F8D]  }
0x1a: {  	s8 =	sadd.s32 $0xFFFFE003, lr  }
0x1b: {  	s9 =	sadd.s32 $0xFFFFFEF7, lr;
	s5 =	simm.s32 $0xFFFFFFFF;
	p2 =	slt.u32 s8, $0xFFFFF086  }
0x1c: {  	p1 =	slt.u32 s9, $0xF7A;
	s5 =	simm.s32 @!p2 $0x0  }
0x1d: {  	s5 =	simm.s32 @p1 $0x1;
	p0 =	seq.s32 s7, s2  }
0x1e: {  	s7 =	smul.u32 @!p0 $0xF7A, s2;
	p2 =	seq.s32 @!p0 s5, $0x0  }
0x1f: {  	s9 =	smul.u32 $0xF7A, s1;
	s8 =	simm.s32 @!p0 $0x1BF5;
	p2 =	por !p2, p0  }
0x20: {  	[sflag:s8] =	ssyncset.s32 @!p0 $0xFFFFF086;
	s6 =	sadd.s32 @!p0 s3, s7;
	s7 =	simm.s32 @!p0 $0x108  }
0x21: {  	s3 =	sadd.s32 s3, s9;
	s6 =	sadd.s32 @!p0 $0x88, s6;
	s7 =	simm.s32 @p2 $0x1082  }
0x22: {  	[simem:s7], [sflag:s8] =	dma.local @!p0 [hbm:s6], $0xF7A  }
0x23: {  	s9 =	sor.u32 $0xD0000000, s2;
	s6 =	simm.s32 $0x108;
	_ =	swait.ge @!p0 [sflag:s8], $0x0  }
0x24: {  	s3 =	sadd.s32 $0x88, s3;
	s6 =	simm.s32 @!p1 $0x1082;
	[sflag:s4] =	ssyncset.s32 $0xFFFFF086  }
0x25: {  	[simem:s6], [sflag:s4] =	dma.local [hbm:s3], $0xF7A  }
0x26: {  	[smem:$0x3F8D] =	sst s1;
	(tag) =	ssettag s2;
	_ =	strace s9  }
0x27: {  	s1 =	sld [smem:$0x3F9D]  }
0x28: {  	s2 =	sld [smem:$0x3F9E]  }
0x29: {  	s4 =	sld [smem:$0x3FA0]  }
0x2a: {  	p0 =	seq.s32 s5, $0x0;
	s5 =	sld [smem:$0x3FA1]  }
0x2b: {  	s6 =	sld [smem:$0x3FA2]  }
0x2c: {  	s7 =	sld [smem:$0x3FA3]  }
0x2d: {  	s3 =	simm.s32 $0x108;
	s8 =	sld [smem:$0x3FA4]  }
0x2e: {  	s3 =	simm.s32 @!p0 $0x1082;
	s9 =	sld [smem:$0x3FA5]  }
0x2f: {  	lr =	sadd.s32 s0, s3;
	s0 =	sld [smem:$0x3F9C]  }
0x30: {  	s3 =	sld [smem:$0x3F9F]  }
0x31: {  	[smem:$0x3FA8] =	sst s10  }
0x32: {  	s10 =	sld [smem:$0x3FA6];
	_ =	sdelay $0x3  }
0x33: {  	p0 =	seq.s32 s10, $0x1;
	s10 =	sld [smem:$0x3FA8];
	_ =	sdelay $0x3  }
0x34: {  	[smem:$0x3FA8] =	sst s10  }
0x35: {  	s10 =	sld [smem:$0x3FA7];
	_ =	sdelay $0x3  }
0x36: {  	p1 =	seq.s32 s10, $0x1;
	s10 =	sld [smem:$0x3FA8];
	_ =	sdelay $0x3  }
0x37: {  	[smem:$0x3FA8] =	sst s10  }
0x38: {  	s10 =	sld [smem:$0x3FA9]  }
0x39: {  	_ = 	snop;
	(pc) =	sbr.ind lr, $3  }
0x3a: {  	_ = 	snop  }
0x3b: {  	_ = 	snop  }
0x3c: {  	p2 =	seq.s32 s10, $0x1;
	s10 =	sld [smem:$0x3FA8]  }
0x3d: {  	_ =	shalt  }
0x3e: {  	_ =	shalt  }
0x3f: {  	_ =	shalt  }
0x40: {  	_ =	shalt  }
0x41: {  	_ =	shalt  }
0x42: {  	_ =	shalt  }
0x43: {  	_ =	shalt  }
0x44: {  	_ =	shalt  }
0x45: {  	_ =	shalt  }
0x46: {  	_ =	shalt  }
0x47: {  	_ =	shalt  }
0x48: {  	_ =	shalt  }
0x49: {  	_ =	shalt  }
0x4a: {  	_ =	shalt  }
0x4b: {  	_ =	shalt  }
0x4c: {  	_ =	shalt  }
0x4d: {  	_ =	shalt  }
0x4e: {  	_ =	shalt  }
0x4f: {  	_ =	shalt  }
0x50: {  	_ =	shalt  }
0x51: {  	_ =	shalt  }
0x52: {  	_ =	shalt  }
0x53: {  	_ =	shalt  }
0x54: {  	_ =	shalt  }
0x55: {  	_ =	shalt  }
0x56: {  	_ =	shalt  }
0x57: {  	_ =	shalt  }
0x58: {  	_ =	shalt  }
0x59: {  	_ =	shalt  }
0x5a: {  	_ =	shalt  }
0x5b: {  	_ =	shalt  }
0x5c: {  	_ =	shalt  }
0x5d: {  	_ =	shalt  }
0x5e: {  	_ =	shalt  }
0x5f: {  	_ =	shalt  }
0x60: {  	_ =	shalt  }
0x61: {  	_ =	shalt  }
0x62: {  	_ =	shalt  }
0x63: {  	_ =	shalt  }
0x64: {  	_ =	shalt  }
0x65: {  	_ =	shalt  }
0x66: {  	_ =	shalt  }
0x67: {  	_ =	shalt  }
0x68: {  	_ =	shalt  }
0x69: {  	_ =	shalt  }
0x6a: {  	_ =	shalt  }
0x6b: {  	_ =	shalt  }
0x6c: {  	_ =	shalt  }
0x6d: {  	_ =	shalt  }
0x6e: {  	_ =	shalt  }
0x6f: {  	_ =	shalt  }
0x70: {  	_ =	shalt  }
0x71: {  	_ =	shalt  }
0x72: {  	_ =	shalt  }
0x73: {  	_ =	shalt  }
0x74: {  	_ =	shalt  }
0x75: {  	_ =	shalt  }
0x76: {  	_ =	shalt  }
0x77: {  	_ =	shalt  }
0x78: {  	_ =	shalt  }
0x79: {  	_ =	shalt  }
0x7a: {  	_ =	shalt  }
0x7b: {  	_ =	shalt  }
0x7c: {  	_ =	shalt  }
0x7d: {  	_ =	shalt  }
0x7e: {  	_ =	shalt  }
0x7f: {  	_ =	shalt  }
0x80: {  	_ =	shalt  }
0x81: {  	_ =	shalt  }
0x82: {  	_ =	shalt  }
0x83: {  	_ =	shalt  }
0x84: {  	_ =	shalt  }
0x85: {  	_ =	shalt  }
0x86: {  	_ =	shalt  }
0x87: {  	_ =	shalt  }
.Lfunc_end0:
.L_simem_size_0:
called_computation_lowered:
.L_overlay_start_0:
0x88: {  	s2 =	sld [smem:$0x3FD9]  }
0x89: {  	s3 =	sld [smem:$0x3FFE];
	_ =	sdelay $0x1  }
0x8a: {  	s1 =	srdreg.scid  }
0x8b: {  	s0 =	sand.u32 $0x1, s1  }
0x8c: {  	s16 =	sshll.u32 s0, $0xA;
	s2 =	sadd.s32 s3, s2  }
0x8d: {  	s2 =	sadd.s32 s2, s16  }
0x8e: {  	[smem:$0x3FB4] =	sst s2  }
0x8f: {  	_ = 	snop  }
0x90: {  	(tm) =	ssettm $0x1  }
0x91: {  	s17 =	sld [smem:$0x3FFB];
	_ =	sdelay $0x3  }
0x92: {  	_ =	strace s17  }
0x93: {  	s2 =	sld [smem:$0x3FFC];
	_ =	sdelay $0x3  }
0x94: {  	_ =	strace s2  }
0x95: {  	s2 =	sld [smem:$0x3FFD];
	_ =	sdelay $0x3  }
0x96: {  	_ =	strace s2  }
0x97: {  	_ =	strace $0x8FFFFFFF  }
0x98: {  	s18 =	sld [smem:$0x3FDB];
	_ =	sdelay $0x1  }
0x99: {  	s19 =	simm.s32 $_scs_section_size  }
0x9a: {  	s4 =	simm.s32 $_size__tile_overlayer_lowered;
	s5 =	simm.s32 $_tile_overlayer_lowered  }
0x9b: {  	s22 =	simm.s32 $0x1BFF;
	s21 =	sshll.u32 s5, $0x1;
	s2 =	sadd.s32 s19, s18  }
0x9c: {  	s6 =	simm.s32 $0x0;
	s20 =	sshll.u32 s4, $0x1;
	s4 =	sadd.s32 s21, s2  }
0x9d: {  	[timem:s6], [sflag:s22] =	dma.local [hbm:s4], s20  }
0x9e: {  	_ =	swait.ge [sflag:s22], s20  }
0x9f: {  	s3 =	ssub.s32 $0x0, s20;
	[sflag:s22] =	ssyncset.done $0x0  }
0xa0: {  	[sflag:s22] =	ssyncadd.s32 s3;
	_ =	sdelay $0x1  }
0xa1: {  	s23 =	simm.s32 $0x1B8B  }
0xa2: {  	_ =	swait.ge [sflag:s23], $0x1  }
0xa3: {  	[sflag:s23] =	ssyncset.done $0x0  }
0xa4: {  	s25 =	simm.s32 $0x1B8E;
	s24 =	sld [smem:$0x3FFE];
	[sflag:s23] =	ssyncadd.s32 $0xFFFFFFFF  }
0xa5: {  	s26 =	simm.s32 $execute0_lowered;
	[smem:$0x3FD2] =	sst s25  }
0xa6: {  	s4 =	sshll.u32 s26, $0x1;
	_ =	strace $0x80000046;
	[dreg:$0x1] =	wrdreg $0xFFFFFFFF  }
0xa7: {  	s28 =	simm.s32 $_size_execute0_lowered;
	s2 =	sadd.s32 s2, s4;
	[dreg:$0x0] =	wrdreg $0x0  }
0xa8: {  	s4 =	sshll.u32 s28, $0x1;
	[dreg:$0x2] =	wrdreg s2  }
0xa9: {  	[dreg:$0x3] =	wrdreg s4  }
0xaa: {  	[dreg:$0x4] =	wrdreg $0xC0  }
0xab: {  	_ =	task [dreg:s6], $0x5FFFF  }
0xac: {  	[dreg:$0x1] =	wrdreg $0xFFFFFFFF  }
0xad: {  	[dreg:$0x0] =	wrdreg $0x60  }
0xae: {  	[dreg:$0x2] =	wrdreg s24  }
0xaf: {  	[dreg:$0x3] =	wrdreg $0x9  }
0xb0: {  	_ =	task.clear_ibuf [dreg:s6], $0x4FFFF;
	_ =	strace $0x90000046  }
0xb1: {  	s29 =	simm.s32 $0x9;
	_ =	strace $0x80000048  }
0xb2: {  	_ =	swait.ge [sflag:s29], $0x1  }
0xb3: {  	[sflag:s29] =	ssyncadd.s32 $0xFFFFFFFF  }
0xb4: {  	_ =	strace $0x90000048  }
0xb5: {  	_ =	sfence  }
0xb6: {  	s30 =	sld [smem:$0x0];
	_ =	sdelay $0x2  }
0xb7: {  	s31 =	sshll.u32 s1, $0xD;
	s1 =	sshrl.u32 s1, $0x2  }
0xb8: {  	s3 =	sand.u32 $0x4000, s31;
	s1 =	sadd.s32 s1, s30  }
0xb9: {  	s0 =	sor.u32 s3, s0;
	s1 =	sshll.u32 s1, $0x11  }
0xba: {  	s0 =	sor.u32 s1, s0  }
0xbb: {  	s0 =	sadd.s32 $0x8F2B, s0  }
0xbc: {  	[sflag:s0] =	ssyncadd.remote.s32 $0x1  }
0xbd: {  	_ =	sfence.sel $0xFFFF  }
0xbe: {  	[dreg:$0x0] =	wrdreg $0xFFFFFFFF;
	(pc) =	sbr.abs _section_cstart, $3  }
0xbf: {  	[dreg:$0x1] =	wrdreg $0xFFFFFFFF  }
0xc0: {  	_ =	task.clear_ibuf [dreg:s6], $0x2FFFF;
	_ =	strace $0x9FFFFFFF  }
0xc1: {  	(tm) =	ssettm $0x7FFFFFFF  }
tec
execute0_lowered:
.L_overlay_start_1:
0x0: {  	(tag) =	ssettag $0x1  }
0x1: {  	s3 =	rddreg [dreg:$0x0];
	s2 =	simm.s32 $0x0  }
0x2: {  	s26 =	simm.s32 $0x100;
	[smem:$0x7FF] =	sst s2  }
0x3: {  	s7 =	simm.s32 $0x300;
	_ =	strace $0x80000047;
	[dreg:$0x7] =	wrdreg s26  }
0x4: {  	s8 =	simm.s32 $0x380;
	[dreg:$0xb] =	wrdreg s7  }
0x5: {  	s9 =	simm.s32 $0x400;
	[dreg:$0xc] =	wrdreg s8  }
0x6: {  	s0 =	srdreg.scid;
	s10 =	simm.s32 $0x480;
	[dreg:$0xd] =	wrdreg s9  }
0x7: {  	s19 =	stileid.u32;
	s11 =	simm.s32 $0x500;
	[dreg:$0xe] =	wrdreg s10  }
0x8: {  	s12 =	simm.s32 $0x580;
	s13 =	simm.s32 $0x600;
	[dreg:$0xf] =	wrdreg s11  }
0x9: {  	s14 =	simm.s32 $0x680;
	s15 =	simm.s32 $0x700;
	[dreg:$0x10] =	wrdreg s12  }
0xa: {  	s17 =	simm.s32 $0x780;
	s18 =	simm.s32 $0x800;
	[dreg:$0x11] =	wrdreg s13  }
0xb: {  	s20 =	simm.s32 $0x880;
	s31 =	simm.s32 $0x4;
	[dreg:$0x12] =	wrdreg s14  }
0xc: {  	s21 =	simm.s32 $0x900;
	s28 =	simm.s32 $0x8400;
	[dreg:$0x13] =	wrdreg s15  }
0xd: {  	s29 =	simm.s32 $0x9400;
	s30 =	simm.s32 $0xA400;
	[dreg:$0x14] =	wrdreg s17  }
0xe: {  	p0 =	por $0x0, $0x0;
	s0 =	sand.u32 $0x1, s0;
	[dreg:$0x15] =	wrdreg s18  }
0xf: {  	s1 =	sshll.u32 s19, $0x1;
	s6 =	sadd.s32 $0x12400, s3;
	[dreg:$0x16] =	wrdreg s20  }
0x10: {  	s1 =	sor.u32 s0, s1;
	s0 =	ssub.s32 $0x2, s0;
	[dreg:$0x17] =	wrdreg s21  }
0x11: {  	s7 =	simm.s32 $0x1400;
	s21 =	simm.s32 $0x2400;
	s26 =	simm.s32 $0xB80  }
0x12: {  	s8 =	simm.s32 $0xD00;
	s9 =	simm.s32 $0xD80;
	[dreg:$0x1c] =	wrdreg s26  }
0x13: {  	s10 =	simm.s32 $0xE00;
	s11 =	simm.s32 $0xE80;
	[dreg:$0x1f] =	wrdreg s8  }
0x14: {  	s12 =	simm.s32 $0xF00;
	s13 =	simm.s32 $0xF80;
	[smem:$0x7F3] =	sst s9  }
0x15: {  	s14 =	simm.s32 $0x1000;
	s15 =	simm.s32 $0x1080;
	[smem:$0x7F4] =	sst s10  }
0x16: {  	s17 =	simm.s32 $0x1180;
	s4 =	smul.u32 $0x280, s1;
	[smem:$0x7F5] =	sst s11  }
0x17: {  	s18 =	simm.s32 $0x1200;
	s5 =	smul.u32 $0x28000, s1;
	[smem:$0x7F6] =	sst s12  }
0x18: {  	s20 =	simm.s32 $0x1280;
	s1 =	smul.u32 $0x5000, s1;
	[smem:$0x7F7] =	sst s13  }
0x19: {  	s16 =	sshrl.u32 s0, $0x1;
	s26 =	simm.s32 $0x7400;
	[smem:$0x7F8] =	sst s14  }
0x1a: {  	s10 =	simm.s32 $0xC400;
	s11 =	simm.s32 $0xD400;
	[smem:$0x7F9] =	sst s15  }
0x1b: {  	s12 =	simm.s32 $0xE400;
	s13 =	simm.s32 $0xF400;
	[smem:$0x7FB] =	sst s17  }
0x1c: {  	s14 =	simm.s32 $0x10400;
	s15 =	simm.s32 $0x11400;
	[smem:$0x7FC] =	sst s18  }
0x1d: {  	[smem:$0x7FD] =	sst s20;
	s17 =	simm.s32 $0x13400;
	s18 =	simm.s32 $0x14400  }
0x1e: {  	s9 =	simm.s32 $0x2;
	s0 =	ssub.s32 s0, s16;
	s16 =	simm.s32 $0x1100  }
0x1f: {  	s4 =	sadd.s32 s4, s3;
	s1 =	sadd.s32 s6, s1;
	[smem:$0x7FA] =	sst s16  }
0x20: {  	s5 =	sshrl.u32 s5, $0x3;
	s4 =	sadd.s32 $0xD400, s4;
	[dreg:$0x3] =	wrdreg s1  }
0x21: {  	s22 =	sadd.s32 s6, s5;
	s5 =	simm.s32 $0x200;
	[dreg:$0x2] =	wrdreg s4  }
0x22: {  	s8 =	simm.s32 $0x3;
	s6 =	simm.s32 $0x280;
	[dreg:$0x9] =	wrdreg s5  }
0x23: {  	s20 =	simm.s32 $0x1380;
	s23 =	sadd.s32 $0x1400, s22;
	[dreg:$0xa] =	wrdreg s6  }
0x24: {  	s3 =	sadd.s32 $0x3600, s3;
	s24 =	sadd.s32 $0x2800, s22;
	[dreg:$0x4] =	wrdreg s23  }
0x25: {  	s16 =	simm.s32 $0x12400;
	s25 =	sadd.s32 $0x3C00, s22;
	[dreg:$0x5] =	wrdreg s24  }
0x26: {  	s1 =	smax.u32 s0, $0x1;
	s4 =	simm.s32 $0x180;
	[dreg:$0x6] =	wrdreg s25  }
0x27: {  	s22 =	simm.s32 $0x980;
	s5 =	simm.s32 $0xC00;
	[dreg:$0x8] =	wrdreg s4  }
0x28: {  	s6 =	simm.s32 $0xC80;
	p1 =	sne.s32 s1, $0x1;
	[dreg:$0x18] =	wrdreg s22  }
0x29: {  	s1 =	sadd.s32 $0xFFFFFFFF, s1;
	s4 =	simm.s32 $0x80;
	[dreg:$0x1d] =	wrdreg s5  }
.Ltmp0:
0x2a: {  	s23 =	simm.s32 $0xA00;
	[dreg:$0x1e] =	wrdreg s6;
	(pc) =	sbr.rel @!p1 .LBB2_1-.Ltmp0, $4  }
0x2b: {  	s24 =	simm.s32 $0xA80;
	s22 =	simm.s32 $0x3400;
	s0 =	rddreg [dreg:$0x2]  }
0x2c: {  	s25 =	simm.s32 $0xB00;
	s5 =	simm.s32 $0x1;
	[dreg:$0x19] =	wrdreg s23  }
0x2d: {  	s6 =	simm.s32 $0xB400;
	[dreg:$0x1a] =	wrdreg s24;
	s23 =	simm.s32 $0x4400  }
0x2e: {  	[dreg:$0x1b] =	wrdreg s25;
	s24 =	simm.s32 $0x5400;
	s25 =	simm.s32 $0x6400  }
0x2f: {  	[tilespmem:s2], [sflag:$0x4] =	stream.linear.gather [hbm4b:s0+s2], $0x1400, $0x38;
	[tilespmem:$0x15400] =	vst v63  }
0x30: {  	_ =	swait.ge [sflag:s31], $0x1400  }
0x31: {  	[sflag:s31] =	ssyncset.done $0x0  }
0x32: {  	[sflag:s31] =	ssyncadd.s32 $0xFFFFEC00  }
0x33: {  	[tilespmem:s7], [sflag:$0x1] =	stream.indirect.gather [hbm4b:s3+s4], $0x20, s2, s4, $0xb8;
	[tilespmem:$0x15400] =	vst v63  }
0x34: {  	_ = 	snop  }
0x35: {  	[tilespmem:s21], [sflag:$0x1] =	stream.indirect.gather [hbm4b:s3+s4], $0x20, s4, s4, $0xb8;
	[tilespmem:$0x15400] =	vst v63  }
0x36: {  	s0 =	rddreg [dreg:$0x7]  }
0x37: {  	[tilespmem:s22], [sflag:$0x1] =	stream.indirect.gather [hbm4b:s3+s4], $0x20, s0, s4, $0xb8;
	[tilespmem:$0x15400] =	vst v63  }
0x38: {  	s19 =	smov.u32 s1;
	s1 =	rddreg [dreg:$0x8]  }
0x39: {  	[tilespmem:s23], [sflag:$0x1] =	stream.indirect.gather [hbm4b:s3+s4], $0x20, s1, s4, $0xb8;
	[tilespmem:$0x15400] =	vst v63  }
0x3a: {  	s0 =	rddreg [dreg:$0x9]  }
0x3b: {  	[tilespmem:s24], [sflag:$0x1] =	stream.indirect.gather [hbm4b:s3+s4], $0x20, s0, s4, $0xb8;
	[tilespmem:$0x15400] =	vst v63  }
0x3c: {  	s1 =	rddreg [dreg:$0xa]  }
0x3d: {  	[tilespmem:s25], [sflag:$0x1] =	stream.indirect.gather [hbm4b:s3+s4], $0x20, s1, s4, $0xb8;
	[tilespmem:$0x15400] =	vst v63  }
0x3e: {  	s0 =	rddreg [dreg:$0xb]  }
0x3f: {  	[tilespmem:s26], [sflag:$0x1] =	stream.indirect.gather [hbm4b:s3+s4], $0x20, s0, s4, $0xb8;
	[tilespmem:$0x15400] =	vst v63  }
0x40: {  	s1 =	rddreg [dreg:$0xc]  }
0x41: {  	[tilespmem:s28], [sflag:$0x1] =	stream.indirect.gather [hbm4b:s3+s4], $0x20, s1, s4, $0xb8;
	[tilespmem:$0x15400] =	vst v63  }
0x42: {  	s0 =	rddreg [dreg:$0xd]  }
0x43: {  	[tilespmem:s29], [sflag:$0x1] =	stream.indirect.gather [hbm4b:s3+s4], $0x20, s0, s4, $0xb8;
	[tilespmem:$0x15400] =	vst v63  }
0x44: {  	s1 =	rddreg [dreg:$0xe]  }
0x45: {  	[tilespmem:s30], [sflag:$0x1] =	stream.indirect.gather [hbm4b:s3+s4], $0x20, s1, s4, $0xb8;
	[tilespmem:$0x15400] =	vst v63  }
0x46: {  	_ =	swait.ge [sflag:s5], $0x1000  }
0x47: {  	[sflag:s5] =	ssyncset.done $0x0  }
0x48: {  	[sflag:s5] =	ssyncadd.s32 $0xFFFFF000  }
0x49: {  	_ =	swait.ge [sflag:s5], $0x1000  }
0x4a: {  	[sflag:s5] =	ssyncset.done $0x0  }
0x4b: {  	[sflag:s5] =	ssyncadd.s32 $0xFFFFF000  }
0x4c: {  	_ =	swait.ge [sflag:s5], $0x1000  }
0x4d: {  	[sflag:s5] =	ssyncset.done $0x0  }
0x4e: {  	[sflag:s5] =	ssyncadd.s32 $0xFFFFF000  }
0x4f: {  	_ =	swait.ge [sflag:s5], $0x1000  }
0x50: {  	[sflag:s5] =	ssyncset.done $0x0  }
0x51: {  	[sflag:s5] =	ssyncadd.s32 $0xFFFFF000  }
0x52: {  	_ =	swait.ge [sflag:s5], $0x1000  }
0x53: {  	[sflag:s5] =	ssyncset.done $0x0  }
0x54: {  	[sflag:s5] =	ssyncadd.s32 $0xFFFFF000  }
0x55: {  	_ =	swait.ge [sflag:s5], $0x1000  }
0x56: {  	[sflag:s5] =	ssyncset.done $0x0  }
0x57: {  	[sflag:s5] =	ssyncadd.s32 $0xFFFFF000  }
0x58: {  	_ =	swait.ge [sflag:s5], $0x1000  }
0x59: {  	[sflag:s5] =	ssyncset.done $0x0  }
0x5a: {  	[sflag:s5] =	ssyncadd.s32 $0xFFFFF000  }
0x5b: {  	_ =	swait.ge [sflag:s5], $0x1000  }
0x5c: {  	[sflag:s5] =	ssyncset.done $0x0  }
0x5d: {  	[sflag:s5] =	ssyncadd.s32 $0xFFFFF000  }
0x5e: {  	_ =	swait.ge [sflag:s5], $0x1000  }
0x5f: {  	[sflag:s5] =	ssyncset.done $0x0  }
0x60: {  	[sflag:s5] =	ssyncadd.s32 $0xFFFFF000  }
0x61: {  	_ =	swait.ge [sflag:s5], $0x1000  }
0x62: {  	[sflag:s5] =	ssyncset.done $0x0  }
0x63: {  	s0 =	rddreg [dreg:$0x3];
	[sflag:s5] =	ssyncadd.s32 $0xFFFFF000  }
0x64: {  	[hbm4b:s0+s2] =	stream.linear.scatter [tilespmem:s7], [sflag:$0x2], $0xA000, $0x38;
	[tilespmem:$0x15400] =	vst v63  }
0x65: {  	s1 =	rddreg [dreg:$0xf]  }
0x66: {  	[tilespmem:s6], [sflag:$0x1] =	stream.indirect.gather [hbm4b:s3+s4], $0x20, s1, s4, $0xb8;
	[tilespmem:$0x15400] =	vst v63  }
0x67: {  	s0 =	rddreg [dreg:$0x10]  }
0x68: {  	[tilespmem:s10], [sflag:$0x1] =	stream.indirect.gather [hbm4b:s3+s4], $0x20, s0, s4, $0xb8;
	[tilespmem:$0x15400] =	vst v63  }
0x69: {  	s1 =	rddreg [dreg:$0x11]  }
0x6a: {  	[tilespmem:s11], [sflag:$0x1] =	stream.indirect.gather [hbm4b:s3+s4], $0x20, s1, s4, $0xb8;
	[tilespmem:$0x15400] =	vst v63  }
0x6b: {  	s0 =	rddreg [dreg:$0x12]  }
0x6c: {  	[tilespmem:s12], [sflag:$0x1] =	stream.indirect.gather [hbm4b:s3+s4], $0x20, s0, s4, $0xb8;
	[tilespmem:$0x15400] =	vst v63  }
0x6d: {  	s1 =	rddreg [dreg:$0x13]  }
0x6e: {  	[tilespmem:s13], [sflag:$0x1] =	stream.indirect.gather [hbm4b:s3+s4], $0x20, s1, s4, $0xb8;
	[tilespmem:$0x15400] =	vst v63  }
0x6f: {  	s0 =	rddreg [dreg:$0x14]  }
0x70: {  	[tilespmem:s14], [sflag:$0x1] =	stream.indirect.gather [hbm4b:s3+s4], $0x20, s0, s4, $0xb8;
	[tilespmem:$0x15400] =	vst v63  }
0x71: {  	s1 =	rddreg [dreg:$0x15]  }
0x72: {  	[tilespmem:s15], [sflag:$0x1] =	stream.indirect.gather [hbm4b:s3+s4], $0x20, s1, s4, $0xb8;
	[tilespmem:$0x15400] =	vst v63  }
0x73: {  	s0 =	rddreg [dreg:$0x16]  }
0x74: {  	[tilespmem:s16], [sflag:$0x1] =	stream.indirect.gather [hbm4b:s3+s4], $0x20, s0, s4, $0xb8;
	[tilespmem:$0x15400] =	vst v63  }
0x75: {  	s1 =	rddreg [dreg:$0x17]  }
0x76: {  	[tilespmem:s17], [sflag:$0x1] =	stream.indirect.gather [hbm4b:s3+s4], $0x20, s1, s4, $0xb8;
	[tilespmem:$0x15400] =	vst v63  }
0x77: {  	s0 =	rddreg [dreg:$0x18]  }
0x78: {  	[tilespmem:s18], [sflag:$0x1] =	stream.indirect.gather [hbm4b:s3+s4], $0x20, s0, s4, $0xb8;
	[tilespmem:$0x15400] =	vst v63  }
0x79: {  	_ =	swait.ge [sflag:s5], $0x1000  }
0x7a: {  	[sflag:s5] =	ssyncset.done $0x0  }
0x7b: {  	[sflag:s5] =	ssyncadd.s32 $0xFFFFF000  }
0x7c: {  	_ =	swait.ge [sflag:s5], $0x1000  }
0x7d: {  	[sflag:s5] =	ssyncset.done $0x0  }
0x7e: {  	[sflag:s5] =	ssyncadd.s32 $0xFFFFF000  }
0x7f: {  	_ =	swait.ge [sflag:s5], $0x1000  }
0x80: {  	[sflag:s5] =	ssyncset.done $0x0  }
0x81: {  	[sflag:s5] =	ssyncadd.s32 $0xFFFFF000  }
0x82: {  	_ =	swait.ge [sflag:s5], $0x1000  }
0x83: {  	[sflag:s5] =	ssyncset.done $0x0  }
0x84: {  	[sflag:s5] =	ssyncadd.s32 $0xFFFFF000  }
0x85: {  	_ =	swait.ge [sflag:s5], $0x1000  }
0x86: {  	[sflag:s5] =	ssyncset.done $0x0  }
0x87: {  	[sflag:s5] =	ssyncadd.s32 $0xFFFFF000  }
0x88: {  	_ =	swait.ge [sflag:s5], $0x1000  }
0x89: {  	[sflag:s5] =	ssyncset.done $0x0  }
0x8a: {  	[sflag:s5] =	ssyncadd.s32 $0xFFFFF000  }
0x8b: {  	_ =	swait.ge [sflag:s5], $0x1000  }
0x8c: {  	[sflag:s5] =	ssyncset.done $0x0  }
0x8d: {  	[sflag:s5] =	ssyncadd.s32 $0xFFFFF000  }
0x8e: {  	_ =	swait.ge [sflag:s5], $0x1000  }
0x8f: {  	[sflag:s5] =	ssyncset.done $0x0  }
0x90: {  	[sflag:s5] =	ssyncadd.s32 $0xFFFFF000  }
0x91: {  	_ =	swait.ge [sflag:s5], $0x1000  }
0x92: {  	[sflag:s5] =	ssyncset.done $0x0  }
0x93: {  	[sflag:s5] =	ssyncadd.s32 $0xFFFFF000  }
0x94: {  	_ =	swait.ge [sflag:s5], $0x1000  }
0x95: {  	[sflag:s5] =	ssyncset.done $0x0  }
0x96: {  	s1 =	rddreg [dreg:$0x4];
	[sflag:s5] =	ssyncadd.s32 $0xFFFFF000  }
0x97: {  	[hbm4b:s1+s2] =	stream.linear.scatter [tilespmem:s6], [sflag:$0x3], $0xA000, $0x38;
	[tilespmem:$0x15400] =	vst v63  }
0x98: {  	_ =	swait.ge [sflag:s9], $0xA000  }
0x99: {  	s0 =	rddreg [dreg:$0x19];
	[sflag:s9] =	ssyncset.done $0x0  }
0x9a: {  	s1 =	rddreg [dreg:$0x1a];
	[sflag:s9] =	ssyncadd.s32 $0xFFFF6000  }
0x9b: {  	[tilespmem:s7], [sflag:$0x1] =	stream.indirect.gather [hbm4b:s3+s4], $0x20, s0, s4, $0xb8;
	[tilespmem:$0x15400] =	vst v63  }
0x9c: {  	s0 =	rddreg [dreg:$0x1b]  }
0x9d: {  	[tilespmem:s21], [sflag:$0x1] =	stream.indirect.gather [hbm4b:s3+s4], $0x20, s1, s4, $0xb8;
	[tilespmem:$0x15400] =	vst v63  }
0x9e: {  	s1 =	rddreg [dreg:$0x1c]  }
0x9f: {  	[tilespmem:s22], [sflag:$0x1] =	stream.indirect.gather [hbm4b:s3+s4], $0x20, s0, s4, $0xb8;
	[tilespmem:$0x15400] =	vst v63  }
0xa0: {  	s0 =	rddreg [dreg:$0x1d]  }
0xa1: {  	[tilespmem:s23], [sflag:$0x1] =	stream.indirect.gather [hbm4b:s3+s4], $0x20, s1, s4, $0xb8;
	[tilespmem:$0x15400] =	vst v63  }
0xa2: {  	s1 =	rddreg [dreg:$0x1e]  }
0xa3: {  	[tilespmem:s24], [sflag:$0x1] =	stream.indirect.gather [hbm4b:s3+s4], $0x20, s0, s4, $0xb8;
	[tilespmem:$0x15400] =	vst v63  }
0xa4: {  	s0 =	rddreg [dreg:$0x1f]  }
0xa5: {  	[tilespmem:s25], [sflag:$0x1] =	stream.indirect.gather [hbm4b:s3+s4], $0x20, s1, s4, $0xb8;
	[tilespmem:$0x15400] =	vst v63  }
0xa6: {  	s1 =	sld [smem:$0x7F3]  }
0xa7: {  	[tilespmem:s26], [sflag:$0x1] =	stream.indirect.gather [hbm4b:s3+s4], $0x20, s0, s4, $0xb8;
	[tilespmem:$0x15400] =	vst v63  }
0xa8: {  	s0 =	sld [smem:$0x7F4]  }
0xa9: {  	[tilespmem:s28], [sflag:$0x1] =	stream.indirect.gather [hbm4b:s3+s4], $0x20, s1, s4, $0xb8;
	[tilespmem:$0x15400] =	vst v63  }
0xaa: {  	s1 =	sld [smem:$0x7F5]  }
0xab: {  	[tilespmem:s29], [sflag:$0x1] =	stream.indirect.gather [hbm4b:s3+s4], $0x20, s0, s4, $0xb8;
	[tilespmem:$0x15400] =	vst v63  }
0xac: {  	_ = 	snop  }
0xad: {  	[tilespmem:s30], [sflag:$0x1] =	stream.indirect.gather [hbm4b:s3+s4], $0x20, s1, s4, $0xb8;
	[tilespmem:$0x15400] =	vst v63  }
0xae: {  	_ =	swait.ge [sflag:s5], $0x1000  }
0xaf: {  	[sflag:s5] =	ssyncset.done $0x0  }
0xb0: {  	[sflag:s5] =	ssyncadd.s32 $0xFFFFF000  }
0xb1: {  	_ =	swait.ge [sflag:s5], $0x1000  }
0xb2: {  	[sflag:s5] =	ssyncset.done $0x0  }
0xb3: {  	[sflag:s5] =	ssyncadd.s32 $0xFFFFF000  }
0xb4: {  	_ =	swait.ge [sflag:s5], $0x1000  }
0xb5: {  	[sflag:s5] =	ssyncset.done $0x0  }
0xb6: {  	[sflag:s5] =	ssyncadd.s32 $0xFFFFF000  }
0xb7: {  	_ =	swait.ge [sflag:s5], $0x1000  }
0xb8: {  	[sflag:s5] =	ssyncset.done $0x0  }
0xb9: {  	[sflag:s5] =	ssyncadd.s32 $0xFFFFF000  }
0xba: {  	_ =	swait.ge [sflag:s5], $0x1000  }
0xbb: {  	[sflag:s5] =	ssyncset.done $0x0  }
0xbc: {  	[sflag:s5] =	ssyncadd.s32 $0xFFFFF000  }
0xbd: {  	_ =	swait.ge [sflag:s5], $0x1000  }
0xbe: {  	[sflag:s5] =	ssyncset.done $0x0  }
0xbf: {  	[sflag:s5] =	ssyncadd.s32 $0xFFFFF000  }
0xc0: {  	_ =	swait.ge [sflag:s5], $0x1000  }
0xc1: {  	[sflag:s5] =	ssyncset.done $0x0  }
0xc2: {  	[sflag:s5] =	ssyncadd.s32 $0xFFFFF000  }
0xc3: {  	_ =	swait.ge [sflag:s5], $0x1000  }
0xc4: {  	[sflag:s5] =	ssyncset.done $0x0  }
0xc5: {  	[sflag:s5] =	ssyncadd.s32 $0xFFFFF000  }
0xc6: {  	_ =	swait.ge [sflag:s5], $0x1000  }
0xc7: {  	[sflag:s5] =	ssyncset.done $0x0  }
0xc8: {  	[sflag:s5] =	ssyncadd.s32 $0xFFFFF000  }
0xc9: {  	_ =	swait.ge [sflag:s5], $0x1000  }
0xca: {  	[sflag:s5] =	ssyncset.done $0x0  }
0xcb: {  	s1 =	rddreg [dreg:$0x5];
	[sflag:s5] =	ssyncadd.s32 $0xFFFFF000  }
0xcc: {  	[hbm4b:s1+s2] =	stream.linear.scatter [tilespmem:s7], [sflag:$0x2], $0xA000, $0x38;
	[tilespmem:$0x15400] =	vst v63  }
0xcd: {  	_ =	swait.ge [sflag:s8], $0xA000  }
0xce: {  	s0 =	sld [smem:$0x7F6]  }
0xcf: {  	[sflag:s8] =	ssyncset.done $0x0  }
0xd0: {  	s1 =	sld [smem:$0x7F7];
	[sflag:s8] =	ssyncadd.s32 $0xFFFF6000  }
0xd1: {  	[tilespmem:s6], [sflag:$0x1] =	stream.indirect.gather [hbm4b:s3+s4], $0x20, s0, s4, $0xb8;
	[tilespmem:$0x15400] =	vst v63  }
0xd2: {  	s0 =	sld [smem:$0x7F8]  }
0xd3: {  	[tilespmem:s10], [sflag:$0x1] =	stream.indirect.gather [hbm4b:s3+s4], $0x20, s1, s4, $0xb8;
	[tilespmem:$0x15400] =	vst v63  }
0xd4: {  	s1 =	sld [smem:$0x7F9]  }
0xd5: {  	[tilespmem:s11], [sflag:$0x1] =	stream.indirect.gather [hbm4b:s3+s4], $0x20, s0, s4, $0xb8;
	[tilespmem:$0x15400] =	vst v63  }
0xd6: {  	s0 =	sld [smem:$0x7FA]  }
0xd7: {  	[tilespmem:s12], [sflag:$0x1] =	stream.indirect.gather [hbm4b:s3+s4], $0x20, s1, s4, $0xb8;
	[tilespmem:$0x15400] =	vst v63  }
0xd8: {  	s1 =	sld [smem:$0x7FB]  }
0xd9: {  	[tilespmem:s13], [sflag:$0x1] =	stream.indirect.gather [hbm4b:s3+s4], $0x20, s0, s4, $0xb8;
	[tilespmem:$0x15400] =	vst v63  }
0xda: {  	s0 =	sld [smem:$0x7FC]  }
0xdb: {  	[tilespmem:s14], [sflag:$0x1] =	stream.indirect.gather [hbm4b:s3+s4], $0x20, s1, s4, $0xb8;
	[tilespmem:$0x15400] =	vst v63  }
0xdc: {  	s1 =	sld [smem:$0x7FD]  }
0xdd: {  	[tilespmem:s15], [sflag:$0x1] =	stream.indirect.gather [hbm4b:s3+s4], $0x20, s0, s4, $0xb8;
	[tilespmem:$0x15400] =	vst v63  }
0xde: {  	_ = 	snop  }
0xdf: {  	[tilespmem:s16], [sflag:$0x1] =	stream.indirect.gather [hbm4b:s3+s4], $0x20, s1, s4, $0xb8;
	[tilespmem:$0x15400] =	vst v63  }
0xe0: {  	s1 =	simm.s32 $0x1300  }
0xe1: {  	[tilespmem:s17], [sflag:$0x1] =	stream.indirect.gather [hbm4b:s3+s4], $0x20, s1, s4, $0xb8;
	[tilespmem:$0x15400] =	vst v63  }
0xe2: {  	_ = 	snop  }
0xe3: {  	[tilespmem:s18], [sflag:$0x1] =	stream.indirect.gather [hbm4b:s3+s4], $0x20, s20, s4, $0xb8;
	[tilespmem:$0x15400] =	vst v63  }
0xe4: {  	_ =	swait.ge [sflag:s5], $0x1000  }
0xe5: {  	[sflag:s5] =	ssyncset.done $0x0  }
0xe6: {  	[sflag:s5] =	ssyncadd.s32 $0xFFFFF000  }
0xe7: {  	_ =	swait.ge [sflag:s5], $0x1000  }
0xe8: {  	[sflag:s5] =	ssyncset.done $0x0  }
0xe9: {  	[sflag:s5] =	ssyncadd.s32 $0xFFFFF000  }
0xea: {  	_ =	swait.ge [sflag:s5], $0x1000  }
0xeb: {  	[sflag:s5] =	ssyncset.done $0x0  }
0xec: {  	[sflag:s5] =	ssyncadd.s32 $0xFFFFF000  }
0xed: {  	_ =	swait.ge [sflag:s5], $0x1000  }
0xee: {  	[sflag:s5] =	ssyncset.done $0x0  }
0xef: {  	[sflag:s5] =	ssyncadd.s32 $0xFFFFF000  }
0xf0: {  	_ =	swait.ge [sflag:s5], $0x1000  }
0xf1: {  	[sflag:s5] =	ssyncset.done $0x0  }
0xf2: {  	[sflag:s5] =	ssyncadd.s32 $0xFFFFF000  }
0xf3: {  	_ =	swait.ge [sflag:s5], $0x1000  }
0xf4: {  	[sflag:s5] =	ssyncset.done $0x0  }
0xf5: {  	[sflag:s5] =	ssyncadd.s32 $0xFFFFF000  }
0xf6: {  	_ =	swait.ge [sflag:s5], $0x1000  }
0xf7: {  	[sflag:s5] =	ssyncset.done $0x0  }
0xf8: {  	[sflag:s5] =	ssyncadd.s32 $0xFFFFF000  }
0xf9: {  	_ =	swait.ge [sflag:s5], $0x1000  }
0xfa: {  	[sflag:s5] =	ssyncset.done $0x0  }
0xfb: {  	[sflag:s5] =	ssyncadd.s32 $0xFFFFF000  }
0xfc: {  	_ =	swait.ge [sflag:s5], $0x1000  }
0xfd: {  	[sflag:s5] =	ssyncset.done $0x0  }
0xfe: {  	[sflag:s5] =	ssyncadd.s32 $0xFFFFF000  }
0xff: {  	_ =	swait.ge [sflag:s5], $0x1000  }
0x100: {  	[sflag:s5] =	ssyncset.done $0x0  }
0x101: {  	p1 =	sne.s32 s19, $0x1;
	s1 =	rddreg [dreg:$0x6];
	[sflag:s5] =	ssyncadd.s32 $0xFFFFF000  }
0x102: {  	[hbm4b:s1+s2] =	stream.linear.scatter [tilespmem:s6], [sflag:$0x3], $0xA000, $0x38;
	[tilespmem:$0x15400] =	vst v63  }
.Ltmp1:
0x103: {  	_ =	swait.ge [sflag:s9], $0xA000;
	(pc) =	sbr.rel @!p1 .LBB2_3-.Ltmp1, $4  }
0x104: {  	[sflag:s9] =	ssyncset.done $0x0  }
0x105: {  	[sflag:s9] =	ssyncadd.s32 $0xFFFF6000  }
0x106: {  	p0 =	por $0x1, $0x1;
	_ =	swait.ge [sflag:s8], $0xA000  }
0x107: {  	s1 =	sadd.s32 $0xFFFFFFFF, s19;
	s0 =	rddreg [dreg:$0x2];
	[sflag:s8] =	ssyncset.done $0x0  }
.LBB2_4:
0x108: {  	[sflag:s8] =	ssyncadd.s32 $0xFFFF6000  }
0x109: {  	[tilespmem:s2], [sflag:$0x4] =	stream.linear.gather [hbm4b:s0+s2], $0x1400, $0x38;
	[tilespmem:$0x15400] =	vst v63  }
0x10a: {  	_ =	swait.ge [sflag:s31], $0x1400  }
0x10b: {  	[sflag:s31] =	ssyncset.done $0x0  }
0x10c: {  	[sflag:s31] =	ssyncadd.s32 $0xFFFFEC00  }
0x10d: {  	[tilespmem:s7], [sflag:$0x1] =	stream.indirect.gather [hbm4b:s3+s4], $0x20, s2, s4, $0xb8;
	[tilespmem:$0x15400] =	vst v63  }
0x10e: {  	_ = 	snop  }
0x10f: {  	[tilespmem:s21], [sflag:$0x1] =	stream.indirect.gather [hbm4b:s3+s4], $0x20, s4, s4, $0xb8;
	[tilespmem:$0x15400] =	vst v63  }
0x110: {  	s0 =	rddreg [dreg:$0x7]  }
0x111: {  	[tilespmem:s22], [sflag:$0x1] =	stream.indirect.gather [hbm4b:s3+s4], $0x20, s0, s4, $0xb8;
	[tilespmem:$0x15400] =	vst v63  }
0x112: {  	s19 =	rddreg [dreg:$0x8]  }
0x113: {  	[tilespmem:s23], [sflag:$0x1] =	stream.indirect.gather [hbm4b:s3+s4], $0x20, s19, s4, $0xb8;
	[tilespmem:$0x15400] =	vst v63  }
0x114: {  	s0 =	rddreg [dreg:$0x9]  }
0x115: {  	[tilespmem:s24], [sflag:$0x1] =	stream.indirect.gather [hbm4b:s3+s4], $0x20, s0, s4, $0xb8;
	[tilespmem:$0x15400] =	vst v63  }
0x116: {  	s19 =	rddreg [dreg:$0xa]  }
0x117: {  	[tilespmem:s25], [sflag:$0x1] =	stream.indirect.gather [hbm4b:s3+s4], $0x20, s19, s4, $0xb8;
	[tilespmem:$0x15400] =	vst v63  }
0x118: {  	s0 =	rddreg [dreg:$0xb]  }
0x119: {  	[tilespmem:s26], [sflag:$0x1] =	stream.indirect.gather [hbm4b:s3+s4], $0x20, s0, s4, $0xb8;
	[tilespmem:$0x15400] =	vst v63  }
0x11a: {  	s19 =	rddreg [dreg:$0xc]  }
0x11b: {  	[tilespmem:s28], [sflag:$0x1] =	stream.indirect.gather [hbm4b:s3+s4], $0x20, s19, s4, $0xb8;
	[tilespmem:$0x15400] =	vst v63  }
0x11c: {  	s0 =	rddreg [dreg:$0xd]  }
0x11d: {  	[tilespmem:s29], [sflag:$0x1] =	stream.indirect.gather [hbm4b:s3+s4], $0x20, s0, s4, $0xb8;
	[tilespmem:$0x15400] =	vst v63  }
0x11e: {  	s19 =	rddreg [dreg:$0xe]  }
0x11f: {  	[tilespmem:s30], [sflag:$0x1] =	stream.indirect.gather [hbm4b:s3+s4], $0x20, s19, s4, $0xb8;
	[tilespmem:$0x15400] =	vst v63  }
0x120: {  	_ =	swait.ge [sflag:s5], $0x1000  }
0x121: {  	[sflag:s5] =	ssyncset.done $0x0  }
0x122: {  	[sflag:s5] =	ssyncadd.s32 $0xFFFFF000  }
0x123: {  	_ =	swait.ge [sflag:s5], $0x1000  }
0x124: {  	[sflag:s5] =	ssyncset.done $0x0  }
0x125: {  	[sflag:s5] =	ssyncadd.s32 $0xFFFFF000  }
0x126: {  	_ =	swait.ge [sflag:s5], $0x1000  }
0x127: {  	[sflag:s5] =	ssyncset.done $0x0  }
0x128: {  	[sflag:s5] =	ssyncadd.s32 $0xFFFFF000  }
0x129: {  	_ =	swait.ge [sflag:s5], $0x1000  }
0x12a: {  	[sflag:s5] =	ssyncset.done $0x0  }
0x12b: {  	[sflag:s5] =	ssyncadd.s32 $0xFFFFF000  }
0x12c: {  	_ =	swait.ge [sflag:s5], $0x1000  }
0x12d: {  	[sflag:s5] =	ssyncset.done $0x0  }
0x12e: {  	[sflag:s5] =	ssyncadd.s32 $0xFFFFF000  }
0x12f: {  	_ =	swait.ge [sflag:s5], $0x1000  }
0x130: {  	[sflag:s5] =	ssyncset.done $0x0  }
0x131: {  	[sflag:s5] =	ssyncadd.s32 $0xFFFFF000  }
0x132: {  	_ =	swait.ge [sflag:s5], $0x1000  }
0x133: {  	[sflag:s5] =	ssyncset.done $0x0  }
0x134: {  	[sflag:s5] =	ssyncadd.s32 $0xFFFFF000  }
0x135: {  	_ =	swait.ge [sflag:s5], $0x1000  }
0x136: {  	[sflag:s5] =	ssyncset.done $0x0  }
0x137: {  	[sflag:s5] =	ssyncadd.s32 $0xFFFFF000  }
0x138: {  	_ =	swait.ge [sflag:s5], $0x1000  }
0x139: {  	[sflag:s5] =	ssyncset.done $0x0  }
0x13a: {  	[sflag:s5] =	ssyncadd.s32 $0xFFFFF000  }
0x13b: {  	_ =	swait.ge [sflag:s5], $0x1000  }
0x13c: {  	[sflag:s5] =	ssyncset.done $0x0  }
0x13d: {  	s0 =	rddreg [dreg:$0x3];
	[sflag:s5] =	ssyncadd.s32 $0xFFFFF000  }
0x13e: {  	[hbm4b:s0+s2] =	stream.linear.scatter [tilespmem:s7], [sflag:$0x2], $0xA000, $0x38;
	[tilespmem:$0x15400] =	vst v63  }
0x13f: {  	s19 =	rddreg [dreg:$0xf]  }
0x140: {  	[tilespmem:s6], [sflag:$0x1] =	stream.indirect.gather [hbm4b:s3+s4], $0x20, s19, s4, $0xb8;
	[tilespmem:$0x15400] =	vst v63  }
0x141: {  	s0 =	rddreg [dreg:$0x10]  }
0x142: {  	[tilespmem:s10], [sflag:$0x1] =	stream.indirect.gather [hbm4b:s3+s4], $0x20, s0, s4, $0xb8;
	[tilespmem:$0x15400] =	vst v63  }
0x143: {  	s19 =	rddreg [dreg:$0x11]  }
0x144: {  	[tilespmem:s11], [sflag:$0x1] =	stream.indirect.gather [hbm4b:s3+s4], $0x20, s19, s4, $0xb8;
	[tilespmem:$0x15400] =	vst v63  }
0x145: {  	s0 =	rddreg [dreg:$0x12]  }
0x146: {  	[tilespmem:s12], [sflag:$0x1] =	stream.indirect.gather [hbm4b:s3+s4], $0x20, s0, s4, $0xb8;
	[tilespmem:$0x15400] =	vst v63  }
0x147: {  	s19 =	rddreg [dreg:$0x13]  }
0x148: {  	[tilespmem:s13], [sflag:$0x1] =	stream.indirect.gather [hbm4b:s3+s4], $0x20, s19, s4, $0xb8;
	[tilespmem:$0x15400] =	vst v63  }
0x149: {  	s0 =	rddreg [dreg:$0x14]  }
0x14a: {  	[tilespmem:s14], [sflag:$0x1] =	stream.indirect.gather [hbm4b:s3+s4], $0x20, s0, s4, $0xb8;
	[tilespmem:$0x15400] =	vst v63  }
0x14b: {  	s19 =	rddreg [dreg:$0x15]  }
0x14c: {  	[tilespmem:s15], [sflag:$0x1] =	stream.indirect.gather [hbm4b:s3+s4], $0x20, s19, s4, $0xb8;
	[tilespmem:$0x15400] =	vst v63  }
0x14d: {  	s0 =	rddreg [dreg:$0x16]  }
0x14e: {  	[tilespmem:s16], [sflag:$0x1] =	stream.indirect.gather [hbm4b:s3+s4], $0x20, s0, s4, $0xb8;
	[tilespmem:$0x15400] =	vst v63  }
0x14f: {  	s19 =	rddreg [dreg:$0x17]  }
0x150: {  	[tilespmem:s17], [sflag:$0x1] =	stream.indirect.gather [hbm4b:s3+s4], $0x20, s19, s4, $0xb8;
	[tilespmem:$0x15400] =	vst v63  }
0x151: {  	s0 =	rddreg [dreg:$0x18]  }
0x152: {  	[tilespmem:s18], [sflag:$0x1] =	stream.indirect.gather [hbm4b:s3+s4], $0x20, s0, s4, $0xb8;
	[tilespmem:$0x15400] =	vst v63  }
0x153: {  	_ =	swait.ge [sflag:s5], $0x1000  }
0x154: {  	[sflag:s5] =	ssyncset.done $0x0  }
0x155: {  	[sflag:s5] =	ssyncadd.s32 $0xFFFFF000  }
0x156: {  	_ =	swait.ge [sflag:s5], $0x1000  }
0x157: {  	[sflag:s5] =	ssyncset.done $0x0  }
0x158: {  	[sflag:s5] =	ssyncadd.s32 $0xFFFFF000  }
0x159: {  	_ =	swait.ge [sflag:s5], $0x1000  }
0x15a: {  	[sflag:s5] =	ssyncset.done $0x0  }
0x15b: {  	[sflag:s5] =	ssyncadd.s32 $0xFFFFF000  }
0x15c: {  	_ =	swait.ge [sflag:s5], $0x1000  }
0x15d: {  	[sflag:s5] =	ssyncset.done $0x0  }
0x15e: {  	[sflag:s5] =	ssyncadd.s32 $0xFFFFF000  }
0x15f: {  	_ =	swait.ge [sflag:s5], $0x1000  }
0x160: {  	[sflag:s5] =	ssyncset.done $0x0  }
0x161: {  	[sflag:s5] =	ssyncadd.s32 $0xFFFFF000  }
0x162: {  	_ =	swait.ge [sflag:s5], $0x1000  }
0x163: {  	[sflag:s5] =	ssyncset.done $0x0  }
0x164: {  	[sflag:s5] =	ssyncadd.s32 $0xFFFFF000  }
0x165: {  	_ =	swait.ge [sflag:s5], $0x1000  }
0x166: {  	[sflag:s5] =	ssyncset.done $0x0  }
0x167: {  	[sflag:s5] =	ssyncadd.s32 $0xFFFFF000  }
0x168: {  	_ =	swait.ge [sflag:s5], $0x1000  }
0x169: {  	[sflag:s5] =	ssyncset.done $0x0  }
0x16a: {  	[sflag:s5] =	ssyncadd.s32 $0xFFFFF000  }
0x16b: {  	_ =	swait.ge [sflag:s5], $0x1000  }
0x16c: {  	[sflag:s5] =	ssyncset.done $0x0  }
0x16d: {  	[sflag:s5] =	ssyncadd.s32 $0xFFFFF000  }
0x16e: {  	_ =	swait.ge [sflag:s5], $0x1000  }
0x16f: {  	[sflag:s5] =	ssyncset.done $0x0  }
0x170: {  	s19 =	rddreg [dreg:$0x4];
	[sflag:s5] =	ssyncadd.s32 $0xFFFFF000  }
0x171: {  	[hbm4b:s19+s2] =	stream.linear.scatter [tilespmem:s6], [sflag:$0x3], $0xA000, $0x38;
	[tilespmem:$0x15400] =	vst v63  }
0x172: {  	_ =	swait.ge [sflag:s9], $0xA000  }
0x173: {  	s0 =	rddreg [dreg:$0x19];
	[sflag:s9] =	ssyncset.done $0x0  }
0x174: {  	s19 =	rddreg [dreg:$0x1a];
	[sflag:s9] =	ssyncadd.s32 $0xFFFF6000  }
0x175: {  	[tilespmem:s7], [sflag:$0x1] =	stream.indirect.gather [hbm4b:s3+s4], $0x20, s0, s4, $0xb8;
	[tilespmem:$0x15400] =	vst v63  }
0x176: {  	s0 =	rddreg [dreg:$0x1b]  }
0x177: {  	[tilespmem:s21], [sflag:$0x1] =	stream.indirect.gather [hbm4b:s3+s4], $0x20, s19, s4, $0xb8;
	[tilespmem:$0x15400] =	vst v63  }
0x178: {  	s19 =	rddreg [dreg:$0x1c]  }
0x179: {  	[tilespmem:s22], [sflag:$0x1] =	stream.indirect.gather [hbm4b:s3+s4], $0x20, s0, s4, $0xb8;
	[tilespmem:$0x15400] =	vst v63  }
0x17a: {  	s0 =	rddreg [dreg:$0x1d]  }
0x17b: {  	[tilespmem:s23], [sflag:$0x1] =	stream.indirect.gather [hbm4b:s3+s4], $0x20, s19, s4, $0xb8;
	[tilespmem:$0x15400] =	vst v63  }
0x17c: {  	s19 =	rddreg [dreg:$0x1e]  }
0x17d: {  	[tilespmem:s24], [sflag:$0x1] =	stream.indirect.gather [hbm4b:s3+s4], $0x20, s0, s4, $0xb8;
	[tilespmem:$0x15400] =	vst v63  }
0x17e: {  	s0 =	rddreg [dreg:$0x1f]  }
0x17f: {  	[tilespmem:s25], [sflag:$0x1] =	stream.indirect.gather [hbm4b:s3+s4], $0x20, s19, s4, $0xb8;
	[tilespmem:$0x15400] =	vst v63  }
0x180: {  	s19 =	sld [smem:$0x7F3]  }
0x181: {  	[tilespmem:s26], [sflag:$0x1] =	stream.indirect.gather [hbm4b:s3+s4], $0x20, s0, s4, $0xb8;
	[tilespmem:$0x15400] =	vst v63  }
0x182: {  	s0 =	sld [smem:$0x7F4]  }
0x183: {  	[tilespmem:s28], [sflag:$0x1] =	stream.indirect.gather [hbm4b:s3+s4], $0x20, s19, s4, $0xb8;
	[tilespmem:$0x15400] =	vst v63  }
0x184: {  	s19 =	sld [smem:$0x7F5]  }
0x185: {  	[tilespmem:s29], [sflag:$0x1] =	stream.indirect.gather [hbm4b:s3+s4], $0x20, s0, s4, $0xb8;
	[tilespmem:$0x15400] =	vst v63  }
0x186: {  	_ = 	snop  }
0x187: {  	[tilespmem:s30], [sflag:$0x1] =	stream.indirect.gather [hbm4b:s3+s4], $0x20, s19, s4, $0xb8;
	[tilespmem:$0x15400] =	vst v63  }
0x188: {  	_ =	swait.ge [sflag:s5], $0x1000  }
0x189: {  	[sflag:s5] =	ssyncset.done $0x0  }
0x18a: {  	[sflag:s5] =	ssyncadd.s32 $0xFFFFF000  }
0x18b: {  	_ =	swait.ge [sflag:s5], $0x1000  }
0x18c: {  	[sflag:s5] =	ssyncset.done $0x0  }
0x18d: {  	[sflag:s5] =	ssyncadd.s32 $0xFFFFF000  }
0x18e: {  	_ =	swait.ge [sflag:s5], $0x1000  }
0x18f: {  	[sflag:s5] =	ssyncset.done $0x0  }
0x190: {  	[sflag:s5] =	ssyncadd.s32 $0xFFFFF000  }
0x191: {  	_ =	swait.ge [sflag:s5], $0x1000  }
0x192: {  	[sflag:s5] =	ssyncset.done $0x0  }
0x193: {  	[sflag:s5] =	ssyncadd.s32 $0xFFFFF000  }
0x194: {  	_ =	swait.ge [sflag:s5], $0x1000  }
0x195: {  	[sflag:s5] =	ssyncset.done $0x0  }
0x196: {  	[sflag:s5] =	ssyncadd.s32 $0xFFFFF000  }
0x197: {  	_ =	swait.ge [sflag:s5], $0x1000  }
0x198: {  	[sflag:s5] =	ssyncset.done $0x0  }
0x199: {  	[sflag:s5] =	ssyncadd.s32 $0xFFFFF000  }
0x19a: {  	_ =	swait.ge [sflag:s5], $0x1000  }
0x19b: {  	[sflag:s5] =	ssyncset.done $0x0  }
0x19c: {  	[sflag:s5] =	ssyncadd.s32 $0xFFFFF000  }
0x19d: {  	_ =	swait.ge [sflag:s5], $0x1000  }
0x19e: {  	[sflag:s5] =	ssyncset.done $0x0  }
0x19f: {  	[sflag:s5] =	ssyncadd.s32 $0xFFFFF000  }
0x1a0: {  	_ =	swait.ge [sflag:s5], $0x1000  }
0x1a1: {  	[sflag:s5] =	ssyncset.done $0x0  }
0x1a2: {  	[sflag:s5] =	ssyncadd.s32 $0xFFFFF000  }
0x1a3: {  	_ =	swait.ge [sflag:s5], $0x1000  }
0x1a4: {  	[sflag:s5] =	ssyncset.done $0x0  }
0x1a5: {  	s19 =	rddreg [dreg:$0x5];
	[sflag:s5] =	ssyncadd.s32 $0xFFFFF000  }
0x1a6: {  	[hbm4b:s19+s2] =	stream.linear.scatter [tilespmem:s7], [sflag:$0x2], $0xA000, $0x38;
	[tilespmem:$0x15400] =	vst v63  }
0x1a7: {  	_ =	swait.ge [sflag:s8], $0xA000  }
0x1a8: {  	s0 =	sld [smem:$0x7F6]  }
0x1a9: {  	[sflag:s8] =	ssyncset.done $0x0  }
0x1aa: {  	s19 =	sld [smem:$0x7F7];
	[sflag:s8] =	ssyncadd.s32 $0xFFFF6000  }
0x1ab: {  	[tilespmem:s6], [sflag:$0x1] =	stream.indirect.gather [hbm4b:s3+s4], $0x20, s0, s4, $0xb8;
	[tilespmem:$0x15400] =	vst v63  }
0x1ac: {  	s0 =	sld [smem:$0x7F8]  }
0x1ad: {  	[tilespmem:s10], [sflag:$0x1] =	stream.indirect.gather [hbm4b:s3+s4], $0x20, s19, s4, $0xb8;
	[tilespmem:$0x15400] =	vst v63  }
0x1ae: {  	s19 =	sld [smem:$0x7F9]  }
0x1af: {  	[tilespmem:s11], [sflag:$0x1] =	stream.indirect.gather [hbm4b:s3+s4], $0x20, s0, s4, $0xb8;
	[tilespmem:$0x15400] =	vst v63  }
0x1b0: {  	s0 =	sld [smem:$0x7FA]  }
0x1b1: {  	[tilespmem:s12], [sflag:$0x1] =	stream.indirect.gather [hbm4b:s3+s4], $0x20, s19, s4, $0xb8;
	[tilespmem:$0x15400] =	vst v63  }
0x1b2: {  	s19 =	sld [smem:$0x7FB]  }
0x1b3: {  	[tilespmem:s13], [sflag:$0x1] =	stream.indirect.gather [hbm4b:s3+s4], $0x20, s0, s4, $0xb8;
	[tilespmem:$0x15400] =	vst v63  }
0x1b4: {  	s0 =	sld [smem:$0x7FC]  }
0x1b5: {  	[tilespmem:s14], [sflag:$0x1] =	stream.indirect.gather [hbm4b:s3+s4], $0x20, s19, s4, $0xb8;
	[tilespmem:$0x15400] =	vst v63  }
0x1b6: {  	s19 =	sld [smem:$0x7FD]  }
0x1b7: {  	[tilespmem:s15], [sflag:$0x1] =	stream.indirect.gather [hbm4b:s3+s4], $0x20, s0, s4, $0xb8;
	[tilespmem:$0x15400] =	vst v63  }
0x1b8: {  	_ = 	snop  }
0x1b9: {  	[tilespmem:s16], [sflag:$0x1] =	stream.indirect.gather [hbm4b:s3+s4], $0x20, s19, s4, $0xb8;
	[tilespmem:$0x15400] =	vst v63  }
0x1ba: {  	s19 =	simm.s32 $0x1300  }
0x1bb: {  	[tilespmem:s17], [sflag:$0x1] =	stream.indirect.gather [hbm4b:s3+s4], $0x20, s19, s4, $0xb8;
	[tilespmem:$0x15400] =	vst v63  }
0x1bc: {  	_ = 	snop  }
0x1bd: {  	[tilespmem:s18], [sflag:$0x1] =	stream.indirect.gather [hbm4b:s3+s4], $0x20, s20, s4, $0xb8;
	[tilespmem:$0x15400] =	vst v63  }
0x1be: {  	_ =	swait.ge [sflag:s5], $0x1000  }
0x1bf: {  	[sflag:s5] =	ssyncset.done $0x0  }
0x1c0: {  	[sflag:s5] =	ssyncadd.s32 $0xFFFFF000  }
0x1c1: {  	_ =	swait.ge [sflag:s5], $0x1000  }
0x1c2: {  	[sflag:s5] =	ssyncset.done $0x0  }
0x1c3: {  	[sflag:s5] =	ssyncadd.s32 $0xFFFFF000  }
0x1c4: {  	_ =	swait.ge [sflag:s5], $0x1000  }
0x1c5: {  	[sflag:s5] =	ssyncset.done $0x0  }
0x1c6: {  	[sflag:s5] =	ssyncadd.s32 $0xFFFFF000  }
0x1c7: {  	_ =	swait.ge [sflag:s5], $0x1000  }
0x1c8: {  	[sflag:s5] =	ssyncset.done $0x0  }
0x1c9: {  	[sflag:s5] =	ssyncadd.s32 $0xFFFFF000  }
0x1ca: {  	_ =	swait.ge [sflag:s5], $0x1000  }
0x1cb: {  	[sflag:s5] =	ssyncset.done $0x0  }
0x1cc: {  	[sflag:s5] =	ssyncadd.s32 $0xFFFFF000  }
0x1cd: {  	_ =	swait.ge [sflag:s5], $0x1000  }
0x1ce: {  	[sflag:s5] =	ssyncset.done $0x0  }
0x1cf: {  	[sflag:s5] =	ssyncadd.s32 $0xFFFFF000  }
0x1d0: {  	_ =	swait.ge [sflag:s5], $0x1000  }
0x1d1: {  	[sflag:s5] =	ssyncset.done $0x0  }
0x1d2: {  	[sflag:s5] =	ssyncadd.s32 $0xFFFFF000  }
0x1d3: {  	_ =	swait.ge [sflag:s5], $0x1000  }
0x1d4: {  	[sflag:s5] =	ssyncset.done $0x0  }
0x1d5: {  	[sflag:s5] =	ssyncadd.s32 $0xFFFFF000  }
0x1d6: {  	_ =	swait.ge [sflag:s5], $0x1000  }
0x1d7: {  	[sflag:s5] =	ssyncset.done $0x0  }
0x1d8: {  	[sflag:s5] =	ssyncadd.s32 $0xFFFFF000  }
0x1d9: {  	_ =	swait.ge [sflag:s5], $0x1000  }
0x1da: {  	[sflag:s5] =	ssyncset.done $0x0  }
0x1db: {  	p1 =	sne.s32 s1, $0x1;
	s19 =	rddreg [dreg:$0x6];
	[sflag:s5] =	ssyncadd.s32 $0xFFFFF000  }
0x1dc: {  	[hbm4b:s19+s2] =	stream.linear.scatter [tilespmem:s6], [sflag:$0x3], $0xA000, $0x38;
	[tilespmem:$0x15400] =	vst v63  }
.Ltmp2:
0x1dd: {  	_ =	swait.ge [sflag:s9], $0xA000;
	(pc) =	sbr.rel @p1 .LBB2_4-.Ltmp2, $4  }
0x1de: {  	[sflag:s9] =	ssyncset.done $0x0  }
0x1df: {  	[sflag:s9] =	ssyncadd.s32 $0xFFFF6000  }
0x1e0: {  	_ =	swait.ge [sflag:s8], $0xA000  }
0x1e1: {  	s1 =	sadd.s32 $0xFFFFFFFF, s1;
	s0 =	rddreg [dreg:$0x2];
	[sflag:s8] =	ssyncset.done $0x0  }
0x1e2: {  	s20 =	simm.s32 $0x1300;
	s19 =	stileid.u32  }
.LBB2_6:
0x1e3: {  	[sflag:s8] =	ssyncadd.s32 @p0 $0xFFFF6000  }
0x1e4: {  	[tilespmem:s2], [sflag:$0x4] =	stream.linear.gather [hbm4b:s0+s2], $0x1400, $0x38;
	[tilespmem:$0x15400] =	vst v63  }
0x1e5: {  	_ =	swait.ge [sflag:s31], $0x1400  }
0x1e6: {  	[sflag:s31] =	ssyncset.done $0x0  }
0x1e7: {  	[sflag:s31] =	ssyncadd.s32 $0xFFFFEC00  }
0x1e8: {  	[tilespmem:s7], [sflag:$0x1] =	stream.indirect.gather [hbm4b:s3+s4], $0x20, s2, s4, $0xb8;
	[tilespmem:$0x15400] =	vst v63  }
0x1e9: {  	_ = 	snop  }
0x1ea: {  	[tilespmem:s21], [sflag:$0x1] =	stream.indirect.gather [hbm4b:s3+s4], $0x20, s4, s4, $0xb8;
	[tilespmem:$0x15400] =	vst v63  }
0x1eb: {  	s31 =	rddreg [dreg:$0x7]  }
0x1ec: {  	[tilespmem:s22], [sflag:$0x1] =	stream.indirect.gather [hbm4b:s3+s4], $0x20, s31, s4, $0xb8;
	[tilespmem:$0x15400] =	vst v63  }
0x1ed: {  	s1 =	rddreg [dreg:$0x8]  }
0x1ee: {  	[tilespmem:s23], [sflag:$0x1] =	stream.indirect.gather [hbm4b:s3+s4], $0x20, s1, s4, $0xb8;
	[tilespmem:$0x15400] =	vst v63  }
0x1ef: {  	s0 =	rddreg [dreg:$0x9]  }
0x1f0: {  	[tilespmem:s24], [sflag:$0x1] =	stream.indirect.gather [hbm4b:s3+s4], $0x20, s0, s4, $0xb8;
	[tilespmem:$0x15400] =	vst v63  }
0x1f1: {  	s31 =	rddreg [dreg:$0xa]  }
0x1f2: {  	[tilespmem:s25], [sflag:$0x1] =	stream.indirect.gather [hbm4b:s3+s4], $0x20, s31, s4, $0xb8;
	[tilespmem:$0x15400] =	vst v63  }
0x1f3: {  	s0 =	rddreg [dreg:$0xb]  }
0x1f4: {  	[tilespmem:s26], [sflag:$0x1] =	stream.indirect.gather [hbm4b:s3+s4], $0x20, s0, s4, $0xb8;
	[tilespmem:$0x15400] =	vst v63  }
0x1f5: {  	s31 =	rddreg [dreg:$0xc]  }
0x1f6: {  	[tilespmem:s28], [sflag:$0x1] =	stream.indirect.gather [hbm4b:s3+s4], $0x20, s31, s4, $0xb8;
	[tilespmem:$0x15400] =	vst v63  }
0x1f7: {  	s0 =	rddreg [dreg:$0xd]  }
0x1f8: {  	[tilespmem:s29], [sflag:$0x1] =	stream.indirect.gather [hbm4b:s3+s4], $0x20, s0, s4, $0xb8;
	[tilespmem:$0x15400] =	vst v63  }
0x1f9: {  	s31 =	rddreg [dreg:$0xe]  }
0x1fa: {  	[tilespmem:s30], [sflag:$0x1] =	stream.indirect.gather [hbm4b:s3+s4], $0x20, s31, s4, $0xb8;
	[tilespmem:$0x15400] =	vst v63  }
0x1fb: {  	_ =	swait.ge [sflag:s5], $0x1000  }
0x1fc: {  	[sflag:s5] =	ssyncset.done $0x0  }
0x1fd: {  	[sflag:s5] =	ssyncadd.s32 $0xFFFFF000  }
0x1fe: {  	_ =	swait.ge [sflag:s5], $0x1000  }
0x1ff: {  	[sflag:s5] =	ssyncset.done $0x0  }
0x200: {  	[sflag:s5] =	ssyncadd.s32 $0xFFFFF000  }
0x201: {  	_ =	swait.ge [sflag:s5], $0x1000  }
0x202: {  	[sflag:s5] =	ssyncset.done $0x0  }
0x203: {  	[sflag:s5] =	ssyncadd.s32 $0xFFFFF000  }
0x204: {  	_ =	swait.ge [sflag:s5], $0x1000  }
0x205: {  	[sflag:s5] =	ssyncset.done $0x0  }
0x206: {  	[sflag:s5] =	ssyncadd.s32 $0xFFFFF000  }
0x207: {  	_ =	swait.ge [sflag:s5], $0x1000  }
0x208: {  	[sflag:s5] =	ssyncset.done $0x0  }
0x209: {  	[sflag:s5] =	ssyncadd.s32 $0xFFFFF000  }
0x20a: {  	_ =	swait.ge [sflag:s5], $0x1000  }
0x20b: {  	[sflag:s5] =	ssyncset.done $0x0  }
0x20c: {  	[sflag:s5] =	ssyncadd.s32 $0xFFFFF000  }
0x20d: {  	_ =	swait.ge [sflag:s5], $0x1000  }
0x20e: {  	[sflag:s5] =	ssyncset.done $0x0  }
0x20f: {  	[sflag:s5] =	ssyncadd.s32 $0xFFFFF000  }
0x210: {  	_ =	swait.ge [sflag:s5], $0x1000  }
0x211: {  	[sflag:s5] =	ssyncset.done $0x0  }
0x212: {  	[sflag:s5] =	ssyncadd.s32 $0xFFFFF000  }
0x213: {  	_ =	swait.ge [sflag:s5], $0x1000  }
0x214: {  	[sflag:s5] =	ssyncset.done $0x0  }
0x215: {  	[sflag:s5] =	ssyncadd.s32 $0xFFFFF000  }
0x216: {  	_ =	swait.ge [sflag:s5], $0x1000  }
0x217: {  	[sflag:s5] =	ssyncset.done $0x0  }
0x218: {  	s31 =	rddreg [dreg:$0x3];
	[sflag:s5] =	ssyncadd.s32 $0xFFFFF000  }
0x219: {  	[hbm4b:s31+s2] =	stream.linear.scatter [tilespmem:s7], [sflag:$0x2], $0xA000, $0x38;
	[tilespmem:$0x15400] =	vst v63  }
0x21a: {  	s1 =	rddreg [dreg:$0xf]  }
0x21b: {  	[tilespmem:s6], [sflag:$0x1] =	stream.indirect.gather [hbm4b:s3+s4], $0x20, s1, s4, $0xb8;
	[tilespmem:$0x15400] =	vst v63  }
0x21c: {  	s31 =	rddreg [dreg:$0x10]  }
0x21d: {  	[tilespmem:s10], [sflag:$0x1] =	stream.indirect.gather [hbm4b:s3+s4], $0x20, s31, s4, $0xb8;
	[tilespmem:$0x15400] =	vst v63  }
0x21e: {  	s1 =	rddreg [dreg:$0x11]  }
0x21f: {  	[tilespmem:s11], [sflag:$0x1] =	stream.indirect.gather [hbm4b:s3+s4], $0x20, s1, s4, $0xb8;
	[tilespmem:$0x15400] =	vst v63  }
0x220: {  	s31 =	rddreg [dreg:$0x12]  }
0x221: {  	[tilespmem:s12], [sflag:$0x1] =	stream.indirect.gather [hbm4b:s3+s4], $0x20, s31, s4, $0xb8;
	[tilespmem:$0x15400] =	vst v63  }
0x222: {  	s1 =	rddreg [dreg:$0x13]  }
0x223: {  	[tilespmem:s13], [sflag:$0x1] =	stream.indirect.gather [hbm4b:s3+s4], $0x20, s1, s4, $0xb8;
	[tilespmem:$0x15400] =	vst v63  }
0x224: {  	s31 =	rddreg [dreg:$0x14]  }
0x225: {  	[tilespmem:s14], [sflag:$0x1] =	stream.indirect.gather [hbm4b:s3+s4], $0x20, s31, s4, $0xb8;
	[tilespmem:$0x15400] =	vst v63  }
0x226: {  	s1 =	rddreg [dreg:$0x15]  }
0x227: {  	[tilespmem:s15], [sflag:$0x1] =	stream.indirect.gather [hbm4b:s3+s4], $0x20, s1, s4, $0xb8;
	[tilespmem:$0x15400] =	vst v63  }
0x228: {  	s31 =	rddreg [dreg:$0x16]  }
0x229: {  	[tilespmem:s16], [sflag:$0x1] =	stream.indirect.gather [hbm4b:s3+s4], $0x20, s31, s4, $0xb8;
	[tilespmem:$0x15400] =	vst v63  }
0x22a: {  	s1 =	rddreg [dreg:$0x17]  }
0x22b: {  	[tilespmem:s17], [sflag:$0x1] =	stream.indirect.gather [hbm4b:s3+s4], $0x20, s1, s4, $0xb8;
	[tilespmem:$0x15400] =	vst v63  }
0x22c: {  	s31 =	rddreg [dreg:$0x18]  }
0x22d: {  	[tilespmem:s18], [sflag:$0x1] =	stream.indirect.gather [hbm4b:s3+s4], $0x20, s31, s4, $0xb8;
	[tilespmem:$0x15400] =	vst v63  }
0x22e: {  	_ =	swait.ge [sflag:s5], $0x1000  }
0x22f: {  	[sflag:s5] =	ssyncset.done $0x0  }
0x230: {  	[sflag:s5] =	ssyncadd.s32 $0xFFFFF000  }
0x231: {  	_ =	swait.ge [sflag:s5], $0x1000  }
0x232: {  	[sflag:s5] =	ssyncset.done $0x0  }
0x233: {  	[sflag:s5] =	ssyncadd.s32 $0xFFFFF000  }
0x234: {  	_ =	swait.ge [sflag:s5], $0x1000  }
0x235: {  	[sflag:s5] =	ssyncset.done $0x0  }
0x236: {  	[sflag:s5] =	ssyncadd.s32 $0xFFFFF000  }
0x237: {  	_ =	swait.ge [sflag:s5], $0x1000  }
0x238: {  	[sflag:s5] =	ssyncset.done $0x0  }
0x239: {  	[sflag:s5] =	ssyncadd.s32 $0xFFFFF000  }
0x23a: {  	_ =	swait.ge [sflag:s5], $0x1000  }
0x23b: {  	[sflag:s5] =	ssyncset.done $0x0  }
0x23c: {  	[sflag:s5] =	ssyncadd.s32 $0xFFFFF000  }
0x23d: {  	_ =	swait.ge [sflag:s5], $0x1000  }
0x23e: {  	[sflag:s5] =	ssyncset.done $0x0  }
0x23f: {  	[sflag:s5] =	ssyncadd.s32 $0xFFFFF000  }
0x240: {  	_ =	swait.ge [sflag:s5], $0x1000  }
0x241: {  	[sflag:s5] =	ssyncset.done $0x0  }
0x242: {  	[sflag:s5] =	ssyncadd.s32 $0xFFFFF000  }
0x243: {  	_ =	swait.ge [sflag:s5], $0x1000  }
0x244: {  	[sflag:s5] =	ssyncset.done $0x0  }
0x245: {  	[sflag:s5] =	ssyncadd.s32 $0xFFFFF000  }
0x246: {  	_ =	swait.ge [sflag:s5], $0x1000  }
0x247: {  	[sflag:s5] =	ssyncset.done $0x0  }
0x248: {  	[sflag:s5] =	ssyncadd.s32 $0xFFFFF000  }
0x249: {  	_ =	swait.ge [sflag:s5], $0x1000  }
0x24a: {  	[sflag:s5] =	ssyncset.done $0x0  }
0x24b: {  	s1 =	rddreg [dreg:$0x4];
	[sflag:s5] =	ssyncadd.s32 $0xFFFFF000  }
0x24c: {  	[hbm4b:s1+s2] =	stream.linear.scatter [tilespmem:s6], [sflag:$0x3], $0xA000, $0x38;
	[tilespmem:$0x15400] =	vst v63  }
0x24d: {  	_ =	swait.ge [sflag:s9], $0xA000  }
0x24e: {  	s31 =	rddreg [dreg:$0x19];
	[sflag:s9] =	ssyncset.done $0x0  }
0x24f: {  	s1 =	rddreg [dreg:$0x1a];
	[sflag:s9] =	ssyncadd.s32 $0xFFFF6000  }
0x250: {  	[tilespmem:s7], [sflag:$0x1] =	stream.indirect.gather [hbm4b:s3+s4], $0x20, s31, s4, $0xb8;
	[tilespmem:$0x15400] =	vst v63  }
0x251: {  	s31 =	rddreg [dreg:$0x1b]  }
0x252: {  	[tilespmem:s21], [sflag:$0x1] =	stream.indirect.gather [hbm4b:s3+s4], $0x20, s1, s4, $0xb8;
	[tilespmem:$0x15400] =	vst v63  }
0x253: {  	s21 =	rddreg [dreg:$0x1c]  }
0x254: {  	[tilespmem:s22], [sflag:$0x1] =	stream.indirect.gather [hbm4b:s3+s4], $0x20, s31, s4, $0xb8;
	[tilespmem:$0x15400] =	vst v63  }
0x255: {  	s22 =	rddreg [dreg:$0x1d]  }
0x256: {  	[tilespmem:s23], [sflag:$0x1] =	stream.indirect.gather [hbm4b:s3+s4], $0x20, s21, s4, $0xb8;
	[tilespmem:$0x15400] =	vst v63  }
0x257: {  	s23 =	rddreg [dreg:$0x1e]  }
0x258: {  	[tilespmem:s24], [sflag:$0x1] =	stream.indirect.gather [hbm4b:s3+s4], $0x20, s22, s4, $0xb8;
	[tilespmem:$0x15400] =	vst v63  }
0x259: {  	s24 =	rddreg [dreg:$0x1f]  }
0x25a: {  	[tilespmem:s25], [sflag:$0x1] =	stream.indirect.gather [hbm4b:s3+s4], $0x20, s23, s4, $0xb8;
	[tilespmem:$0x15400] =	vst v63  }
0x25b: {  	s25 =	sld [smem:$0x7F3]  }
0x25c: {  	[tilespmem:s26], [sflag:$0x1] =	stream.indirect.gather [hbm4b:s3+s4], $0x20, s24, s4, $0xb8;
	[tilespmem:$0x15400] =	vst v63  }
0x25d: {  	s26 =	sld [smem:$0x7F4]  }
0x25e: {  	[tilespmem:s28], [sflag:$0x1] =	stream.indirect.gather [hbm4b:s3+s4], $0x20, s25, s4, $0xb8;
	[tilespmem:$0x15400] =	vst v63  }
0x25f: {  	s31 =	sld [smem:$0x7F5]  }
0x260: {  	[tilespmem:s29], [sflag:$0x1] =	stream.indirect.gather [hbm4b:s3+s4], $0x20, s26, s4, $0xb8;
	[tilespmem:$0x15400] =	vst v63  }
0x261: {  	_ = 	snop  }
0x262: {  	[tilespmem:s30], [sflag:$0x1] =	stream.indirect.gather [hbm4b:s3+s4], $0x20, s31, s4, $0xb8;
	[tilespmem:$0x15400] =	vst v63  }
0x263: {  	_ =	swait.ge [sflag:s5], $0x1000  }
0x264: {  	[sflag:s5] =	ssyncset.done $0x0  }
0x265: {  	[sflag:s5] =	ssyncadd.s32 $0xFFFFF000  }
0x266: {  	_ =	swait.ge [sflag:s5], $0x1000  }
0x267: {  	[sflag:s5] =	ssyncset.done $0x0  }
0x268: {  	[sflag:s5] =	ssyncadd.s32 $0xFFFFF000  }
0x269: {  	_ =	swait.ge [sflag:s5], $0x1000  }
0x26a: {  	[sflag:s5] =	ssyncset.done $0x0  }
0x26b: {  	[sflag:s5] =	ssyncadd.s32 $0xFFFFF000  }
0x26c: {  	_ =	swait.ge [sflag:s5], $0x1000  }
0x26d: {  	[sflag:s5] =	ssyncset.done $0x0  }
0x26e: {  	[sflag:s5] =	ssyncadd.s32 $0xFFFFF000  }
0x26f: {  	_ =	swait.ge [sflag:s5], $0x1000  }
0x270: {  	[sflag:s5] =	ssyncset.done $0x0  }
0x271: {  	[sflag:s5] =	ssyncadd.s32 $0xFFFFF000  }
0x272: {  	_ =	swait.ge [sflag:s5], $0x1000  }
0x273: {  	[sflag:s5] =	ssyncset.done $0x0  }
0x274: {  	[sflag:s5] =	ssyncadd.s32 $0xFFFFF000  }
0x275: {  	_ =	swait.ge [sflag:s5], $0x1000  }
0x276: {  	[sflag:s5] =	ssyncset.done $0x0  }
0x277: {  	[sflag:s5] =	ssyncadd.s32 $0xFFFFF000  }
0x278: {  	_ =	swait.ge [sflag:s5], $0x1000  }
0x279: {  	[sflag:s5] =	ssyncset.done $0x0  }
0x27a: {  	[sflag:s5] =	ssyncadd.s32 $0xFFFFF000  }
0x27b: {  	_ =	swait.ge [sflag:s5], $0x1000  }
0x27c: {  	[sflag:s5] =	ssyncset.done $0x0  }
0x27d: {  	[sflag:s5] =	ssyncadd.s32 $0xFFFFF000  }
0x27e: {  	_ =	swait.ge [sflag:s5], $0x1000  }
0x27f: {  	[sflag:s5] =	ssyncset.done $0x0  }
0x280: {  	s1 =	rddreg [dreg:$0x5];
	[sflag:s5] =	ssyncadd.s32 $0xFFFFF000  }
0x281: {  	[hbm4b:s1+s2] =	stream.linear.scatter [tilespmem:s7], [sflag:$0x2], $0xA000, $0x38;
	[tilespmem:$0x15400] =	vst v63  }
0x282: {  	_ =	swait.ge [sflag:s8], $0xA000  }
0x283: {  	s21 =	sld [smem:$0x7F6]  }
0x284: {  	[sflag:s8] =	ssyncset.done $0x0  }
0x285: {  	s22 =	sld [smem:$0x7F7];
	[sflag:s8] =	ssyncadd.s32 $0xFFFF6000  }
0x286: {  	[tilespmem:s6], [sflag:$0x1] =	stream.indirect.gather [hbm4b:s3+s4], $0x20, s21, s4, $0xb8;
	[tilespmem:$0x15400] =	vst v63  }
0x287: {  	s23 =	sld [smem:$0x7F8]  }
0x288: {  	[tilespmem:s10], [sflag:$0x1] =	stream.indirect.gather [hbm4b:s3+s4], $0x20, s22, s4, $0xb8;
	[tilespmem:$0x15400] =	vst v63  }
0x289: {  	s24 =	sld [smem:$0x7F9]  }
0x28a: {  	[tilespmem:s11], [sflag:$0x1] =	stream.indirect.gather [hbm4b:s3+s4], $0x20, s23, s4, $0xb8;
	[tilespmem:$0x15400] =	vst v63  }
0x28b: {  	s25 =	sld [smem:$0x7FA]  }
0x28c: {  	[tilespmem:s12], [sflag:$0x1] =	stream.indirect.gather [hbm4b:s3+s4], $0x20, s24, s4, $0xb8;
	[tilespmem:$0x15400] =	vst v63  }
0x28d: {  	s26 =	sld [smem:$0x7FB]  }
0x28e: {  	[tilespmem:s13], [sflag:$0x1] =	stream.indirect.gather [hbm4b:s3+s4], $0x20, s25, s4, $0xb8;
	[tilespmem:$0x15400] =	vst v63  }
0x28f: {  	s28 =	sld [smem:$0x7FC]  }
0x290: {  	[tilespmem:s14], [sflag:$0x1] =	stream.indirect.gather [hbm4b:s3+s4], $0x20, s26, s4, $0xb8;
	[tilespmem:$0x15400] =	vst v63  }
0x291: {  	s29 =	sld [smem:$0x7FD]  }
0x292: {  	[tilespmem:s15], [sflag:$0x1] =	stream.indirect.gather [hbm4b:s3+s4], $0x20, s28, s4, $0xb8;
	[tilespmem:$0x15400] =	vst v63  }
0x293: {  	_ = 	snop  }
0x294: {  	[tilespmem:s16], [sflag:$0x1] =	stream.indirect.gather [hbm4b:s3+s4], $0x20, s29, s4, $0xb8;
	[tilespmem:$0x15400] =	vst v63  }
0x295: {  	_ = 	snop  }
0x296: {  	[tilespmem:s17], [sflag:$0x1] =	stream.indirect.gather [hbm4b:s3+s4], $0x20, s20, s4, $0xb8;
	[tilespmem:$0x15400] =	vst v63  }
0x297: {  	s30 =	simm.s32 $0x1380  }
0x298: {  	[tilespmem:s18], [sflag:$0x1] =	stream.indirect.gather [hbm4b:s3+s4], $0x20, s30, s4, $0xb8;
	[tilespmem:$0x15400] =	vst v63  }
0x299: {  	_ =	swait.ge [sflag:s5], $0x1000  }
0x29a: {  	[sflag:s5] =	ssyncset.done $0x0  }
0x29b: {  	[sflag:s5] =	ssyncadd.s32 $0xFFFFF000  }
0x29c: {  	_ =	swait.ge [sflag:s5], $0x1000  }
0x29d: {  	[sflag:s5] =	ssyncset.done $0x0  }
0x29e: {  	[sflag:s5] =	ssyncadd.s32 $0xFFFFF000  }
0x29f: {  	_ =	swait.ge [sflag:s5], $0x1000  }
0x2a0: {  	[sflag:s5] =	ssyncset.done $0x0  }
0x2a1: {  	[sflag:s5] =	ssyncadd.s32 $0xFFFFF000  }
0x2a2: {  	_ =	swait.ge [sflag:s5], $0x1000  }
0x2a3: {  	[sflag:s5] =	ssyncset.done $0x0  }
0x2a4: {  	[sflag:s5] =	ssyncadd.s32 $0xFFFFF000  }
0x2a5: {  	_ =	swait.ge [sflag:s5], $0x1000  }
0x2a6: {  	[sflag:s5] =	ssyncset.done $0x0  }
0x2a7: {  	[sflag:s5] =	ssyncadd.s32 $0xFFFFF000  }
0x2a8: {  	_ =	swait.ge [sflag:s5], $0x1000  }
0x2a9: {  	[sflag:s5] =	ssyncset.done $0x0  }
0x2aa: {  	[sflag:s5] =	ssyncadd.s32 $0xFFFFF000  }
0x2ab: {  	_ =	swait.ge [sflag:s5], $0x1000  }
0x2ac: {  	[sflag:s5] =	ssyncset.done $0x0  }
0x2ad: {  	[sflag:s5] =	ssyncadd.s32 $0xFFFFF000  }
0x2ae: {  	_ =	swait.ge [sflag:s5], $0x1000  }
0x2af: {  	[sflag:s5] =	ssyncset.done $0x0  }
0x2b0: {  	[sflag:s5] =	ssyncadd.s32 $0xFFFFF000  }
0x2b1: {  	_ =	swait.ge [sflag:s5], $0x1000  }
0x2b2: {  	[sflag:s5] =	ssyncset.done $0x0  }
0x2b3: {  	[sflag:s5] =	ssyncadd.s32 $0xFFFFF000  }
0x2b4: {  	_ =	swait.ge [sflag:s5], $0x1000  }
0x2b5: {  	[sflag:s5] =	ssyncset.done $0x0  }
0x2b6: {  	s31 =	rddreg [dreg:$0x6];
	[sflag:s5] =	ssyncadd.s32 $0xFFFFF000  }
0x2b7: {  	[hbm4b:s31+s2] =	stream.linear.scatter [tilespmem:s6], [sflag:$0x3], $0xA000, $0x38;
	[tilespmem:$0x15400] =	vst v63  }
0x2b8: {  	_ =	swait.ge [sflag:s9], $0xA000  }
0x2b9: {  	[sflag:s9] =	ssyncset.done $0x0  }
0x2ba: {  	[sflag:s9] =	ssyncadd.s32 $0xFFFF6000  }
0x2bb: {  	_ =	swait.ge [sflag:s8], $0xA000  }
0x2bc: {  	[sflag:s8] =	ssyncset.done $0x0  }
0x2bd: {  	[sflag:s8] =	ssyncadd.s32 $0xFFFF6000  }
0x2be: {  	_ =	sfence.sel $0x180000  }
0x2bf: {  	[bflag:$0x0] =	sbarrier.arrive $0xFFFF  }
0x2c0: {  	_ =	strace $0x90000047  }
0x2c1: {  	[bflag:$0x2] =	sbarrier.arrive $0xFFFF  }
0x2c2: {  	p0 =	sne.s32 s19, $0x0;
	s0 =	rddreg [dreg:$0x1]  }
0x2c3: {  	s0 =	sadd.s32 @!p0 $0x100000, s0  }
0x2c4: {  	[sflag:s0] =	ssyncadd.tile.s32 @!p0 $0x1;
	_ =	shalt  }
.LBB2_1:
.Ltmp3:
0x2c5: {  	(pc) =	sbr.rel .LBB2_6-.Ltmp3, $2  }
0x2c6: {  	_ =	sdelay $0x2  }
0x2c7: {  	s20 =	simm.s32 $0x1300  }
.LBB2_3:
.Ltmp4:
0x2c8: {  	(pc) =	sbr.rel .LBB2_6-.Ltmp4, $2  }
0x2c9: {  	_ =	sdelay $0x2  }
0x2ca: {  	s20 =	simm.s32 $0x1300;
	s19 =	stileid.u32  }
.Lfunc_end2:
_tile_overlayer_lowered:
.L_overlay_start_2:
0x2cb: {  	(tag) =	ssettag $0x2  }
0x2cc: {  	s0 =	rddreg [dreg:$0x0];
	s2 =	stileid.u32  }
0x2cd: {  	s1 =	rddreg [dreg:$0x1];
	p0 =	sne.s32 s2, $0x0  }
0x2ce: {  	s3 =	rddreg [dreg:$0x2];
	[bflag:$0x3] =	sbarrier.arrive $0xFFFF;
	s2 =	simm.s32 @!p0 $0x1C04  }
0x2cf: {  	[timem:s3], [sflag:s2] =	dma.local @!p0 [hbm:s0], s1  }
0x2d0: {  	s0 =	simm.s32 @!p0 $0x4  }
0x2d1: {  	_ =	swait.ge @!p0 [sflag:s0], s1  }
0x2d2: {  	s1 =	ssub.s32 @!p0 $0x0, s1;
	[sflag:s0] =	ssyncset.done @!p0 $0x0  }
0x2d3: {  	[sflag:s0] =	ssyncadd.s32 @!p0 s1  }
0x2d4: {  	[bflag:$0x3] =	sbarrier.arrive $0xFFFF  }
0x2d5: {  	_ =	shalt  }

// kernel: kernel.13.cloned.1.call-start
scs
__scs_entry_jumppad:
0x0: {  	(pc) =	sbr.rel $0x88, $3  }
0x1: {  	(tag) =	ssettag $0x0;
	lr =	simm.s32 $0x1  }
0x2: {  	[smem:$0x3F8D] =	sst lr;
	_ =	strace $0xD0000000  }
0x3: {  	_ = 	snop  }
0x4: {  	_ = 	snop  }
0x5: {  	_ = 	snop  }
0x6: {  	_ = 	snop  }
0x7: {  	_ = 	snop  }
__scs_overlays_trampoline_lowered:
0x8: {  	[smem:$0x3F9C] =	sst s0  }
0x9: {  	[smem:$0x3F9D] =	sst s1  }
0xa: {  	[smem:$0x3F9E] =	sst s2  }
0xb: {  	[smem:$0x3F9F] =	sst s3  }
0xc: {  	[smem:$0x3FA0] =	sst s4  }
0xd: {  	[smem:$0x3FA1] =	sst s5  }
0xe: {  	[smem:$0x3FA2] =	sst s6  }
0xf: {  	[smem:$0x3FA3] =	sst s7  }
0x10: {  	[smem:$0x3FA4] =	sst s8  }
0x11: {  	[smem:$0x3FA5] =	sst s9;
	s0 =	simm.s32 @!p0 $0x0  }
0x12: {  	s1 =	sld [smem:$0x3F8B];
	s0 =	simm.s32 @p0 $0x1  }
0x13: {  	[smem:$0x3FA6] =	sst s0;
	s0 =	simm.s32 @!p1 $0x0  }
0x14: {  	s2 =	sld [smem:$0x3F8A];
	s0 =	simm.s32 @p1 $0x1  }
0x15: {  	[smem:$0x3FA7] =	sst s0;
	s0 =	simm.s32 @!p2 $0x0  }
0x16: {  	s3 =	sld [smem:$0x3FDB];
	s0 =	simm.s32 @p2 $0x1  }
0x17: {  	s4 =	simm.s32 $0x1BF5;
	[smem:$0x3FA9] =	sst s0  }
0x18: {  	s0 =	sld [smem:$0x3F8C];
	_ =	swait.ge [sflag:s4], $0x0  }
0x19: {  	s7 =	sld [smem:$0x3F8D]  }
0x1a: {  	s8 =	sadd.s32 $0xFFFFE003, lr  }
0x1b: {  	s9 =	sadd.s32 $0xFFFFFEF7, lr;
	s5 =	simm.s32 $0xFFFFFFFF;
	p2 =	slt.u32 s8, $0xFFFFF086  }
0x1c: {  	p1 =	slt.u32 s9, $0xF7A;
	s5 =	simm.s32 @!p2 $0x0  }
0x1d: {  	s5 =	simm.s32 @p1 $0x1;
	p0 =	seq.s32 s7, s2  }
0x1e: {  	s7 =	smul.u32 @!p0 $0xF7A, s2;
	p2 =	seq.s32 @!p0 s5, $0x0  }
0x1f: {  	s9 =	smul.u32 $0xF7A, s1;
	s8 =	simm.s32 @!p0 $0x1BF5;
	p2 =	por !p2, p0  }
0x20: {  	[sflag:s8] =	ssyncset.s32 @!p0 $0xFFFFF086;
	s6 =	sadd.s32 @!p0 s3, s7;
	s7 =	simm.s32 @!p0 $0x108  }
0x21: {  	s3 =	sadd.s32 s3, s9;
	s6 =	sadd.s32 @!p0 $0x88, s6;
	s7 =	simm.s32 @p2 $0x1082  }
0x22: {  	[simem:s7], [sflag:s8] =	dma.local @!p0 [hbm:s6], $0xF7A  }
0x23: {  	s9 =	sor.u32 $0xD0000000, s2;
	s6 =	simm.s32 $0x108;
	_ =	swait.ge @!p0 [sflag:s8], $0x0  }
0x24: {  	s3 =	sadd.s32 $0x88, s3;
	s6 =	simm.s32 @!p1 $0x1082;
	[sflag:s4] =	ssyncset.s32 $0xFFFFF086  }
0x25: {  	[simem:s6], [sflag:s4] =	dma.local [hbm:s3], $0xF7A  }
0x26: {  	[smem:$0x3F8D] =	sst s1;
	(tag) =	ssettag s2;
	_ =	strace s9  }
0x27: {  	s1 =	sld [smem:$0x3F9D]  }
0x28: {  	s2 =	sld [smem:$0x3F9E]  }
0x29: {  	s4 =	sld [smem:$0x3FA0]  }
0x2a: {  	p0 =	seq.s32 s5, $0x0;
	s5 =	sld [smem:$0x3FA1]  }
0x2b: {  	s6 =	sld [smem:$0x3FA2]  }
0x2c: {  	s7 =	sld [smem:$0x3FA3]  }
0x2d: {  	s3 =	simm.s32 $0x108;
	s8 =	sld [smem:$0x3FA4]  }
0x2e: {  	s3 =	simm.s32 @!p0 $0x1082;
	s9 =	sld [smem:$0x3FA5]  }
0x2f: {  	lr =	sadd.s32 s0, s3;
	s0 =	sld [smem:$0x3F9C]  }
0x30: {  	s3 =	sld [smem:$0x3F9F]  }
0x31: {  	[smem:$0x3FA8] =	sst s10  }
0x32: {  	s10 =	sld [smem:$0x3FA6];
	_ =	sdelay $0x3  }
0x33: {  	p0 =	seq.s32 s10, $0x1;
	s10 =	sld [smem:$0x3FA8];
	_ =	sdelay $0x3  }
0x34: {  	[smem:$0x3FA8] =	sst s10  }
0x35: {  	s10 =	sld [smem:$0x3FA7];
	_ =	sdelay $0x3  }
0x36: {  	p1 =	seq.s32 s10, $0x1;
	s10 =	sld [smem:$0x3FA8];
	_ =	sdelay $0x3  }
0x37: {  	[smem:$0x3FA8] =	sst s10  }
0x38: {  	s10 =	sld [smem:$0x3FA9]  }
0x39: {  	_ = 	snop;
	(pc) =	sbr.ind lr, $3  }
0x3a: {  	_ = 	snop  }
0x3b: {  	_ = 	snop  }
0x3c: {  	p2 =	seq.s32 s10, $0x1;
	s10 =	sld [smem:$0x3FA8]  }
0x3d: {  	_ =	shalt  }
0x3e: {  	_ =	shalt  }
0x3f: {  	_ =	shalt  }
0x40: {  	_ =	shalt  }
0x41: {  	_ =	shalt  }
0x42: {  	_ =	shalt  }
0x43: {  	_ =	shalt  }
0x44: {  	_ =	shalt  }
0x45: {  	_ =	shalt  }
0x46: {  	_ =	shalt  }
0x47: {  	_ =	shalt  }
0x48: {  	_ =	shalt  }
0x49: {  	_ =	shalt  }
0x4a: {  	_ =	shalt  }
0x4b: {  	_ =	shalt  }
0x4c: {  	_ =	shalt  }
0x4d: {  	_ =	shalt  }
0x4e: {  	_ =	shalt  }
0x4f: {  	_ =	shalt  }
0x50: {  	_ =	shalt  }
0x51: {  	_ =	shalt  }
0x52: {  	_ =	shalt  }
0x53: {  	_ =	shalt  }
0x54: {  	_ =	shalt  }
0x55: {  	_ =	shalt  }
0x56: {  	_ =	shalt  }
0x57: {  	_ =	shalt  }
0x58: {  	_ =	shalt  }
0x59: {  	_ =	shalt  }
0x5a: {  	_ =	shalt  }
0x5b: {  	_ =	shalt  }
0x5c: {  	_ =	shalt  }
0x5d: {  	_ =	shalt  }
0x5e: {  	_ =	shalt  }
0x5f: {  	_ =	shalt  }
0x60: {  	_ =	shalt  }
0x61: {  	_ =	shalt  }
0x62: {  	_ =	shalt  }
0x63: {  	_ =	shalt  }
0x64: {  	_ =	shalt  }
0x65: {  	_ =	shalt  }
0x66: {  	_ =	shalt  }
0x67: {  	_ =	shalt  }
0x68: {  	_ =	shalt  }
0x69: {  	_ =	shalt  }
0x6a: {  	_ =	shalt  }
0x6b: {  	_ =	shalt  }
0x6c: {  	_ =	shalt  }
0x6d: {  	_ =	shalt  }
0x6e: {  	_ =	shalt  }
0x6f: {  	_ =	shalt  }
0x70: {  	_ =	shalt  }
0x71: {  	_ =	shalt  }
0x72: {  	_ =	shalt  }
0x73: {  	_ =	shalt  }
0x74: {  	_ =	shalt  }
0x75: {  	_ =	shalt  }
0x76: {  	_ =	shalt  }
0x77: {  	_ =	shalt  }
0x78: {  	_ =	shalt  }
0x79: {  	_ =	shalt  }
0x7a: {  	_ =	shalt  }
0x7b: {  	_ =	shalt  }
0x7c: {  	_ =	shalt  }
0x7d: {  	_ =	shalt  }
0x7e: {  	_ =	shalt  }
0x7f: {  	_ =	shalt  }
0x80: {  	_ =	shalt  }
0x81: {  	_ =	shalt  }
0x82: {  	_ =	shalt  }
0x83: {  	_ =	shalt  }
0x84: {  	_ =	shalt  }
0x85: {  	_ =	shalt  }
0x86: {  	_ =	shalt  }
0x87: {  	_ =	shalt  }
.Lfunc_end0:
.L_simem_size_0:
called_computation.1_lowered:
.L_overlay_start_0:
0x88: {  	s2 =	sld [smem:$0x3FD9]  }
0x89: {  	s3 =	sld [smem:$0x3FFE];
	_ =	sdelay $0x1  }
0x8a: {  	s1 =	srdreg.scid  }
0x8b: {  	s0 =	sand.u32 $0x1, s1  }
0x8c: {  	s16 =	sshll.u32 s0, $0xA;
	s2 =	sadd.s32 s3, s2  }
0x8d: {  	s2 =	sadd.s32 s2, s16  }
0x8e: {  	[smem:$0x3FB4] =	sst s2  }
0x8f: {  	_ = 	snop  }
0x90: {  	(tm) =	ssettm $0x1  }
0x91: {  	s17 =	sld [smem:$0x3FFB];
	_ =	sdelay $0x3  }
0x92: {  	_ =	strace s17  }
0x93: {  	s2 =	sld [smem:$0x3FFC];
	_ =	sdelay $0x3  }
0x94: {  	_ =	strace s2  }
0x95: {  	s2 =	sld [smem:$0x3FFD];
	_ =	sdelay $0x3  }
0x96: {  	_ =	strace s2  }
0x97: {  	_ =	strace $0x8FFFFFFF  }
0x98: {  	s18 =	sld [smem:$0x3FDB];
	_ =	sdelay $0x1  }
0x99: {  	s19 =	simm.s32 $_scs_section_size  }
0x9a: {  	s4 =	simm.s32 $_size__tile_overlayer_lowered;
	s5 =	simm.s32 $_tile_overlayer_lowered  }
0x9b: {  	s22 =	simm.s32 $0x1BFF;
	s21 =	sshll.u32 s5, $0x1;
	s2 =	sadd.s32 s19, s18  }
0x9c: {  	s6 =	simm.s32 $0x0;
	s20 =	sshll.u32 s4, $0x1;
	s4 =	sadd.s32 s21, s2  }
0x9d: {  	[timem:s6], [sflag:s22] =	dma.local [hbm:s4], s20  }
0x9e: {  	_ =	swait.ge [sflag:s22], s20  }
0x9f: {  	s3 =	ssub.s32 $0x0, s20;
	[sflag:s22] =	ssyncset.done $0x0  }
0xa0: {  	[sflag:s22] =	ssyncadd.s32 s3;
	_ =	sdelay $0x1  }
0xa1: {  	s23 =	simm.s32 $0x1B8B  }
0xa2: {  	_ =	swait.ge [sflag:s23], $0x1  }
0xa3: {  	[sflag:s23] =	ssyncset.done $0x0  }
0xa4: {  	s25 =	simm.s32 $0x1B8E;
	s24 =	sld [smem:$0x3FFE];
	[sflag:s23] =	ssyncadd.s32 $0xFFFFFFFF  }
0xa5: {  	s26 =	simm.s32 $execute0_lowered;
	[smem:$0x3FD2] =	sst s25  }
0xa6: {  	s4 =	sshll.u32 s26, $0x1;
	_ =	strace $0x80000049;
	[dreg:$0x1] =	wrdreg $0xFFFFFFFF  }
0xa7: {  	s28 =	simm.s32 $_size_execute0_lowered;
	s2 =	sadd.s32 s2, s4;
	[dreg:$0x0] =	wrdreg $0x0  }
0xa8: {  	s4 =	sshll.u32 s28, $0x1;
	[dreg:$0x2] =	wrdreg s2  }
0xa9: {  	[dreg:$0x3] =	wrdreg s4  }
0xaa: {  	[dreg:$0x4] =	wrdreg $0xC0  }
0xab: {  	_ =	task [dreg:s6], $0x5FFFF  }
0xac: {  	[dreg:$0x1] =	wrdreg $0xFFFFFFFF  }
0xad: {  	[dreg:$0x0] =	wrdreg $0x60  }
0xae: {  	[dreg:$0x2] =	wrdreg s24  }
0xaf: {  	[dreg:$0x3] =	wrdreg $0x116200  }
0xb0: {  	[dreg:$0x4] =	wrdreg $0x9  }
0xb1: {  	_ =	task.clear_ibuf [dreg:s6], $0x5FFFF;
	_ =	strace $0x90000049  }
0xb2: {  	s29 =	simm.s32 $0x9;
	_ =	strace $0x8000004B  }
0xb3: {  	_ =	swait.ge [sflag:s29], $0x1  }
0xb4: {  	[sflag:s29] =	ssyncadd.s32 $0xFFFFFFFF  }
0xb5: {  	_ =	strace $0x9000004B  }
0xb6: {  	_ =	sfence  }
0xb7: {  	s30 =	sld [smem:$0x0];
	_ =	sdelay $0x2  }
0xb8: {  	s31 =	sshll.u32 s1, $0xD;
	s1 =	sshrl.u32 s1, $0x2  }
0xb9: {  	s3 =	sand.u32 $0x4000, s31;
	s1 =	sadd.s32 s1, s30  }
0xba: {  	s0 =	sor.u32 s3, s0;
	s1 =	sshll.u32 s1, $0x11  }
0xbb: {  	s0 =	sor.u32 s1, s0  }
0xbc: {  	s0 =	sadd.s32 $0x8F2B, s0  }
0xbd: {  	[sflag:s0] =	ssyncadd.remote.s32 $0x1  }
0xbe: {  	_ =	sfence.sel $0xFFFF  }
0xbf: {  	[dreg:$0x0] =	wrdreg $0xFFFFFFFF;
	(pc) =	sbr.abs _section_cstart, $3  }
0xc0: {  	[dreg:$0x1] =	wrdreg $0xFFFFFFFF  }
0xc1: {  	_ =	task.clear_ibuf [dreg:s6], $0x2FFFF;
	_ =	strace $0x9FFFFFFF  }
0xc2: {  	(tm) =	ssettm $0x7FFFFFFF  }
0xc3: {  	_ =	shalt  }
tec
execute0_lowered:
.L_overlay_start_1:
0x0: {  	(tag) =	ssettag $0x1  }
0x1: {  	s0 =	rddreg [dreg:$0x0]  }
0x2: {  	s2 =	rddreg [dreg:$0x1]  }
0x3: {  	s13 =	stileid.u32;
	s1 =	srdreg.scid  }
0x4: {  	s3 =	simm.s32 $0x0;
	s1 =	sand.u32 $0x1, s1;
	s5 =	smul.u32 $0x500, s13  }
0x5: {  	s4 =	sshll.u32 s13, $0x1;
	[smem:$0x7FF] =	sst s3;
	s8 =	smul.u32 $0x2710, s13  }
0x6: {  	s7 =	sadd.s32 $0x292400, s0;
	s30 =	smul.u32 $0x28000, s13;
	s6 =	sor.u32 s1, s4  }
0x7: {  	s10 =	sadd.s32 $0x12400, s0;
	s9 =	sshll.u32 s13, $0x6;
	s4 =	smul.u32 $0x280, s6  }
0x8: {  	s5 =	sadd.s32 s5, s0;
	s11 =	sshrl.u32 s8, $0x3;
	s21 =	smul.u32 $0x14000, s6  }
0x9: {  	s31 =	sadd.s32 s8, s2;
	s8 =	sor.u32 $0x1C04, s9;
	s6 =	smul.u32 $0x2800, s6  }
0xa: {  	_ =	strace $0x8000004A;
	[dreg:$0x4] =	wrdreg s8;
	s5 =	sadd.s32 $0x323400, s5  }
0xb: {  	s15 =	sadd.s32 s4, s0;
	[dreg:$0x5] =	wrdreg s5;
	s28 =	sadd.s32 s10, s6  }
0xc: {  	s0 =	sadd.s32 s11, s0;
	s5 =	smov.u32 s31;
	[dreg:$0x11] =	wrdreg s28  }
0xd: {  	s13 =	smul.u32 $0x5000, s13;
	s14 =	sadd.s32 $0x3600, s0;
	[dreg:$0x16] =	wrdreg s5  }
0xe: {  	s29 =	ssub.s32 $0x2, s1;
	s24 =	sadd.s32 $0x328400, s0;
	[dreg:$0x3] =	wrdreg s14  }
0xf: {  	s12 =	sshrl.u32 s29, $0x1;
	s0 =	sadd.s32 $0x2E2400, s0;
	[dreg:$0xe] =	wrdreg s24  }
0x10: {  	s11 =	ssub.s32 s29, s12;
	s26 =	sadd.s32 $0xD400, s15;
	[dreg:$0xf] =	wrdreg s0  }
0x11: {  	s12 =	sshrl.u32 s30, $0x3;
	s31 =	smax.u32 s11, $0x1;
	[dreg:$0x10] =	wrdreg s26  }
0x12: {  	s8 =	sadd.s32 s7, s12;
	s14 =	sadd.s32 s7, s13;
	[dreg:$0x15] =	wrdreg s31  }
0x13: {  	s17 =	sadd.s32 $0x1400, s8;
	[dreg:$0x6] =	wrdreg s14  }
0x14: {  	s18 =	sadd.s32 $0x1E00, s8;
	[dreg:$0x8] =	wrdreg s17  }
0x15: {  	s19 =	sadd.s32 $0x2800, s8;
	[dreg:$0x9] =	wrdreg s18  }
0x16: {  	s20 =	sadd.s32 $0x3200, s8;
	[dreg:$0xa] =	wrdreg s19  }
0x17: {  	s22 =	sadd.s32 $0x3C00, s8;
	[dreg:$0xb] =	wrdreg s20  }
0x18: {  	s25 =	sshrl.u32 s21, $0x3;
	s23 =	sadd.s32 $0x4600, s8;
	[dreg:$0xc] =	wrdreg s22  }
0x19: {  	s0 =	sadd.s32 s10, s25;
	s16 =	sadd.s32 $0xA00, s14;
	[dreg:$0xd] =	wrdreg s23  }
0x1a: {  	p0 =	sne.s32 s1, $0x0;
	s29 =	sadd.s32 $0xA00, s0;
	[dreg:$0x7] =	wrdreg s16  }
0x1b: {  	s24 =	simm.s32 $0x4;
	s30 =	sadd.s32 $0x1400, s0;
	[dreg:$0x12] =	wrdreg s29  }
0x1c: {  	s26 =	simm.s32 $0x80;
	s0 =	sadd.s32 $0x1E00, s0;
	[dreg:$0x13] =	wrdreg s30  }
0x1d: {  	s18 =	simm.s32 $0x1;
	s19 =	simm.s32 $0x0;
	[dreg:$0x14] =	wrdreg s0  }
.LBB2_1:
0x1e: {  	s4 =	rddreg [dreg:$0x3]  }
0x1f: {  	s1 =	sshrl.u32 s5, $0x3;
	s28 =	rddreg [dreg:$0x4]  }
0x20: {  	[spmem:s1], [sflag:s28] =	dma.local [hbm:s4], $0x4E2  }
0x21: {  	_ =	swait.ge [sflag:s24], $0x4E2  }
0x22: {  	[sflag:s24] =	ssyncset.done $0x0  }
0x23: {  	[sflag:s24] =	ssyncadd.s32 $0xFFFFFB1E  }
0x24: {  	[bflag:$0x0] =	sbarrier.arrive $0xFFFF  }
0x25: {  	s4 =	rddreg [dreg:$0x5]  }
0x26: {  	[tilespmem:s3], [sflag:$0x4] =	stream.linear.gather [hbm4b:s4+s3], $0x2800, $0x38;
	[tilespmem:$0x13D30] =	vst v63  }
0x27: {  	_ =	swait.ge [sflag:s24], $0x2800  }
0x28: {  	[sflag:s24] =	ssyncset.done $0x0  }
0x29: {  	s17 =	simm.s32 $0x2800;
	s4 =	rddreg [dreg:$0x6];
	[sflag:s24] =	ssyncadd.s32 $0xFFFFD800  }
0x2a: {  	[tilespmem:s17], [sflag:$0x4] =	stream.linear.gather [hbm4b:s4+s3], $0x5000, $0x38;
	[tilespmem:$0x13D30] =	vst v63  }
0x2b: {  	_ =	swait.ge [sflag:s24], $0x5000  }
0x2c: {  	[sflag:s24] =	ssyncset.done $0x0  }
0x2d: {  	[sflag:s24] =	ssyncadd.s32 $0xFFFFB000  }
0x2e: {  	[spmem:s2] =	stream.indirect.scatter.add.f32 [tilespmem:s17], [sflag:$0x1], $0x10, s3, s26, $0xb8;
	[tilespmem:$0x13D30] =	vst v63  }
0x2f: {  	s9 =	simm.s32 $0x3000  }
0x30: {  	[spmem:s2] =	stream.indirect.scatter.add.f32 [tilespmem:s9], [sflag:$0x1], $0x10, s26, s26, $0xb8;
	[tilespmem:$0x13D30] =	vst v63  }
0x31: {  	s0 =	simm.s32 $0x100;
	s9 =	simm.s32 $0x3800  }
0x32: {  	[spmem:s2] =	stream.indirect.scatter.add.f32 [tilespmem:s9], [sflag:$0x1], $0x10, s0, s26, $0xb8;
	[tilespmem:$0x13D30] =	vst v63  }
0x33: {  	s10 =	simm.s32 $0x4000;
	s7 =	simm.s32 $0x180  }
0x34: {  	[spmem:s2] =	stream.indirect.scatter.add.f32 [tilespmem:s10], [sflag:$0x1], $0x10, s7, s26, $0xb8;
	[tilespmem:$0x13D30] =	vst v63  }
0x35: {  	s12 =	simm.s32 $0x4800;
	s1 =	simm.s32 $0x200  }
0x36: {  	[spmem:s2] =	stream.indirect.scatter.add.f32 [tilespmem:s12], [sflag:$0x1], $0x10, s1, s26, $0xb8;
	[tilespmem:$0x13D30] =	vst v63  }
0x37: {  	s16 =	simm.s32 $0x5000;
	s14 =	simm.s32 $0x280  }
0x38: {  	[spmem:s2] =	stream.indirect.scatter.add.f32 [tilespmem:s16], [sflag:$0x1], $0x10, s14, s26, $0xb8;
	[tilespmem:$0x13D30] =	vst v63  }
0x39: {  	s31 =	simm.s32 $0x5800;
	s4 =	simm.s32 $0x300  }
0x3a: {  	[spmem:s2] =	stream.indirect.scatter.add.f32 [tilespmem:s31], [sflag:$0x1], $0x10, s4, s26, $0xb8;
	[tilespmem:$0x13D30] =	vst v63  }
0x3b: {  	s5 =	simm.s32 $0x6000;
	s7 =	simm.s32 $0x380  }
0x3c: {  	[spmem:s2] =	stream.indirect.scatter.add.f32 [tilespmem:s5], [sflag:$0x1], $0x10, s7, s26, $0xb8;
	[tilespmem:$0x13D30] =	vst v63  }
0x3d: {  	s6 =	simm.s32 $0x6800;
	s22 =	simm.s32 $0x400  }
0x3e: {  	[spmem:s2] =	stream.indirect.scatter.add.f32 [tilespmem:s6], [sflag:$0x1], $0x10, s22, s26, $0xb8;
	[tilespmem:$0x13D30] =	vst v63  }
0x3f: {  	s10 =	simm.s32 $0x7000;
	s6 =	simm.s32 $0x480  }
0x40: {  	[spmem:s2] =	stream.indirect.scatter.add.f32 [tilespmem:s10], [sflag:$0x1], $0x10, s6, s26, $0xb8;
	[tilespmem:$0x13D30] =	vst v63  }
0x41: {  	s17 =	simm.s32 $0x7800;
	s14 =	rddreg [dreg:$0x7]  }
0x42: {  	[tilespmem:s17], [sflag:$0x4] =	stream.linear.gather [hbm4b:s14+s3], $0x5000, $0x38;
	[tilespmem:$0x13D30] =	vst v63  }
0x43: {  	_ =	swait.ge [sflag:s24], $0x5000  }
0x44: {  	[sflag:s24] =	ssyncset.done $0x0  }
0x45: {  	[sflag:s24] =	ssyncadd.s32 $0xFFFFB000  }
0x46: {  	_ =	swait.ge [sflag:s18], $0x800  }
0x47: {  	[sflag:s18] =	ssyncset.done $0x0  }
0x48: {  	[sflag:s18] =	ssyncadd.s32 $0xFFFFF800  }
0x49: {  	_ =	swait.ge [sflag:s18], $0x800  }
0x4a: {  	[sflag:s18] =	ssyncset.done $0x0  }
0x4b: {  	[sflag:s18] =	ssyncadd.s32 $0xFFFFF800  }
0x4c: {  	_ =	swait.ge [sflag:s18], $0x800  }
0x4d: {  	[sflag:s18] =	ssyncset.done $0x0  }
0x4e: {  	[sflag:s18] =	ssyncadd.s32 $0xFFFFF800  }
0x4f: {  	_ =	swait.ge [sflag:s18], $0x800  }
0x50: {  	[sflag:s18] =	ssyncset.done $0x0  }
0x51: {  	[sflag:s18] =	ssyncadd.s32 $0xFFFFF800  }
0x52: {  	_ =	swait.ge [sflag:s18], $0x800  }
0x53: {  	[sflag:s18] =	ssyncset.done $0x0  }
0x54: {  	[sflag:s18] =	ssyncadd.s32 $0xFFFFF800  }
0x55: {  	_ =	swait.ge [sflag:s18], $0x800  }
0x56: {  	[sflag:s18] =	ssyncset.done $0x0  }
0x57: {  	[sflag:s18] =	ssyncadd.s32 $0xFFFFF800  }
0x58: {  	_ =	swait.ge [sflag:s18], $0x800  }
0x59: {  	[sflag:s18] =	ssyncset.done $0x0  }
0x5a: {  	[sflag:s18] =	ssyncadd.s32 $0xFFFFF800  }
0x5b: {  	_ =	swait.ge [sflag:s18], $0x800  }
0x5c: {  	[sflag:s18] =	ssyncset.done $0x0  }
0x5d: {  	[sflag:s18] =	ssyncadd.s32 $0xFFFFF800  }
0x5e: {  	_ =	swait.ge [sflag:s18], $0x800  }
0x5f: {  	[sflag:s18] =	ssyncset.done $0x0  }
0x60: {  	[sflag:s18] =	ssyncadd.s32 $0xFFFFF800  }
0x61: {  	_ =	swait.ge [sflag:s18], $0x800  }
0x62: {  	[sflag:s18] =	ssyncset.done $0x0  }
0x63: {  	s13 =	simm.s32 $0x500;
	[sflag:s18] =	ssyncadd.s32 $0xFFFFF800  }
0x64: {  	[spmem:s2] =	stream.indirect.scatter.add.f32 [tilespmem:s17], [sflag:$0x1], $0x10, s13, s26, $0xb8;
	[tilespmem:$0x13D30] =	vst v63  }
0x65: {  	s31 =	simm.s32 $0x8000;
	s13 =	simm.s32 $0x580  }
0x66: {  	[spmem:s2] =	stream.indirect.scatter.add.f32 [tilespmem:s31], [sflag:$0x1], $0x10, s13, s26, $0xb8;
	[tilespmem:$0x13D30] =	vst v63  }
0x67: {  	s23 =	simm.s32 $0x8800;
	s20 =	simm.s32 $0x600  }
0x68: {  	[spmem:s2] =	stream.indirect.scatter.add.f32 [tilespmem:s23], [sflag:$0x1], $0x10, s20, s26, $0xb8;
	[tilespmem:$0x13D30] =	vst v63  }
0x69: {  	s11 =	simm.s32 $0x9000;
	s23 =	simm.s32 $0x680  }
0x6a: {  	[spmem:s2] =	stream.indirect.scatter.add.f32 [tilespmem:s11], [sflag:$0x1], $0x10, s23, s26, $0xb8;
	[tilespmem:$0x13D30] =	vst v63  }
0x6b: {  	s28 =	simm.s32 $0x9800;
	s11 =	simm.s32 $0x700  }
0x6c: {  	[spmem:s2] =	stream.indirect.scatter.add.f32 [tilespmem:s28], [sflag:$0x1], $0x10, s11, s26, $0xb8;
	[tilespmem:$0x13D30] =	vst v63  }
0x6d: {  	s15 =	simm.s32 $0xA000;
	s25 =	simm.s32 $0x780  }
0x6e: {  	[spmem:s2] =	stream.indirect.scatter.add.f32 [tilespmem:s15], [sflag:$0x1], $0x10, s25, s26, $0xb8;
	[tilespmem:$0x13D30] =	vst v63  }
0x6f: {  	s21 =	simm.s32 $0x800;
	s10 =	simm.s32 $0xA800  }
0x70: {  	[spmem:s2] =	stream.indirect.scatter.add.f32 [tilespmem:s10], [sflag:$0x1], $0x10, s21, s26, $0xb8;
	[tilespmem:$0x13D30] =	vst v63  }
0x71: {  	s30 =	simm.s32 $0x880;
	s15 =	simm.s32 $0xB000  }
0x72: {  	[spmem:s2] =	stream.indirect.scatter.add.f32 [tilespmem:s15], [sflag:$0x1], $0x10, s30, s26, $0xb8;
	[tilespmem:$0x13D30] =	vst v63  }
0x73: {  	s8 =	simm.s32 $0x900;
	s4 =	simm.s32 $0xB800  }
0x74: {  	[spmem:s2] =	stream.indirect.scatter.add.f32 [tilespmem:s4], [sflag:$0x1], $0x10, s8, s26, $0xb8;
	[tilespmem:$0x13D30] =	vst v63  }
0x75: {  	s29 =	simm.s32 $0x980;
	s8 =	simm.s32 $0xC000  }
0x76: {  	[spmem:s2] =	stream.indirect.scatter.add.f32 [tilespmem:s8], [sflag:$0x1], $0x10, s29, s26, $0xb8;
	[tilespmem:$0x13D30] =	vst v63  }
0x77: {  	s0 =	rddreg [dreg:$0x8];
	s30 =	simm.s32 $0x2800  }
0x78: {  	[tilespmem:s30], [sflag:$0x4] =	stream.linear.gather [hbm4b:s0+s3], $0x5000, $0x38;
	[tilespmem:$0x13D30] =	vst v63  }
0x79: {  	_ =	swait.ge [sflag:s24], $0x5000  }
0x7a: {  	[sflag:s24] =	ssyncset.done $0x0  }
0x7b: {  	[sflag:s24] =	ssyncadd.s32 $0xFFFFB000  }
0x7c: {  	_ =	swait.ge [sflag:s18], $0x800  }
0x7d: {  	[sflag:s18] =	ssyncset.done $0x0  }
0x7e: {  	[sflag:s18] =	ssyncadd.s32 $0xFFFFF800  }
0x7f: {  	_ =	swait.ge [sflag:s18], $0x800  }
0x80: {  	[sflag:s18] =	ssyncset.done $0x0  }
0x81: {  	[sflag:s18] =	ssyncadd.s32 $0xFFFFF800  }
0x82: {  	_ =	swait.ge [sflag:s18], $0x800  }
0x83: {  	[sflag:s18] =	ssyncset.done $0x0  }
0x84: {  	[sflag:s18] =	ssyncadd.s32 $0xFFFFF800  }
0x85: {  	_ =	swait.ge [sflag:s18], $0x800  }
0x86: {  	[sflag:s18] =	ssyncset.done $0x0  }
0x87: {  	[sflag:s18] =	ssyncadd.s32 $0xFFFFF800  }
0x88: {  	_ =	swait.ge [sflag:s18], $0x800  }
0x89: {  	[sflag:s18] =	ssyncset.done $0x0  }
0x8a: {  	[sflag:s18] =	ssyncadd.s32 $0xFFFFF800  }
0x8b: {  	_ =	swait.ge [sflag:s18], $0x800  }
0x8c: {  	[sflag:s18] =	ssyncset.done $0x0  }
0x8d: {  	[sflag:s18] =	ssyncadd.s32 $0xFFFFF800  }
0x8e: {  	_ =	swait.ge [sflag:s18], $0x800  }
0x8f: {  	[sflag:s18] =	ssyncset.done $0x0  }
0x90: {  	[sflag:s18] =	ssyncadd.s32 $0xFFFFF800  }
0x91: {  	_ =	swait.ge [sflag:s18], $0x800  }
0x92: {  	[sflag:s18] =	ssyncset.done $0x0  }
0x93: {  	[sflag:s18] =	ssyncadd.s32 $0xFFFFF800  }
0x94: {  	_ =	swait.ge [sflag:s18], $0x800  }
0x95: {  	[sflag:s18] =	ssyncset.done $0x0  }
0x96: {  	[sflag:s18] =	ssyncadd.s32 $0xFFFFF800  }
0x97: {  	_ =	swait.ge [sflag:s18], $0x800  }
0x98: {  	[sflag:s18] =	ssyncset.done $0x0  }
0x99: {  	s14 =	simm.s32 $0xA00;
	[sflag:s18] =	ssyncadd.s32 $0xFFFFF800  }
0x9a: {  	[spmem:s2] =	stream.indirect.scatter.add.f32 [tilespmem:s30], [sflag:$0x1], $0x10, s14, s26, $0xb8;
	[tilespmem:$0x13D30] =	vst v63  }
0x9b: {  	s20 =	simm.s32 $0xA80;
	s14 =	simm.s32 $0x3000  }
0x9c: {  	[spmem:s2] =	stream.indirect.scatter.add.f32 [tilespmem:s14], [sflag:$0x1], $0x10, s20, s26, $0xb8;
	[tilespmem:$0x13D30] =	vst v63  }
0x9d: {  	s31 =	simm.s32 $0xB00;
	s21 =	simm.s32 $0x3800  }
0x9e: {  	[spmem:s2] =	stream.indirect.scatter.add.f32 [tilespmem:s21], [sflag:$0x1], $0x10, s31, s26, $0xb8;
	[tilespmem:$0x13D30] =	vst v63  }
0x9f: {  	s9 =	simm.s32 $0x4000;
	s1 =	simm.s32 $0xB80  }
0xa0: {  	[spmem:s2] =	stream.indirect.scatter.add.f32 [tilespmem:s9], [sflag:$0x1], $0x10, s1, s26, $0xb8;
	[tilespmem:$0x13D30] =	vst v63  }
0xa1: {  	s20 =	simm.s32 $0xC00  }
0xa2: {  	[spmem:s2] =	stream.indirect.scatter.add.f32 [tilespmem:s12], [sflag:$0x1], $0x10, s20, s26, $0xb8;
	[tilespmem:$0x13D30] =	vst v63  }
0xa3: {  	s16 =	simm.s32 $0x5000;
	s21 =	simm.s32 $0xC80  }
0xa4: {  	[spmem:s2] =	stream.indirect.scatter.add.f32 [tilespmem:s16], [sflag:$0x1], $0x10, s21, s26, $0xb8;
	[tilespmem:$0x13D30] =	vst v63  }
0xa5: {  	s31 =	simm.s32 $0xD00;
	s12 =	simm.s32 $0x5800  }
0xa6: {  	[spmem:s2] =	stream.indirect.scatter.add.f32 [tilespmem:s12], [sflag:$0x1], $0x10, s31, s26, $0xb8;
	[tilespmem:$0x13D30] =	vst v63  }
0xa7: {  	s7 =	simm.s32 $0x6000;
	s1 =	simm.s32 $0xD80  }
0xa8: {  	[spmem:s2] =	stream.indirect.scatter.add.f32 [tilespmem:s7], [sflag:$0x1], $0x10, s1, s26, $0xb8;
	[tilespmem:$0x13D30] =	vst v63  }
0xa9: {  	s22 =	simm.s32 $0x6800;
	s20 =	simm.s32 $0xE00  }
0xaa: {  	[spmem:s2] =	stream.indirect.scatter.add.f32 [tilespmem:s22], [sflag:$0x1], $0x10, s20, s26, $0xb8;
	[tilespmem:$0x13D30] =	vst v63  }
0xab: {  	s21 =	simm.s32 $0x7000;
	s31 =	simm.s32 $0xE80  }
0xac: {  	[spmem:s2] =	stream.indirect.scatter.add.f32 [tilespmem:s21], [sflag:$0x1], $0x10, s31, s26, $0xb8;
	[tilespmem:$0x13D30] =	vst v63  }
0xad: {  	s0 =	rddreg [dreg:$0x9]  }
0xae: {  	[tilespmem:s17], [sflag:$0x4] =	stream.linear.gather [hbm4b:s0+s3], $0x5000, $0x38;
	[tilespmem:$0x13D30] =	vst v63  }
0xaf: {  	_ =	swait.ge [sflag:s24], $0x5000  }
0xb0: {  	[sflag:s24] =	ssyncset.done $0x0  }
0xb1: {  	[sflag:s24] =	ssyncadd.s32 $0xFFFFB000  }
0xb2: {  	_ =	swait.ge [sflag:s18], $0x800  }
0xb3: {  	[sflag:s18] =	ssyncset.done $0x0  }
0xb4: {  	[sflag:s18] =	ssyncadd.s32 $0xFFFFF800  }
0xb5: {  	_ =	swait.ge [sflag:s18], $0x800  }
0xb6: {  	[sflag:s18] =	ssyncset.done $0x0  }
0xb7: {  	[sflag:s18] =	ssyncadd.s32 $0xFFFFF800  }
0xb8: {  	_ =	swait.ge [sflag:s18], $0x800  }
0xb9: {  	[sflag:s18] =	ssyncset.done $0x0  }
0xba: {  	[sflag:s18] =	ssyncadd.s32 $0xFFFFF800  }
0xbb: {  	_ =	swait.ge [sflag:s18], $0x800  }
0xbc: {  	[sflag:s18] =	ssyncset.done $0x0  }
0xbd: {  	[sflag:s18] =	ssyncadd.s32 $0xFFFFF800  }
0xbe: {  	_ =	swait.ge [sflag:s18], $0x800  }
0xbf: {  	[sflag:s18] =	ssyncset.done $0x0  }
0xc0: {  	[sflag:s18] =	ssyncadd.s32 $0xFFFFF800  }
0xc1: {  	_ =	swait.ge [sflag:s18], $0x800  }
0xc2: {  	[sflag:s18] =	ssyncset.done $0x0  }
0xc3: {  	[sflag:s18] =	ssyncadd.s32 $0xFFFFF800  }
0xc4: {  	_ =	swait.ge [sflag:s18], $0x800  }
0xc5: {  	[sflag:s18] =	ssyncset.done $0x0  }
0xc6: {  	[sflag:s18] =	ssyncadd.s32 $0xFFFFF800  }
0xc7: {  	_ =	swait.ge [sflag:s18], $0x800  }
0xc8: {  	[sflag:s18] =	ssyncset.done $0x0  }
0xc9: {  	[sflag:s18] =	ssyncadd.s32 $0xFFFFF800  }
0xca: {  	_ =	swait.ge [sflag:s18], $0x800  }
0xcb: {  	[sflag:s18] =	ssyncset.done $0x0  }
0xcc: {  	[sflag:s18] =	ssyncadd.s32 $0xFFFFF800  }
0xcd: {  	_ =	swait.ge [sflag:s18], $0x800  }
0xce: {  	[sflag:s18] =	ssyncset.done $0x0  }
0xcf: {  	s20 =	simm.s32 $0xF00;
	[sflag:s18] =	ssyncadd.s32 $0xFFFFF800  }
0xd0: {  	[spmem:s2] =	stream.indirect.scatter.add.f32 [tilespmem:s17], [sflag:$0x1], $0x10, s20, s26, $0xb8;
	[tilespmem:$0x13D30] =	vst v63  }
0xd1: {  	s21 =	simm.s32 $0x8000;
	s31 =	simm.s32 $0xF80  }
0xd2: {  	[spmem:s2] =	stream.indirect.scatter.add.f32 [tilespmem:s21], [sflag:$0x1], $0x10, s31, s26, $0xb8;
	[tilespmem:$0x13D30] =	vst v63  }
0xd3: {  	s5 =	simm.s32 $0x8800;
	s1 =	simm.s32 $0x1000  }
0xd4: {  	[spmem:s2] =	stream.indirect.scatter.add.f32 [tilespmem:s5], [sflag:$0x1], $0x10, s1, s26, $0xb8;
	[tilespmem:$0x13D30] =	vst v63  }
0xd5: {  	s20 =	simm.s32 $0x9000;
	s5 =	simm.s32 $0x1080  }
0xd6: {  	[spmem:s2] =	stream.indirect.scatter.add.f32 [tilespmem:s20], [sflag:$0x1], $0x10, s5, s26, $0xb8;
	[tilespmem:$0x13D30] =	vst v63  }
0xd7: {  	s21 =	simm.s32 $0x1100  }
0xd8: {  	[spmem:s2] =	stream.indirect.scatter.add.f32 [tilespmem:s28], [sflag:$0x1], $0x10, s21, s26, $0xb8;
	[tilespmem:$0x13D30] =	vst v63  }
0xd9: {  	s25 =	simm.s32 $0xA000;
	s31 =	simm.s32 $0x1180  }
0xda: {  	[spmem:s2] =	stream.indirect.scatter.add.f32 [tilespmem:s25], [sflag:$0x1], $0x10, s31, s26, $0xb8;
	[tilespmem:$0x13D30] =	vst v63  }
0xdb: {  	s1 =	simm.s32 $0x1200  }
0xdc: {  	[spmem:s2] =	stream.indirect.scatter.add.f32 [tilespmem:s10], [sflag:$0x1], $0x10, s1, s26, $0xb8;
	[tilespmem:$0x13D30] =	vst v63  }
0xdd: {  	s5 =	simm.s32 $0x1280  }
0xde: {  	[spmem:s2] =	stream.indirect.scatter.add.f32 [tilespmem:s15], [sflag:$0x1], $0x10, s5, s26, $0xb8;
	[tilespmem:$0x13D30] =	vst v63  }
0xdf: {  	s21 =	simm.s32 $0x1300  }
0xe0: {  	[spmem:s2] =	stream.indirect.scatter.add.f32 [tilespmem:s4], [sflag:$0x1], $0x10, s21, s26, $0xb8;
	[tilespmem:$0x13D30] =	vst v63  }
0xe1: {  	s1 =	simm.s32 $0x1380  }
0xe2: {  	[spmem:s2] =	stream.indirect.scatter.add.f32 [tilespmem:s8], [sflag:$0x1], $0x10, s1, s26, $0xb8;
	[tilespmem:$0x13D30] =	vst v63  }
0xe3: {  	s5 =	rddreg [dreg:$0xa]  }
0xe4: {  	[tilespmem:s30], [sflag:$0x4] =	stream.linear.gather [hbm4b:s5+s3], $0x5000, $0x38;
	[tilespmem:$0x13D30] =	vst v63  }
0xe5: {  	_ =	swait.ge [sflag:s24], $0x5000  }
0xe6: {  	[sflag:s24] =	ssyncset.done $0x0  }
0xe7: {  	[sflag:s24] =	ssyncadd.s32 $0xFFFFB000  }
0xe8: {  	_ =	swait.ge [sflag:s18], $0x800  }
0xe9: {  	[sflag:s18] =	ssyncset.done $0x0  }
0xea: {  	[sflag:s18] =	ssyncadd.s32 $0xFFFFF800  }
0xeb: {  	_ =	swait.ge [sflag:s18], $0x800  }
0xec: {  	[sflag:s18] =	ssyncset.done $0x0  }
0xed: {  	[sflag:s18] =	ssyncadd.s32 $0xFFFFF800  }
0xee: {  	_ =	swait.ge [sflag:s18], $0x800  }
0xef: {  	[sflag:s18] =	ssyncset.done $0x0  }
0xf0: {  	[sflag:s18] =	ssyncadd.s32 $0xFFFFF800  }
0xf1: {  	_ =	swait.ge [sflag:s18], $0x800  }
0xf2: {  	[sflag:s18] =	ssyncset.done $0x0  }
0xf3: {  	[sflag:s18] =	ssyncadd.s32 $0xFFFFF800  }
0xf4: {  	_ =	swait.ge [sflag:s18], $0x800  }
0xf5: {  	[sflag:s18] =	ssyncset.done $0x0  }
0xf6: {  	[sflag:s18] =	ssyncadd.s32 $0xFFFFF800  }
0xf7: {  	_ =	swait.ge [sflag:s18], $0x800  }
0xf8: {  	[sflag:s18] =	ssyncset.done $0x0  }
0xf9: {  	[sflag:s18] =	ssyncadd.s32 $0xFFFFF800  }
0xfa: {  	_ =	swait.ge [sflag:s18], $0x800  }
0xfb: {  	[sflag:s18] =	ssyncset.done $0x0  }
0xfc: {  	[sflag:s18] =	ssyncadd.s32 $0xFFFFF800  }
0xfd: {  	_ =	swait.ge [sflag:s18], $0x800  }
0xfe: {  	[sflag:s18] =	ssyncset.done $0x0  }
0xff: {  	[sflag:s18] =	ssyncadd.s32 $0xFFFFF800  }
0x100: {  	_ =	swait.ge [sflag:s18], $0x800  }
0x101: {  	[sflag:s18] =	ssyncset.done $0x0  }
0x102: {  	[sflag:s18] =	ssyncadd.s32 $0xFFFFF800  }
0x103: {  	_ =	swait.ge [sflag:s18], $0x800  }
0x104: {  	[sflag:s18] =	ssyncset.done $0x0  }
0x105: {  	s15 =	simm.s32 $0x1400;
	[sflag:s18] =	ssyncadd.s32 $0xFFFFF800  }
0x106: {  	[spmem:s2] =	stream.indirect.scatter.add.f32 [tilespmem:s30], [sflag:$0x1], $0x10, s15, s26, $0xb8;
	[tilespmem:$0x13D30] =	vst v63  }
0x107: {  	s21 =	simm.s32 $0x1480  }
0x108: {  	[spmem:s2] =	stream.indirect.scatter.add.f32 [tilespmem:s14], [sflag:$0x1], $0x10, s21, s26, $0xb8;
	[tilespmem:$0x13D30] =	vst v63  }
0x109: {  	s1 =	simm.s32 $0x1500;
	s14 =	simm.s32 $0x3800  }
0x10a: {  	[spmem:s2] =	stream.indirect.scatter.add.f32 [tilespmem:s14], [sflag:$0x1], $0x10, s1, s26, $0xb8;
	[tilespmem:$0x13D30] =	vst v63  }
0x10b: {  	s15 =	simm.s32 $0x1580  }
0x10c: {  	[spmem:s2] =	stream.indirect.scatter.add.f32 [tilespmem:s9], [sflag:$0x1], $0x10, s15, s26, $0xb8;
	[tilespmem:$0x13D30] =	vst v63  }
0x10d: {  	s21 =	simm.s32 $0x1600;
	s14 =	simm.s32 $0x4800  }
0x10e: {  	[spmem:s2] =	stream.indirect.scatter.add.f32 [tilespmem:s14], [sflag:$0x1], $0x10, s21, s26, $0xb8;
	[tilespmem:$0x13D30] =	vst v63  }
0x10f: {  	s1 =	simm.s32 $0x1680  }
0x110: {  	[spmem:s2] =	stream.indirect.scatter.add.f32 [tilespmem:s16], [sflag:$0x1], $0x10, s1, s26, $0xb8;
	[tilespmem:$0x13D30] =	vst v63  }
0x111: {  	s15 =	simm.s32 $0x1700  }
0x112: {  	[spmem:s2] =	stream.indirect.scatter.add.f32 [tilespmem:s12], [sflag:$0x1], $0x10, s15, s26, $0xb8;
	[tilespmem:$0x13D30] =	vst v63  }
0x113: {  	s21 =	simm.s32 $0x1780  }
0x114: {  	[spmem:s2] =	stream.indirect.scatter.add.f32 [tilespmem:s7], [sflag:$0x1], $0x10, s21, s26, $0xb8;
	[tilespmem:$0x13D30] =	vst v63  }
0x115: {  	s1 =	simm.s32 $0x1800  }
0x116: {  	[spmem:s2] =	stream.indirect.scatter.add.f32 [tilespmem:s22], [sflag:$0x1], $0x10, s1, s26, $0xb8;
	[tilespmem:$0x13D30] =	vst v63  }
0x117: {  	s15 =	simm.s32 $0x7000;
	s21 =	simm.s32 $0x1880  }
0x118: {  	[spmem:s2] =	stream.indirect.scatter.add.f32 [tilespmem:s15], [sflag:$0x1], $0x10, s21, s26, $0xb8;
	[tilespmem:$0x13D30] =	vst v63  }
0x119: {  	s0 =	rddreg [dreg:$0xb]  }
0x11a: {  	[tilespmem:s17], [sflag:$0x4] =	stream.linear.gather [hbm4b:s0+s3], $0x5000, $0x38;
	[tilespmem:$0x13D30] =	vst v63  }
0x11b: {  	_ =	swait.ge [sflag:s24], $0x5000  }
0x11c: {  	[sflag:s24] =	ssyncset.done $0x0  }
0x11d: {  	[sflag:s24] =	ssyncadd.s32 $0xFFFFB000  }
0x11e: {  	_ =	swait.ge [sflag:s18], $0x800  }
0x11f: {  	[sflag:s18] =	ssyncset.done $0x0  }
0x120: {  	[sflag:s18] =	ssyncadd.s32 $0xFFFFF800  }
0x121: {  	_ =	swait.ge [sflag:s18], $0x800  }
0x122: {  	[sflag:s18] =	ssyncset.done $0x0  }
0x123: {  	[sflag:s18] =	ssyncadd.s32 $0xFFFFF800  }
0x124: {  	_ =	swait.ge [sflag:s18], $0x800  }
0x125: {  	[sflag:s18] =	ssyncset.done $0x0  }
0x126: {  	[sflag:s18] =	ssyncadd.s32 $0xFFFFF800  }
0x127: {  	_ =	swait.ge [sflag:s18], $0x800  }
0x128: {  	[sflag:s18] =	ssyncset.done $0x0  }
0x129: {  	[sflag:s18] =	ssyncadd.s32 $0xFFFFF800  }
0x12a: {  	_ =	swait.ge [sflag:s18], $0x800  }
0x12b: {  	[sflag:s18] =	ssyncset.done $0x0  }
0x12c: {  	[sflag:s18] =	ssyncadd.s32 $0xFFFFF800  }
0x12d: {  	_ =	swait.ge [sflag:s18], $0x800  }
0x12e: {  	[sflag:s18] =	ssyncset.done $0x0  }
0x12f: {  	[sflag:s18] =	ssyncadd.s32 $0xFFFFF800  }
0x130: {  	_ =	swait.ge [sflag:s18], $0x800  }
0x131: {  	[sflag:s18] =	ssyncset.done $0x0  }
0x132: {  	[sflag:s18] =	ssyncadd.s32 $0xFFFFF800  }
0x133: {  	_ =	swait.ge [sflag:s18], $0x800  }
0x134: {  	[sflag:s18] =	ssyncset.done $0x0  }
0x135: {  	[sflag:s18] =	ssyncadd.s32 $0xFFFFF800  }
0x136: {  	_ =	swait.ge [sflag:s18], $0x800  }
0x137: {  	[sflag:s18] =	ssyncset.done $0x0  }
0x138: {  	[sflag:s18] =	ssyncadd.s32 $0xFFFFF800  }
0x139: {  	_ =	swait.ge [sflag:s18], $0x800  }
0x13a: {  	[sflag:s18] =	ssyncset.done $0x0  }
0x13b: {  	s1 =	simm.s32 $0x1900;
	[sflag:s18] =	ssyncadd.s32 $0xFFFFF800  }
0x13c: {  	[spmem:s2] =	stream.indirect.scatter.add.f32 [tilespmem:s17], [sflag:$0x1], $0x10, s1, s26, $0xb8;
	[tilespmem:$0x13D30] =	vst v63  }
0x13d: {  	s29 =	simm.s32 $0x8000;
	s15 =	simm.s32 $0x1980  }
0x13e: {  	[spmem:s2] =	stream.indirect.scatter.add.f32 [tilespmem:s29], [sflag:$0x1], $0x10, s15, s26, $0xb8;
	[tilespmem:$0x13D30] =	vst v63  }
0x13f: {  	s16 =	simm.s32 $0x8800;
	s21 =	simm.s32 $0x1A00  }
0x140: {  	[spmem:s2] =	stream.indirect.scatter.add.f32 [tilespmem:s16], [sflag:$0x1], $0x10, s21, s26, $0xb8;
	[tilespmem:$0x13D30] =	vst v63  }
0x141: {  	s1 =	simm.s32 $0x1A80  }
0x142: {  	[spmem:s2] =	stream.indirect.scatter.add.f32 [tilespmem:s20], [sflag:$0x1], $0x10, s1, s26, $0xb8;
	[tilespmem:$0x13D30] =	vst v63  }
0x143: {  	s28 =	simm.s32 $0x9800;
	s15 =	simm.s32 $0x1B00  }
0x144: {  	[spmem:s2] =	stream.indirect.scatter.add.f32 [tilespmem:s28], [sflag:$0x1], $0x10, s15, s26, $0xb8;
	[tilespmem:$0x13D30] =	vst v63  }
0x145: {  	s21 =	simm.s32 $0x1B80  }
0x146: {  	[spmem:s2] =	stream.indirect.scatter.add.f32 [tilespmem:s25], [sflag:$0x1], $0x10, s21, s26, $0xb8;
	[tilespmem:$0x13D30] =	vst v63  }
0x147: {  	s10 =	simm.s32 $0xA800;
	s1 =	simm.s32 $0x1C00  }
0x148: {  	[spmem:s2] =	stream.indirect.scatter.add.f32 [tilespmem:s10], [sflag:$0x1], $0x10, s1, s26, $0xb8;
	[tilespmem:$0x13D30] =	vst v63  }
0x149: {  	s31 =	simm.s32 $0xB000;
	s15 =	simm.s32 $0x1C80  }
0x14a: {  	[spmem:s2] =	stream.indirect.scatter.add.f32 [tilespmem:s31], [sflag:$0x1], $0x10, s15, s26, $0xb8;
	[tilespmem:$0x13D30] =	vst v63  }
0x14b: {  	s4 =	simm.s32 $0xB800;
	s21 =	simm.s32 $0x1D00  }
0x14c: {  	[spmem:s2] =	stream.indirect.scatter.add.f32 [tilespmem:s4], [sflag:$0x1], $0x10, s21, s26, $0xb8;
	[tilespmem:$0x13D30] =	vst v63  }
0x14d: {  	s8 =	simm.s32 $0xC000;
	s1 =	simm.s32 $0x1D80  }
0x14e: {  	[spmem:s2] =	stream.indirect.scatter.add.f32 [tilespmem:s8], [sflag:$0x1], $0x10, s1, s26, $0xb8;
	[tilespmem:$0x13D30] =	vst v63  }
0x14f: {  	s15 =	rddreg [dreg:$0xc]  }
0x150: {  	[tilespmem:s30], [sflag:$0x4] =	stream.linear.gather [hbm4b:s15+s3], $0x5000, $0x38;
	[tilespmem:$0x13D30] =	vst v63  }
0x151: {  	_ =	swait.ge [sflag:s24], $0x5000  }
0x152: {  	[sflag:s24] =	ssyncset.done $0x0  }
0x153: {  	[sflag:s24] =	ssyncadd.s32 $0xFFFFB000  }
0x154: {  	_ =	swait.ge [sflag:s18], $0x800  }
0x155: {  	[sflag:s18] =	ssyncset.done $0x0  }
0x156: {  	[sflag:s18] =	ssyncadd.s32 $0xFFFFF800  }
0x157: {  	_ =	swait.ge [sflag:s18], $0x800  }
0x158: {  	[sflag:s18] =	ssyncset.done $0x0  }
0x159: {  	[sflag:s18] =	ssyncadd.s32 $0xFFFFF800  }
0x15a: {  	_ =	swait.ge [sflag:s18], $0x800  }
0x15b: {  	[sflag:s18] =	ssyncset.done $0x0  }
0x15c: {  	[sflag:s18] =	ssyncadd.s32 $0xFFFFF800  }
0x15d: {  	_ =	swait.ge [sflag:s18], $0x800  }
0x15e: {  	[sflag:s18] =	ssyncset.done $0x0  }
0x15f: {  	[sflag:s18] =	ssyncadd.s32 $0xFFFFF800  }
0x160: {  	_ =	swait.ge [sflag:s18], $0x800  }
0x161: {  	[sflag:s18] =	ssyncset.done $0x0  }
0x162: {  	[sflag:s18] =	ssyncadd.s32 $0xFFFFF800  }
0x163: {  	_ =	swait.ge [sflag:s18], $0x800  }
0x164: {  	[sflag:s18] =	ssyncset.done $0x0  }
0x165: {  	[sflag:s18] =	ssyncadd.s32 $0xFFFFF800  }
0x166: {  	_ =	swait.ge [sflag:s18], $0x800  }
0x167: {  	[sflag:s18] =	ssyncset.done $0x0  }
0x168: {  	[sflag:s18] =	ssyncadd.s32 $0xFFFFF800  }
0x169: {  	_ =	swait.ge [sflag:s18], $0x800  }
0x16a: {  	[sflag:s18] =	ssyncset.done $0x0  }
0x16b: {  	[sflag:s18] =	ssyncadd.s32 $0xFFFFF800  }
0x16c: {  	_ =	swait.ge [sflag:s18], $0x800  }
0x16d: {  	[sflag:s18] =	ssyncset.done $0x0  }
0x16e: {  	[sflag:s18] =	ssyncadd.s32 $0xFFFFF800  }
0x16f: {  	_ =	swait.ge [sflag:s18], $0x800  }
0x170: {  	[sflag:s18] =	ssyncset.done $0x0  }
0x171: {  	s21 =	simm.s32 $0x1E00;
	[sflag:s18] =	ssyncadd.s32 $0xFFFFF800  }
0x172: {  	[spmem:s2] =	stream.indirect.scatter.add.f32 [tilespmem:s30], [sflag:$0x1], $0x10, s21, s26, $0xb8;
	[tilespmem:$0x13D30] =	vst v63  }
0x173: {  	s5 =	simm.s32 $0x3000;
	s1 =	simm.s32 $0x1E80  }
0x174: {  	[spmem:s2] =	stream.indirect.scatter.add.f32 [tilespmem:s5], [sflag:$0x1], $0x10, s1, s26, $0xb8;
	[tilespmem:$0x13D30] =	vst v63  }
0x175: {  	s15 =	simm.s32 $0x1F00;
	s21 =	simm.s32 $0x3800  }
0x176: {  	[spmem:s2] =	stream.indirect.scatter.add.f32 [tilespmem:s21], [sflag:$0x1], $0x10, s15, s26, $0xb8;
	[tilespmem:$0x13D30] =	vst v63  }
0x177: {  	s1 =	simm.s32 $0x1F80  }
0x178: {  	[spmem:s2] =	stream.indirect.scatter.add.f32 [tilespmem:s9], [sflag:$0x1], $0x10, s1, s26, $0xb8;
	[tilespmem:$0x13D30] =	vst v63  }
0x179: {  	s5 =	simm.s32 $0x2000  }
0x17a: {  	[spmem:s2] =	stream.indirect.scatter.add.f32 [tilespmem:s14], [sflag:$0x1], $0x10, s5, s26, $0xb8;
	[tilespmem:$0x13D30] =	vst v63  }
0x17b: {  	s15 =	simm.s32 $0x2080;
	s9 =	simm.s32 $0x5000  }
0x17c: {  	[spmem:s2] =	stream.indirect.scatter.add.f32 [tilespmem:s9], [sflag:$0x1], $0x10, s15, s26, $0xb8;
	[tilespmem:$0x13D30] =	vst v63  }
0x17d: {  	s1 =	simm.s32 $0x2100  }
0x17e: {  	[spmem:s2] =	stream.indirect.scatter.add.f32 [tilespmem:s12], [sflag:$0x1], $0x10, s1, s26, $0xb8;
	[tilespmem:$0x13D30] =	vst v63  }
0x17f: {  	s5 =	simm.s32 $0x2180  }
0x180: {  	[spmem:s2] =	stream.indirect.scatter.add.f32 [tilespmem:s7], [sflag:$0x1], $0x10, s5, s26, $0xb8;
	[tilespmem:$0x13D30] =	vst v63  }
0x181: {  	s7 =	simm.s32 $0x2200  }
0x182: {  	[spmem:s2] =	stream.indirect.scatter.add.f32 [tilespmem:s22], [sflag:$0x1], $0x10, s7, s26, $0xb8;
	[tilespmem:$0x13D30] =	vst v63  }
0x183: {  	s15 =	simm.s32 $0x7000;
	s1 =	simm.s32 $0x2280  }
0x184: {  	[spmem:s2] =	stream.indirect.scatter.add.f32 [tilespmem:s15], [sflag:$0x1], $0x10, s1, s26, $0xb8;
	[tilespmem:$0x13D30] =	vst v63  }
0x185: {  	s5 =	rddreg [dreg:$0xd]  }
0x186: {  	[tilespmem:s17], [sflag:$0x4] =	stream.linear.gather [hbm4b:s5+s3], $0x5000, $0x38;
	[tilespmem:$0x13D30] =	vst v63  }
0x187: {  	_ =	swait.ge [sflag:s24], $0x5000  }
0x188: {  	[sflag:s24] =	ssyncset.done $0x0  }
0x189: {  	[sflag:s24] =	ssyncadd.s32 $0xFFFFB000  }
0x18a: {  	_ =	swait.ge [sflag:s18], $0x800  }
0x18b: {  	[sflag:s18] =	ssyncset.done $0x0  }
0x18c: {  	[sflag:s18] =	ssyncadd.s32 $0xFFFFF800  }
0x18d: {  	_ =	swait.ge [sflag:s18], $0x800  }
0x18e: {  	[sflag:s18] =	ssyncset.done $0x0  }
0x18f: {  	[sflag:s18] =	ssyncadd.s32 $0xFFFFF800  }
0x190: {  	_ =	swait.ge [sflag:s18], $0x800  }
0x191: {  	[sflag:s18] =	ssyncset.done $0x0  }
0x192: {  	[sflag:s18] =	ssyncadd.s32 $0xFFFFF800  }
0x193: {  	_ =	swait.ge [sflag:s18], $0x800  }
0x194: {  	[sflag:s18] =	ssyncset.done $0x0  }
0x195: {  	[sflag:s18] =	ssyncadd.s32 $0xFFFFF800  }
0x196: {  	_ =	swait.ge [sflag:s18], $0x800  }
0x197: {  	[sflag:s18] =	ssyncset.done $0x0  }
0x198: {  	[sflag:s18] =	ssyncadd.s32 $0xFFFFF800  }
0x199: {  	_ =	swait.ge [sflag:s18], $0x800  }
0x19a: {  	[sflag:s18] =	ssyncset.done $0x0  }
0x19b: {  	[sflag:s18] =	ssyncadd.s32 $0xFFFFF800  }
0x19c: {  	_ =	swait.ge [sflag:s18], $0x800  }
0x19d: {  	[sflag:s18] =	ssyncset.done $0x0  }
0x19e: {  	[sflag:s18] =	ssyncadd.s32 $0xFFFFF800  }
0x19f: {  	_ =	swait.ge [sflag:s18], $0x800  }
0x1a0: {  	[sflag:s18] =	ssyncset.done $0x0  }
0x1a1: {  	[sflag:s18] =	ssyncadd.s32 $0xFFFFF800  }
0x1a2: {  	_ =	swait.ge [sflag:s18], $0x800  }
0x1a3: {  	[sflag:s18] =	ssyncset.done $0x0  }
0x1a4: {  	[sflag:s18] =	ssyncadd.s32 $0xFFFFF800  }
0x1a5: {  	_ =	swait.ge [sflag:s18], $0x800  }
0x1a6: {  	[sflag:s18] =	ssyncset.done $0x0  }
0x1a7: {  	s7 =	simm.s32 $0x2300;
	[sflag:s18] =	ssyncadd.s32 $0xFFFFF800  }
0x1a8: {  	[spmem:s2] =	stream.indirect.scatter.add.f32 [tilespmem:s17], [sflag:$0x1], $0x10, s7, s26, $0xb8;
	[tilespmem:$0x13D30] =	vst v63  }
0x1a9: {  	s1 =	simm.s32 $0x2380  }
0x1aa: {  	[spmem:s2] =	stream.indirect.scatter.add.f32 [tilespmem:s29], [sflag:$0x1], $0x10, s1, s26, $0xb8;
	[tilespmem:$0x13D30] =	vst v63  }
0x1ab: {  	s5 =	simm.s32 $0x2400  }
0x1ac: {  	[spmem:s2] =	stream.indirect.scatter.add.f32 [tilespmem:s16], [sflag:$0x1], $0x10, s5, s26, $0xb8;
	[tilespmem:$0x13D30] =	vst v63  }
0x1ad: {  	s7 =	simm.s32 $0x2480  }
0x1ae: {  	[spmem:s2] =	stream.indirect.scatter.add.f32 [tilespmem:s20], [sflag:$0x1], $0x10, s7, s26, $0xb8;
	[tilespmem:$0x13D30] =	vst v63  }
0x1af: {  	s1 =	simm.s32 $0x2500  }
0x1b0: {  	[spmem:s2] =	stream.indirect.scatter.add.f32 [tilespmem:s28], [sflag:$0x1], $0x10, s1, s26, $0xb8;
	[tilespmem:$0x13D30] =	vst v63  }
0x1b1: {  	s5 =	simm.s32 $0x2580  }
0x1b2: {  	[spmem:s2] =	stream.indirect.scatter.add.f32 [tilespmem:s25], [sflag:$0x1], $0x10, s5, s26, $0xb8;
	[tilespmem:$0x13D30] =	vst v63  }
0x1b3: {  	s7 =	simm.s32 $0x2600  }
0x1b4: {  	[spmem:s2] =	stream.indirect.scatter.add.f32 [tilespmem:s10], [sflag:$0x1], $0x10, s7, s26, $0xb8;
	[tilespmem:$0x13D30] =	vst v63  }
0x1b5: {  	s10 =	simm.s32 $0x2680  }
0x1b6: {  	[spmem:s2] =	stream.indirect.scatter.add.f32 [tilespmem:s31], [sflag:$0x1], $0x10, s10, s26, $0xb8;
	[tilespmem:$0x13D30] =	vst v63  }
0x1b7: {  	s1 =	simm.s32 $0x2700  }
0x1b8: {  	[spmem:s2] =	stream.indirect.scatter.add.f32 [tilespmem:s4], [sflag:$0x1], $0x10, s1, s26, $0xb8;
	[tilespmem:$0x13D30] =	vst v63  }
0x1b9: {  	s5 =	simm.s32 $0x2780  }
0x1ba: {  	[spmem:s2] =	stream.indirect.scatter.add.f32 [tilespmem:s8], [sflag:$0x1], $0x10, s5, s26, $0xb8;
	[tilespmem:$0x13D30] =	vst v63  }
0x1bb: {  	_ =	swait.ge [sflag:s18], $0x800  }
0x1bc: {  	[sflag:s18] =	ssyncset.done $0x0  }
0x1bd: {  	[sflag:s18] =	ssyncadd.s32 $0xFFFFF800  }
0x1be: {  	_ =	swait.ge [sflag:s18], $0x800  }
0x1bf: {  	[sflag:s18] =	ssyncset.done $0x0  }
0x1c0: {  	[sflag:s18] =	ssyncadd.s32 $0xFFFFF800  }
0x1c1: {  	_ =	swait.ge [sflag:s18], $0x800  }
0x1c2: {  	[sflag:s18] =	ssyncset.done $0x0  }
0x1c3: {  	[sflag:s18] =	ssyncadd.s32 $0xFFFFF800  }
0x1c4: {  	_ =	swait.ge [sflag:s18], $0x800  }
0x1c5: {  	[sflag:s18] =	ssyncset.done $0x0  }
0x1c6: {  	[sflag:s18] =	ssyncadd.s32 $0xFFFFF800  }
0x1c7: {  	_ =	swait.ge [sflag:s18], $0x800  }
0x1c8: {  	[sflag:s18] =	ssyncset.done $0x0  }
0x1c9: {  	[sflag:s18] =	ssyncadd.s32 $0xFFFFF800  }
0x1ca: {  	_ =	swait.ge [sflag:s18], $0x800  }
0x1cb: {  	[sflag:s18] =	ssyncset.done $0x0  }
0x1cc: {  	[sflag:s18] =	ssyncadd.s32 $0xFFFFF800  }
0x1cd: {  	_ =	swait.ge [sflag:s18], $0x800  }
0x1ce: {  	[sflag:s18] =	ssyncset.done $0x0  }
0x1cf: {  	[sflag:s18] =	ssyncadd.s32 $0xFFFFF800  }
0x1d0: {  	_ =	swait.ge [sflag:s18], $0x800  }
0x1d1: {  	[sflag:s18] =	ssyncset.done $0x0  }
0x1d2: {  	[sflag:s18] =	ssyncadd.s32 $0xFFFFF800  }
0x1d3: {  	_ =	swait.ge [sflag:s18], $0x800  }
0x1d4: {  	[sflag:s18] =	ssyncset.done $0x0  }
0x1d5: {  	[sflag:s18] =	ssyncadd.s32 $0xFFFFF800  }
0x1d6: {  	_ =	swait.ge [sflag:s18], $0x800  }
0x1d7: {  	[sflag:s18] =	ssyncset.done $0x0  }
0x1d8: {  	[sflag:s18] =	ssyncadd.s32 $0xFFFFF800  }
0x1d9: {  	[bflag:$0x0] =	sbarrier.arrive $0xFFFF  }
0x1da: {  	s8 =	simm.s32 $0xC800;
	s7 =	rddreg [dreg:$0x16]  }
0x1db: {  	[tilespmem:s8], [sflag:$0x4] =	stream.linear.gather [spmem:s7], $0x2710, $0x38;
	[tilespmem:$0x13D30] =	vst v63  }
0x1dc: {  	_ =	swait.ge [sflag:s24], $0x2710  }
0x1dd: {  	[sflag:s24] =	ssyncset.done $0x0  }
0x1de: {  	s31 =	simm.s32 $0xEF10;
	s10 =	rddreg [dreg:$0xe];
	[sflag:s24] =	ssyncadd.s32 $0xFFFFD8F0  }
0x1df: {  	[tilespmem:s31], [sflag:$0x4] =	stream.linear.gather [hbm4b:s10+s3], $0x2710, $0x38;
	[tilespmem:$0x13D30] =	vst v63  }
0x1e0: {  	_ =	swait.ge [sflag:s24], $0x2710  }
0x1e1: {  	[sflag:s24] =	ssyncset.done $0x0  }
0x1e2: {  	s1 =	simm.s32 $0x0;
	[sflag:s24] =	ssyncadd.s32 $0xFFFFD8F0  }
0x1e3: {  	s0 =	simm.s32 $0xC800;
	s28 =	smov.u32 s7;
	s8 =	simm.s32 $0x40;
	v0 =	vld [tilespmem:s1+$0xEF10]  }
.LBB2_2:
0x1e4: {  	p1 =	sne.s32 s8, $0x9C00;
	v1 =	vld [tilespmem:s1+$0xC800];
	_ =	sdelay $0x3  }
.Ltmp0:
0x1e5: {  	(pc) =	sbr.rel @p1 .LBB2_2-.Ltmp0, $3  }
0x1e6: {  	v0 =	vadd.f32 v0, v1;
	_ =	sdelay $0x1  }
0x1e7: {  	s4 =	sshra.s32 s8, $0x2;
	v1 =	vmax.f32 v0, $0.0e+00  }
0x1e8: {  	s8 =	sadd.s32 $0x40, s8;
	v0 =	vld [tilespmem:s4+$0xEF10];
	[tilespmem:s1+$0xC800] =	vst v1;
	s1 =	smov.u32 s4  }
0x1e9: {  	v1 =	vld [tilespmem:s1+$0xC800];
	_ =	sdelay $0x4  }
0x1ea: {  	v0 =	vadd.f32 v0, v1;
	_ =	sdelay $0x1  }
0x1eb: {  	v0 =	vmax.f32 v0, $0.0e+00  }
0x1ec: {  	[tilespmem:s1+$0xC800] =	vst v0  }
0x1ed: {  	[spmem:s28] =	stream.linear.scatter [tilespmem:s0], [sflag:$0x4], $0x2710, $0x38;
	[tilespmem:$0x13D30] =	vst v63  }
0x1ee: {  	_ =	swait.ge [sflag:s24], $0x2710  }
0x1ef: {  	s5 =	smov.u32 s28;
	s4 =	simm.s32 @!p0 $0xC800;
	[sflag:s24] =	ssyncset.done $0x0  }
0x1f0: {  	s1 =	simm.s32 @!p0 $0x0;
	s28 =	rddreg [dreg:$0xf];
	[sflag:s24] =	ssyncadd.s32 $0xFFFFD8F0  }
0x1f1: {  	[hbm4b:s28+s1] =	stream.linear.scatter @!p0 [tilespmem:s4], [sflag:$0x4], $0x2710, $0x38;
	[tilespmem:$0x13D30] =	vst v63  }
0x1f2: {  	s1 =	simm.s32 @!p0 $0x4  }
0x1f3: {  	_ =	swait.ge @!p0 [sflag:s1], $0x2710  }
0x1f4: {  	[sflag:s1] =	ssyncset.done @!p0 $0x0  }
0x1f5: {  	[sflag:s1] =	ssyncadd.s32 @!p0 $0xFFFFD8F0  }
0x1f6: {  	[bflag:$0x0] =	sbarrier.arrive $0xFFFF  }
0x1f7: {  	s10 =	rddreg [dreg:$0x10]  }
0x1f8: {  	[tilespmem:s3], [sflag:$0x4] =	stream.linear.gather [hbm4b:s10+s3], $0x1400, $0x38;
	[tilespmem:$0x13D30] =	vst v63  }
0x1f9: {  	_ =	swait.ge [sflag:s24], $0x1400  }
0x1fa: {  	[sflag:s24] =	ssyncset.done $0x0  }
0x1fb: {  	[sflag:s24] =	ssyncadd.s32 $0xFFFFEC00  }
0x1fc: {  	[tilespmem:s30], [sflag:$0x1] =	stream.indirect.gather [spmem:s2], $0x10, s3, s26, $0xb8;
	[tilespmem:$0x13D30] =	vst v63  }
0x1fd: {  	s4 =	simm.s32 $0x3000  }
0x1fe: {  	[tilespmem:s4], [sflag:$0x1] =	stream.indirect.gather [spmem:s2], $0x10, s26, s26, $0xb8;
	[tilespmem:$0x13D30] =	vst v63  }
0x1ff: {  	s28 =	simm.s32 $0x100  }
0x200: {  	[tilespmem:s21], [sflag:$0x1] =	stream.indirect.gather [spmem:s2], $0x10, s28, s26, $0xb8;
	[tilespmem:$0x13D30] =	vst v63  }
0x201: {  	s31 =	simm.s32 $0x180;
	s7 =	simm.s32 $0x4000  }
0x202: {  	[tilespmem:s7], [sflag:$0x1] =	stream.indirect.gather [spmem:s2], $0x10, s31, s26, $0xb8;
	[tilespmem:$0x13D30] =	vst v63  }
0x203: {  	s1 =	simm.s32 $0x200  }
0x204: {  	[tilespmem:s14], [sflag:$0x1] =	stream.indirect.gather [spmem:s2], $0x10, s1, s26, $0xb8;
	[tilespmem:$0x13D30] =	vst v63  }
0x205: {  	s8 =	simm.s32 $0x280  }
0x206: {  	[tilespmem:s9], [sflag:$0x1] =	stream.indirect.gather [spmem:s2], $0x10, s8, s26, $0xb8;
	[tilespmem:$0x13D30] =	vst v63  }
0x207: {  	s10 =	simm.s32 $0x300  }
0x208: {  	[tilespmem:s12], [sflag:$0x1] =	stream.indirect.gather [spmem:s2], $0x10, s10, s26, $0xb8;
	[tilespmem:$0x13D30] =	vst v63  }
0x209: {  	s0 =	simm.s32 $0x6000;
	s28 =	simm.s32 $0x380  }
0x20a: {  	[tilespmem:s0], [sflag:$0x1] =	stream.indirect.gather [spmem:s2], $0x10, s28, s26, $0xb8;
	[tilespmem:$0x13D30] =	vst v63  }
0x20b: {  	s31 =	simm.s32 $0x400  }
0x20c: {  	[tilespmem:s22], [sflag:$0x1] =	stream.indirect.gather [spmem:s2], $0x10, s31, s26, $0xb8;
	[tilespmem:$0x13D30] =	vst v63  }
0x20d: {  	_ = 	snop  }
0x20e: {  	[tilespmem:s15], [sflag:$0x1] =	stream.indirect.gather [spmem:s2], $0x10, s6, s26, $0xb8;
	[tilespmem:$0x13D30] =	vst v63  }
0x20f: {  	_ =	swait.ge [sflag:s18], $0x800  }
0x210: {  	[sflag:s18] =	ssyncset.done $0x0  }
0x211: {  	[sflag:s18] =	ssyncadd.s32 $0xFFFFF800  }
0x212: {  	_ =	swait.ge [sflag:s18], $0x800  }
0x213: {  	[sflag:s18] =	ssyncset.done $0x0  }
0x214: {  	[sflag:s18] =	ssyncadd.s32 $0xFFFFF800  }
0x215: {  	_ =	swait.ge [sflag:s18], $0x800  }
0x216: {  	[sflag:s18] =	ssyncset.done $0x0  }
0x217: {  	[sflag:s18] =	ssyncadd.s32 $0xFFFFF800  }
0x218: {  	_ =	swait.ge [sflag:s18], $0x800  }
0x219: {  	[sflag:s18] =	ssyncset.done $0x0  }
0x21a: {  	[sflag:s18] =	ssyncadd.s32 $0xFFFFF800  }
0x21b: {  	_ =	swait.ge [sflag:s18], $0x800  }
0x21c: {  	[sflag:s18] =	ssyncset.done $0x0  }
0x21d: {  	[sflag:s18] =	ssyncadd.s32 $0xFFFFF800  }
0x21e: {  	_ =	swait.ge [sflag:s18], $0x800  }
0x21f: {  	[sflag:s18] =	ssyncset.done $0x0  }
0x220: {  	[sflag:s18] =	ssyncadd.s32 $0xFFFFF800  }
0x221: {  	_ =	swait.ge [sflag:s18], $0x800  }
0x222: {  	[sflag:s18] =	ssyncset.done $0x0  }
0x223: {  	[sflag:s18] =	ssyncadd.s32 $0xFFFFF800  }
0x224: {  	_ =	swait.ge [sflag:s18], $0x800  }
0x225: {  	[sflag:s18] =	ssyncset.done $0x0  }
0x226: {  	[sflag:s18] =	ssyncadd.s32 $0xFFFFF800  }
0x227: {  	_ =	swait.ge [sflag:s18], $0x800  }
0x228: {  	[sflag:s18] =	ssyncset.done $0x0  }
0x229: {  	[sflag:s18] =	ssyncadd.s32 $0xFFFFF800  }
0x22a: {  	_ =	swait.ge [sflag:s18], $0x800  }
0x22b: {  	[sflag:s18] =	ssyncset.done $0x0  }
0x22c: {  	s8 =	rddreg [dreg:$0x11];
	[sflag:s18] =	ssyncadd.s32 $0xFFFFF800  }
0x22d: {  	[hbm4b:s8+s3] =	stream.linear.scatter [tilespmem:s30], [sflag:$0x2], $0x5000, $0x38;
	[tilespmem:$0x13D30] =	vst v63  }
0x22e: {  	s10 =	simm.s32 $0x500  }
0x22f: {  	[tilespmem:s17], [sflag:$0x1] =	stream.indirect.gather [spmem:s2], $0x10, s10, s26, $0xb8;
	[tilespmem:$0x13D30] =	vst v63  }
0x230: {  	_ = 	snop  }
0x231: {  	[tilespmem:s29], [sflag:$0x1] =	stream.indirect.gather [spmem:s2], $0x10, s13, s26, $0xb8;
	[tilespmem:$0x13D30] =	vst v63  }
0x232: {  	s13 =	simm.s32 $0x600  }
0x233: {  	[tilespmem:s16], [sflag:$0x1] =	stream.indirect.gather [spmem:s2], $0x10, s13, s26, $0xb8;
	[tilespmem:$0x13D30] =	vst v63  }
0x234: {  	_ = 	snop  }
0x235: {  	[tilespmem:s20], [sflag:$0x1] =	stream.indirect.gather [spmem:s2], $0x10, s23, s26, $0xb8;
	[tilespmem:$0x13D30] =	vst v63  }
0x236: {  	s6 =	simm.s32 $0x9800  }
0x237: {  	[tilespmem:s6], [sflag:$0x1] =	stream.indirect.gather [spmem:s2], $0x10, s11, s26, $0xb8;
	[tilespmem:$0x13D30] =	vst v63  }
0x238: {  	s28 =	simm.s32 $0x780  }
0x239: {  	[tilespmem:s25], [sflag:$0x1] =	stream.indirect.gather [spmem:s2], $0x10, s28, s26, $0xb8;
	[tilespmem:$0x13D30] =	vst v63  }
0x23a: {  	s31 =	simm.s32 $0x800;
	s10 =	simm.s32 $0xA800  }
0x23b: {  	[tilespmem:s10], [sflag:$0x1] =	stream.indirect.gather [spmem:s2], $0x10, s31, s26, $0xb8;
	[tilespmem:$0x13D30] =	vst v63  }
0x23c: {  	s8 =	simm.s32 $0x880;
	s11 =	simm.s32 $0xB000  }
0x23d: {  	[tilespmem:s11], [sflag:$0x1] =	stream.indirect.gather [spmem:s2], $0x10, s8, s26, $0xb8;
	[tilespmem:$0x13D30] =	vst v63  }
0x23e: {  	s13 =	simm.s32 $0x900;
	s8 =	simm.s32 $0xB800  }
0x23f: {  	[tilespmem:s8], [sflag:$0x1] =	stream.indirect.gather [spmem:s2], $0x10, s13, s26, $0xb8;
	[tilespmem:$0x13D30] =	vst v63  }
0x240: {  	s23 =	simm.s32 $0x980;
	s13 =	simm.s32 $0xC000  }
0x241: {  	[tilespmem:s13], [sflag:$0x1] =	stream.indirect.gather [spmem:s2], $0x10, s23, s26, $0xb8;
	[tilespmem:$0x13D30] =	vst v63  }
0x242: {  	_ =	swait.ge [sflag:s18], $0x800  }
0x243: {  	[sflag:s18] =	ssyncset.done $0x0  }
0x244: {  	[sflag:s18] =	ssyncadd.s32 $0xFFFFF800  }
0x245: {  	_ =	swait.ge [sflag:s18], $0x800  }
0x246: {  	[sflag:s18] =	ssyncset.done $0x0  }
0x247: {  	[sflag:s18] =	ssyncadd.s32 $0xFFFFF800  }
0x248: {  	_ =	swait.ge [sflag:s18], $0x800  }
0x249: {  	[sflag:s18] =	ssyncset.done $0x0  }
0x24a: {  	[sflag:s18] =	ssyncadd.s32 $0xFFFFF800  }
0x24b: {  	_ =	swait.ge [sflag:s18], $0x800  }
0x24c: {  	[sflag:s18] =	ssyncset.done $0x0  }
0x24d: {  	[sflag:s18] =	ssyncadd.s32 $0xFFFFF800  }
0x24e: {  	_ =	swait.ge [sflag:s18], $0x800  }
0x24f: {  	[sflag:s18] =	ssyncset.done $0x0  }
0x250: {  	[sflag:s18] =	ssyncadd.s32 $0xFFFFF800  }
0x251: {  	_ =	swait.ge [sflag:s18], $0x800  }
0x252: {  	[sflag:s18] =	ssyncset.done $0x0  }
0x253: {  	[sflag:s18] =	ssyncadd.s32 $0xFFFFF800  }
0x254: {  	_ =	swait.ge [sflag:s18], $0x800  }
0x255: {  	[sflag:s18] =	ssyncset.done $0x0  }
0x256: {  	[sflag:s18] =	ssyncadd.s32 $0xFFFFF800  }
0x257: {  	_ =	swait.ge [sflag:s18], $0x800  }
0x258: {  	[sflag:s18] =	ssyncset.done $0x0  }
0x259: {  	[sflag:s18] =	ssyncadd.s32 $0xFFFFF800  }
0x25a: {  	_ =	swait.ge [sflag:s18], $0x800  }
0x25b: {  	[sflag:s18] =	ssyncset.done $0x0  }
0x25c: {  	[sflag:s18] =	ssyncadd.s32 $0xFFFFF800  }
0x25d: {  	_ =	swait.ge [sflag:s18], $0x800  }
0x25e: {  	[sflag:s18] =	ssyncset.done $0x0  }
0x25f: {  	s23 =	simm.s32 $0x2;
	s28 =	rddreg [dreg:$0x12];
	[sflag:s18] =	ssyncadd.s32 $0xFFFFF800  }
0x260: {  	[hbm4b:s28+s3] =	stream.linear.scatter [tilespmem:s17], [sflag:$0x3], $0x5000, $0x38;
	[tilespmem:$0x13D30] =	vst v63  }
0x261: {  	_ =	swait.ge [sflag:s23], $0x5000  }
0x262: {  	[sflag:s23] =	ssyncset.done $0x0  }
0x263: {  	s31 =	simm.s32 $0xA00;
	[sflag:s23] =	ssyncadd.s32 $0xFFFFB000  }
0x264: {  	[tilespmem:s30], [sflag:$0x1] =	stream.indirect.gather [spmem:s2], $0x10, s31, s26, $0xb8;
	[tilespmem:$0x13D30] =	vst v63  }
0x265: {  	s28 =	simm.s32 $0xA80  }
0x266: {  	[tilespmem:s4], [sflag:$0x1] =	stream.indirect.gather [spmem:s2], $0x10, s28, s26, $0xb8;
	[tilespmem:$0x13D30] =	vst v63  }
0x267: {  	s31 =	simm.s32 $0xB00  }
0x268: {  	[tilespmem:s21], [sflag:$0x1] =	stream.indirect.gather [spmem:s2], $0x10, s31, s26, $0xb8;
	[tilespmem:$0x13D30] =	vst v63  }
0x269: {  	s4 =	simm.s32 $0xB80  }
0x26a: {  	[tilespmem:s7], [sflag:$0x1] =	stream.indirect.gather [spmem:s2], $0x10, s4, s26, $0xb8;
	[tilespmem:$0x13D30] =	vst v63  }
0x26b: {  	s7 =	simm.s32 $0xC00  }
0x26c: {  	[tilespmem:s14], [sflag:$0x1] =	stream.indirect.gather [spmem:s2], $0x10, s7, s26, $0xb8;
	[tilespmem:$0x13D30] =	vst v63  }
0x26d: {  	s21 =	simm.s32 $0xC80  }
0x26e: {  	[tilespmem:s9], [sflag:$0x1] =	stream.indirect.gather [spmem:s2], $0x10, s21, s26, $0xb8;
	[tilespmem:$0x13D30] =	vst v63  }
0x26f: {  	s28 =	simm.s32 $0xD00  }
0x270: {  	[tilespmem:s12], [sflag:$0x1] =	stream.indirect.gather [spmem:s2], $0x10, s28, s26, $0xb8;
	[tilespmem:$0x13D30] =	vst v63  }
0x271: {  	s31 =	simm.s32 $0xD80  }
0x272: {  	[tilespmem:s0], [sflag:$0x1] =	stream.indirect.gather [spmem:s2], $0x10, s31, s26, $0xb8;
	[tilespmem:$0x13D30] =	vst v63  }
0x273: {  	s1 =	simm.s32 $0xE00  }
0x274: {  	[tilespmem:s22], [sflag:$0x1] =	stream.indirect.gather [spmem:s2], $0x10, s1, s26, $0xb8;
	[tilespmem:$0x13D30] =	vst v63  }
0x275: {  	s4 =	simm.s32 $0xE80  }
0x276: {  	[tilespmem:s15], [sflag:$0x1] =	stream.indirect.gather [spmem:s2], $0x10, s4, s26, $0xb8;
	[tilespmem:$0x13D30] =	vst v63  }
0x277: {  	_ =	swait.ge [sflag:s18], $0x800  }
0x278: {  	[sflag:s18] =	ssyncset.done $0x0  }
0x279: {  	[sflag:s18] =	ssyncadd.s32 $0xFFFFF800  }
0x27a: {  	_ =	swait.ge [sflag:s18], $0x800  }
0x27b: {  	[sflag:s18] =	ssyncset.done $0x0  }
0x27c: {  	[sflag:s18] =	ssyncadd.s32 $0xFFFFF800  }
0x27d: {  	_ =	swait.ge [sflag:s18], $0x800  }
0x27e: {  	[sflag:s18] =	ssyncset.done $0x0  }
0x27f: {  	[sflag:s18] =	ssyncadd.s32 $0xFFFFF800  }
0x280: {  	_ =	swait.ge [sflag:s18], $0x800  }
0x281: {  	[sflag:s18] =	ssyncset.done $0x0  }
0x282: {  	[sflag:s18] =	ssyncadd.s32 $0xFFFFF800  }
0x283: {  	_ =	swait.ge [sflag:s18], $0x800  }
0x284: {  	[sflag:s18] =	ssyncset.done $0x0  }
0x285: {  	[sflag:s18] =	ssyncadd.s32 $0xFFFFF800  }
0x286: {  	_ =	swait.ge [sflag:s18], $0x800  }
0x287: {  	[sflag:s18] =	ssyncset.done $0x0  }
0x288: {  	[sflag:s18] =	ssyncadd.s32 $0xFFFFF800  }
0x289: {  	_ =	swait.ge [sflag:s18], $0x800  }
0x28a: {  	[sflag:s18] =	ssyncset.done $0x0  }
0x28b: {  	[sflag:s18] =	ssyncadd.s32 $0xFFFFF800  }
0x28c: {  	_ =	swait.ge [sflag:s18], $0x800  }
0x28d: {  	[sflag:s18] =	ssyncset.done $0x0  }
0x28e: {  	[sflag:s18] =	ssyncadd.s32 $0xFFFFF800  }
0x28f: {  	_ =	swait.ge [sflag:s18], $0x800  }
0x290: {  	[sflag:s18] =	ssyncset.done $0x0  }
0x291: {  	[sflag:s18] =	ssyncadd.s32 $0xFFFFF800  }
0x292: {  	_ =	swait.ge [sflag:s18], $0x800  }
0x293: {  	[sflag:s18] =	ssyncset.done $0x0  }
0x294: {  	s9 =	simm.s32 $0x3;
	s7 =	rddreg [dreg:$0x13];
	[sflag:s18] =	ssyncadd.s32 $0xFFFFF800  }
0x295: {  	[hbm4b:s7+s3] =	stream.linear.scatter [tilespmem:s30], [sflag:$0x2], $0x5000, $0x38;
	[tilespmem:$0x13D30] =	vst v63  }
0x296: {  	_ =	swait.ge [sflag:s9], $0x5000  }
0x297: {  	[sflag:s9] =	ssyncset.done $0x0  }
0x298: {  	s12 =	simm.s32 $0xF00;
	[sflag:s9] =	ssyncadd.s32 $0xFFFFB000  }
0x299: {  	[tilespmem:s17], [sflag:$0x1] =	stream.indirect.gather [spmem:s2], $0x10, s12, s26, $0xb8;
	[tilespmem:$0x13D30] =	vst v63  }
0x29a: {  	s14 =	simm.s32 $0xF80  }
0x29b: {  	[tilespmem:s29], [sflag:$0x1] =	stream.indirect.gather [spmem:s2], $0x10, s14, s26, $0xb8;
	[tilespmem:$0x13D30] =	vst v63  }
0x29c: {  	s15 =	simm.s32 $0x1000  }
0x29d: {  	[tilespmem:s16], [sflag:$0x1] =	stream.indirect.gather [spmem:s2], $0x10, s15, s26, $0xb8;
	[tilespmem:$0x13D30] =	vst v63  }
0x29e: {  	s16 =	simm.s32 $0x1080  }
0x29f: {  	[tilespmem:s20], [sflag:$0x1] =	stream.indirect.gather [spmem:s2], $0x10, s16, s26, $0xb8;
	[tilespmem:$0x13D30] =	vst v63  }
0x2a0: {  	s20 =	simm.s32 $0x1100  }
0x2a1: {  	[tilespmem:s6], [sflag:$0x1] =	stream.indirect.gather [spmem:s2], $0x10, s20, s26, $0xb8;
	[tilespmem:$0x13D30] =	vst v63  }
0x2a2: {  	s21 =	simm.s32 $0x1180  }
0x2a3: {  	[tilespmem:s25], [sflag:$0x1] =	stream.indirect.gather [spmem:s2], $0x10, s21, s26, $0xb8;
	[tilespmem:$0x13D30] =	vst v63  }
0x2a4: {  	s22 =	simm.s32 $0x1200  }
0x2a5: {  	[tilespmem:s10], [sflag:$0x1] =	stream.indirect.gather [spmem:s2], $0x10, s22, s26, $0xb8;
	[tilespmem:$0x13D30] =	vst v63  }
0x2a6: {  	s25 =	simm.s32 $0x1280  }
0x2a7: {  	[tilespmem:s11], [sflag:$0x1] =	stream.indirect.gather [spmem:s2], $0x10, s25, s26, $0xb8;
	[tilespmem:$0x13D30] =	vst v63  }
0x2a8: {  	s28 =	simm.s32 $0x1300  }
0x2a9: {  	[tilespmem:s8], [sflag:$0x1] =	stream.indirect.gather [spmem:s2], $0x10, s28, s26, $0xb8;
	[tilespmem:$0x13D30] =	vst v63  }
0x2aa: {  	s29 =	simm.s32 $0x1380  }
0x2ab: {  	[tilespmem:s13], [sflag:$0x1] =	stream.indirect.gather [spmem:s2], $0x10, s29, s26, $0xb8;
	[tilespmem:$0x13D30] =	vst v63  }
0x2ac: {  	_ =	swait.ge [sflag:s18], $0x800  }
0x2ad: {  	[sflag:s18] =	ssyncset.done $0x0  }
0x2ae: {  	[sflag:s18] =	ssyncadd.s32 $0xFFFFF800  }
0x2af: {  	_ =	swait.ge [sflag:s18], $0x800  }
0x2b0: {  	[sflag:s18] =	ssyncset.done $0x0  }
0x2b1: {  	[sflag:s18] =	ssyncadd.s32 $0xFFFFF800  }
0x2b2: {  	_ =	swait.ge [sflag:s18], $0x800  }
0x2b3: {  	[sflag:s18] =	ssyncset.done $0x0  }
0x2b4: {  	[sflag:s18] =	ssyncadd.s32 $0xFFFFF800  }
0x2b5: {  	_ =	swait.ge [sflag:s18], $0x800  }
0x2b6: {  	[sflag:s18] =	ssyncset.done $0x0  }
0x2b7: {  	[sflag:s18] =	ssyncadd.s32 $0xFFFFF800  }
0x2b8: {  	_ =	swait.ge [sflag:s18], $0x800  }
0x2b9: {  	[sflag:s18] =	ssyncset.done $0x0  }
0x2ba: {  	[sflag:s18] =	ssyncadd.s32 $0xFFFFF800  }
0x2bb: {  	_ =	swait.ge [sflag:s18], $0x800  }
0x2bc: {  	[sflag:s18] =	ssyncset.done $0x0  }
0x2bd: {  	[sflag:s18] =	ssyncadd.s32 $0xFFFFF800  }
0x2be: {  	_ =	swait.ge [sflag:s18], $0x800  }
0x2bf: {  	[sflag:s18] =	ssyncset.done $0x0  }
0x2c0: {  	[sflag:s18] =	ssyncadd.s32 $0xFFFFF800  }
0x2c1: {  	_ =	swait.ge [sflag:s18], $0x800  }
0x2c2: {  	[sflag:s18] =	ssyncset.done $0x0  }
0x2c3: {  	[sflag:s18] =	ssyncadd.s32 $0xFFFFF800  }
0x2c4: {  	_ =	swait.ge [sflag:s18], $0x800  }
0x2c5: {  	[sflag:s18] =	ssyncset.done $0x0  }
0x2c6: {  	[sflag:s18] =	ssyncadd.s32 $0xFFFFF800  }
0x2c7: {  	_ =	swait.ge [sflag:s18], $0x800  }
0x2c8: {  	[sflag:s18] =	ssyncset.done $0x0  }
0x2c9: {  	s30 =	rddreg [dreg:$0x14];
	[sflag:s18] =	ssyncadd.s32 $0xFFFFF800  }
0x2ca: {  	[hbm4b:s30+s3] =	stream.linear.scatter [tilespmem:s17], [sflag:$0x3], $0x5000, $0x38;
	[tilespmem:$0x13D30] =	vst v63  }
0x2cb: {  	_ =	swait.ge [sflag:s23], $0x5000  }
0x2cc: {  	[sflag:s23] =	ssyncset.done $0x0  }
0x2cd: {  	[sflag:s23] =	ssyncadd.s32 $0xFFFFB000  }
0x2ce: {  	_ =	swait.ge [sflag:s9], $0x5000  }
0x2cf: {  	s19 =	sadd.s32 $0x1, s19;
	s31 =	rddreg [dreg:$0x15]  }
0x2d0: {  	p1 =	sne.s32 s19, s31  }
.Ltmp1:
0x2d1: {  	_ = 	snop;
	(pc) =	sbr.rel @p1 .LBB2_1-.Ltmp1, $3  }
0x2d2: {  	_ =	sdelay $0x1  }
0x2d3: {  	[sflag:s9] =	ssyncset.done $0x0  }
0x2d4: {  	[sflag:s9] =	ssyncadd.s32 $0xFFFFB000  }
0x2d5: {  	_ =	sfence.sel $0x180000  }
0x2d6: {  	[bflag:$0x0] =	sbarrier.arrive $0xFFFF  }
0x2d7: {  	_ =	strace $0x9000004A  }
0x2d8: {  	s0 =	stileid.u32;
	[bflag:$0x2] =	sbarrier.arrive $0xFFFF  }
0x2d9: {  	p0 =	sne.s32 s0, $0x0;
	s0 =	rddreg [dreg:$0x2]  }
0x2da: {  	s0 =	sadd.s32 @!p0 $0x100000, s0  }
0x2db: {  	[sflag:s0] =	ssyncadd.tile.s32 @!p0 $0x1;
	_ =	shalt  }
.Lfunc_end2:
_tile_overlayer_lowered:
.L_overlay_start_2:
0x2dc: {  	(tag) =	ssettag $0x2  }
0x2dd: {  	s0 =	rddreg [dreg:$0x0];
	s2 =	stileid.u32  }
0x2de: {  	s1 =	rddreg [dreg:$0x1];
	p0 =	sne.s32 s2, $0x0  }
0x2df: {  	s3 =	rddreg [dreg:$0x2];
	[bflag:$0x3] =	sbarrier.arrive $0xFFFF;
	s2 =	simm.s32 @!p0 $0x1C04  }
0x2e0: {  	[timem:s3], [sflag:s2] =	dma.local @!p0 [hbm:s0], s1  }
0x2e1: {  	s0 =	simm.s32 @!p0 $0x4  }
0x2e2: {  	_ =	swait.ge @!p0 [sflag:s0], s1  }
0x2e3: {  	s1 =	ssub.s32 @!p0 $0x0, s1;
	[sflag:s0] =	ssyncset.done @!p0 $0x0  }
0x2e4: {  	[sflag:s0] =	ssyncadd.s32 @!p0 s1  }
0x2e5: {  	[bflag:$0x3] =	sbarrier.arrive $0xFFFF  }
0x2e6: {  	_ =	shalt  }

// kernel: kernel.16.cloned.1.call-start
scs
__scs_entry_jumppad:
0x0: {  	(pc) =	sbr.rel $0x88, $3  }
0x1: {  	(tag) =	ssettag $0x0;
	lr =	simm.s32 $0x1  }
0x2: {  	[smem:$0x3F8D] =	sst lr;
	_ =	strace $0xD0000000  }
0x3: {  	_ = 	snop  }
0x4: {  	_ = 	snop  }
0x5: {  	_ = 	snop  }
0x6: {  	_ = 	snop  }
0x7: {  	_ = 	snop  }
__scs_overlays_trampoline_lowered:
0x8: {  	[smem:$0x3F9C] =	sst s0  }
0x9: {  	[smem:$0x3F9D] =	sst s1  }
0xa: {  	[smem:$0x3F9E] =	sst s2  }
0xb: {  	[smem:$0x3F9F] =	sst s3  }
0xc: {  	[smem:$0x3FA0] =	sst s4  }
0xd: {  	[smem:$0x3FA1] =	sst s5  }
0xe: {  	[smem:$0x3FA2] =	sst s6  }
0xf: {  	[smem:$0x3FA3] =	sst s7  }
0x10: {  	[smem:$0x3FA4] =	sst s8  }
0x11: {  	[smem:$0x3FA5] =	sst s9;
	s0 =	simm.s32 @!p0 $0x0  }
0x12: {  	s1 =	sld [smem:$0x3F8B];
	s0 =	simm.s32 @p0 $0x1  }
0x13: {  	[smem:$0x3FA6] =	sst s0;
	s0 =	simm.s32 @!p1 $0x0  }
0x14: {  	s2 =	sld [smem:$0x3F8A];
	s0 =	simm.s32 @p1 $0x1  }
0x15: {  	[smem:$0x3FA7] =	sst s0;
	s0 =	simm.s32 @!p2 $0x0  }
0x16: {  	s3 =	sld [smem:$0x3FDB];
	s0 =	simm.s32 @p2 $0x1  }
0x17: {  	s4 =	simm.s32 $0x1BF5;
	[smem:$0x3FA9] =	sst s0  }
0x18: {  	s0 =	sld [smem:$0x3F8C];
	_ =	swait.ge [sflag:s4], $0x0  }
0x19: {  	s7 =	sld [smem:$0x3F8D]  }
0x1a: {  	s8 =	sadd.s32 $0xFFFFE003, lr  }
0x1b: {  	s9 =	sadd.s32 $0xFFFFFEF7, lr;
	s5 =	simm.s32 $0xFFFFFFFF;
	p2 =	slt.u32 s8, $0xFFFFF086  }
0x1c: {  	p1 =	slt.u32 s9, $0xF7A;
	s5 =	simm.s32 @!p2 $0x0  }
0x1d: {  	s5 =	simm.s32 @p1 $0x1;
	p0 =	seq.s32 s7, s2  }
0x1e: {  	s7 =	smul.u32 @!p0 $0xF7A, s2;
	p2 =	seq.s32 @!p0 s5, $0x0  }
0x1f: {  	s9 =	smul.u32 $0xF7A, s1;
	s8 =	simm.s32 @!p0 $0x1BF5;
	p2 =	por !p2, p0  }
0x20: {  	[sflag:s8] =	ssyncset.s32 @!p0 $0xFFFFF086;
	s6 =	sadd.s32 @!p0 s3, s7;
	s7 =	simm.s32 @!p0 $0x108  }
0x21: {  	s3 =	sadd.s32 s3, s9;
	s6 =	sadd.s32 @!p0 $0x88, s6;
	s7 =	simm.s32 @p2 $0x1082  }
0x22: {  	[simem:s7], [sflag:s8] =	dma.local @!p0 [hbm:s6], $0xF7A  }
0x23: {  	s9 =	sor.u32 $0xD0000000, s2;
	s6 =	simm.s32 $0x108;
	_ =	swait.ge @!p0 [sflag:s8], $0x0  }
0x24: {  	s3 =	sadd.s32 $0x88, s3;
	s6 =	simm.s32 @!p1 $0x1082;
	[sflag:s4] =	ssyncset.s32 $0xFFFFF086  }
0x25: {  	[simem:s6], [sflag:s4] =	dma.local [hbm:s3], $0xF7A  }
0x26: {  	[smem:$0x3F8D] =	sst s1;
	(tag) =	ssettag s2;
	_ =	strace s9  }
0x27: {  	s1 =	sld [smem:$0x3F9D]  }
0x28: {  	s2 =	sld [smem:$0x3F9E]  }
0x29: {  	s4 =	sld [smem:$0x3FA0]  }
0x2a: {  	p0 =	seq.s32 s5, $0x0;
	s5 =	sld [smem:$0x3FA1]  }
0x2b: {  	s6 =	sld [smem:$0x3FA2]  }
0x2c: {  	s7 =	sld [smem:$0x3FA3]  }
0x2d: {  	s3 =	simm.s32 $0x108;
	s8 =	sld [smem:$0x3FA4]  }
0x2e: {  	s3 =	simm.s32 @!p0 $0x1082;
	s9 =	sld [smem:$0x3FA5]  }
0x2f: {  	lr =	sadd.s32 s0, s3;
	s0 =	sld [smem:$0x3F9C]  }
0x30: {  	s3 =	sld [smem:$0x3F9F]  }
0x31: {  	[smem:$0x3FA8] =	sst s10  }
0x32: {  	s10 =	sld [smem:$0x3FA6];
	_ =	sdelay $0x3  }
0x33: {  	p0 =	seq.s32 s10, $0x1;
	s10 =	sld [smem:$0x3FA8];
	_ =	sdelay $0x3  }
0x34: {  	[smem:$0x3FA8] =	sst s10  }
0x35: {  	s10 =	sld [smem:$0x3FA7];
	_ =	sdelay $0x3  }
0x36: {  	p1 =	seq.s32 s10, $0x1;
	s10 =	sld [smem:$0x3FA8];
	_ =	sdelay $0x3  }
0x37: {  	[smem:$0x3FA8] =	sst s10  }
0x38: {  	s10 =	sld [smem:$0x3FA9]  }
0x39: {  	_ = 	snop;
	(pc) =	sbr.ind lr, $3  }
0x3a: {  	_ = 	snop  }
0x3b: {  	_ = 	snop  }
0x3c: {  	p2 =	seq.s32 s10, $0x1;
	s10 =	sld [smem:$0x3FA8]  }
0x3d: {  	_ =	shalt  }
0x3e: {  	_ =	shalt  }
0x3f: {  	_ =	shalt  }
0x40: {  	_ =	shalt  }
0x41: {  	_ =	shalt  }
0x42: {  	_ =	shalt  }
0x43: {  	_ =	shalt  }
0x44: {  	_ =	shalt  }
0x45: {  	_ =	shalt  }
0x46: {  	_ =	shalt  }
0x47: {  	_ =	shalt  }
0x48: {  	_ =	shalt  }
0x49: {  	_ =	shalt  }
0x4a: {  	_ =	shalt  }
0x4b: {  	_ =	shalt  }
0x4c: {  	_ =	shalt  }
0x4d: {  	_ =	shalt  }
0x4e: {  	_ =	shalt  }
0x4f: {  	_ =	shalt  }
0x50: {  	_ =	shalt  }
0x51: {  	_ =	shalt  }
0x52: {  	_ =	shalt  }
0x53: {  	_ =	shalt  }
0x54: {  	_ =	shalt  }
0x55: {  	_ =	shalt  }
0x56: {  	_ =	shalt  }
0x57: {  	_ =	shalt  }
0x58: {  	_ =	shalt  }
0x59: {  	_ =	shalt  }
0x5a: {  	_ =	shalt  }
0x5b: {  	_ =	shalt  }
0x5c: {  	_ =	shalt  }
0x5d: {  	_ =	shalt  }
0x5e: {  	_ =	shalt  }
0x5f: {  	_ =	shalt  }
0x60: {  	_ =	shalt  }
0x61: {  	_ =	shalt  }
0x62: {  	_ =	shalt  }
0x63: {  	_ =	shalt  }
0x64: {  	_ =	shalt  }
0x65: {  	_ =	shalt  }
0x66: {  	_ =	shalt  }
0x67: {  	_ =	shalt  }
0x68: {  	_ =	shalt  }
0x69: {  	_ =	shalt  }
0x6a: {  	_ =	shalt  }
0x6b: {  	_ =	shalt  }
0x6c: {  	_ =	shalt  }
0x6d: {  	_ =	shalt  }
0x6e: {  	_ =	shalt  }
0x6f: {  	_ =	shalt  }
0x70: {  	_ =	shalt  }
0x71: {  	_ =	shalt  }
0x72: {  	_ =	shalt  }
0x73: {  	_ =	shalt  }
0x74: {  	_ =	shalt  }
0x75: {  	_ =	shalt  }
0x76: {  	_ =	shalt  }
0x77: {  	_ =	shalt  }
0x78: {  	_ =	shalt  }
0x79: {  	_ =	shalt  }
0x7a: {  	_ =	shalt  }
0x7b: {  	_ =	shalt  }
0x7c: {  	_ =	shalt  }
0x7d: {  	_ =	shalt  }
0x7e: {  	_ =	shalt  }
0x7f: {  	_ =	shalt  }
0x80: {  	_ =	shalt  }
0x81: {  	_ =	shalt  }
0x82: {  	_ =	shalt  }
0x83: {  	_ =	shalt  }
0x84: {  	_ =	shalt  }
0x85: {  	_ =	shalt  }
0x86: {  	_ =	shalt  }
0x87: {  	_ =	shalt  }
.Lfunc_end0:
.L_simem_size_0:
called_computation.2_lowered:
.L_overlay_start_0:
0x88: {  	s2 =	sld [smem:$0x3FD9]  }
0x89: {  	s3 =	sld [smem:$0x3FFE];
	_ =	sdelay $0x1  }
0x8a: {  	s1 =	srdreg.scid  }
0x8b: {  	s0 =	sand.u32 $0x1, s1  }
0x8c: {  	s16 =	sshll.u32 s0, $0xA;
	s2 =	sadd.s32 s3, s2  }
0x8d: {  	s2 =	sadd.s32 s2, s16  }
0x8e: {  	[smem:$0x3FB4] =	sst s2  }
0x8f: {  	_ = 	snop  }
0x90: {  	(tm) =	ssettm $0x1  }
0x91: {  	s17 =	sld [smem:$0x3FFB];
	_ =	sdelay $0x3  }
0x92: {  	_ =	strace s17  }
0x93: {  	s2 =	sld [smem:$0x3FFC];
	_ =	sdelay $0x3  }
0x94: {  	_ =	strace s2  }
0x95: {  	s2 =	sld [smem:$0x3FFD];
	_ =	sdelay $0x3  }
0x96: {  	_ =	strace s2  }
0x97: {  	_ =	strace $0x8FFFFFFF  }
0x98: {  	s18 =	sld [smem:$0x3FDB];
	_ =	sdelay $0x1  }
0x99: {  	s19 =	simm.s32 $_scs_section_size  }
0x9a: {  	s4 =	simm.s32 $_size__tile_overlayer_lowered;
	s5 =	simm.s32 $_tile_overlayer_lowered  }
0x9b: {  	s22 =	simm.s32 $0x1BFF;
	s21 =	sshll.u32 s5, $0x1;
	s2 =	sadd.s32 s19, s18  }
0x9c: {  	s6 =	simm.s32 $0x0;
	s20 =	sshll.u32 s4, $0x1;
	s4 =	sadd.s32 s21, s2  }
0x9d: {  	[timem:s6], [sflag:s22] =	dma.local [hbm:s4], s20  }
0x9e: {  	_ =	swait.ge [sflag:s22], s20  }
0x9f: {  	s3 =	ssub.s32 $0x0, s20;
	[sflag:s22] =	ssyncset.done $0x0  }
0xa0: {  	[sflag:s22] =	ssyncadd.s32 s3;
	_ =	sdelay $0x1  }
0xa1: {  	s23 =	simm.s32 $0x1B8B  }
0xa2: {  	_ =	swait.ge [sflag:s23], $0x1  }
0xa3: {  	[sflag:s23] =	ssyncset.done $0x0  }
0xa4: {  	s25 =	simm.s32 $0x1B8E;
	s24 =	sld [smem:$0x3FFE];
	[sflag:s23] =	ssyncadd.s32 $0xFFFFFFFF  }
0xa5: {  	s26 =	simm.s32 $execute0_lowered;
	[smem:$0x3FD2] =	sst s25  }
0xa6: {  	s4 =	sshll.u32 s26, $0x1;
	_ =	strace $0x8000004C;
	[dreg:$0x1] =	wrdreg $0xFFFFFFFF  }
0xa7: {  	s28 =	simm.s32 $_size_execute0_lowered;
	s2 =	sadd.s32 s2, s4;
	[dreg:$0x0] =	wrdreg $0x0  }
0xa8: {  	s4 =	sshll.u32 s28, $0x1;
	[dreg:$0x2] =	wrdreg s2  }
0xa9: {  	[dreg:$0x3] =	wrdreg s4  }
0xaa: {  	[dreg:$0x4] =	wrdreg $0xC0  }
0xab: {  	_ =	task [dreg:s6], $0x5FFFF  }
0xac: {  	[dreg:$0x1] =	wrdreg $0xFFFFFFFF  }
0xad: {  	[dreg:$0x0] =	wrdreg $0x60  }
0xae: {  	[dreg:$0x2] =	wrdreg s24  }
0xaf: {  	[dreg:$0x3] =	wrdreg $0x116200  }
0xb0: {  	[dreg:$0x4] =	wrdreg $0x9  }
0xb1: {  	_ =	task.clear_ibuf [dreg:s6], $0x5FFFF;
	_ =	strace $0x9000004C  }
0xb2: {  	s29 =	simm.s32 $0x9;
	_ =	strace $0x8000004E  }
0xb3: {  	_ =	swait.ge [sflag:s29], $0x1  }
0xb4: {  	[sflag:s29] =	ssyncadd.s32 $0xFFFFFFFF  }
0xb5: {  	_ =	strace $0x9000004E  }
0xb6: {  	_ =	sfence  }
0xb7: {  	s30 =	sld [smem:$0x0];
	_ =	sdelay $0x2  }
0xb8: {  	s31 =	sshll.u32 s1, $0xD;
	s1 =	sshrl.u32 s1, $0x2  }
0xb9: {  	s3 =	sand.u32 $0x4000, s31;
	s1 =	sadd.s32 s1, s30  }
0xba: {  	s0 =	sor.u32 s3, s0;
	s1 =	sshll.u32 s1, $0x11  }
0xbb: {  	s0 =	sor.u32 s1, s0  }
0xbc: {  	s0 =	sadd.s32 $0x8F2B, s0  }
0xbd: {  	[sflag:s0] =	ssyncadd.remote.s32 $0x1  }
0xbe: {  	_ =	sfence.sel $0xFFFF  }
0xbf: {  	[dreg:$0x0] =	wrdreg $0xFFFFFFFF;
	(pc) =	sbr.abs _section_cstart, $3  }
0xc0: {  	[dreg:$0x1] =	wrdreg $0xFFFFFFFF  }
0xc1: {  	_ =	task.clear_ibuf [dreg:s6], $0x2FFFF;
	_ =	strace $0x9FFFFFFF  }
0xc2: {  	(tm) =	ssettm $0x7FFFFFFF  }
0xc3: {  	_ =	shalt  }
tec
execute0_lowered:
.L_overlay_start_1:
0x0: {  	(tag) =	ssettag $0x1  }
0x1: {  	s0 =	rddreg [dreg:$0x0]  }
0x2: {  	s2 =	rddreg [dreg:$0x1];
	s10 =	stileid.u32  }
0x3: {  	s5 =	simm.s32 $0x0;
	s3 =	srdreg.scid;
	s1 =	smul.u32 $0x500, s10  }
0x4: {  	s30 =	simm.s32 $0x3800;
	s31 =	simm.s32 $0x1;
	s4 =	smul.u32 $0x2710, s10  }
0x5: {  	s28 =	simm.s32 $0x9000;
	[smem:$0x7FF] =	sst s5;
	s9 =	smul.u32 $0x28000, s10  }
0x6: {  	s6 =	sadd.s32 $0x328400, s0;
	s13 =	sand.u32 $0x1, s3;
	s18 =	smul.u32 $0x5000, s10  }
0x7: {  	s19 =	sshll.u32 s10, $0x6;
	s10 =	simm.s32 $0x6800;
	_ =	strace $0x8000004D  }
0x8: {  	s8 =	ssub.s32 $0x2, s13;
	s3 =	sor.u32 $0x1C02, s19;
	p0 =	sne.s32 s13, $0x0  }
0x9: {  	s13 =	simm.s32 $0x0;
	s1 =	sadd.s32 s1, s0;
	s7 =	sshrl.u32 s4, $0x3  }
0xa: {  	s17 =	sshrl.u32 s8, $0x1;
	s11 =	sadd.s32 s4, s2;
	s9 =	sshrl.u32 s9, $0x3  }
0xb: {  	s23 =	sadd.s32 s6, s18;
	s4 =	simm.s32 $0x3000;
	[dreg:$0xd] =	wrdreg s3  }
0xc: {  	s0 =	sadd.s32 s7, s0;
	s8 =	ssub.s32 s8, s17;
	[dreg:$0x3] =	wrdreg s11  }
0xd: {  	s20 =	sadd.s32 s6, s9;
	s21 =	sadd.s32 $0xA00, s23;
	[dreg:$0x8] =	wrdreg s23  }
0xe: {  	s12 =	sadd.s32 $0x323400, s1;
	[dreg:$0xb] =	wrdreg s21;
	s22 =	sadd.s32 $0x1400, s20  }
0xf: {  	s9 =	simm.s32 $0xB000;
	s24 =	sadd.s32 $0x2800, s20;
	[dreg:$0xc] =	wrdreg s22  }
0x10: {  	s14 =	sadd.s32 $0x3600, s0;
	s25 =	sadd.s32 $0x3200, s20;
	[dreg:$0x6] =	wrdreg s24  }
0x11: {  	s7 =	sadd.s32 $0x1E00, s20;
	s26 =	sadd.s32 $0x8600, s0;
	[dreg:$0x7] =	wrdreg s25  }
0x12: {  	s21 =	sadd.s32 $0x3C00, s20;
	s0 =	sadd.s32 $0xD600, s0;
	[dreg:$0x4] =	wrdreg s26  }
.Ltmp0:
0x13: {  	s17 =	sadd.s32 $0x4600, s20;
	[dreg:$0x5] =	wrdreg s0;
	(pc) =	sbr.rel .LBB2_1-.Ltmp0, $4  }
0x14: {  	s29 =	smax.u32 s8, $0x1;
	s20 =	simm.s32 $0x2;
	[dreg:$0x9] =	wrdreg s14  }
0x15: {  	s8 =	simm.s32 $0x5000;
	s0 =	sshrl.u32 s11, $0x3;
	[dreg:$0xa] =	wrdreg s17  }
0x16: {  	s22 =	simm.s32 $0x80;
	[dreg:$0xe] =	wrdreg s29;
	s26 =	simm.s32 $0x2800  }
0x17: {  	s24 =	simm.s32 $0x4000;
	s11 =	simm.s32 $0xB800;
	[dreg:$0xf] =	wrdreg s0  }
.LBB2_4:
0x18: {  	v1 =	vld [tilespmem:s14+$0xC800];
	_ =	sdelay $0x4  }
0x19: {  	v0 =	vadd.f32 v0, v1;
	_ =	sdelay $0x1  }
0x1a: {  	v0 =	vmax.f32 v0, $0.0e+00  }
0x1b: {  	s29 =	rddreg [dreg:$0x5];
	s3 =	simm.s32 $0xC800;
	[tilespmem:s14+$0xC800] =	vst v0  }
0x1c: {  	[hbm4b:s29+s5] =	stream.linear.scatter [tilespmem:s3], [sflag:$0x2], $0x2710, $0x38;
	[tilespmem:$0x13D30] =	vst v63  }
0x1d: {  	s30 =	simm.s32 $0x3800;
	s14 =	smov.u32 s19;
	_ =	swait.ge [sflag:s20], $0x2710  }
0x1e: {  	s3 =	smov.u32 s7;
	s7 =	smov.u32 s0;
	[sflag:s20] =	ssyncset.done $0x0  }
0x1f: {  	s0 =	smov.u32 s4;
	s4 =	simm.s32 $0x3000;
	[sflag:s20] =	ssyncadd.s32 $0xFFFFD8F0  }
.LBB2_5:
0x20: {  	s13 =	sadd.s32 $0x1, s13  }
0x21: {  	p1 =	sne.s32 s13, s1  }
.Ltmp1:
0x22: {  	_ = 	snop;
	(pc) =	sbr.rel @!p1 .LBB2_6-.Ltmp1, $1  }
0x23: {  	_ =	sdelay $0x3  }
.LBB2_1:
0x24: {  	[spmem:s0], [sflag:s3] =	dma.local [hbm:s14], $0x4E2  }
0x25: {  	_ =	swait.ge [sflag:s20], $0x4E2  }
0x26: {  	[sflag:s20] =	ssyncset.done $0x0  }
0x27: {  	[sflag:s20] =	ssyncadd.s32 $0xFFFFFB1E  }
0x28: {  	[bflag:$0x0] =	sbarrier.arrive $0xFFFF  }
0x29: {  	[tilespmem:s5], [sflag:$0x2] =	stream.linear.gather [hbm4b:s12+s5], $0x2800, $0x38;
	[tilespmem:$0x13D30] =	vst v63  }
0x2a: {  	_ =	swait.ge [sflag:s20], $0x2800  }
0x2b: {  	[sflag:s20] =	ssyncset.done $0x0  }
0x2c: {  	[sflag:s20] =	ssyncadd.s32 $0xFFFFD800  }
0x2d: {  	[tilespmem:s26], [sflag:$0x2] =	stream.linear.gather [hbm4b:s23+s5], $0x5000, $0x38;
	[tilespmem:$0x13D30] =	vst v63  }
0x2e: {  	_ =	swait.ge [sflag:s20], $0x5000  }
0x2f: {  	[sflag:s20] =	ssyncset.done $0x0  }
0x30: {  	[sflag:s20] =	ssyncadd.s32 $0xFFFFB000  }
0x31: {  	[spmem:s2] =	stream.indirect.scatter.add.f32 [tilespmem:s26], [sflag:$0x1], $0x10, s5, s22, $0xb8;
	[tilespmem:$0x13D30] =	vst v63  }
0x32: {  	_ = 	snop  }
0x33: {  	[spmem:s2] =	stream.indirect.scatter.add.f32 [tilespmem:s4], [sflag:$0x1], $0x10, s22, s22, $0xb8;
	[tilespmem:$0x13D30] =	vst v63  }
0x34: {  	s6 =	simm.s32 $0x100  }
0x35: {  	[spmem:s2] =	stream.indirect.scatter.add.f32 [tilespmem:s30], [sflag:$0x1], $0x10, s6, s22, $0xb8;
	[tilespmem:$0x13D30] =	vst v63  }
0x36: {  	s17 =	simm.s32 $0x180  }
0x37: {  	[spmem:s2] =	stream.indirect.scatter.add.f32 [tilespmem:s24], [sflag:$0x1], $0x10, s17, s22, $0xb8;
	[tilespmem:$0x13D30] =	vst v63  }
0x38: {  	s14 =	simm.s32 $0x200;
	s6 =	simm.s32 $0x4800  }
0x39: {  	[spmem:s2] =	stream.indirect.scatter.add.f32 [tilespmem:s6], [sflag:$0x1], $0x10, s14, s22, $0xb8;
	[tilespmem:$0x13D30] =	vst v63  }
0x3a: {  	s15 =	simm.s32 $0x280  }
0x3b: {  	[spmem:s2] =	stream.indirect.scatter.add.f32 [tilespmem:s8], [sflag:$0x1], $0x10, s15, s22, $0xb8;
	[tilespmem:$0x13D30] =	vst v63  }
0x3c: {  	s16 =	simm.s32 $0x300;
	s14 =	simm.s32 $0x5800  }
0x3d: {  	[spmem:s2] =	stream.indirect.scatter.add.f32 [tilespmem:s14], [sflag:$0x1], $0x10, s16, s22, $0xb8;
	[tilespmem:$0x13D30] =	vst v63  }
0x3e: {  	s18 =	simm.s32 $0x380;
	s15 =	simm.s32 $0x6000  }
0x3f: {  	[spmem:s2] =	stream.indirect.scatter.add.f32 [tilespmem:s15], [sflag:$0x1], $0x10, s18, s22, $0xb8;
	[tilespmem:$0x13D30] =	vst v63  }
0x40: {  	s19 =	simm.s32 $0x400  }
0x41: {  	[spmem:s2] =	stream.indirect.scatter.add.f32 [tilespmem:s10], [sflag:$0x1], $0x10, s19, s22, $0xb8;
	[tilespmem:$0x13D30] =	vst v63  }
0x42: {  	s17 =	simm.s32 $0x7000;
	s18 =	simm.s32 $0x480  }
0x43: {  	[spmem:s2] =	stream.indirect.scatter.add.f32 [tilespmem:s17], [sflag:$0x1], $0x10, s18, s22, $0xb8;
	[tilespmem:$0x13D30] =	vst v63  }
0x44: {  	s0 =	simm.s32 $0x7800;
	s1 =	rddreg [dreg:$0xb]  }
0x45: {  	[tilespmem:s0], [sflag:$0x2] =	stream.linear.gather [hbm4b:s1+s5], $0x5000, $0x38;
	[tilespmem:$0x13D30] =	vst v63  }
0x46: {  	_ =	swait.ge [sflag:s20], $0x5000  }
0x47: {  	[sflag:s20] =	ssyncset.done $0x0  }
0x48: {  	[sflag:s20] =	ssyncadd.s32 $0xFFFFB000  }
0x49: {  	_ =	swait.ge [sflag:s31], $0x800  }
0x4a: {  	[sflag:s31] =	ssyncset.done $0x0  }
0x4b: {  	[sflag:s31] =	ssyncadd.s32 $0xFFFFF800  }
0x4c: {  	_ =	swait.ge [sflag:s31], $0x800  }
0x4d: {  	[sflag:s31] =	ssyncset.done $0x0  }
0x4e: {  	[sflag:s31] =	ssyncadd.s32 $0xFFFFF800  }
0x4f: {  	_ =	swait.ge [sflag:s31], $0x800  }
0x50: {  	[sflag:s31] =	ssyncset.done $0x0  }
0x51: {  	[sflag:s31] =	ssyncadd.s32 $0xFFFFF800  }
0x52: {  	_ =	swait.ge [sflag:s31], $0x800  }
0x53: {  	[sflag:s31] =	ssyncset.done $0x0  }
0x54: {  	[sflag:s31] =	ssyncadd.s32 $0xFFFFF800  }
0x55: {  	_ =	swait.ge [sflag:s31], $0x800  }
0x56: {  	[sflag:s31] =	ssyncset.done $0x0  }
0x57: {  	[sflag:s31] =	ssyncadd.s32 $0xFFFFF800  }
0x58: {  	_ =	swait.ge [sflag:s31], $0x800  }
0x59: {  	[sflag:s31] =	ssyncset.done $0x0  }
0x5a: {  	[sflag:s31] =	ssyncadd.s32 $0xFFFFF800  }
0x5b: {  	_ =	swait.ge [sflag:s31], $0x800  }
0x5c: {  	[sflag:s31] =	ssyncset.done $0x0  }
0x5d: {  	[sflag:s31] =	ssyncadd.s32 $0xFFFFF800  }
0x5e: {  	_ =	swait.ge [sflag:s31], $0x800  }
0x5f: {  	[sflag:s31] =	ssyncset.done $0x0  }
0x60: {  	[sflag:s31] =	ssyncadd.s32 $0xFFFFF800  }
0x61: {  	_ =	swait.ge [sflag:s31], $0x800  }
0x62: {  	[sflag:s31] =	ssyncset.done $0x0  }
0x63: {  	[sflag:s31] =	ssyncadd.s32 $0xFFFFF800  }
0x64: {  	_ =	swait.ge [sflag:s31], $0x800  }
0x65: {  	[sflag:s31] =	ssyncset.done $0x0  }
0x66: {  	s23 =	simm.s32 $0x500;
	[sflag:s31] =	ssyncadd.s32 $0xFFFFF800  }
0x67: {  	[spmem:s2] =	stream.indirect.scatter.add.f32 [tilespmem:s0], [sflag:$0x1], $0x10, s23, s22, $0xb8;
	[tilespmem:$0x13D30] =	vst v63  }
0x68: {  	s19 =	simm.s32 $0x580;
	s18 =	simm.s32 $0x8000  }
0x69: {  	[spmem:s2] =	stream.indirect.scatter.add.f32 [tilespmem:s18], [sflag:$0x1], $0x10, s19, s22, $0xb8;
	[tilespmem:$0x13D30] =	vst v63  }
0x6a: {  	s25 =	simm.s32 $0x600;
	s23 =	simm.s32 $0x8800  }
0x6b: {  	[spmem:s2] =	stream.indirect.scatter.add.f32 [tilespmem:s23], [sflag:$0x1], $0x10, s25, s22, $0xb8;
	[tilespmem:$0x13D30] =	vst v63  }
0x6c: {  	s29 =	smov.u32 s7;
	s25 =	simm.s32 $0x680  }
0x6d: {  	[spmem:s2] =	stream.indirect.scatter.add.f32 [tilespmem:s28], [sflag:$0x1], $0x10, s25, s22, $0xb8;
	[tilespmem:$0x13D30] =	vst v63  }
0x6e: {  	s7 =	smov.u32 s29;
	s29 =	simm.s32 $0x9800;
	s16 =	simm.s32 $0x700  }
0x6f: {  	[spmem:s2] =	stream.indirect.scatter.add.f32 [tilespmem:s29], [sflag:$0x1], $0x10, s16, s22, $0xb8;
	[tilespmem:$0x13D30] =	vst v63  }
0x70: {  	s1 =	simm.s32 $0x780;
	s19 =	simm.s32 $0xA000  }
0x71: {  	[spmem:s2] =	stream.indirect.scatter.add.f32 [tilespmem:s19], [sflag:$0x1], $0x10, s1, s22, $0xb8;
	[tilespmem:$0x13D30] =	vst v63  }
0x72: {  	s25 =	simm.s32 $0x800;
	s1 =	simm.s32 $0xA800  }
0x73: {  	[spmem:s2] =	stream.indirect.scatter.add.f32 [tilespmem:s1], [sflag:$0x1], $0x10, s25, s22, $0xb8;
	[tilespmem:$0x13D30] =	vst v63  }
0x74: {  	s25 =	simm.s32 $0x880  }
0x75: {  	[spmem:s2] =	stream.indirect.scatter.add.f32 [tilespmem:s9], [sflag:$0x1], $0x10, s25, s22, $0xb8;
	[tilespmem:$0x13D30] =	vst v63  }
0x76: {  	s25 =	simm.s32 $0x900  }
0x77: {  	[spmem:s2] =	stream.indirect.scatter.add.f32 [tilespmem:s11], [sflag:$0x1], $0x10, s25, s22, $0xb8;
	[tilespmem:$0x13D30] =	vst v63  }
0x78: {  	s16 =	simm.s32 $0x980;
	s25 =	simm.s32 $0xC000  }
0x79: {  	[spmem:s2] =	stream.indirect.scatter.add.f32 [tilespmem:s25], [sflag:$0x1], $0x10, s16, s22, $0xb8;
	[tilespmem:$0x13D30] =	vst v63  }
0x7a: {  	s3 =	rddreg [dreg:$0xc]  }
0x7b: {  	[tilespmem:s26], [sflag:$0x2] =	stream.linear.gather [hbm4b:s3+s5], $0x5000, $0x38;
	[tilespmem:$0x13D30] =	vst v63  }
0x7c: {  	_ =	swait.ge [sflag:s20], $0x5000  }
0x7d: {  	[sflag:s20] =	ssyncset.done $0x0  }
0x7e: {  	[sflag:s20] =	ssyncadd.s32 $0xFFFFB000  }
0x7f: {  	_ =	swait.ge [sflag:s31], $0x800  }
0x80: {  	[sflag:s31] =	ssyncset.done $0x0  }
0x81: {  	[sflag:s31] =	ssyncadd.s32 $0xFFFFF800  }
0x82: {  	_ =	swait.ge [sflag:s31], $0x800  }
0x83: {  	[sflag:s31] =	ssyncset.done $0x0  }
0x84: {  	[sflag:s31] =	ssyncadd.s32 $0xFFFFF800  }
0x85: {  	_ =	swait.ge [sflag:s31], $0x800  }
0x86: {  	[sflag:s31] =	ssyncset.done $0x0  }
0x87: {  	[sflag:s31] =	ssyncadd.s32 $0xFFFFF800  }
0x88: {  	_ =	swait.ge [sflag:s31], $0x800  }
0x89: {  	[sflag:s31] =	ssyncset.done $0x0  }
0x8a: {  	[sflag:s31] =	ssyncadd.s32 $0xFFFFF800  }
0x8b: {  	_ =	swait.ge [sflag:s31], $0x800  }
0x8c: {  	[sflag:s31] =	ssyncset.done $0x0  }
0x8d: {  	[sflag:s31] =	ssyncadd.s32 $0xFFFFF800  }
0x8e: {  	_ =	swait.ge [sflag:s31], $0x800  }
0x8f: {  	[sflag:s31] =	ssyncset.done $0x0  }
0x90: {  	[sflag:s31] =	ssyncadd.s32 $0xFFFFF800  }
0x91: {  	_ =	swait.ge [sflag:s31], $0x800  }
0x92: {  	[sflag:s31] =	ssyncset.done $0x0  }
0x93: {  	[sflag:s31] =	ssyncadd.s32 $0xFFFFF800  }
0x94: {  	_ =	swait.ge [sflag:s31], $0x800  }
0x95: {  	[sflag:s31] =	ssyncset.done $0x0  }
0x96: {  	[sflag:s31] =	ssyncadd.s32 $0xFFFFF800  }
0x97: {  	_ =	swait.ge [sflag:s31], $0x800  }
0x98: {  	[sflag:s31] =	ssyncset.done $0x0  }
0x99: {  	[sflag:s31] =	ssyncadd.s32 $0xFFFFF800  }
0x9a: {  	_ =	swait.ge [sflag:s31], $0x800  }
0x9b: {  	[sflag:s31] =	ssyncset.done $0x0  }
0x9c: {  	s16 =	simm.s32 $0xA00;
	[sflag:s31] =	ssyncadd.s32 $0xFFFFF800  }
0x9d: {  	[spmem:s2] =	stream.indirect.scatter.add.f32 [tilespmem:s26], [sflag:$0x1], $0x10, s16, s22, $0xb8;
	[tilespmem:$0x13D30] =	vst v63  }
0x9e: {  	s16 =	simm.s32 $0xA80  }
0x9f: {  	[spmem:s2] =	stream.indirect.scatter.add.f32 [tilespmem:s4], [sflag:$0x1], $0x10, s16, s22, $0xb8;
	[tilespmem:$0x13D30] =	vst v63  }
0xa0: {  	s16 =	simm.s32 $0xB00  }
0xa1: {  	[spmem:s2] =	stream.indirect.scatter.add.f32 [tilespmem:s30], [sflag:$0x1], $0x10, s16, s22, $0xb8;
	[tilespmem:$0x13D30] =	vst v63  }
0xa2: {  	s16 =	simm.s32 $0xB80  }
0xa3: {  	[spmem:s2] =	stream.indirect.scatter.add.f32 [tilespmem:s24], [sflag:$0x1], $0x10, s16, s22, $0xb8;
	[tilespmem:$0x13D30] =	vst v63  }
0xa4: {  	s16 =	simm.s32 $0xC00  }
0xa5: {  	[spmem:s2] =	stream.indirect.scatter.add.f32 [tilespmem:s6], [sflag:$0x1], $0x10, s16, s22, $0xb8;
	[tilespmem:$0x13D30] =	vst v63  }
0xa6: {  	s16 =	simm.s32 $0xC80  }
0xa7: {  	[spmem:s2] =	stream.indirect.scatter.add.f32 [tilespmem:s8], [sflag:$0x1], $0x10, s16, s22, $0xb8;
	[tilespmem:$0x13D30] =	vst v63  }
0xa8: {  	s16 =	simm.s32 $0xD00  }
0xa9: {  	[spmem:s2] =	stream.indirect.scatter.add.f32 [tilespmem:s14], [sflag:$0x1], $0x10, s16, s22, $0xb8;
	[tilespmem:$0x13D30] =	vst v63  }
0xaa: {  	s16 =	simm.s32 $0xD80  }
0xab: {  	[spmem:s2] =	stream.indirect.scatter.add.f32 [tilespmem:s15], [sflag:$0x1], $0x10, s16, s22, $0xb8;
	[tilespmem:$0x13D30] =	vst v63  }
0xac: {  	s16 =	simm.s32 $0xE00  }
0xad: {  	[spmem:s2] =	stream.indirect.scatter.add.f32 [tilespmem:s10], [sflag:$0x1], $0x10, s16, s22, $0xb8;
	[tilespmem:$0x13D30] =	vst v63  }
0xae: {  	s16 =	simm.s32 $0xE80  }
0xaf: {  	[spmem:s2] =	stream.indirect.scatter.add.f32 [tilespmem:s17], [sflag:$0x1], $0x10, s16, s22, $0xb8;
	[tilespmem:$0x13D30] =	vst v63  }
0xb0: {  	_ = 	snop  }
0xb1: {  	[tilespmem:s0], [sflag:$0x2] =	stream.linear.gather [hbm4b:s7+s5], $0x5000, $0x38;
	[tilespmem:$0x13D30] =	vst v63  }
0xb2: {  	_ =	swait.ge [sflag:s20], $0x5000  }
0xb3: {  	[sflag:s20] =	ssyncset.done $0x0  }
0xb4: {  	[sflag:s20] =	ssyncadd.s32 $0xFFFFB000  }
0xb5: {  	_ =	swait.ge [sflag:s31], $0x800  }
0xb6: {  	[sflag:s31] =	ssyncset.done $0x0  }
0xb7: {  	[sflag:s31] =	ssyncadd.s32 $0xFFFFF800  }
0xb8: {  	_ =	swait.ge [sflag:s31], $0x800  }
0xb9: {  	[sflag:s31] =	ssyncset.done $0x0  }
0xba: {  	[sflag:s31] =	ssyncadd.s32 $0xFFFFF800  }
0xbb: {  	_ =	swait.ge [sflag:s31], $0x800  }
0xbc: {  	[sflag:s31] =	ssyncset.done $0x0  }
0xbd: {  	[sflag:s31] =	ssyncadd.s32 $0xFFFFF800  }
0xbe: {  	_ =	swait.ge [sflag:s31], $0x800  }
0xbf: {  	[sflag:s31] =	ssyncset.done $0x0  }
0xc0: {  	[sflag:s31] =	ssyncadd.s32 $0xFFFFF800  }
0xc1: {  	_ =	swait.ge [sflag:s31], $0x800  }
0xc2: {  	[sflag:s31] =	ssyncset.done $0x0  }
0xc3: {  	[sflag:s31] =	ssyncadd.s32 $0xFFFFF800  }
0xc4: {  	_ =	swait.ge [sflag:s31], $0x800  }
0xc5: {  	[sflag:s31] =	ssyncset.done $0x0  }
0xc6: {  	[sflag:s31] =	ssyncadd.s32 $0xFFFFF800  }
0xc7: {  	_ =	swait.ge [sflag:s31], $0x800  }
0xc8: {  	[sflag:s31] =	ssyncset.done $0x0  }
0xc9: {  	[sflag:s31] =	ssyncadd.s32 $0xFFFFF800  }
0xca: {  	_ =	swait.ge [sflag:s31], $0x800  }
0xcb: {  	[sflag:s31] =	ssyncset.done $0x0  }
0xcc: {  	[sflag:s31] =	ssyncadd.s32 $0xFFFFF800  }
0xcd: {  	_ =	swait.ge [sflag:s31], $0x800  }
0xce: {  	[sflag:s31] =	ssyncset.done $0x0  }
0xcf: {  	[sflag:s31] =	ssyncadd.s32 $0xFFFFF800  }
0xd0: {  	_ =	swait.ge [sflag:s31], $0x800  }
0xd1: {  	[sflag:s31] =	ssyncset.done $0x0  }
0xd2: {  	s16 =	simm.s32 $0xF00;
	[sflag:s31] =	ssyncadd.s32 $0xFFFFF800  }
0xd3: {  	[spmem:s2] =	stream.indirect.scatter.add.f32 [tilespmem:s0], [sflag:$0x1], $0x10, s16, s22, $0xb8;
	[tilespmem:$0x13D30] =	vst v63  }
0xd4: {  	s16 =	simm.s32 $0xF80  }
0xd5: {  	[spmem:s2] =	stream.indirect.scatter.add.f32 [tilespmem:s18], [sflag:$0x1], $0x10, s16, s22, $0xb8;
	[tilespmem:$0x13D30] =	vst v63  }
0xd6: {  	s16 =	simm.s32 $0x1000  }
0xd7: {  	[spmem:s2] =	stream.indirect.scatter.add.f32 [tilespmem:s23], [sflag:$0x1], $0x10, s16, s22, $0xb8;
	[tilespmem:$0x13D30] =	vst v63  }
0xd8: {  	s16 =	simm.s32 $0x1080  }
0xd9: {  	[spmem:s2] =	stream.indirect.scatter.add.f32 [tilespmem:s28], [sflag:$0x1], $0x10, s16, s22, $0xb8;
	[tilespmem:$0x13D30] =	vst v63  }
0xda: {  	s16 =	simm.s32 $0x1100  }
0xdb: {  	[spmem:s2] =	stream.indirect.scatter.add.f32 [tilespmem:s29], [sflag:$0x1], $0x10, s16, s22, $0xb8;
	[tilespmem:$0x13D30] =	vst v63  }
0xdc: {  	s16 =	simm.s32 $0x1180  }
0xdd: {  	[spmem:s2] =	stream.indirect.scatter.add.f32 [tilespmem:s19], [sflag:$0x1], $0x10, s16, s22, $0xb8;
	[tilespmem:$0x13D30] =	vst v63  }
0xde: {  	s16 =	simm.s32 $0x1200  }
0xdf: {  	[spmem:s2] =	stream.indirect.scatter.add.f32 [tilespmem:s1], [sflag:$0x1], $0x10, s16, s22, $0xb8;
	[tilespmem:$0x13D30] =	vst v63  }
0xe0: {  	s16 =	simm.s32 $0x1280  }
0xe1: {  	[spmem:s2] =	stream.indirect.scatter.add.f32 [tilespmem:s9], [sflag:$0x1], $0x10, s16, s22, $0xb8;
	[tilespmem:$0x13D30] =	vst v63  }
0xe2: {  	s16 =	simm.s32 $0x1300  }
0xe3: {  	[spmem:s2] =	stream.indirect.scatter.add.f32 [tilespmem:s11], [sflag:$0x1], $0x10, s16, s22, $0xb8;
	[tilespmem:$0x13D30] =	vst v63  }
0xe4: {  	s16 =	simm.s32 $0x1380  }
0xe5: {  	[spmem:s2] =	stream.indirect.scatter.add.f32 [tilespmem:s25], [sflag:$0x1], $0x10, s16, s22, $0xb8;
	[tilespmem:$0x13D30] =	vst v63  }
0xe6: {  	s3 =	rddreg [dreg:$0x6]  }
0xe7: {  	[tilespmem:s26], [sflag:$0x2] =	stream.linear.gather [hbm4b:s3+s5], $0x5000, $0x38;
	[tilespmem:$0x13D30] =	vst v63  }
0xe8: {  	_ =	swait.ge [sflag:s20], $0x5000  }
0xe9: {  	[sflag:s20] =	ssyncset.done $0x0  }
0xea: {  	[sflag:s20] =	ssyncadd.s32 $0xFFFFB000  }
0xeb: {  	_ =	swait.ge [sflag:s31], $0x800  }
0xec: {  	[sflag:s31] =	ssyncset.done $0x0  }
0xed: {  	[sflag:s31] =	ssyncadd.s32 $0xFFFFF800  }
0xee: {  	_ =	swait.ge [sflag:s31], $0x800  }
0xef: {  	[sflag:s31] =	ssyncset.done $0x0  }
0xf0: {  	[sflag:s31] =	ssyncadd.s32 $0xFFFFF800  }
0xf1: {  	_ =	swait.ge [sflag:s31], $0x800  }
0xf2: {  	[sflag:s31] =	ssyncset.done $0x0  }
0xf3: {  	[sflag:s31] =	ssyncadd.s32 $0xFFFFF800  }
0xf4: {  	_ =	swait.ge [sflag:s31], $0x800  }
0xf5: {  	[sflag:s31] =	ssyncset.done $0x0  }
0xf6: {  	[sflag:s31] =	ssyncadd.s32 $0xFFFFF800  }
0xf7: {  	_ =	swait.ge [sflag:s31], $0x800  }
0xf8: {  	[sflag:s31] =	ssyncset.done $0x0  }
0xf9: {  	[sflag:s31] =	ssyncadd.s32 $0xFFFFF800  }
0xfa: {  	_ =	swait.ge [sflag:s31], $0x800  }
0xfb: {  	[sflag:s31] =	ssyncset.done $0x0  }
0xfc: {  	[sflag:s31] =	ssyncadd.s32 $0xFFFFF800  }
0xfd: {  	_ =	swait.ge [sflag:s31], $0x800  }
0xfe: {  	[sflag:s31] =	ssyncset.done $0x0  }
0xff: {  	[sflag:s31] =	ssyncadd.s32 $0xFFFFF800  }
0x100: {  	_ =	swait.ge [sflag:s31], $0x800  }
0x101: {  	[sflag:s31] =	ssyncset.done $0x0  }
0x102: {  	[sflag:s31] =	ssyncadd.s32 $0xFFFFF800  }
0x103: {  	_ =	swait.ge [sflag:s31], $0x800  }
0x104: {  	[sflag:s31] =	ssyncset.done $0x0  }
0x105: {  	[sflag:s31] =	ssyncadd.s32 $0xFFFFF800  }
0x106: {  	_ =	swait.ge [sflag:s31], $0x800  }
0x107: {  	[sflag:s31] =	ssyncset.done $0x0  }
0x108: {  	s16 =	simm.s32 $0x1400;
	[sflag:s31] =	ssyncadd.s32 $0xFFFFF800  }
0x109: {  	[spmem:s2] =	stream.indirect.scatter.add.f32 [tilespmem:s26], [sflag:$0x1], $0x10, s16, s22, $0xb8;
	[tilespmem:$0x13D30] =	vst v63  }
0x10a: {  	s16 =	simm.s32 $0x1480  }
0x10b: {  	[spmem:s2] =	stream.indirect.scatter.add.f32 [tilespmem:s4], [sflag:$0x1], $0x10, s16, s22, $0xb8;
	[tilespmem:$0x13D30] =	vst v63  }
0x10c: {  	s16 =	simm.s32 $0x1500  }
0x10d: {  	[spmem:s2] =	stream.indirect.scatter.add.f32 [tilespmem:s30], [sflag:$0x1], $0x10, s16, s22, $0xb8;
	[tilespmem:$0x13D30] =	vst v63  }
0x10e: {  	s16 =	simm.s32 $0x1580  }
0x10f: {  	[spmem:s2] =	stream.indirect.scatter.add.f32 [tilespmem:s24], [sflag:$0x1], $0x10, s16, s22, $0xb8;
	[tilespmem:$0x13D30] =	vst v63  }
0x110: {  	s16 =	simm.s32 $0x1600  }
0x111: {  	[spmem:s2] =	stream.indirect.scatter.add.f32 [tilespmem:s6], [sflag:$0x1], $0x10, s16, s22, $0xb8;
	[tilespmem:$0x13D30] =	vst v63  }
0x112: {  	s16 =	simm.s32 $0x1680  }
0x113: {  	[spmem:s2] =	stream.indirect.scatter.add.f32 [tilespmem:s8], [sflag:$0x1], $0x10, s16, s22, $0xb8;
	[tilespmem:$0x13D30] =	vst v63  }
0x114: {  	s16 =	simm.s32 $0x1700  }
0x115: {  	[spmem:s2] =	stream.indirect.scatter.add.f32 [tilespmem:s14], [sflag:$0x1], $0x10, s16, s22, $0xb8;
	[tilespmem:$0x13D30] =	vst v63  }
0x116: {  	s16 =	simm.s32 $0x1780  }
0x117: {  	[spmem:s2] =	stream.indirect.scatter.add.f32 [tilespmem:s15], [sflag:$0x1], $0x10, s16, s22, $0xb8;
	[tilespmem:$0x13D30] =	vst v63  }
0x118: {  	s16 =	simm.s32 $0x1800  }
0x119: {  	[spmem:s2] =	stream.indirect.scatter.add.f32 [tilespmem:s10], [sflag:$0x1], $0x10, s16, s22, $0xb8;
	[tilespmem:$0x13D30] =	vst v63  }
0x11a: {  	s16 =	simm.s32 $0x1880  }
0x11b: {  	[spmem:s2] =	stream.indirect.scatter.add.f32 [tilespmem:s17], [sflag:$0x1], $0x10, s16, s22, $0xb8;
	[tilespmem:$0x13D30] =	vst v63  }
0x11c: {  	s3 =	rddreg [dreg:$0x7]  }
0x11d: {  	[tilespmem:s0], [sflag:$0x2] =	stream.linear.gather [hbm4b:s3+s5], $0x5000, $0x38;
	[tilespmem:$0x13D30] =	vst v63  }
0x11e: {  	_ =	swait.ge [sflag:s20], $0x5000  }
0x11f: {  	[sflag:s20] =	ssyncset.done $0x0  }
0x120: {  	[sflag:s20] =	ssyncadd.s32 $0xFFFFB000  }
0x121: {  	_ =	swait.ge [sflag:s31], $0x800  }
0x122: {  	[sflag:s31] =	ssyncset.done $0x0  }
0x123: {  	[sflag:s31] =	ssyncadd.s32 $0xFFFFF800  }
0x124: {  	_ =	swait.ge [sflag:s31], $0x800  }
0x125: {  	[sflag:s31] =	ssyncset.done $0x0  }
0x126: {  	[sflag:s31] =	ssyncadd.s32 $0xFFFFF800  }
0x127: {  	_ =	swait.ge [sflag:s31], $0x800  }
0x128: {  	[sflag:s31] =	ssyncset.done $0x0  }
0x129: {  	[sflag:s31] =	ssyncadd.s32 $0xFFFFF800  }
0x12a: {  	_ =	swait.ge [sflag:s31], $0x800  }
0x12b: {  	[sflag:s31] =	ssyncset.done $0x0  }
0x12c: {  	[sflag:s31] =	ssyncadd.s32 $0xFFFFF800  }
0x12d: {  	_ =	swait.ge [sflag:s31], $0x800  }
0x12e: {  	[sflag:s31] =	ssyncset.done $0x0  }
0x12f: {  	[sflag:s31] =	ssyncadd.s32 $0xFFFFF800  }
0x130: {  	_ =	swait.ge [sflag:s31], $0x800  }
0x131: {  	[sflag:s31] =	ssyncset.done $0x0  }
0x132: {  	[sflag:s31] =	ssyncadd.s32 $0xFFFFF800  }
0x133: {  	_ =	swait.ge [sflag:s31], $0x800  }
0x134: {  	[sflag:s31] =	ssyncset.done $0x0  }
0x135: {  	[sflag:s31] =	ssyncadd.s32 $0xFFFFF800  }
0x136: {  	_ =	swait.ge [sflag:s31], $0x800  }
0x137: {  	[sflag:s31] =	ssyncset.done $0x0  }
0x138: {  	[sflag:s31] =	ssyncadd.s32 $0xFFFFF800  }
0x139: {  	_ =	swait.ge [sflag:s31], $0x800  }
0x13a: {  	[sflag:s31] =	ssyncset.done $0x0  }
0x13b: {  	[sflag:s31] =	ssyncadd.s32 $0xFFFFF800  }
0x13c: {  	_ =	swait.ge [sflag:s31], $0x800  }
0x13d: {  	[sflag:s31] =	ssyncset.done $0x0  }
0x13e: {  	s16 =	simm.s32 $0x1900;
	[sflag:s31] =	ssyncadd.s32 $0xFFFFF800  }
0x13f: {  	[spmem:s2] =	stream.indirect.scatter.add.f32 [tilespmem:s0], [sflag:$0x1], $0x10, s16, s22, $0xb8;
	[tilespmem:$0x13D30] =	vst v63  }
0x140: {  	s16 =	simm.s32 $0x1980  }
0x141: {  	[spmem:s2] =	stream.indirect.scatter.add.f32 [tilespmem:s18], [sflag:$0x1], $0x10, s16, s22, $0xb8;
	[tilespmem:$0x13D30] =	vst v63  }
0x142: {  	s16 =	simm.s32 $0x1A00  }
0x143: {  	[spmem:s2] =	stream.indirect.scatter.add.f32 [tilespmem:s23], [sflag:$0x1], $0x10, s16, s22, $0xb8;
	[tilespmem:$0x13D30] =	vst v63  }
0x144: {  	s16 =	simm.s32 $0x1A80  }
0x145: {  	[spmem:s2] =	stream.indirect.scatter.add.f32 [tilespmem:s28], [sflag:$0x1], $0x10, s16, s22, $0xb8;
	[tilespmem:$0x13D30] =	vst v63  }
0x146: {  	s16 =	simm.s32 $0x1B00  }
0x147: {  	[spmem:s2] =	stream.indirect.scatter.add.f32 [tilespmem:s29], [sflag:$0x1], $0x10, s16, s22, $0xb8;
	[tilespmem:$0x13D30] =	vst v63  }
0x148: {  	s16 =	simm.s32 $0x1B80  }
0x149: {  	[spmem:s2] =	stream.indirect.scatter.add.f32 [tilespmem:s19], [sflag:$0x1], $0x10, s16, s22, $0xb8;
	[tilespmem:$0x13D30] =	vst v63  }
0x14a: {  	s16 =	simm.s32 $0x1C00  }
0x14b: {  	[spmem:s2] =	stream.indirect.scatter.add.f32 [tilespmem:s1], [sflag:$0x1], $0x10, s16, s22, $0xb8;
	[tilespmem:$0x13D30] =	vst v63  }
0x14c: {  	s16 =	simm.s32 $0x1C80  }
0x14d: {  	[spmem:s2] =	stream.indirect.scatter.add.f32 [tilespmem:s9], [sflag:$0x1], $0x10, s16, s22, $0xb8;
	[tilespmem:$0x13D30] =	vst v63  }
0x14e: {  	s16 =	simm.s32 $0x1D00  }
0x14f: {  	[spmem:s2] =	stream.indirect.scatter.add.f32 [tilespmem:s11], [sflag:$0x1], $0x10, s16, s22, $0xb8;
	[tilespmem:$0x13D30] =	vst v63  }
0x150: {  	s16 =	simm.s32 $0x1D80  }
0x151: {  	[spmem:s2] =	stream.indirect.scatter.add.f32 [tilespmem:s25], [sflag:$0x1], $0x10, s16, s22, $0xb8;
	[tilespmem:$0x13D30] =	vst v63  }
0x152: {  	_ = 	snop  }
0x153: {  	[tilespmem:s26], [sflag:$0x2] =	stream.linear.gather [hbm4b:s21+s5], $0x5000, $0x38;
	[tilespmem:$0x13D30] =	vst v63  }
0x154: {  	_ =	swait.ge [sflag:s20], $0x5000  }
0x155: {  	[sflag:s20] =	ssyncset.done $0x0  }
0x156: {  	[sflag:s20] =	ssyncadd.s32 $0xFFFFB000  }
0x157: {  	_ =	swait.ge [sflag:s31], $0x800  }
0x158: {  	[sflag:s31] =	ssyncset.done $0x0  }
0x159: {  	[sflag:s31] =	ssyncadd.s32 $0xFFFFF800  }
0x15a: {  	_ =	swait.ge [sflag:s31], $0x800  }
0x15b: {  	[sflag:s31] =	ssyncset.done $0x0  }
0x15c: {  	[sflag:s31] =	ssyncadd.s32 $0xFFFFF800  }
0x15d: {  	_ =	swait.ge [sflag:s31], $0x800  }
0x15e: {  	[sflag:s31] =	ssyncset.done $0x0  }
0x15f: {  	[sflag:s31] =	ssyncadd.s32 $0xFFFFF800  }
0x160: {  	_ =	swait.ge [sflag:s31], $0x800  }
0x161: {  	[sflag:s31] =	ssyncset.done $0x0  }
0x162: {  	[sflag:s31] =	ssyncadd.s32 $0xFFFFF800  }
0x163: {  	_ =	swait.ge [sflag:s31], $0x800  }
0x164: {  	[sflag:s31] =	ssyncset.done $0x0  }
0x165: {  	[sflag:s31] =	ssyncadd.s32 $0xFFFFF800  }
0x166: {  	_ =	swait.ge [sflag:s31], $0x800  }
0x167: {  	[sflag:s31] =	ssyncset.done $0x0  }
0x168: {  	[sflag:s31] =	ssyncadd.s32 $0xFFFFF800  }
0x169: {  	_ =	swait.ge [sflag:s31], $0x800  }
0x16a: {  	[sflag:s31] =	ssyncset.done $0x0  }
0x16b: {  	[sflag:s31] =	ssyncadd.s32 $0xFFFFF800  }
0x16c: {  	_ =	swait.ge [sflag:s31], $0x800  }
0x16d: {  	[sflag:s31] =	ssyncset.done $0x0  }
0x16e: {  	[sflag:s31] =	ssyncadd.s32 $0xFFFFF800  }
0x16f: {  	_ =	swait.ge [sflag:s31], $0x800  }
0x170: {  	[sflag:s31] =	ssyncset.done $0x0  }
0x171: {  	[sflag:s31] =	ssyncadd.s32 $0xFFFFF800  }
0x172: {  	_ =	swait.ge [sflag:s31], $0x800  }
0x173: {  	[sflag:s31] =	ssyncset.done $0x0  }
0x174: {  	s16 =	simm.s32 $0x1E00;
	[sflag:s31] =	ssyncadd.s32 $0xFFFFF800  }
0x175: {  	[spmem:s2] =	stream.indirect.scatter.add.f32 [tilespmem:s26], [sflag:$0x1], $0x10, s16, s22, $0xb8;
	[tilespmem:$0x13D30] =	vst v63  }
0x176: {  	s16 =	simm.s32 $0x1E80  }
0x177: {  	[spmem:s2] =	stream.indirect.scatter.add.f32 [tilespmem:s4], [sflag:$0x1], $0x10, s16, s22, $0xb8;
	[tilespmem:$0x13D30] =	vst v63  }
0x178: {  	s16 =	simm.s32 $0x1F00  }
0x179: {  	[spmem:s2] =	stream.indirect.scatter.add.f32 [tilespmem:s30], [sflag:$0x1], $0x10, s16, s22, $0xb8;
	[tilespmem:$0x13D30] =	vst v63  }
0x17a: {  	s16 =	simm.s32 $0x1F80  }
0x17b: {  	[spmem:s2] =	stream.indirect.scatter.add.f32 [tilespmem:s24], [sflag:$0x1], $0x10, s16, s22, $0xb8;
	[tilespmem:$0x13D30] =	vst v63  }
0x17c: {  	s16 =	simm.s32 $0x2000  }
0x17d: {  	[spmem:s2] =	stream.indirect.scatter.add.f32 [tilespmem:s6], [sflag:$0x1], $0x10, s16, s22, $0xb8;
	[tilespmem:$0x13D30] =	vst v63  }
0x17e: {  	s6 =	simm.s32 $0x2080  }
0x17f: {  	[spmem:s2] =	stream.indirect.scatter.add.f32 [tilespmem:s8], [sflag:$0x1], $0x10, s6, s22, $0xb8;
	[tilespmem:$0x13D30] =	vst v63  }
0x180: {  	s16 =	simm.s32 $0x2100  }
0x181: {  	[spmem:s2] =	stream.indirect.scatter.add.f32 [tilespmem:s14], [sflag:$0x1], $0x10, s16, s22, $0xb8;
	[tilespmem:$0x13D30] =	vst v63  }
0x182: {  	s6 =	simm.s32 $0x2180  }
0x183: {  	[spmem:s2] =	stream.indirect.scatter.add.f32 [tilespmem:s15], [sflag:$0x1], $0x10, s6, s22, $0xb8;
	[tilespmem:$0x13D30] =	vst v63  }
0x184: {  	s15 =	simm.s32 $0x2200  }
0x185: {  	[spmem:s2] =	stream.indirect.scatter.add.f32 [tilespmem:s10], [sflag:$0x1], $0x10, s15, s22, $0xb8;
	[tilespmem:$0x13D30] =	vst v63  }
0x186: {  	s3 =	rddreg [dreg:$0xd];
	s16 =	simm.s32 $0x2280  }
0x187: {  	[spmem:s2] =	stream.indirect.scatter.add.f32 [tilespmem:s17], [sflag:$0x1], $0x10, s16, s22, $0xb8;
	[tilespmem:$0x13D30] =	vst v63  }
0x188: {  	s6 =	rddreg [dreg:$0xa]  }
0x189: {  	[tilespmem:s0], [sflag:$0x2] =	stream.linear.gather [hbm4b:s6+s5], $0x5000, $0x38;
	[tilespmem:$0x13D30] =	vst v63  }
0x18a: {  	s14 =	rddreg [dreg:$0x9];
	_ =	swait.ge [sflag:s20], $0x5000  }
0x18b: {  	[sflag:s20] =	ssyncset.done $0x0  }
0x18c: {  	[sflag:s20] =	ssyncadd.s32 $0xFFFFB000  }
0x18d: {  	_ =	swait.ge [sflag:s31], $0x800  }
0x18e: {  	[sflag:s31] =	ssyncset.done $0x0  }
0x18f: {  	[sflag:s31] =	ssyncadd.s32 $0xFFFFF800  }
0x190: {  	_ =	swait.ge [sflag:s31], $0x800  }
0x191: {  	[sflag:s31] =	ssyncset.done $0x0  }
0x192: {  	[sflag:s31] =	ssyncadd.s32 $0xFFFFF800  }
0x193: {  	_ =	swait.ge [sflag:s31], $0x800  }
0x194: {  	[sflag:s31] =	ssyncset.done $0x0  }
0x195: {  	[sflag:s31] =	ssyncadd.s32 $0xFFFFF800  }
0x196: {  	_ =	swait.ge [sflag:s31], $0x800  }
0x197: {  	[sflag:s31] =	ssyncset.done $0x0  }
0x198: {  	[sflag:s31] =	ssyncadd.s32 $0xFFFFF800  }
0x199: {  	_ =	swait.ge [sflag:s31], $0x800  }
0x19a: {  	[sflag:s31] =	ssyncset.done $0x0  }
0x19b: {  	[sflag:s31] =	ssyncadd.s32 $0xFFFFF800  }
0x19c: {  	_ =	swait.ge [sflag:s31], $0x800  }
0x19d: {  	[sflag:s31] =	ssyncset.done $0x0  }
0x19e: {  	[sflag:s31] =	ssyncadd.s32 $0xFFFFF800  }
0x19f: {  	_ =	swait.ge [sflag:s31], $0x800  }
0x1a0: {  	[sflag:s31] =	ssyncset.done $0x0  }
0x1a1: {  	[sflag:s31] =	ssyncadd.s32 $0xFFFFF800  }
0x1a2: {  	_ =	swait.ge [sflag:s31], $0x800  }
0x1a3: {  	[sflag:s31] =	ssyncset.done $0x0  }
0x1a4: {  	[sflag:s31] =	ssyncadd.s32 $0xFFFFF800  }
0x1a5: {  	_ =	swait.ge [sflag:s31], $0x800  }
0x1a6: {  	[sflag:s31] =	ssyncset.done $0x0  }
0x1a7: {  	[sflag:s31] =	ssyncadd.s32 $0xFFFFF800  }
0x1a8: {  	_ =	swait.ge [sflag:s31], $0x800  }
0x1a9: {  	[sflag:s31] =	ssyncset.done $0x0  }
0x1aa: {  	s15 =	simm.s32 $0x2300;
	[sflag:s31] =	ssyncadd.s32 $0xFFFFF800  }
0x1ab: {  	[spmem:s2] =	stream.indirect.scatter.add.f32 [tilespmem:s0], [sflag:$0x1], $0x10, s15, s22, $0xb8;
	[tilespmem:$0x13D30] =	vst v63  }
0x1ac: {  	s16 =	simm.s32 $0x2380  }
0x1ad: {  	[spmem:s2] =	stream.indirect.scatter.add.f32 [tilespmem:s18], [sflag:$0x1], $0x10, s16, s22, $0xb8;
	[tilespmem:$0x13D30] =	vst v63  }
0x1ae: {  	s17 =	simm.s32 $0x2400  }
0x1af: {  	[spmem:s2] =	stream.indirect.scatter.add.f32 [tilespmem:s23], [sflag:$0x1], $0x10, s17, s22, $0xb8;
	[tilespmem:$0x13D30] =	vst v63  }
0x1b0: {  	s18 =	simm.s32 $0x2480  }
0x1b1: {  	[spmem:s2] =	stream.indirect.scatter.add.f32 [tilespmem:s28], [sflag:$0x1], $0x10, s18, s22, $0xb8;
	[tilespmem:$0x13D30] =	vst v63  }
0x1b2: {  	s15 =	simm.s32 $0x2500  }
0x1b3: {  	[spmem:s2] =	stream.indirect.scatter.add.f32 [tilespmem:s29], [sflag:$0x1], $0x10, s15, s22, $0xb8;
	[tilespmem:$0x13D30] =	vst v63  }
0x1b4: {  	s16 =	simm.s32 $0x2580  }
0x1b5: {  	[spmem:s2] =	stream.indirect.scatter.add.f32 [tilespmem:s19], [sflag:$0x1], $0x10, s16, s22, $0xb8;
	[tilespmem:$0x13D30] =	vst v63  }
0x1b6: {  	s17 =	simm.s32 $0x2600  }
0x1b7: {  	[spmem:s2] =	stream.indirect.scatter.add.f32 [tilespmem:s1], [sflag:$0x1], $0x10, s17, s22, $0xb8;
	[tilespmem:$0x13D30] =	vst v63  }
0x1b8: {  	s18 =	simm.s32 $0x2680  }
0x1b9: {  	[spmem:s2] =	stream.indirect.scatter.add.f32 [tilespmem:s9], [sflag:$0x1], $0x10, s18, s22, $0xb8;
	[tilespmem:$0x13D30] =	vst v63  }
0x1ba: {  	s0 =	rddreg [dreg:$0xf];
	s19 =	simm.s32 $0x2700  }
0x1bb: {  	[spmem:s2] =	stream.indirect.scatter.add.f32 [tilespmem:s11], [sflag:$0x1], $0x10, s19, s22, $0xb8;
	[tilespmem:$0x13D30] =	vst v63  }
0x1bc: {  	s23 =	rddreg [dreg:$0x8];
	s29 =	simm.s32 $0x2780  }
0x1bd: {  	[spmem:s2] =	stream.indirect.scatter.add.f32 [tilespmem:s25], [sflag:$0x1], $0x10, s29, s22, $0xb8;
	[tilespmem:$0x13D30] =	vst v63  }
0x1be: {  	s1 =	rddreg [dreg:$0xe];
	_ =	swait.ge [sflag:s31], $0x800  }
0x1bf: {  	[sflag:s31] =	ssyncset.done $0x0  }
0x1c0: {  	[sflag:s31] =	ssyncadd.s32 $0xFFFFF800  }
0x1c1: {  	_ =	swait.ge [sflag:s31], $0x800  }
0x1c2: {  	[sflag:s31] =	ssyncset.done $0x0  }
0x1c3: {  	[sflag:s31] =	ssyncadd.s32 $0xFFFFF800  }
0x1c4: {  	_ =	swait.ge [sflag:s31], $0x800  }
0x1c5: {  	[sflag:s31] =	ssyncset.done $0x0  }
0x1c6: {  	[sflag:s31] =	ssyncadd.s32 $0xFFFFF800  }
0x1c7: {  	_ =	swait.ge [sflag:s31], $0x800  }
0x1c8: {  	[sflag:s31] =	ssyncset.done $0x0  }
0x1c9: {  	[sflag:s31] =	ssyncadd.s32 $0xFFFFF800  }
0x1ca: {  	_ =	swait.ge [sflag:s31], $0x800  }
0x1cb: {  	[sflag:s31] =	ssyncset.done $0x0  }
0x1cc: {  	[sflag:s31] =	ssyncadd.s32 $0xFFFFF800  }
0x1cd: {  	_ =	swait.ge [sflag:s31], $0x800  }
0x1ce: {  	[sflag:s31] =	ssyncset.done $0x0  }
0x1cf: {  	[sflag:s31] =	ssyncadd.s32 $0xFFFFF800  }
0x1d0: {  	_ =	swait.ge [sflag:s31], $0x800  }
0x1d1: {  	[sflag:s31] =	ssyncset.done $0x0  }
0x1d2: {  	[sflag:s31] =	ssyncadd.s32 $0xFFFFF800  }
0x1d3: {  	_ =	swait.ge [sflag:s31], $0x800  }
0x1d4: {  	[sflag:s31] =	ssyncset.done $0x0  }
0x1d5: {  	[sflag:s31] =	ssyncadd.s32 $0xFFFFF800  }
0x1d6: {  	_ =	swait.ge [sflag:s31], $0x800  }
0x1d7: {  	[sflag:s31] =	ssyncset.done $0x0  }
0x1d8: {  	[sflag:s31] =	ssyncadd.s32 $0xFFFFF800  }
.Ltmp2:
0x1d9: {  	_ =	swait.ge [sflag:s31], $0x800;
	(pc) =	sbr.rel @p0 .LBB2_5-.Ltmp2, $3  }
0x1da: {  	[sflag:s31] =	ssyncset.done $0x0  }
0x1db: {  	[sflag:s31] =	ssyncadd.s32 $0xFFFFF800  }
0x1dc: {  	[bflag:$0x0] =	sbarrier.arrive $0xFFFF;
	_ =	sdelay $0x1  }
0x1dd: {  	s18 =	rddreg [dreg:$0x3];
	s25 =	simm.s32 $0xC800  }
0x1de: {  	[tilespmem:s25], [sflag:$0x2] =	stream.linear.gather [spmem:s18], $0x2710, $0x38;
	[tilespmem:$0x13D30] =	vst v63  }
0x1df: {  	_ =	swait.ge [sflag:s20], $0x2710  }
0x1e0: {  	s29 =	simm.s32 $0x0;
	[sflag:s20] =	ssyncset.done $0x0  }
0x1e1: {  	s30 =	simm.s32 $0xEF10;
	s15 =	rddreg [dreg:$0x4];
	[sflag:s20] =	ssyncadd.s32 $0xFFFFD8F0  }
0x1e2: {  	[tilespmem:s30], [sflag:$0x2] =	stream.linear.gather [hbm4b:s15+s29], $0x2710, $0x38;
	[tilespmem:$0x13D30] =	vst v63  }
0x1e3: {  	_ =	swait.ge [sflag:s20], $0x2710  }
0x1e4: {  	s4 =	smov.u32 s0;
	[sflag:s20] =	ssyncset.done $0x0  }
0x1e5: {  	s19 =	smov.u32 s14;
	s14 =	simm.s32 $0x0;
	[sflag:s20] =	ssyncadd.s32 $0xFFFFD8F0  }
0x1e6: {  	s0 =	smov.u32 s7;
	s7 =	smov.u32 s3;
	s15 =	simm.s32 $0x40;
	v0 =	vld [tilespmem:s14+$0xEF10]  }
.LBB2_3:
0x1e7: {  	p1 =	sne.s32 s15, $0x9C00;
	v1 =	vld [tilespmem:s14+$0xC800];
	_ =	sdelay $0x3  }
.Ltmp3:
0x1e8: {  	(pc) =	sbr.rel @p1 .LBB2_3-.Ltmp3, $3  }
0x1e9: {  	v0 =	vadd.f32 v0, v1;
	_ =	sdelay $0x1  }
0x1ea: {  	s18 =	sshra.s32 s15, $0x2;
	v1 =	vmax.f32 v0, $0.0e+00  }
0x1eb: {  	s15 =	sadd.s32 $0x40, s15;
	v0 =	vld [tilespmem:s18+$0xEF10];
	[tilespmem:s14+$0xC800] =	vst v1;
	s14 =	smov.u32 s18  }
.Ltmp4:
0x1ec: {  	_ = 	snop;
	(pc) =	sbr.rel .LBB2_4-.Ltmp4, $1  }
0x1ed: {  	_ =	sdelay $0x3  }
.LBB2_6:
0x1ee: {  	_ =	sfence.sel $0x180000  }
0x1ef: {  	[bflag:$0x0] =	sbarrier.arrive $0xFFFF  }
0x1f0: {  	_ =	strace $0x9000004D  }
0x1f1: {  	s0 =	stileid.u32;
	[bflag:$0x2] =	sbarrier.arrive $0xFFFF  }
0x1f2: {  	p0 =	sne.s32 s0, $0x0;
	s0 =	rddreg [dreg:$0x2]  }
0x1f3: {  	s0 =	sadd.s32 @!p0 $0x100000, s0  }
0x1f4: {  	[sflag:s0] =	ssyncadd.tile.s32 @!p0 $0x1;
	_ =	shalt  }
.Lfunc_end2:
_tile_overlayer_lowered:
.L_overlay_start_2:
0x1f5: {  	(tag) =	ssettag $0x2  }
0x1f6: {  	s0 =	rddreg [dreg:$0x0];
	s2 =	stileid.u32  }
0x1f7: {  	s1 =	rddreg [dreg:$0x1];
	p0 =	sne.s32 s2, $0x0  }
0x1f8: {  	s3 =	rddreg [dreg:$0x2];
	[bflag:$0x3] =	sbarrier.arrive $0xFFFF;
	s2 =	simm.s32 @!p0 $0x1C02  }
0x1f9: {  	[timem:s3], [sflag:s2] =	dma.local @!p0 [hbm:s0], s1  }
0x1fa: {  	s0 =	simm.s32 @!p0 $0x2  }
0x1fb: {  	_ =	swait.ge @!p0 [sflag:s0], s1  }
0x1fc: {  	s1 =	ssub.s32 @!p0 $0x0, s1;
	[sflag:s0] =	ssyncset.done @!p0 $0x0  }
0x1fd: {  	[sflag:s0] =	ssyncadd.s32 @!p0 s1  }
0x1fe: {  	[bflag:$0x3] =	sbarrier.arrive $0xFFFF  }
0x1ff: {  	_ =	shalt  }

</sc_bundles>
